<compile_context>
chip_gen: v7x
topology: tpu7x:2x2x1
jax: 0.10.2.dev20260603
libtpu: 0.0.44.dev20260713+nightly
codegen_flags: <defaults>
</compile_context>

<pallas_src>
import functools

import jax
import jax.numpy as jnp
from jax import lax
from jax.experimental import pallas as pl
from jax.experimental.pallas import tpu as pltpu
from jax.experimental.pallas import tpu_sc as plsc

N = 100000
N_PAD = 100352
PAD_ROWS = N_PAD - N
ROWS = N_PAD // 16

E = 6400000
E_SELF = E + N
CHUNK = 128
INNER = 16
OUTER = 100
PER_TILE = OUTER * INNER * CHUNK
E_PAD = PER_TILE * 32

_MESH = plsc.VectorSubcoreMesh(core_axis_name="c", subcore_axis_name="s")
_SC_PARAMS = pltpu.CompilerParams(needs_layout_passes=False,
                                  use_tc_tiling_on_sc=False)
_f32 = jnp.float32


def _row_slice(s):
    return pl.ds(s * ROWS, ROWS)


def _fire_gathers(t0, t1, sidx, m0, m1, gsem):
    def fire(j, _):
        pltpu.async_copy(t0.at[sidx.at[j]], m0.at[j], gsem)
        pltpu.async_copy(t1.at[sidx.at[j]], m1.at[j], gsem)
        return 0

    lax.fori_loop(0, INNER, fire, 0)


def _drain_gathers(t0, t1, sidx, m0, m1, gsem):
    def drain(j, _):
        pltpu.make_async_copy(t0.at[sidx.at[j]], m0.at[j], gsem).wait()
        pltpu.make_async_copy(t1.at[sidx.at[j]], m1.at[j], gsem).wait()
        return 0

    lax.fori_loop(0, INNER, drain, 0)


def _fire_scatters(m0, m1, didx, a0, a1, ssem):
    def fire(j, _):
        pltpu.async_copy(m0.at[j], a0.at[didx.at[j]], ssem, add=True)
        pltpu.async_copy(m1.at[j], a1.at[didx.at[j]], ssem, add=True)
        return 0

    lax.fori_loop(0, INNER, fire, 0)


def _drain_scatters(m0, m1, didx, a0, a1, ssem):
    def drain(j, _):
        pltpu.make_async_copy(m0.at[j], a0.at[didx.at[j]], ssem).wait()
        pltpu.make_async_copy(m1.at[j], a1.at[didx.at[j]], ssem).wait()
        return 0

    lax.fori_loop(0, INNER, drain, 0)


def _edge_loop(srch, dsth, wid, t0, t1, a0, a1,
               sidxA, didxA, sidxB, didxB, mA0, mA1, mB0, mB1,
               isem, gsem, ssem):
    pltpu.async_copy(srch.at[wid, pl.ds(0, INNER)], sidxA, isem)
    pltpu.async_copy(dsth.at[wid, pl.ds(0, INNER)], didxA, isem)

    def body(t, _):
        oA = 2 * t
        oB = 2 * t + 1
        slA = pl.ds(oA * INNER, INNER)
        slB = pl.ds(oB * INNER, INNER)
        pltpu.make_async_copy(srch.at[wid, slA], sidxA, isem).wait()
        pltpu.make_async_copy(dsth.at[wid, slA], didxA, isem).wait()
        pltpu.async_copy(srch.at[wid, slB], sidxB, isem)
        pltpu.async_copy(dsth.at[wid, slB], didxB, isem)
        _fire_gathers(t0, t1, sidxA, mA0, mA1, gsem)
        _drain_gathers(t0, t1, sidxA, mA0, mA1, gsem)
        _fire_scatters(mA0, mA1, didxA, a0, a1, ssem)
        pltpu.make_async_copy(srch.at[wid, slB], sidxB, isem).wait()
        pltpu.make_async_copy(dsth.at[wid, slB], didxB, isem).wait()
        _fire_gathers(t0, t1, sidxB, mB0, mB1, gsem)
        _drain_scatters(mA0, mA1, didxA, a0, a1, ssem)

        @pl.when(oB + 1 < OUTER)
        def _():
            sl_n = pl.ds((oB + 1) * INNER, INNER)
            pltpu.async_copy(srch.at[wid, sl_n], sidxA, isem)
            pltpu.async_copy(dsth.at[wid, sl_n], didxA, isem)

        _drain_gathers(t0, t1, sidxB, mB0, mB1, gsem)
        _fire_scatters(mB0, mB1, didxB, a0, a1, ssem)
        _drain_scatters(mB0, mB1, didxB, a0, a1, ssem)
        return 0

    lax.fori_loop(0, OUTER // 2, body, 0)


def _deg_body(dsth, deg_out, acc, zbuf, ones, didxA, didxB, isem, ssem):
    c = lax.axis_index("c")
    s = lax.axis_index("s")
    wid = c * 16 + s
    sl = _row_slice(s)

    def fill(i, _):
        zbuf[pl.ds(i * 16, 16)] = jnp.zeros((16,), _f32)
        return 0

    lax.fori_loop(0, ROWS // 16, fill, 0)
    for i in range(CHUNK // 16):
        ones[pl.ds(i * 16, 16)] = jnp.ones((16,), _f32)
    pltpu.sync_copy(zbuf, acc.at[sl])
    plsc.subcore_barrier()

    pltpu.async_copy(dsth.at[wid, pl.ds(0, INNER)], didxA, isem)

    def fire_ones(didx):
        def fire(j, _):
            pltpu.async_copy(ones, acc.at[didx.at[j]], ssem, add=True)
            return 0

        lax.fori_loop(0, INNER, fire, 0)

    def drain_ones(didx):
        def drain(j, _):
            pltpu.make_async_copy(ones, acc.at[didx.at[j]], ssem).wait()
            return 0

        lax.fori_loop(0, INNER, drain, 0)

    def body(t, _):
        oA = 2 * t
        oB = 2 * t + 1
        pltpu.make_async_copy(dsth.at[wid, pl.ds(oA * INNER, INNER)], didxA,
                              isem).wait()
        pltpu.async_copy(dsth.at[wid, pl.ds(oB * INNER, INNER)], didxB, isem)
        fire_ones(didxA)
        pltpu.make_async_copy(dsth.at[wid, pl.ds(oB * INNER, INNER)], didxB,
                              isem).wait()
        drain_ones(didxA)

        @pl.when(oB + 1 < OUTER)
        def _():
            pltpu.async_copy(dsth.at[wid, pl.ds((oB + 1) * INNER, INNER)],
                             didxA, isem)

        fire_ones(didxB)
        drain_ones(didxB)
        return 0

    lax.fori_loop(0, OUTER // 2, body, 0)
    plsc.subcore_barrier()
    pltpu.sync_copy(acc.at[sl], deg_out.at[c, sl])


_deg_call = functools.partial(
    pl.kernel,
    out_type=jax.ShapeDtypeStruct((2, N_PAD), _f32),
    mesh=_MESH,
    compiler_params=_SC_PARAMS,
    scratch_types=[
        pltpu.VMEM_SHARED((N_PAD,), _f32),
        pltpu.VMEM((ROWS,), _f32),
        pltpu.VMEM((CHUNK,), _f32),
        pltpu.VMEM((INNER, CHUNK), jnp.int32),
        pltpu.VMEM((INNER, CHUNK), jnp.int32),
        pltpu.SemaphoreType.DMA,
        pltpu.SemaphoreType.DMA,
    ],
)(_deg_body)


def _agg_body(y0h, y1h, zh, srch, dsth, aggp_out,
              t0, t1, a0, a1,
              sidxA, didxA, sidxB, didxB, mA0, mA1, mB0, mB1,
              isem, gsem, ssem):
    c = lax.axis_index("c")
    s = lax.axis_index("s")
    wid = c * 16 + s
    sl = _row_slice(s)

    pltpu.sync_copy(y0h.at[sl], t0.at[sl])
    pltpu.sync_copy(y1h.at[sl], t1.at[sl])
    pltpu.sync_copy(zh.at[sl], a0.at[sl])
    pltpu.sync_copy(zh.at[sl], a1.at[sl])
    plsc.subcore_barrier()
    _edge_loop(srch, dsth, wid, t0, t1, a0, a1,
               sidxA, didxA, sidxB, didxB, mA0, mA1, mB0, mB1,
               isem, gsem, ssem)
    plsc.subcore_barrier()
    pltpu.sync_copy(a0.at[sl], aggp_out.at[c, 0, sl])
    pltpu.sync_copy(a1.at[sl], aggp_out.at[c, 1, sl])


_agg_call = functools.partial(
    pl.kernel,
    out_type=jax.ShapeDtypeStruct((2, 2, N_PAD), _f32),
    mesh=_MESH,
    compiler_params=_SC_PARAMS,
    scratch_types=[
        pltpu.VMEM_SHARED((N_PAD,), _f32),
        pltpu.VMEM_SHARED((N_PAD,), _f32),
        pltpu.VMEM_SHARED((N_PAD,), _f32),
        pltpu.VMEM_SHARED((N_PAD,), _f32),
        pltpu.VMEM((INNER, CHUNK), jnp.int32),
        pltpu.VMEM((INNER, CHUNK), jnp.int32),
        pltpu.VMEM((INNER, CHUNK), jnp.int32),
        pltpu.VMEM((INNER, CHUNK), jnp.int32),
        pltpu.VMEM((INNER, CHUNK), _f32),
        pltpu.VMEM((INNER, CHUNK), _f32),
        pltpu.VMEM((INNER, CHUNK), _f32),
        pltpu.VMEM((INNER, CHUNK), _f32),
        pltpu.SemaphoreType.DMA,
        pltpu.SemaphoreType.DMA,
        pltpu.SemaphoreType.DMA,
    ],
)(_agg_body)


def _dense1_body(degp_ref, x_ref, s_ref, y_ref):
    d = degp_ref[0] + degp_ref[1]
    sv = lax.rsqrt(jnp.maximum(d, 1.0))
    s_ref[...] = sv
    y_ref[0] = x_ref[0] * sv
    y_ref[1] = x_ref[1] * sv


_dense1_call = pl.pallas_call(
    _dense1_body,
    out_shape=(jax.ShapeDtypeStruct((784, 128), _f32),
               jax.ShapeDtypeStruct((2, 784, 128), _f32)),
)


def _dense2_body(a_ref, s_ref, w1_ref, b1_ref, w2_ref, y_ref):
    sv = s_ref[...]
    a0 = (a_ref[0, 0] + a_ref[1, 0]) * sv
    a1 = (a_ref[0, 1] + a_ref[1, 1]) * sv
    q0 = jnp.zeros((784, 128), _f32)
    q1 = jnp.zeros((784, 128), _f32)
    for j in range(8):
        h = jnp.maximum(a0 * w1_ref[0, j] + a1 * w1_ref[1, j] + b1_ref[j],
                        0.0)
        q0 = q0 + h * w2_ref[j, 0]
        q1 = q1 + h * w2_ref[j, 1]
    y_ref[0] = q0 * sv
    y_ref[1] = q1 * sv


_dense2_call = pl.pallas_call(
    _dense2_body,
    in_specs=[
        pl.BlockSpec(),
        pl.BlockSpec(),
        pl.BlockSpec(memory_space=pltpu.SMEM),
        pl.BlockSpec(memory_space=pltpu.SMEM),
        pl.BlockSpec(memory_space=pltpu.SMEM),
    ],
    out_shape=jax.ShapeDtypeStruct((2, 784, 128), _f32),
)


def _fin_body(aggp_ref, s_ref, b2_ref, o_ref):
    sv = s_ref[...]
    for f in range(2):
        o_ref[f] = ((aggp_ref[0, f] + aggp_ref[1, f]) * sv
                    + b2_ref[f, 0:1, :])


_fin_call = pl.pallas_call(
    _fin_body,
    out_shape=jax.ShapeDtypeStruct((2, 784, 128), _f32),
)


def kernel(x, edge_index, W1, b1, W2, b2):
    x = x.astype(_f32)
    xp = jnp.pad(x, ((0, PAD_ROWS), (0, 0)))
    loop = jnp.arange(N, dtype=jnp.int32)
    npad = E_PAD - E_SELF
    fillpad = N + (jnp.arange(npad, dtype=jnp.int32) % PAD_ROWS)
    src = jnp.concatenate([edge_index[0].astype(jnp.int32), loop, fillpad])
    dst = jnp.concatenate([edge_index[1].astype(jnp.int32), loop, fillpad])
    src3 = src.reshape(32, OUTER * INNER, CHUNK)
    dst3 = dst.reshape(32, OUTER * INNER, CHUNK)
    zvec = jnp.zeros((N_PAD,), _f32)

    degp = _deg_call(dst3)
    svec, y1p = _dense1_call(degp.reshape(2, 784, 128),
                             xp.T.reshape(2, 784, 128))
    y1f = y1p.reshape(2, N_PAD)
    aggp1 = _agg_call(y1f[0], y1f[1], zvec, src3, dst3)

    y2p = _dense2_call(aggp1.reshape(2, 2, 784, 128), svec,
                       W1.astype(_f32), b1.astype(_f32), W2.astype(_f32))
    y2f = y2p.reshape(2, N_PAD)
    aggp2 = _agg_call(y2f[0], y2f[1], zvec, src3, dst3)

    b2b = jnp.broadcast_to(b2.astype(_f32).reshape(2, 1, 1), (2, 1, 128))
    out = _fin_call(aggp2.reshape(2, 2, 784, 128),
                    svec, b2b)
    return jnp.stack([out[0].reshape(N_PAD), out[1].reshape(N_PAD)],
                     axis=1)[:N]

# --- scband reference (transcript-rebuilt; emitter-appended) ---
"""Pipeline reference for scband-gnn-13469017440589 (READ-ONLY COPY).

The authoritative reference and input builder live on the scoring server;
editing this copy changes nothing except your own understanding.
"""

import jax, jax.numpy as jnp
import numpy as np

N = 100000
E = 6400000
D_IN = 2
D_HID = 8
D_OUT = 2


def setup_inputs(seed: int = 0) -> dict:
    key = jax.random.key(seed)
    k1, k2, k3, k4 = jax.random.split(key, 4)
    x = jax.random.normal(k1, (N, D_IN), dtype=jnp.float32)
    edge_index = jax.random.randint(k2, (2, E), 0, N)
    # Glorot-style init for GCNConv weights, zero bias (PyG default)
    W1 = jax.random.normal(k3, (D_IN, D_HID), dtype=jnp.float32) * (1.0 / np.sqrt(D_IN))
    b1 = jnp.zeros((D_HID,), dtype=jnp.float32)
    W2 = jax.random.normal(k4, (D_HID, D_OUT), dtype=jnp.float32) * (1.0 / np.sqrt(D_HID))
    b2 = jnp.zeros((D_OUT,), dtype=jnp.float32)
    return {"x": x, "edge_index": edge_index, "W1": W1, "b1": b1, "W2": W2, "b2": b2}


def gcn_conv(x, edge_index, W, b):
    # GCNConv with add_self_loops=True, normalize=True (PyG defaults):
    # out = D^{-1/2} (A + I) D^{-1/2} X W + b
    n = x.shape[0]
    loop = jnp.arange(n)
    src = jnp.concatenate([edge_index[0], loop])
    dst = jnp.concatenate([edge_index[1], loop])
    ones = jnp.ones(src.shape[0], dtype=x.dtype)
    deg = jnp.zeros((n,), dtype=x.dtype).at[dst].add(ones)
    deg_inv_sqrt = jnp.where(deg > 0, jax.lax.rsqrt(deg), 0.0)
    norm = deg_inv_sqrt[src] * deg_inv_sqrt[dst]
    h = x @ W
    msgs = h[src] * norm[:, None]
    out = jnp.zeros((n, W.shape[1]), dtype=x.dtype).at[dst].add(msgs)
    return out + b


def reference(x, edge_index, W1, b1, W2, b2):
    h = gcn_conv(x, edge_index, W1, b1)
    h = jax.nn.relu(h)
    out = gcn_conv(h, edge_index, W2, b2)
    return out

if __name__ == "__main__":
    import jax
    _d = setup_inputs()
    print(jax.jit(kernel)(*tuple(_d.values())))

</pallas_src>

<mosaic_0001>
#map = affine_map<(d0, d1) -> (0, 0, 0)>
#map1 = affine_map<(d0, d1) -> (0, 0)>
module attributes {stable_mosaic.version = 14 : i64} {
  func.func @_deg_body(%arg0: i32, %arg1: i32, %arg2: memref<32x1600x128xi32, #tpu.memory_space<hbm>>, %arg3: memref<2x100352xf32, #tpu.memory_space<hbm>>, %arg4: memref<100352xf32, #tpu.memory_space<vmem_shared>>, %arg5: memref<6272xf32, #tpu.memory_space<vmem>>, %arg6: memref<128xf32, #tpu.memory_space<vmem>>, %arg7: memref<16x128xi32, #tpu.memory_space<vmem>>, %arg8: memref<16x128xi32, #tpu.memory_space<vmem>>, %arg9: memref<!tpu.dma_semaphore, #tpu.memory_space<semaphore_mem>>, %arg10: memref<!tpu.dma_semaphore, #tpu.memory_space<semaphore_mem>>) attributes {dimension_semantics = [#tpu.dimension_semantics<core_parallel>, #tpu.dimension_semantics<subcore_parallel>], iteration_bounds = array<i64: 2, 16>, scalar_prefetch = 0 : i64, scratch_operands = 7 : i64, tpu.core_type = #tpu.core_type<sc_vector_subcore>, window_params = [{transform_indices = #map}, {transform_indices = #map1}]} {
    %mul3A = arith.constant 16 : i32
    %mul3A_0 = arith.muli %arg0, %mul3A : i32
    %add3A = arith.addi %mul3A_0, %arg1 : i32
    %mul3A_1 = arith.constant 6272 : i32
    %mul3A_2 = arith.muli %arg1, %mul3A_1 : i32
    %scan3A = arith.constant 0 : i32
    %scan3A_3 = arith.constant 0 : i32
    %scan3A_4 = arith.constant 392 : i32
    %scan3A_5 = arith.addi %scan3A_3, %scan3A_4 : i32
    %scan3A_6 = arith.constant 1 : i32
    %scan3A_7 = scf.for %scan3A_54 = %scan3A_3 to %scan3A_5 step %scan3A_6 iter_args(%scan3A_55 = %scan3A) -> (i32)  : i32 {
      %broadcast_in_dim3A_56 = arith.constant 0.000000e+00 : f32
      %broadcast_in_dim3A_57 = vector.broadcast %broadcast_in_dim3A_56 : f32 to vector<16xf32>
      %mul3A_58 = arith.constant 16 : i32
      %mul3A_59 = arith.muli %scan3A_54, %mul3A_58 : i32
      %swap3A_60 = arith.index_cast %mul3A_59 : i32 to index
      %swap3A_61 = tpu.vector_load %arg5[%swap3A_60] {strides = array<i32>} : memref<6272xf32, #tpu.memory_space<vmem>>, vector<16xf32>,
      tpu.vector_store %arg5[%swap3A_60], %broadcast_in_dim3A_57 {strides = array<i32>} : memref<6272xf32, #tpu.memory_space<vmem>>, vector<16xf32>,
      %scan3A_62 = arith.constant 0 : i32
      scf.yield %scan3A_62 : i32
    }
    %scan3A_8 = arith.constant 392 : i32
    %broadcast_in_dim3A = arith.constant 1.000000e+00 : f32
    %broadcast_in_dim3A_9 = vector.broadcast %broadcast_in_dim3A : f32 to vector<16xf32>
    %swap3A = arith.constant 0 : index
    %swap3A_10 = tpu.vector_load %arg6[%swap3A] {strides = array<i32>} : memref<128xf32, #tpu.memory_space<vmem>>, vector<16xf32>,
    tpu.vector_store %arg6[%swap3A], %broadcast_in_dim3A_9 {strides = array<i32>} : memref<128xf32, #tpu.memory_space<vmem>>, vector<16xf32>,
    %broadcast_in_dim3A_11 = arith.constant 1.000000e+00 : f32
    %broadcast_in_dim3A_12 = vector.broadcast %broadcast_in_dim3A_11 : f32 to vector<16xf32>
    %swap3A_13 = arith.constant 16 : index
    %swap3A_14 = tpu.vector_load %arg6[%swap3A_13] {strides = array<i32>} : memref<128xf32, #tpu.memory_space<vmem>>, vector<16xf32>,
    tpu.vector_store %arg6[%swap3A_13], %broadcast_in_dim3A_12 {strides = array<i32>} : memref<128xf32, #tpu.memory_space<vmem>>, vector<16xf32>,
    %broadcast_in_dim3A_15 = arith.constant 1.000000e+00 : f32
    %broadcast_in_dim3A_16 = vector.broadcast %broadcast_in_dim3A_15 : f32 to vector<16xf32>
    %swap3A_17 = arith.constant 32 : index
    %swap3A_18 = tpu.vector_load %arg6[%swap3A_17] {strides = array<i32>} : memref<128xf32, #tpu.memory_space<vmem>>, vector<16xf32>,
    tpu.vector_store %arg6[%swap3A_17], %broadcast_in_dim3A_16 {strides = array<i32>} : memref<128xf32, #tpu.memory_space<vmem>>, vector<16xf32>,
    %broadcast_in_dim3A_19 = arith.constant 1.000000e+00 : f32
    %broadcast_in_dim3A_20 = vector.broadcast %broadcast_in_dim3A_19 : f32 to vector<16xf32>
    %swap3A_21 = arith.constant 48 : index
    %swap3A_22 = tpu.vector_load %arg6[%swap3A_21] {strides = array<i32>} : memref<128xf32, #tpu.memory_space<vmem>>, vector<16xf32>,
    tpu.vector_store %arg6[%swap3A_21], %broadcast_in_dim3A_20 {strides = array<i32>} : memref<128xf32, #tpu.memory_space<vmem>>, vector<16xf32>,
    %broadcast_in_dim3A_23 = arith.constant 1.000000e+00 : f32
    %broadcast_in_dim3A_24 = vector.broadcast %broadcast_in_dim3A_23 : f32 to vector<16xf32>
    %swap3A_25 = arith.constant 64 : index
    %swap3A_26 = tpu.vector_load %arg6[%swap3A_25] {strides = array<i32>} : memref<128xf32, #tpu.memory_space<vmem>>, vector<16xf32>,
    tpu.vector_store %arg6[%swap3A_25], %broadcast_in_dim3A_24 {strides = array<i32>} : memref<128xf32, #tpu.memory_space<vmem>>, vector<16xf32>,
    %broadcast_in_dim3A_27 = arith.constant 1.000000e+00 : f32
    %broadcast_in_dim3A_28 = vector.broadcast %broadcast_in_dim3A_27 : f32 to vector<16xf32>
    %swap3A_29 = arith.constant 80 : index
    %swap3A_30 = tpu.vector_load %arg6[%swap3A_29] {strides = array<i32>} : memref<128xf32, #tpu.memory_space<vmem>>, vector<16xf32>,
    tpu.vector_store %arg6[%swap3A_29], %broadcast_in_dim3A_28 {strides = array<i32>} : memref<128xf32, #tpu.memory_space<vmem>>, vector<16xf32>,
    %broadcast_in_dim3A_31 = arith.constant 1.000000e+00 : f32
    %broadcast_in_dim3A_32 = vector.broadcast %broadcast_in_dim3A_31 : f32 to vector<16xf32>
    %swap3A_33 = arith.constant 96 : index
    %swap3A_34 = tpu.vector_load %arg6[%swap3A_33] {strides = array<i32>} : memref<128xf32, #tpu.memory_space<vmem>>, vector<16xf32>,
    tpu.vector_store %arg6[%swap3A_33], %broadcast_in_dim3A_32 {strides = array<i32>} : memref<128xf32, #tpu.memory_space<vmem>>, vector<16xf32>,
    %broadcast_in_dim3A_35 = arith.constant 1.000000e+00 : f32
    %broadcast_in_dim3A_36 = vector.broadcast %broadcast_in_dim3A_35 : f32 to vector<16xf32>
    %swap3A_37 = arith.constant 112 : index
    %swap3A_38 = tpu.vector_load %arg6[%swap3A_37] {strides = array<i32>} : memref<128xf32, #tpu.memory_space<vmem>>, vector<16xf32>,
    tpu.vector_store %arg6[%swap3A_37], %broadcast_in_dim3A_36 {strides = array<i32>} : memref<128xf32, #tpu.memory_space<vmem>>, vector<16xf32>,
    "tpu.region"() ({
      %run_scoped3A = tpu.sem_alloc : memref<!tpu.dma_semaphore, #tpu.memory_space<semaphore_mem>>
      %dma_start3A_54 = tpu.memref_slice %arg4[%mul3A_2] : memref<100352xf32, #tpu.memory_space<vmem_shared>> -> memref<6272xf32, #tpu.memory_space<vmem_shared>>
      %dma_start3A_55 = tpu.memref_slice %arg4[%mul3A_2] : memref<100352xf32, #tpu.memory_space<vmem_shared>> -> memref<6272xf32, #tpu.memory_space<vmem_shared>>
      tpu.enqueue_dma source(%arg5 : memref<6272xf32, #tpu.memory_space<vmem>>) target(%dma_start3A_55 : memref<6272xf32, #tpu.memory_space<vmem_shared>>) target_semaphore(%run_scoped3A : memref<!tpu.dma_semaphore, #tpu.memory_space<semaphore_mem>>)
      %dma_wait3A = tpu.memref_slice %arg4[%mul3A_2] : memref<100352xf32, #tpu.memory_space<vmem_shared>> -> memref<6272xf32, #tpu.memory_space<vmem_shared>>
      %dma_wait3A_56 = tpu.memref_slice %arg4[%mul3A_2] : memref<100352xf32, #tpu.memory_space<vmem_shared>> -> memref<6272xf32, #tpu.memory_space<vmem_shared>>
      tpu.wait_dma2 semaphore(%run_scoped3A : memref<!tpu.dma_semaphore, #tpu.memory_space<semaphore_mem>>) src(%arg5 : memref<6272xf32, #tpu.memory_space<vmem>>) dst(%dma_wait3A_56 : memref<6272xf32, #tpu.memory_space<vmem_shared>>)
      tpu.yield
    }) : () -> ()
    %barrier3A = arith.constant 0 : index
    tpu.barrier barrier_id(%barrier3A)
    %dma_start3A = arith.constant 0 : i32
    %dma_start3A_39 = arith.constant 0 : i32
    %dma_start3A_40 = tpu.memref_slice %arg2[%add3A, %dma_start3A, %dma_start3A_39] : memref<32x1600x128xi32, #tpu.memory_space<hbm>> -> memref<1x16x128xi32, #tpu.memory_space<hbm>>
    %dma_start3A_41 = tpu.memref_squeeze %dma_start3A_40 : memref<1x16x128xi32, #tpu.memory_space<hbm>> -> memref<16x128xi32, #tpu.memory_space<hbm>>
    %dma_start3A_42 = arith.constant 0 : i32
    %dma_start3A_43 = arith.constant 0 : i32
    %dma_start3A_44 = tpu.memref_slice %arg2[%add3A, %dma_start3A_42, %dma_start3A_43] : memref<32x1600x128xi32, #tpu.memory_space<hbm>> -> memref<1x16x128xi32, #tpu.memory_space<hbm>>
    %dma_start3A_45 = tpu.memref_squeeze %dma_start3A_44 : memref<1x16x128xi32, #tpu.memory_space<hbm>> -> memref<16x128xi32, #tpu.memory_space<hbm>>
    tpu.enqueue_dma source(%dma_start3A_45 : memref<16x128xi32, #tpu.memory_space<hbm>>) target(%arg7 : memref<16x128xi32, #tpu.memory_space<vmem>>) target_semaphore(%arg9 : memref<!tpu.dma_semaphore, #tpu.memory_space<semaphore_mem>>)
    %scan3A_46 = arith.constant 0 : i32
    %scan3A_47 = arith.constant 0 : i32
    %scan3A_48 = arith.constant 50 : i32
    %scan3A_49 = arith.addi %scan3A_47, %scan3A_48 : i32
    %scan3A_50 = arith.constant 1 : i32
    %scan3A_51 = scf.for %scan3A_54 = %scan3A_47 to %scan3A_49 step %scan3A_50 iter_args(%scan3A_55 = %scan3A_46) -> (i32)  : i32 {
      %mul3A_56 = arith.constant 2 : i32
      %mul3A_57 = arith.muli %mul3A_56, %scan3A_54 : i32
      %mul3A_58 = arith.constant 2 : i32
      %mul3A_59 = arith.muli %mul3A_58, %scan3A_54 : i32
      %add3A_60 = arith.constant 1 : i32
      %add3A_61 = arith.addi %mul3A_59, %add3A_60 : i32
      %mul3A_62 = arith.constant 16 : i32
      %mul3A_63 = arith.muli %mul3A_57, %mul3A_62 : i32
      %dma_wait3A = arith.constant 0 : i32
      %dma_wait3A_64 = tpu.memref_slice %arg2[%add3A, %mul3A_63, %dma_wait3A] : memref<32x1600x128xi32, #tpu.memory_space<hbm>> -> memref<1x16x128xi32, #tpu.memory_space<hbm>>
      %dma_wait3A_65 = tpu.memref_squeeze %dma_wait3A_64 : memref<1x16x128xi32, #tpu.memory_space<hbm>> -> memref<16x128xi32, #tpu.memory_space<hbm>>
      %dma_wait3A_66 = arith.constant 0 : i32
      %dma_wait3A_67 = tpu.memref_slice %arg2[%add3A, %mul3A_63, %dma_wait3A_66] : memref<32x1600x128xi32, #tpu.memory_space<hbm>> -> memref<1x16x128xi32, #tpu.memory_space<hbm>>
      %dma_wait3A_68 = tpu.memref_squeeze %dma_wait3A_67 : memref<1x16x128xi32, #tpu.memory_space<hbm>> -> memref<16x128xi32, #tpu.memory_space<hbm>>
      tpu.wait_dma2 semaphore(%arg9 : memref<!tpu.dma_semaphore, #tpu.memory_space<semaphore_mem>>) src(%dma_wait3A_68 : memref<16x128xi32, #tpu.memory_space<hbm>>) dst(%arg7 : memref<16x128xi32, #tpu.memory_space<vmem>>)
      %mul3A_69 = arith.constant 16 : i32
      %mul3A_70 = arith.muli %add3A_61, %mul3A_69 : i32
      %dma_start3A_71 = arith.constant 0 : i32
      %dma_start3A_72 = tpu.memref_slice %arg2[%add3A, %mul3A_70, %dma_start3A_71] : memref<32x1600x128xi32, #tpu.memory_space<hbm>> -> memref<1x16x128xi32, #tpu.memory_space<hbm>>
      %dma_start3A_73 = tpu.memref_squeeze %dma_start3A_72 : memref<1x16x128xi32, #tpu.memory_space<hbm>> -> memref<16x128xi32, #tpu.memory_space<hbm>>
      %dma_start3A_74 = arith.constant 0 : i32
      %dma_start3A_75 = tpu.memref_slice %arg2[%add3A, %mul3A_70, %dma_start3A_74] : memref<32x1600x128xi32, #tpu.memory_space<hbm>> -> memref<1x16x128xi32, #tpu.memory_space<hbm>>
      %dma_start3A_76 = tpu.memref_squeeze %dma_start3A_75 : memref<1x16x128xi32, #tpu.memory_space<hbm>> -> memref<16x128xi32, #tpu.memory_space<hbm>>
      tpu.enqueue_dma source(%dma_start3A_76 : memref<16x128xi32, #tpu.memory_space<hbm>>) target(%arg8 : memref<16x128xi32, #tpu.memory_space<vmem>>) target_semaphore(%arg9 : memref<!tpu.dma_semaphore, #tpu.memory_space<semaphore_mem>>)
      %scan3A_77 = arith.constant 0 : i32
      %scan3A_78 = arith.constant 0 : i32
      %scan3A_79 = arith.constant 16 : i32
      %scan3A_80 = arith.addi %scan3A_78, %scan3A_79 : i32
      %scan3A_81 = arith.constant 1 : i32
      %scan3A_82 = scf.for %scan3A_118 = %scan3A_78 to %scan3A_80 step %scan3A_81 iter_args(%scan3A_119 = %scan3A_77) -> (i32)  : i32 {
        %dma_start3A_120 = arith.constant 0 : i32
        %dma_start3A_121 = tpu.memref_slice %arg7[%scan3A_118, %dma_start3A_120] : memref<16x128xi32, #tpu.memory_space<vmem>> -> memref<1x128xi32, #tpu.memory_space<vmem>>
        %dma_start3A_122 = tpu.memref_squeeze %dma_start3A_121 : memref<1x128xi32, #tpu.memory_space<vmem>> -> memref<128xi32, #tpu.memory_space<vmem>>
        %dma_start3A_123 = arith.constant 0 : i32
        %dma_start3A_124 = tpu.memref_slice %arg4[%dma_start3A_123] : memref<100352xf32, #tpu.memory_space<vmem_shared>> -> memref<100352xf32, #tpu.memory_space<vmem_shared>>
        tpu.enqueue_indirect_dma source(%arg6 : memref<128xf32, #tpu.memory_space<vmem>>) target(%dma_start3A_124 : memref<100352xf32, #tpu.memory_space<vmem_shared>>) offsets(%dma_start3A_122 : memref<128xi32, #tpu.memory_space<vmem>>) semaphore(%arg10 : memref<!tpu.dma_semaphore, #tpu.memory_space<semaphore_mem>>) {add = true}
        %scan3A_125 = arith.constant 0 : i32
        scf.yield %scan3A_125 : i32
      }
      %scan3A_83 = arith.constant 16 : i32
      %mul3A_84 = arith.constant 16 : i32
      %mul3A_85 = arith.muli %add3A_61, %mul3A_84 : i32
      %dma_wait3A_86 = arith.constant 0 : i32
      %dma_wait3A_87 = tpu.memref_slice %arg2[%add3A, %mul3A_85, %dma_wait3A_86] : memref<32x1600x128xi32, #tpu.memory_space<hbm>> -> memref<1x16x128xi32, #tpu.memory_space<hbm>>
      %dma_wait3A_88 = tpu.memref_squeeze %dma_wait3A_87 : memref<1x16x128xi32, #tpu.memory_space<hbm>> -> memref<16x128xi32, #tpu.memory_space<hbm>>
      %dma_wait3A_89 = arith.constant 0 : i32
      %dma_wait3A_90 = tpu.memref_slice %arg2[%add3A, %mul3A_85, %dma_wait3A_89] : memref<32x1600x128xi32, #tpu.memory_space<hbm>> -> memref<1x16x128xi32, #tpu.memory_space<hbm>>
      %dma_wait3A_91 = tpu.memref_squeeze %dma_wait3A_90 : memref<1x16x128xi32, #tpu.memory_space<hbm>> -> memref<16x128xi32, #tpu.memory_space<hbm>>
      tpu.wait_dma2 semaphore(%arg9 : memref<!tpu.dma_semaphore, #tpu.memory_space<semaphore_mem>>) src(%dma_wait3A_91 : memref<16x128xi32, #tpu.memory_space<hbm>>) dst(%arg8 : memref<16x128xi32, #tpu.memory_space<vmem>>)
      %scan3A_92 = arith.constant 0 : i32
      %scan3A_93 = arith.constant 0 : i32
      %scan3A_94 = arith.constant 16 : i32
      %scan3A_95 = arith.addi %scan3A_93, %scan3A_94 : i32
      %scan3A_96 = arith.constant 1 : i32
      %scan3A_97 = scf.for %scan3A_118 = %scan3A_93 to %scan3A_95 step %scan3A_96 iter_args(%scan3A_119 = %scan3A_92) -> (i32)  : i32 {
        %dma_wait3A_120 = arith.constant 0 : i32
        %dma_wait3A_121 = tpu.memref_slice %arg7[%scan3A_118, %dma_wait3A_120] : memref<16x128xi32, #tpu.memory_space<vmem>> -> memref<1x128xi32, #tpu.memory_space<vmem>>
        %dma_wait3A_122 = tpu.memref_squeeze %dma_wait3A_121 : memref<1x128xi32, #tpu.memory_space<vmem>> -> memref<128xi32, #tpu.memory_space<vmem>>
        %dma_wait3A_123 = arith.constant 0 : i32
        %dma_wait3A_124 = tpu.memref_slice %arg4[%dma_wait3A_123] : memref<100352xf32, #tpu.memory_space<vmem_shared>> -> memref<100352xf32, #tpu.memory_space<vmem_shared>>
        tpu.wait_indirect_dma semaphore(%arg10 : memref<!tpu.dma_semaphore, #tpu.memory_space<semaphore_mem>>) src(%arg6 : memref<128xf32, #tpu.memory_space<vmem>>) dst(%dma_wait3A_124 : memref<100352xf32, #tpu.memory_space<vmem_shared>>)
        %scan3A_125 = arith.constant 0 : i32
        scf.yield %scan3A_125 : i32
      }
      %scan3A_98 = arith.constant 16 : i32
      %add3A_99 = arith.constant 1 : i32
      %add3A_100 = arith.addi %add3A_61, %add3A_99 : i32
      %lt3A = arith.constant 100 : i32
      %lt3A_101 = arith.cmpi slt, %add3A_100, %lt3A : i32
      %convert_element_type3A = arith.extui %lt3A_101 : i1 to i32
      %cond3A = arith.constant 0 : i32
      %cond3A_102 = arith.cmpi ne, %convert_element_type3A, %cond3A : i32
      scf.if %cond3A_102 {
        %add3A_118 = arith.constant 1 : i32
        %add3A_119 = arith.addi %add3A_61, %add3A_118 : i32
        %mul3A_120 = arith.constant 16 : i32
        %mul3A_121 = arith.muli %add3A_119, %mul3A_120 : i32
        %dma_start3A_122 = arith.constant 0 : i32
        %dma_start3A_123 = tpu.memref_slice %arg2[%add3A, %mul3A_121, %dma_start3A_122] : memref<32x1600x128xi32, #tpu.memory_space<hbm>> -> memref<1x16x128xi32, #tpu.memory_space<hbm>>
        %dma_start3A_124 = tpu.memref_squeeze %dma_start3A_123 : memref<1x16x128xi32, #tpu.memory_space<hbm>> -> memref<16x128xi32, #tpu.memory_space<hbm>>
        %dma_start3A_125 = arith.constant 0 : i32
        %dma_start3A_126 = tpu.memref_slice %arg2[%add3A, %mul3A_121, %dma_start3A_125] : memref<32x1600x128xi32, #tpu.memory_space<hbm>> -> memref<1x16x128xi32, #tpu.memory_space<hbm>>
        %dma_start3A_127 = tpu.memref_squeeze %dma_start3A_126 : memref<1x16x128xi32, #tpu.memory_space<hbm>> -> memref<16x128xi32, #tpu.memory_space<hbm>>
        tpu.enqueue_dma source(%dma_start3A_127 : memref<16x128xi32, #tpu.memory_space<hbm>>) target(%arg7 : memref<16x128xi32, #tpu.memory_space<vmem>>) target_semaphore(%arg9 : memref<!tpu.dma_semaphore, #tpu.memory_space<semaphore_mem>>)
      } else {
      }
      %scan3A_103 = arith.constant 0 : i32
      %scan3A_104 = arith.constant 0 : i32
      %scan3A_105 = arith.constant 16 : i32
      %scan3A_106 = arith.addi %scan3A_104, %scan3A_105 : i32
      %scan3A_107 = arith.constant 1 : i32
      %scan3A_108 = scf.for %scan3A_118 = %scan3A_104 to %scan3A_106 step %scan3A_107 iter_args(%scan3A_119 = %scan3A_103) -> (i32)  : i32 {
        %dma_start3A_120 = arith.constant 0 : i32
        %dma_start3A_121 = tpu.memref_slice %arg8[%scan3A_118, %dma_start3A_120] : memref<16x128xi32, #tpu.memory_space<vmem>> -> memref<1x128xi32, #tpu.memory_space<vmem>>
        %dma_start3A_122 = tpu.memref_squeeze %dma_start3A_121 : memref<1x128xi32, #tpu.memory_space<vmem>> -> memref<128xi32, #tpu.memory_space<vmem>>
        %dma_start3A_123 = arith.constant 0 : i32
        %dma_start3A_124 = tpu.memref_slice %arg4[%dma_start3A_123] : memref<100352xf32, #tpu.memory_space<vmem_shared>> -> memref<100352xf32, #tpu.memory_space<vmem_shared>>
        tpu.enqueue_indirect_dma source(%arg6 : memref<128xf32, #tpu.memory_space<vmem>>) target(%dma_start3A_124 : memref<100352xf32, #tpu.memory_space<vmem_shared>>) offsets(%dma_start3A_122 : memref<128xi32, #tpu.memory_space<vmem>>) semaphore(%arg10 : memref<!tpu.dma_semaphore, #tpu.memory_space<semaphore_mem>>) {add = true}
        %scan3A_125 = arith.constant 0 : i32
        scf.yield %scan3A_125 : i32
      }
      %scan3A_109 = arith.constant 16 : i32
      %scan3A_110 = arith.constant 0 : i32
      %scan3A_111 = arith.constant 0 : i32
      %scan3A_112 = arith.constant 16 : i32
      %scan3A_113 = arith.addi %scan3A_111, %scan3A_112 : i32
      %scan3A_114 = arith.constant 1 : i32
      %scan3A_115 = scf.for %scan3A_118 = %scan3A_111 to %scan3A_113 step %scan3A_114 iter_args(%scan3A_119 = %scan3A_110) -> (i32)  : i32 {
        %dma_wait3A_120 = arith.constant 0 : i32
        %dma_wait3A_121 = tpu.memref_slice %arg8[%scan3A_118, %dma_wait3A_120] : memref<16x128xi32, #tpu.memory_space<vmem>> -> memref<1x128xi32, #tpu.memory_space<vmem>>
        %dma_wait3A_122 = tpu.memref_squeeze %dma_wait3A_121 : memref<1x128xi32, #tpu.memory_space<vmem>> -> memref<128xi32, #tpu.memory_space<vmem>>
        %dma_wait3A_123 = arith.constant 0 : i32
        %dma_wait3A_124 = tpu.memref_slice %arg4[%dma_wait3A_123] : memref<100352xf32, #tpu.memory_space<vmem_shared>> -> memref<100352xf32, #tpu.memory_space<vmem_shared>>
        tpu.wait_indirect_dma semaphore(%arg10 : memref<!tpu.dma_semaphore, #tpu.memory_space<semaphore_mem>>) src(%arg6 : memref<128xf32, #tpu.memory_space<vmem>>) dst(%dma_wait3A_124 : memref<100352xf32, #tpu.memory_space<vmem_shared>>)
        %scan3A_125 = arith.constant 0 : i32
        scf.yield %scan3A_125 : i32
      }
      %scan3A_116 = arith.constant 16 : i32
      %scan3A_117 = arith.constant 0 : i32
      scf.yield %scan3A_117 : i32
    }
    %scan3A_52 = arith.constant 50 : i32
    %barrier3A_53 = arith.constant 0 : index
    tpu.barrier barrier_id(%barrier3A_53)
    "tpu.region"() ({
      %run_scoped3A = tpu.sem_alloc : memref<!tpu.dma_semaphore, #tpu.memory_space<semaphore_mem>>
      %dma_start3A_54 = tpu.memref_slice %arg3[%arg0, %mul3A_2] : memref<2x100352xf32, #tpu.memory_space<hbm>> -> memref<1x6272xf32, #tpu.memory_space<hbm>>
      %dma_start3A_55 = tpu.memref_squeeze %dma_start3A_54 : memref<1x6272xf32, #tpu.memory_space<hbm>> -> memref<6272xf32, #tpu.memory_space<hbm>>
      %dma_start3A_56 = tpu.memref_slice %arg4[%mul3A_2] : memref<100352xf32, #tpu.memory_space<vmem_shared>> -> memref<6272xf32, #tpu.memory_space<vmem_shared>>
      tpu.enqueue_dma source(%dma_start3A_56 : memref<6272xf32, #tpu.memory_space<vmem_shared>>) target(%dma_start3A_55 : memref<6272xf32, #tpu.memory_space<hbm>>) target_semaphore(%run_scoped3A : memref<!tpu.dma_semaphore, #tpu.memory_space<semaphore_mem>>)
      %dma_wait3A = tpu.memref_slice %arg3[%arg0, %mul3A_2] : memref<2x100352xf32, #tpu.memory_space<hbm>> -> memref<1x6272xf32, #tpu.memory_space<hbm>>
      %dma_wait3A_57 = tpu.memref_squeeze %dma_wait3A : memref<1x6272xf32, #tpu.memory_space<hbm>> -> memref<6272xf32, #tpu.memory_space<hbm>>
      %dma_wait3A_58 = tpu.memref_slice %arg4[%mul3A_2] : memref<100352xf32, #tpu.memory_space<vmem_shared>> -> memref<6272xf32, #tpu.memory_space<vmem_shared>>
      tpu.wait_dma2 semaphore(%run_scoped3A : memref<!tpu.dma_semaphore, #tpu.memory_space<semaphore_mem>>) src(%dma_wait3A_58 : memref<6272xf32, #tpu.memory_space<vmem_shared>>) dst(%dma_wait3A_57 : memref<6272xf32, #tpu.memory_space<hbm>>)
      tpu.yield
    }) : () -> ()
    return
  }
}

#map = affine_map<(d0, d1) -> (0)>
#map1 = affine_map<(d0, d1) -> (0, 0, 0)>
module attributes {stable_mosaic.version = 14 : i64} {
  func.func @_agg_body(%arg0: i32, %arg1: i32, %arg2: memref<100352xf32, #tpu.memory_space<hbm>>, %arg3: memref<100352xf32, #tpu.memory_space<hbm>>, %arg4: memref<100352xf32, #tpu.memory_space<hbm>>, %arg5: memref<32x1600x128xi32, #tpu.memory_space<hbm>>, %arg6: memref<32x1600x128xi32, #tpu.memory_space<hbm>>, %arg7: memref<2x2x100352xf32, #tpu.memory_space<hbm>>, %arg8: memref<100352xf32, #tpu.memory_space<vmem_shared>>, %arg9: memref<100352xf32, #tpu.memory_space<vmem_shared>>, %arg10: memref<100352xf32, #tpu.memory_space<vmem_shared>>, %arg11: memref<100352xf32, #tpu.memory_space<vmem_shared>>, %arg12: memref<16x128xi32, #tpu.memory_space<vmem>>, %arg13: memref<16x128xi32, #tpu.memory_space<vmem>>, %arg14: memref<16x128xi32, #tpu.memory_space<vmem>>, %arg15: memref<16x128xi32, #tpu.memory_space<vmem>>, %arg16: memref<16x128xf32, #tpu.memory_space<vmem>>, %arg17: memref<16x128xf32, #tpu.memory_space<vmem>>, %arg18: memref<16x128xf32, #tpu.memory_space<vmem>>, %arg19: memref<16x128xf32, #tpu.memory_space<vmem>>, %arg20: memref<!tpu.dma_semaphore, #tpu.memory_space<semaphore_mem>>, %arg21: memref<!tpu.dma_semaphore, #tpu.memory_space<semaphore_mem>>, %arg22: memref<!tpu.dma_semaphore, #tpu.memory_space<semaphore_mem>>) attributes {dimension_semantics = [#tpu.dimension_semantics<core_parallel>, #tpu.dimension_semantics<subcore_parallel>], iteration_bounds = array<i64: 2, 16>, scalar_prefetch = 0 : i64, scratch_operands = 15 : i64, tpu.core_type = #tpu.core_type<sc_vector_subcore>, window_params = [{transform_indices = #map}, {transform_indices = #map}, {transform_indices = #map}, {transform_indices = #map1}, {transform_indices = #map1}, {transform_indices = #map1}]} {
    %mul3A = arith.constant 16 : i32
    %mul3A_0 = arith.muli %arg0, %mul3A : i32
    %add3A = arith.addi %mul3A_0, %arg1 : i32
    %mul3A_1 = arith.constant 6272 : i32
    %mul3A_2 = arith.muli %arg1, %mul3A_1 : i32
    "tpu.region"() ({
      %run_scoped3A_26 = tpu.sem_alloc : memref<!tpu.dma_semaphore, #tpu.memory_space<semaphore_mem>>
      %dma_start3A_27 = tpu.memref_slice %arg8[%mul3A_2] : memref<100352xf32, #tpu.memory_space<vmem_shared>> -> memref<6272xf32, #tpu.memory_space<vmem_shared>>
      %dma_start3A_28 = tpu.memref_slice %arg2[%mul3A_2] : memref<100352xf32, #tpu.memory_space<hbm>> -> memref<6272xf32, #tpu.memory_space<hbm>>
      tpu.enqueue_dma source(%dma_start3A_28 : memref<6272xf32, #tpu.memory_space<hbm>>) target(%dma_start3A_27 : memref<6272xf32, #tpu.memory_space<vmem_shared>>) target_semaphore(%run_scoped3A_26 : memref<!tpu.dma_semaphore, #tpu.memory_space<semaphore_mem>>)
      %dma_wait3A = tpu.memref_slice %arg8[%mul3A_2] : memref<100352xf32, #tpu.memory_space<vmem_shared>> -> memref<6272xf32, #tpu.memory_space<vmem_shared>>
      %dma_wait3A_29 = tpu.memref_slice %arg2[%mul3A_2] : memref<100352xf32, #tpu.memory_space<hbm>> -> memref<6272xf32, #tpu.memory_space<hbm>>
      tpu.wait_dma2 semaphore(%run_scoped3A_26 : memref<!tpu.dma_semaphore, #tpu.memory_space<semaphore_mem>>) src(%dma_wait3A_29 : memref<6272xf32, #tpu.memory_space<hbm>>) dst(%dma_wait3A : memref<6272xf32, #tpu.memory_space<vmem_shared>>)
      tpu.yield
    }) : () -> ()
    "tpu.region"() ({
      %run_scoped3A_26 = tpu.sem_alloc : memref<!tpu.dma_semaphore, #tpu.memory_space<semaphore_mem>>
      %dma_start3A_27 = tpu.memref_slice %arg9[%mul3A_2] : memref<100352xf32, #tpu.memory_space<vmem_shared>> -> memref<6272xf32, #tpu.memory_space<vmem_shared>>
      %dma_start3A_28 = tpu.memref_slice %arg3[%mul3A_2] : memref<100352xf32, #tpu.memory_space<hbm>> -> memref<6272xf32, #tpu.memory_space<hbm>>
      tpu.enqueue_dma source(%dma_start3A_28 : memref<6272xf32, #tpu.memory_space<hbm>>) target(%dma_start3A_27 : memref<6272xf32, #tpu.memory_space<vmem_shared>>) target_semaphore(%run_scoped3A_26 : memref<!tpu.dma_semaphore, #tpu.memory_space<semaphore_mem>>)
      %dma_wait3A = tpu.memref_slice %arg9[%mul3A_2] : memref<100352xf32, #tpu.memory_space<vmem_shared>> -> memref<6272xf32, #tpu.memory_space<vmem_shared>>
      %dma_wait3A_29 = tpu.memref_slice %arg3[%mul3A_2] : memref<100352xf32, #tpu.memory_space<hbm>> -> memref<6272xf32, #tpu.memory_space<hbm>>
      tpu.wait_dma2 semaphore(%run_scoped3A_26 : memref<!tpu.dma_semaphore, #tpu.memory_space<semaphore_mem>>) src(%dma_wait3A_29 : memref<6272xf32, #tpu.memory_space<hbm>>) dst(%dma_wait3A : memref<6272xf32, #tpu.memory_space<vmem_shared>>)
      tpu.yield
    }) : () -> ()
    "tpu.region"() ({
      %run_scoped3A_26 = tpu.sem_alloc : memref<!tpu.dma_semaphore, #tpu.memory_space<semaphore_mem>>
      %dma_start3A_27 = tpu.memref_slice %arg10[%mul3A_2] : memref<100352xf32, #tpu.memory_space<vmem_shared>> -> memref<6272xf32, #tpu.memory_space<vmem_shared>>
      %dma_start3A_28 = tpu.memref_slice %arg4[%mul3A_2] : memref<100352xf32, #tpu.memory_space<hbm>> -> memref<6272xf32, #tpu.memory_space<hbm>>
      tpu.enqueue_dma source(%dma_start3A_28 : memref<6272xf32, #tpu.memory_space<hbm>>) target(%dma_start3A_27 : memref<6272xf32, #tpu.memory_space<vmem_shared>>) target_semaphore(%run_scoped3A_26 : memref<!tpu.dma_semaphore, #tpu.memory_space<semaphore_mem>>)
      %dma_wait3A = tpu.memref_slice %arg10[%mul3A_2] : memref<100352xf32, #tpu.memory_space<vmem_shared>> -> memref<6272xf32, #tpu.memory_space<vmem_shared>>
      %dma_wait3A_29 = tpu.memref_slice %arg4[%mul3A_2] : memref<100352xf32, #tpu.memory_space<hbm>> -> memref<6272xf32, #tpu.memory_space<hbm>>
      tpu.wait_dma2 semaphore(%run_scoped3A_26 : memref<!tpu.dma_semaphore, #tpu.memory_space<semaphore_mem>>) src(%dma_wait3A_29 : memref<6272xf32, #tpu.memory_space<hbm>>) dst(%dma_wait3A : memref<6272xf32, #tpu.memory_space<vmem_shared>>)
      tpu.yield
    }) : () -> ()
    "tpu.region"() ({
      %run_scoped3A_26 = tpu.sem_alloc : memref<!tpu.dma_semaphore, #tpu.memory_space<semaphore_mem>>
      %dma_start3A_27 = tpu.memref_slice %arg11[%mul3A_2] : memref<100352xf32, #tpu.memory_space<vmem_shared>> -> memref<6272xf32, #tpu.memory_space<vmem_shared>>
      %dma_start3A_28 = tpu.memref_slice %arg4[%mul3A_2] : memref<100352xf32, #tpu.memory_space<hbm>> -> memref<6272xf32, #tpu.memory_space<hbm>>
      tpu.enqueue_dma source(%dma_start3A_28 : memref<6272xf32, #tpu.memory_space<hbm>>) target(%dma_start3A_27 : memref<6272xf32, #tpu.memory_space<vmem_shared>>) target_semaphore(%run_scoped3A_26 : memref<!tpu.dma_semaphore, #tpu.memory_space<semaphore_mem>>)
      %dma_wait3A = tpu.memref_slice %arg11[%mul3A_2] : memref<100352xf32, #tpu.memory_space<vmem_shared>> -> memref<6272xf32, #tpu.memory_space<vmem_shared>>
      %dma_wait3A_29 = tpu.memref_slice %arg4[%mul3A_2] : memref<100352xf32, #tpu.memory_space<hbm>> -> memref<6272xf32, #tpu.memory_space<hbm>>
      tpu.wait_dma2 semaphore(%run_scoped3A_26 : memref<!tpu.dma_semaphore, #tpu.memory_space<semaphore_mem>>) src(%dma_wait3A_29 : memref<6272xf32, #tpu.memory_space<hbm>>) dst(%dma_wait3A : memref<6272xf32, #tpu.memory_space<vmem_shared>>)
      tpu.yield
    }) : () -> ()
    %barrier3A = arith.constant 0 : index
    tpu.barrier barrier_id(%barrier3A)
    %dma_start3A = arith.constant 0 : i32
    %dma_start3A_3 = arith.constant 0 : i32
    %dma_start3A_4 = tpu.memref_slice %arg5[%add3A, %dma_start3A, %dma_start3A_3] : memref<32x1600x128xi32, #tpu.memory_space<hbm>> -> memref<1x16x128xi32, #tpu.memory_space<hbm>>
    %dma_start3A_5 = tpu.memref_squeeze %dma_start3A_4 : memref<1x16x128xi32, #tpu.memory_space<hbm>> -> memref<16x128xi32, #tpu.memory_space<hbm>>
    %dma_start3A_6 = arith.constant 0 : i32
    %dma_start3A_7 = arith.constant 0 : i32
    %dma_start3A_8 = tpu.memref_slice %arg5[%add3A, %dma_start3A_6, %dma_start3A_7] : memref<32x1600x128xi32, #tpu.memory_space<hbm>> -> memref<1x16x128xi32, #tpu.memory_space<hbm>>
    %dma_start3A_9 = tpu.memref_squeeze %dma_start3A_8 : memref<1x16x128xi32, #tpu.memory_space<hbm>> -> memref<16x128xi32, #tpu.memory_space<hbm>>
    tpu.enqueue_dma source(%dma_start3A_9 : memref<16x128xi32, #tpu.memory_space<hbm>>) target(%arg12 : memref<16x128xi32, #tpu.memory_space<vmem>>) target_semaphore(%arg20 : memref<!tpu.dma_semaphore, #tpu.memory_space<semaphore_mem>>)
    %dma_start3A_10 = arith.constant 0 : i32
    %dma_start3A_11 = arith.constant 0 : i32
    %dma_start3A_12 = tpu.memref_slice %arg6[%add3A, %dma_start3A_10, %dma_start3A_11] : memref<32x1600x128xi32, #tpu.memory_space<hbm>> -> memref<1x16x128xi32, #tpu.memory_space<hbm>>
    %dma_start3A_13 = tpu.memref_squeeze %dma_start3A_12 : memref<1x16x128xi32, #tpu.memory_space<hbm>> -> memref<16x128xi32, #tpu.memory_space<hbm>>
    %dma_start3A_14 = arith.constant 0 : i32
    %dma_start3A_15 = arith.constant 0 : i32
    %dma_start3A_16 = tpu.memref_slice %arg6[%add3A, %dma_start3A_14, %dma_start3A_15] : memref<32x1600x128xi32, #tpu.memory_space<hbm>> -> memref<1x16x128xi32, #tpu.memory_space<hbm>>
    %dma_start3A_17 = tpu.memref_squeeze %dma_start3A_16 : memref<1x16x128xi32, #tpu.memory_space<hbm>> -> memref<16x128xi32, #tpu.memory_space<hbm>>
    tpu.enqueue_dma source(%dma_start3A_17 : memref<16x128xi32, #tpu.memory_space<hbm>>) target(%arg13 : memref<16x128xi32, #tpu.memory_space<vmem>>) target_semaphore(%arg20 : memref<!tpu.dma_semaphore, #tpu.memory_space<semaphore_mem>>)
    %scan3A = arith.constant 0 : i32
    %scan3A_18 = arith.constant 0 : i32
    %scan3A_19 = arith.constant 50 : i32
    %scan3A_20 = arith.addi %scan3A_18, %scan3A_19 : i32
    %scan3A_21 = arith.constant 1 : i32
    %scan3A_22 = scf.for %scan3A_26 = %scan3A_18 to %scan3A_20 step %scan3A_21 iter_args(%scan3A_27 = %scan3A) -> (i32)  : i32 {
      %mul3A_28 = arith.constant 2 : i32
      %mul3A_29 = arith.muli %mul3A_28, %scan3A_26 : i32
      %mul3A_30 = arith.constant 2 : i32
      %mul3A_31 = arith.muli %mul3A_30, %scan3A_26 : i32
      %add3A_32 = arith.constant 1 : i32
      %add3A_33 = arith.addi %mul3A_31, %add3A_32 : i32
      %mul3A_34 = arith.constant 16 : i32
      %mul3A_35 = arith.muli %mul3A_29, %mul3A_34 : i32
      %mul3A_36 = arith.constant 16 : i32
      %mul3A_37 = arith.muli %add3A_33, %mul3A_36 : i32
      %dma_wait3A = arith.constant 0 : i32
      %dma_wait3A_38 = tpu.memref_slice %arg5[%add3A, %mul3A_35, %dma_wait3A] : memref<32x1600x128xi32, #tpu.memory_space<hbm>> -> memref<1x16x128xi32, #tpu.memory_space<hbm>>
      %dma_wait3A_39 = tpu.memref_squeeze %dma_wait3A_38 : memref<1x16x128xi32, #tpu.memory_space<hbm>> -> memref<16x128xi32, #tpu.memory_space<hbm>>
      %dma_wait3A_40 = arith.constant 0 : i32
      %dma_wait3A_41 = tpu.memref_slice %arg5[%add3A, %mul3A_35, %dma_wait3A_40] : memref<32x1600x128xi32, #tpu.memory_space<hbm>> -> memref<1x16x128xi32, #tpu.memory_space<hbm>>
      %dma_wait3A_42 = tpu.memref_squeeze %dma_wait3A_41 : memref<1x16x128xi32, #tpu.memory_space<hbm>> -> memref<16x128xi32, #tpu.memory_space<hbm>>
      tpu.wait_dma2 semaphore(%arg20 : memref<!tpu.dma_semaphore, #tpu.memory_space<semaphore_mem>>) src(%dma_wait3A_42 : memref<16x128xi32, #tpu.memory_space<hbm>>) dst(%arg12 : memref<16x128xi32, #tpu.memory_space<vmem>>)
      %dma_wait3A_43 = arith.constant 0 : i32
      %dma_wait3A_44 = tpu.memref_slice %arg6[%add3A, %mul3A_35, %dma_wait3A_43] : memref<32x1600x128xi32, #tpu.memory_space<hbm>> -> memref<1x16x128xi32, #tpu.memory_space<hbm>>
      %dma_wait3A_45 = tpu.memref_squeeze %dma_wait3A_44 : memref<1x16x128xi32, #tpu.memory_space<hbm>> -> memref<16x128xi32, #tpu.memory_space<hbm>>
      %dma_wait3A_46 = arith.constant 0 : i32
      %dma_wait3A_47 = tpu.memref_slice %arg6[%add3A, %mul3A_35, %dma_wait3A_46] : memref<32x1600x128xi32, #tpu.memory_space<hbm>> -> memref<1x16x128xi32, #tpu.memory_space<hbm>>
      %dma_wait3A_48 = tpu.memref_squeeze %dma_wait3A_47 : memref<1x16x128xi32, #tpu.memory_space<hbm>> -> memref<16x128xi32, #tpu.memory_space<hbm>>
      tpu.wait_dma2 semaphore(%arg20 : memref<!tpu.dma_semaphore, #tpu.memory_space<semaphore_mem>>) src(%dma_wait3A_48 : memref<16x128xi32, #tpu.memory_space<hbm>>) dst(%arg13 : memref<16x128xi32, #tpu.memory_space<vmem>>)
      %dma_start3A_49 = arith.constant 0 : i32
      %dma_start3A_50 = tpu.memref_slice %arg5[%add3A, %mul3A_37, %dma_start3A_49] : memref<32x1600x128xi32, #tpu.memory_space<hbm>> -> memref<1x16x128xi32, #tpu.memory_space<hbm>>
      %dma_start3A_51 = tpu.memref_squeeze %dma_start3A_50 : memref<1x16x128xi32, #tpu.memory_space<hbm>> -> memref<16x128xi32, #tpu.memory_space<hbm>>
      %dma_start3A_52 = arith.constant 0 : i32
      %dma_start3A_53 = tpu.memref_slice %arg5[%add3A, %mul3A_37, %dma_start3A_52] : memref<32x1600x128xi32, #tpu.memory_space<hbm>> -> memref<1x16x128xi32, #tpu.memory_space<hbm>>
      %dma_start3A_54 = tpu.memref_squeeze %dma_start3A_53 : memref<1x16x128xi32, #tpu.memory_space<hbm>> -> memref<16x128xi32, #tpu.memory_space<hbm>>
      tpu.enqueue_dma source(%dma_start3A_54 : memref<16x128xi32, #tpu.memory_space<hbm>>) target(%arg14 : memref<16x128xi32, #tpu.memory_space<vmem>>) target_semaphore(%arg20 : memref<!tpu.dma_semaphore, #tpu.memory_space<semaphore_mem>>)
      %dma_start3A_55 = arith.constant 0 : i32
      %dma_start3A_56 = tpu.memref_slice %arg6[%add3A, %mul3A_37, %dma_start3A_55] : memref<32x1600x128xi32, #tpu.memory_space<hbm>> -> memref<1x16x128xi32, #tpu.memory_space<hbm>>
      %dma_start3A_57 = tpu.memref_squeeze %dma_start3A_56 : memref<1x16x128xi32, #tpu.memory_space<hbm>> -> memref<16x128xi32, #tpu.memory_space<hbm>>
      %dma_start3A_58 = arith.constant 0 : i32
      %dma_start3A_59 = tpu.memref_slice %arg6[%add3A, %mul3A_37, %dma_start3A_58] : memref<32x1600x128xi32, #tpu.memory_space<hbm>> -> memref<1x16x128xi32, #tpu.memory_space<hbm>>
      %dma_start3A_60 = tpu.memref_squeeze %dma_start3A_59 : memref<1x16x128xi32, #tpu.memory_space<hbm>> -> memref<16x128xi32, #tpu.memory_space<hbm>>
      tpu.enqueue_dma source(%dma_start3A_60 : memref<16x128xi32, #tpu.memory_space<hbm>>) target(%arg15 : memref<16x128xi32, #tpu.memory_space<vmem>>) target_semaphore(%arg20 : memref<!tpu.dma_semaphore, #tpu.memory_space<semaphore_mem>>)
      %scan3A_61 = arith.constant 0 : i32
      %scan3A_62 = arith.constant 0 : i32
      %scan3A_63 = arith.constant 16 : i32
      %scan3A_64 = arith.addi %scan3A_62, %scan3A_63 : i32
      %scan3A_65 = arith.constant 1 : i32
      %scan3A_66 = scf.for %scan3A_134 = %scan3A_62 to %scan3A_64 step %scan3A_65 iter_args(%scan3A_135 = %scan3A_61) -> (i32)  : i32 {
        %dma_start3A_136 = arith.constant 0 : i32
        %dma_start3A_137 = tpu.memref_slice %arg16[%scan3A_134, %dma_start3A_136] : memref<16x128xf32, #tpu.memory_space<vmem>> -> memref<1x128xf32, #tpu.memory_space<vmem>>
        %dma_start3A_138 = tpu.memref_squeeze %dma_start3A_137 : memref<1x128xf32, #tpu.memory_space<vmem>> -> memref<128xf32, #tpu.memory_space<vmem>>
        %dma_start3A_139 = arith.constant 0 : i32
        %dma_start3A_140 = tpu.memref_slice %arg12[%scan3A_134, %dma_start3A_139] : memref<16x128xi32, #tpu.memory_space<vmem>> -> memref<1x128xi32, #tpu.memory_space<vmem>>
        %dma_start3A_141 = tpu.memref_squeeze %dma_start3A_140 : memref<1x128xi32, #tpu.memory_space<vmem>> -> memref<128xi32, #tpu.memory_space<vmem>>
        %dma_start3A_142 = arith.constant 0 : i32
        %dma_start3A_143 = tpu.memref_slice %arg8[%dma_start3A_142] : memref<100352xf32, #tpu.memory_space<vmem_shared>> -> memref<100352xf32, #tpu.memory_space<vmem_shared>>
        tpu.enqueue_indirect_dma source(%dma_start3A_143 : memref<100352xf32, #tpu.memory_space<vmem_shared>>) target(%dma_start3A_138 : memref<128xf32, #tpu.memory_space<vmem>>) offsets(%dma_start3A_141 : memref<128xi32, #tpu.memory_space<vmem>>) semaphore(%arg21 : memref<!tpu.dma_semaphore, #tpu.memory_space<semaphore_mem>>)
        %dma_start3A_144 = arith.constant 0 : i32
        %dma_start3A_145 = tpu.memref_slice %arg17[%scan3A_134, %dma_start3A_144] : memref<16x128xf32, #tpu.memory_space<vmem>> -> memref<1x128xf32, #tpu.memory_space<vmem>>
        %dma_start3A_146 = tpu.memref_squeeze %dma_start3A_145 : memref<1x128xf32, #tpu.memory_space<vmem>> -> memref<128xf32, #tpu.memory_space<vmem>>
        %dma_start3A_147 = arith.constant 0 : i32
        %dma_start3A_148 = tpu.memref_slice %arg12[%scan3A_134, %dma_start3A_147] : memref<16x128xi32, #tpu.memory_space<vmem>> -> memref<1x128xi32, #tpu.memory_space<vmem>>
        %dma_start3A_149 = tpu.memref_squeeze %dma_start3A_148 : memref<1x128xi32, #tpu.memory_space<vmem>> -> memref<128xi32, #tpu.memory_space<vmem>>
        %dma_start3A_150 = arith.constant 0 : i32
        %dma_start3A_151 = tpu.memref_slice %arg9[%dma_start3A_150] : memref<100352xf32, #tpu.memory_space<vmem_shared>> -> memref<100352xf32, #tpu.memory_space<vmem_shared>>
        tpu.enqueue_indirect_dma source(%dma_start3A_151 : memref<100352xf32, #tpu.memory_space<vmem_shared>>) target(%dma_start3A_146 : memref<128xf32, #tpu.memory_space<vmem>>) offsets(%dma_start3A_149 : memref<128xi32, #tpu.memory_space<vmem>>) semaphore(%arg21 : memref<!tpu.dma_semaphore, #tpu.memory_space<semaphore_mem>>)
        %scan3A_152 = arith.constant 0 : i32
        scf.yield %scan3A_152 : i32
      }
      %scan3A_67 = arith.constant 16 : i32
      %scan3A_68 = arith.constant 0 : i32
      %scan3A_69 = arith.constant 0 : i32
      %scan3A_70 = arith.constant 16 : i32
      %scan3A_71 = arith.addi %scan3A_69, %scan3A_70 : i32
      %scan3A_72 = arith.constant 1 : i32
      %scan3A_73 = scf.for %scan3A_134 = %scan3A_69 to %scan3A_71 step %scan3A_72 iter_args(%scan3A_135 = %scan3A_68) -> (i32)  : i32 {
        %dma_wait3A_136 = arith.constant 0 : i32
        %dma_wait3A_137 = tpu.memref_slice %arg16[%scan3A_134, %dma_wait3A_136] : memref<16x128xf32, #tpu.memory_space<vmem>> -> memref<1x128xf32, #tpu.memory_space<vmem>>
        %dma_wait3A_138 = tpu.memref_squeeze %dma_wait3A_137 : memref<1x128xf32, #tpu.memory_space<vmem>> -> memref<128xf32, #tpu.memory_space<vmem>>
        %dma_wait3A_139 = arith.constant 0 : i32
        %dma_wait3A_140 = tpu.memref_slice %arg12[%scan3A_134, %dma_wait3A_139] : memref<16x128xi32, #tpu.memory_space<vmem>> -> memref<1x128xi32, #tpu.memory_space<vmem>>
        %dma_wait3A_141 = tpu.memref_squeeze %dma_wait3A_140 : memref<1x128xi32, #tpu.memory_space<vmem>> -> memref<128xi32, #tpu.memory_space<vmem>>
        %dma_wait3A_142 = arith.constant 0 : i32
        %dma_wait3A_143 = tpu.memref_slice %arg8[%dma_wait3A_142] : memref<100352xf32, #tpu.memory_space<vmem_shared>> -> memref<100352xf32, #tpu.memory_space<vmem_shared>>
        tpu.wait_indirect_dma semaphore(%arg21 : memref<!tpu.dma_semaphore, #tpu.memory_space<semaphore_mem>>) src(%dma_wait3A_143 : memref<100352xf32, #tpu.memory_space<vmem_shared>>) dst(%dma_wait3A_138 : memref<128xf32, #tpu.memory_space<vmem>>)
        %dma_wait3A_144 = arith.constant 0 : i32
        %dma_wait3A_145 = tpu.memref_slice %arg17[%scan3A_134, %dma_wait3A_144] : memref<16x128xf32, #tpu.memory_space<vmem>> -> memref<1x128xf32, #tpu.memory_space<vmem>>
        %dma_wait3A_146 = tpu.memref_squeeze %dma_wait3A_145 : memref<1x128xf32, #tpu.memory_space<vmem>> -> memref<128xf32, #tpu.memory_space<vmem>>
        %dma_wait3A_147 = arith.constant 0 : i32
        %dma_wait3A_148 = tpu.memref_slice %arg12[%scan3A_134, %dma_wait3A_147] : memref<16x128xi32, #tpu.memory_space<vmem>> -> memref<1x128xi32, #tpu.memory_space<vmem>>
        %dma_wait3A_149 = tpu.memref_squeeze %dma_wait3A_148 : memref<1x128xi32, #tpu.memory_space<vmem>> -> memref<128xi32, #tpu.memory_space<vmem>>
        %dma_wait3A_150 = arith.constant 0 : i32
        %dma_wait3A_151 = tpu.memref_slice %arg9[%dma_wait3A_150] : memref<100352xf32, #tpu.memory_space<vmem_shared>> -> memref<100352xf32, #tpu.memory_space<vmem_shared>>
        tpu.wait_indirect_dma semaphore(%arg21 : memref<!tpu.dma_semaphore, #tpu.memory_space<semaphore_mem>>) src(%dma_wait3A_151 : memref<100352xf32, #tpu.memory_space<vmem_shared>>) dst(%dma_wait3A_146 : memref<128xf32, #tpu.memory_space<vmem>>)
        %scan3A_152 = arith.constant 0 : i32
        scf.yield %scan3A_152 : i32
      }
      %scan3A_74 = arith.constant 16 : i32
      %scan3A_75 = arith.constant 0 : i32
      %scan3A_76 = arith.constant 0 : i32
      %scan3A_77 = arith.constant 16 : i32
      %scan3A_78 = arith.addi %scan3A_76, %scan3A_77 : i32
      %scan3A_79 = arith.constant 1 : i32
      %scan3A_80 = scf.for %scan3A_134 = %scan3A_76 to %scan3A_78 step %scan3A_79 iter_args(%scan3A_135 = %scan3A_75) -> (i32)  : i32 {
        %dma_start3A_136 = arith.constant 0 : i32
        %dma_start3A_137 = tpu.memref_slice %arg16[%scan3A_134, %dma_start3A_136] : memref<16x128xf32, #tpu.memory_space<vmem>> -> memref<1x128xf32, #tpu.memory_space<vmem>>
        %dma_start3A_138 = tpu.memref_squeeze %dma_start3A_137 : memref<1x128xf32, #tpu.memory_space<vmem>> -> memref<128xf32, #tpu.memory_space<vmem>>
        %dma_start3A_139 = arith.constant 0 : i32
        %dma_start3A_140 = tpu.memref_slice %arg13[%scan3A_134, %dma_start3A_139] : memref<16x128xi32, #tpu.memory_space<vmem>> -> memref<1x128xi32, #tpu.memory_space<vmem>>
        %dma_start3A_141 = tpu.memref_squeeze %dma_start3A_140 : memref<1x128xi32, #tpu.memory_space<vmem>> -> memref<128xi32, #tpu.memory_space<vmem>>
        %dma_start3A_142 = arith.constant 0 : i32
        %dma_start3A_143 = tpu.memref_slice %arg10[%dma_start3A_142] : memref<100352xf32, #tpu.memory_space<vmem_shared>> -> memref<100352xf32, #tpu.memory_space<vmem_shared>>
        tpu.enqueue_indirect_dma source(%dma_start3A_138 : memref<128xf32, #tpu.memory_space<vmem>>) target(%dma_start3A_143 : memref<100352xf32, #tpu.memory_space<vmem_shared>>) offsets(%dma_start3A_141 : memref<128xi32, #tpu.memory_space<vmem>>) semaphore(%arg22 : memref<!tpu.dma_semaphore, #tpu.memory_space<semaphore_mem>>) {add = true}
        %dma_start3A_144 = arith.constant 0 : i32
        %dma_start3A_145 = tpu.memref_slice %arg17[%scan3A_134, %dma_start3A_144] : memref<16x128xf32, #tpu.memory_space<vmem>> -> memref<1x128xf32, #tpu.memory_space<vmem>>
        %dma_start3A_146 = tpu.memref_squeeze %dma_start3A_145 : memref<1x128xf32, #tpu.memory_space<vmem>> -> memref<128xf32, #tpu.memory_space<vmem>>
        %dma_start3A_147 = arith.constant 0 : i32
        %dma_start3A_148 = tpu.memref_slice %arg13[%scan3A_134, %dma_start3A_147] : memref<16x128xi32, #tpu.memory_space<vmem>> -> memref<1x128xi32, #tpu.memory_space<vmem>>
        %dma_start3A_149 = tpu.memref_squeeze %dma_start3A_148 : memref<1x128xi32, #tpu.memory_space<vmem>> -> memref<128xi32, #tpu.memory_space<vmem>>
        %dma_start3A_150 = arith.constant 0 : i32
        %dma_start3A_151 = tpu.memref_slice %arg11[%dma_start3A_150] : memref<100352xf32, #tpu.memory_space<vmem_shared>> -> memref<100352xf32, #tpu.memory_space<vmem_shared>>
        tpu.enqueue_indirect_dma source(%dma_start3A_146 : memref<128xf32, #tpu.memory_space<vmem>>) target(%dma_start3A_151 : memref<100352xf32, #tpu.memory_space<vmem_shared>>) offsets(%dma_start3A_149 : memref<128xi32, #tpu.memory_space<vmem>>) semaphore(%arg22 : memref<!tpu.dma_semaphore, #tpu.memory_space<semaphore_mem>>) {add = true}
        %scan3A_152 = arith.constant 0 : i32
        scf.yield %scan3A_152 : i32
      }
      %scan3A_81 = arith.constant 16 : i32
      %dma_wait3A_82 = arith.constant 0 : i32
      %dma_wait3A_83 = tpu.memref_slice %arg5[%add3A, %mul3A_37, %dma_wait3A_82] : memref<32x1600x128xi32, #tpu.memory_space<hbm>> -> memref<1x16x128xi32, #tpu.memory_space<hbm>>
      %dma_wait3A_84 = tpu.memref_squeeze %dma_wait3A_83 : memref<1x16x128xi32, #tpu.memory_space<hbm>> -> memref<16x128xi32, #tpu.memory_space<hbm>>
      %dma_wait3A_85 = arith.constant 0 : i32
      %dma_wait3A_86 = tpu.memref_slice %arg5[%add3A, %mul3A_37, %dma_wait3A_85] : memref<32x1600x128xi32, #tpu.memory_space<hbm>> -> memref<1x16x128xi32, #tpu.memory_space<hbm>>
      %dma_wait3A_87 = tpu.memref_squeeze %dma_wait3A_86 : memref<1x16x128xi32, #tpu.memory_space<hbm>> -> memref<16x128xi32, #tpu.memory_space<hbm>>
      tpu.wait_dma2 semaphore(%arg20 : memref<!tpu.dma_semaphore, #tpu.memory_space<semaphore_mem>>) src(%dma_wait3A_87 : memref<16x128xi32, #tpu.memory_space<hbm>>) dst(%arg14 : memref<16x128xi32, #tpu.memory_space<vmem>>)
      %dma_wait3A_88 = arith.constant 0 : i32
      %dma_wait3A_89 = tpu.memref_slice %arg6[%add3A, %mul3A_37, %dma_wait3A_88] : memref<32x1600x128xi32, #tpu.memory_space<hbm>> -> memref<1x16x128xi32, #tpu.memory_space<hbm>>
      %dma_wait3A_90 = tpu.memref_squeeze %dma_wait3A_89 : memref<1x16x128xi32, #tpu.memory_space<hbm>> -> memref<16x128xi32, #tpu.memory_space<hbm>>
      %dma_wait3A_91 = arith.constant 0 : i32
      %dma_wait3A_92 = tpu.memref_slice %arg6[%add3A, %mul3A_37, %dma_wait3A_91] : memref<32x1600x128xi32, #tpu.memory_space<hbm>> -> memref<1x16x128xi32, #tpu.memory_space<hbm>>
      %dma_wait3A_93 = tpu.memref_squeeze %dma_wait3A_92 : memref<1x16x128xi32, #tpu.memory_space<hbm>> -> memref<16x128xi32, #tpu.memory_space<hbm>>
      tpu.wait_dma2 semaphore(%arg20 : memref<!tpu.dma_semaphore, #tpu.memory_space<semaphore_mem>>) src(%dma_wait3A_93 : memref<16x128xi32, #tpu.memory_space<hbm>>) dst(%arg15 : memref<16x128xi32, #tpu.memory_space<vmem>>)
      %scan3A_94 = arith.constant 0 : i32
      %scan3A_95 = arith.constant 0 : i32
      %scan3A_96 = arith.constant 16 : i32
      %scan3A_97 = arith.addi %scan3A_95, %scan3A_96 : i32
      %scan3A_98 = arith.constant 1 : i32
      %scan3A_99 = scf.for %scan3A_134 = %scan3A_95 to %scan3A_97 step %scan3A_98 iter_args(%scan3A_135 = %scan3A_94) -> (i32)  : i32 {
        %dma_start3A_136 = arith.constant 0 : i32
        %dma_start3A_137 = tpu.memref_slice %arg18[%scan3A_134, %dma_start3A_136] : memref<16x128xf32, #tpu.memory_space<vmem>> -> memref<1x128xf32, #tpu.memory_space<vmem>>
        %dma_start3A_138 = tpu.memref_squeeze %dma_start3A_137 : memref<1x128xf32, #tpu.memory_space<vmem>> -> memref<128xf32, #tpu.memory_space<vmem>>
        %dma_start3A_139 = arith.constant 0 : i32
        %dma_start3A_140 = tpu.memref_slice %arg14[%scan3A_134, %dma_start3A_139] : memref<16x128xi32, #tpu.memory_space<vmem>> -> memref<1x128xi32, #tpu.memory_space<vmem>>
        %dma_start3A_141 = tpu.memref_squeeze %dma_start3A_140 : memref<1x128xi32, #tpu.memory_space<vmem>> -> memref<128xi32, #tpu.memory_space<vmem>>
        %dma_start3A_142 = arith.constant 0 : i32
        %dma_start3A_143 = tpu.memref_slice %arg8[%dma_start3A_142] : memref<100352xf32, #tpu.memory_space<vmem_shared>> -> memref<100352xf32, #tpu.memory_space<vmem_shared>>
        tpu.enqueue_indirect_dma source(%dma_start3A_143 : memref<100352xf32, #tpu.memory_space<vmem_shared>>) target(%dma_start3A_138 : memref<128xf32, #tpu.memory_space<vmem>>) offsets(%dma_start3A_141 : memref<128xi32, #tpu.memory_space<vmem>>) semaphore(%arg21 : memref<!tpu.dma_semaphore, #tpu.memory_space<semaphore_mem>>)
        %dma_start3A_144 = arith.constant 0 : i32
        %dma_start3A_145 = tpu.memref_slice %arg19[%scan3A_134, %dma_start3A_144] : memref<16x128xf32, #tpu.memory_space<vmem>> -> memref<1x128xf32, #tpu.memory_space<vmem>>
        %dma_start3A_146 = tpu.memref_squeeze %dma_start3A_145 : memref<1x128xf32, #tpu.memory_space<vmem>> -> memref<128xf32, #tpu.memory_space<vmem>>
        %dma_start3A_147 = arith.constant 0 : i32
        %dma_start3A_148 = tpu.memref_slice %arg14[%scan3A_134, %dma_start3A_147] : memref<16x128xi32, #tpu.memory_space<vmem>> -> memref<1x128xi32, #tpu.memory_space<vmem>>
        %dma_start3A_149 = tpu.memref_squeeze %dma_start3A_148 : memref<1x128xi32, #tpu.memory_space<vmem>> -> memref<128xi32, #tpu.memory_space<vmem>>
        %dma_start3A_150 = arith.constant 0 : i32
        %dma_start3A_151 = tpu.memref_slice %arg9[%dma_start3A_150] : memref<100352xf32, #tpu.memory_space<vmem_shared>> -> memref<100352xf32, #tpu.memory_space<vmem_shared>>
        tpu.enqueue_indirect_dma source(%dma_start3A_151 : memref<100352xf32, #tpu.memory_space<vmem_shared>>) target(%dma_start3A_146 : memref<128xf32, #tpu.memory_space<vmem>>) offsets(%dma_start3A_149 : memref<128xi32, #tpu.memory_space<vmem>>) semaphore(%arg21 : memref<!tpu.dma_semaphore, #tpu.memory_space<semaphore_mem>>)
        %scan3A_152 = arith.constant 0 : i32
        scf.yield %scan3A_152 : i32
      }
      %scan3A_100 = arith.constant 16 : i32
      %scan3A_101 = arith.constant 0 : i32
      %scan3A_102 = arith.constant 0 : i32
      %scan3A_103 = arith.constant 16 : i32
      %scan3A_104 = arith.addi %scan3A_102, %scan3A_103 : i32
      %scan3A_105 = arith.constant 1 : i32
      %scan3A_106 = scf.for %scan3A_134 = %scan3A_102 to %scan3A_104 step %scan3A_105 iter_args(%scan3A_135 = %scan3A_101) -> (i32)  : i32 {
        %dma_wait3A_136 = arith.constant 0 : i32
        %dma_wait3A_137 = tpu.memref_slice %arg16[%scan3A_134, %dma_wait3A_136] : memref<16x128xf32, #tpu.memory_space<vmem>> -> memref<1x128xf32, #tpu.memory_space<vmem>>
        %dma_wait3A_138 = tpu.memref_squeeze %dma_wait3A_137 : memref<1x128xf32, #tpu.memory_space<vmem>> -> memref<128xf32, #tpu.memory_space<vmem>>
        %dma_wait3A_139 = arith.constant 0 : i32
        %dma_wait3A_140 = tpu.memref_slice %arg13[%scan3A_134, %dma_wait3A_139] : memref<16x128xi32, #tpu.memory_space<vmem>> -> memref<1x128xi32, #tpu.memory_space<vmem>>
        %dma_wait3A_141 = tpu.memref_squeeze %dma_wait3A_140 : memref<1x128xi32, #tpu.memory_space<vmem>> -> memref<128xi32, #tpu.memory_space<vmem>>
        %dma_wait3A_142 = arith.constant 0 : i32
        %dma_wait3A_143 = tpu.memref_slice %arg10[%dma_wait3A_142] : memref<100352xf32, #tpu.memory_space<vmem_shared>> -> memref<100352xf32, #tpu.memory_space<vmem_shared>>
        tpu.wait_indirect_dma semaphore(%arg22 : memref<!tpu.dma_semaphore, #tpu.memory_space<semaphore_mem>>) src(%dma_wait3A_138 : memref<128xf32, #tpu.memory_space<vmem>>) dst(%dma_wait3A_143 : memref<100352xf32, #tpu.memory_space<vmem_shared>>)
        %dma_wait3A_144 = arith.constant 0 : i32
        %dma_wait3A_145 = tpu.memref_slice %arg17[%scan3A_134, %dma_wait3A_144] : memref<16x128xf32, #tpu.memory_space<vmem>> -> memref<1x128xf32, #tpu.memory_space<vmem>>
        %dma_wait3A_146 = tpu.memref_squeeze %dma_wait3A_145 : memref<1x128xf32, #tpu.memory_space<vmem>> -> memref<128xf32, #tpu.memory_space<vmem>>
        %dma_wait3A_147 = arith.constant 0 : i32
        %dma_wait3A_148 = tpu.memref_slice %arg13[%scan3A_134, %dma_wait3A_147] : memref<16x128xi32, #tpu.memory_space<vmem>> -> memref<1x128xi32, #tpu.memory_space<vmem>>
        %dma_wait3A_149 = tpu.memref_squeeze %dma_wait3A_148 : memref<1x128xi32, #tpu.memory_space<vmem>> -> memref<128xi32, #tpu.memory_space<vmem>>
        %dma_wait3A_150 = arith.constant 0 : i32
        %dma_wait3A_151 = tpu.memref_slice %arg11[%dma_wait3A_150] : memref<100352xf32, #tpu.memory_space<vmem_shared>> -> memref<100352xf32, #tpu.memory_space<vmem_shared>>
        tpu.wait_indirect_dma semaphore(%arg22 : memref<!tpu.dma_semaphore, #tpu.memory_space<semaphore_mem>>) src(%dma_wait3A_146 : memref<128xf32, #tpu.memory_space<vmem>>) dst(%dma_wait3A_151 : memref<100352xf32, #tpu.memory_space<vmem_shared>>)
        %scan3A_152 = arith.constant 0 : i32
        scf.yield %scan3A_152 : i32
      }
      %scan3A_107 = arith.constant 16 : i32
      %add3A_108 = arith.constant 1 : i32
      %add3A_109 = arith.addi %add3A_33, %add3A_108 : i32
      %lt3A = arith.constant 100 : i32
      %lt3A_110 = arith.cmpi slt, %add3A_109, %lt3A : i32
      %convert_element_type3A = arith.extui %lt3A_110 : i1 to i32
      %cond3A = arith.constant 0 : i32
      %cond3A_111 = arith.cmpi ne, %convert_element_type3A, %cond3A : i32
      scf.if %cond3A_111 {
        %add3A_134 = arith.constant 1 : i32
        %add3A_135 = arith.addi %add3A_33, %add3A_134 : i32
        %mul3A_136 = arith.constant 16 : i32
        %mul3A_137 = arith.muli %add3A_135, %mul3A_136 : i32
        %dma_start3A_138 = arith.constant 0 : i32
        %dma_start3A_139 = tpu.memref_slice %arg5[%add3A, %mul3A_137, %dma_start3A_138] : memref<32x1600x128xi32, #tpu.memory_space<hbm>> -> memref<1x16x128xi32, #tpu.memory_space<hbm>>
        %dma_start3A_140 = tpu.memref_squeeze %dma_start3A_139 : memref<1x16x128xi32, #tpu.memory_space<hbm>> -> memref<16x128xi32, #tpu.memory_space<hbm>>
        %dma_start3A_141 = arith.constant 0 : i32
        %dma_start3A_142 = tpu.memref_slice %arg5[%add3A, %mul3A_137, %dma_start3A_141] : memref<32x1600x128xi32, #tpu.memory_space<hbm>> -> memref<1x16x128xi32, #tpu.memory_space<hbm>>
        %dma_start3A_143 = tpu.memref_squeeze %dma_start3A_142 : memref<1x16x128xi32, #tpu.memory_space<hbm>> -> memref<16x128xi32, #tpu.memory_space<hbm>>
        tpu.enqueue_dma source(%dma_start3A_143 : memref<16x128xi32, #tpu.memory_space<hbm>>) target(%arg12 : memref<16x128xi32, #tpu.memory_space<vmem>>) target_semaphore(%arg20 : memref<!tpu.dma_semaphore, #tpu.memory_space<semaphore_mem>>)
        %dma_start3A_144 = arith.constant 0 : i32
        %dma_start3A_145 = tpu.memref_slice %arg6[%add3A, %mul3A_137, %dma_start3A_144] : memref<32x1600x128xi32, #tpu.memory_space<hbm>> -> memref<1x16x128xi32, #tpu.memory_space<hbm>>
        %dma_start3A_146 = tpu.memref_squeeze %dma_start3A_145 : memref<1x16x128xi32, #tpu.memory_space<hbm>> -> memref<16x128xi32, #tpu.memory_space<hbm>>
        %dma_start3A_147 = arith.constant 0 : i32
        %dma_start3A_148 = tpu.memref_slice %arg6[%add3A, %mul3A_137, %dma_start3A_147] : memref<32x1600x128xi32, #tpu.memory_space<hbm>> -> memref<1x16x128xi32, #tpu.memory_space<hbm>>
        %dma_start3A_149 = tpu.memref_squeeze %dma_start3A_148 : memref<1x16x128xi32, #tpu.memory_space<hbm>> -> memref<16x128xi32, #tpu.memory_space<hbm>>
        tpu.enqueue_dma source(%dma_start3A_149 : memref<16x128xi32, #tpu.memory_space<hbm>>) target(%arg13 : memref<16x128xi32, #tpu.memory_space<vmem>>) target_semaphore(%arg20 : memref<!tpu.dma_semaphore, #tpu.memory_space<semaphore_mem>>)
      } else {
      }
      %scan3A_112 = arith.constant 0 : i32
      %scan3A_113 = arith.constant 0 : i32
      %scan3A_114 = arith.constant 16 : i32
      %scan3A_115 = arith.addi %scan3A_113, %scan3A_114 : i32
      %scan3A_116 = arith.constant 1 : i32
      %scan3A_117 = scf.for %scan3A_134 = %scan3A_113 to %scan3A_115 step %scan3A_116 iter_args(%scan3A_135 = %scan3A_112) -> (i32)  : i32 {
        %dma_wait3A_136 = arith.constant 0 : i32
        %dma_wait3A_137 = tpu.memref_slice %arg18[%scan3A_134, %dma_wait3A_136] : memref<16x128xf32, #tpu.memory_space<vmem>> -> memref<1x128xf32, #tpu.memory_space<vmem>>
        %dma_wait3A_138 = tpu.memref_squeeze %dma_wait3A_137 : memref<1x128xf32, #tpu.memory_space<vmem>> -> memref<128xf32, #tpu.memory_space<vmem>>
        %dma_wait3A_139 = arith.constant 0 : i32
        %dma_wait3A_140 = tpu.memref_slice %arg14[%scan3A_134, %dma_wait3A_139] : memref<16x128xi32, #tpu.memory_space<vmem>> -> memref<1x128xi32, #tpu.memory_space<vmem>>
        %dma_wait3A_141 = tpu.memref_squeeze %dma_wait3A_140 : memref<1x128xi32, #tpu.memory_space<vmem>> -> memref<128xi32, #tpu.memory_space<vmem>>
        %dma_wait3A_142 = arith.constant 0 : i32
        %dma_wait3A_143 = tpu.memref_slice %arg8[%dma_wait3A_142] : memref<100352xf32, #tpu.memory_space<vmem_shared>> -> memref<100352xf32, #tpu.memory_space<vmem_shared>>
        tpu.wait_indirect_dma semaphore(%arg21 : memref<!tpu.dma_semaphore, #tpu.memory_space<semaphore_mem>>) src(%dma_wait3A_143 : memref<100352xf32, #tpu.memory_space<vmem_shared>>) dst(%dma_wait3A_138 : memref<128xf32, #tpu.memory_space<vmem>>)
        %dma_wait3A_144 = arith.constant 0 : i32
        %dma_wait3A_145 = tpu.memref_slice %arg19[%scan3A_134, %dma_wait3A_144] : memref<16x128xf32, #tpu.memory_space<vmem>> -> memref<1x128xf32, #tpu.memory_space<vmem>>
        %dma_wait3A_146 = tpu.memref_squeeze %dma_wait3A_145 : memref<1x128xf32, #tpu.memory_space<vmem>> -> memref<128xf32, #tpu.memory_space<vmem>>
        %dma_wait3A_147 = arith.constant 0 : i32
        %dma_wait3A_148 = tpu.memref_slice %arg14[%scan3A_134, %dma_wait3A_147] : memref<16x128xi32, #tpu.memory_space<vmem>> -> memref<1x128xi32, #tpu.memory_space<vmem>>
        %dma_wait3A_149 = tpu.memref_squeeze %dma_wait3A_148 : memref<1x128xi32, #tpu.memory_space<vmem>> -> memref<128xi32, #tpu.memory_space<vmem>>
        %dma_wait3A_150 = arith.constant 0 : i32
        %dma_wait3A_151 = tpu.memref_slice %arg9[%dma_wait3A_150] : memref<100352xf32, #tpu.memory_space<vmem_shared>> -> memref<100352xf32, #tpu.memory_space<vmem_shared>>
        tpu.wait_indirect_dma semaphore(%arg21 : memref<!tpu.dma_semaphore, #tpu.memory_space<semaphore_mem>>) src(%dma_wait3A_151 : memref<100352xf32, #tpu.memory_space<vmem_shared>>) dst(%dma_wait3A_146 : memref<128xf32, #tpu.memory_space<vmem>>)
        %scan3A_152 = arith.constant 0 : i32
        scf.yield %scan3A_152 : i32
      }
      %scan3A_118 = arith.constant 16 : i32
      %scan3A_119 = arith.constant 0 : i32
      %scan3A_120 = arith.constant 0 : i32
      %scan3A_121 = arith.constant 16 : i32
      %scan3A_122 = arith.addi %scan3A_120, %scan3A_121 : i32
      %scan3A_123 = arith.constant 1 : i32
      %scan3A_124 = scf.for %scan3A_134 = %scan3A_120 to %scan3A_122 step %scan3A_123 iter_args(%scan3A_135 = %scan3A_119) -> (i32)  : i32 {
        %dma_start3A_136 = arith.constant 0 : i32
        %dma_start3A_137 = tpu.memref_slice %arg18[%scan3A_134, %dma_start3A_136] : memref<16x128xf32, #tpu.memory_space<vmem>> -> memref<1x128xf32, #tpu.memory_space<vmem>>
        %dma_start3A_138 = tpu.memref_squeeze %dma_start3A_137 : memref<1x128xf32, #tpu.memory_space<vmem>> -> memref<128xf32, #tpu.memory_space<vmem>>
        %dma_start3A_139 = arith.constant 0 : i32
        %dma_start3A_140 = tpu.memref_slice %arg15[%scan3A_134, %dma_start3A_139] : memref<16x128xi32, #tpu.memory_space<vmem>> -> memref<1x128xi32, #tpu.memory_space<vmem>>
        %dma_start3A_141 = tpu.memref_squeeze %dma_start3A_140 : memref<1x128xi32, #tpu.memory_space<vmem>> -> memref<128xi32, #tpu.memory_space<vmem>>
        %dma_start3A_142 = arith.constant 0 : i32
        %dma_start3A_143 = tpu.memref_slice %arg10[%dma_start3A_142] : memref<100352xf32, #tpu.memory_space<vmem_shared>> -> memref<100352xf32, #tpu.memory_space<vmem_shared>>
        tpu.enqueue_indirect_dma source(%dma_start3A_138 : memref<128xf32, #tpu.memory_space<vmem>>) target(%dma_start3A_143 : memref<100352xf32, #tpu.memory_space<vmem_shared>>) offsets(%dma_start3A_141 : memref<128xi32, #tpu.memory_space<vmem>>) semaphore(%arg22 : memref<!tpu.dma_semaphore, #tpu.memory_space<semaphore_mem>>) {add = true}
        %dma_start3A_144 = arith.constant 0 : i32
        %dma_start3A_145 = tpu.memref_slice %arg19[%scan3A_134, %dma_start3A_144] : memref<16x128xf32, #tpu.memory_space<vmem>> -> memref<1x128xf32, #tpu.memory_space<vmem>>
        %dma_start3A_146 = tpu.memref_squeeze %dma_start3A_145 : memref<1x128xf32, #tpu.memory_space<vmem>> -> memref<128xf32, #tpu.memory_space<vmem>>
        %dma_start3A_147 = arith.constant 0 : i32
        %dma_start3A_148 = tpu.memref_slice %arg15[%scan3A_134, %dma_start3A_147] : memref<16x128xi32, #tpu.memory_space<vmem>> -> memref<1x128xi32, #tpu.memory_space<vmem>>
        %dma_start3A_149 = tpu.memref_squeeze %dma_start3A_148 : memref<1x128xi32, #tpu.memory_space<vmem>> -> memref<128xi32, #tpu.memory_space<vmem>>
        %dma_start3A_150 = arith.constant 0 : i32
        %dma_start3A_151 = tpu.memref_slice %arg11[%dma_start3A_150] : memref<100352xf32, #tpu.memory_space<vmem_shared>> -> memref<100352xf32, #tpu.memory_space<vmem_shared>>
        tpu.enqueue_indirect_dma source(%dma_start3A_146 : memref<128xf32, #tpu.memory_space<vmem>>) target(%dma_start3A_151 : memref<100352xf32, #tpu.memory_space<vmem_shared>>) offsets(%dma_start3A_149 : memref<128xi32, #tpu.memory_space<vmem>>) semaphore(%arg22 : memref<!tpu.dma_semaphore, #tpu.memory_space<semaphore_mem>>) {add = true}
        %scan3A_152 = arith.constant 0 : i32
        scf.yield %scan3A_152 : i32
      }
      %scan3A_125 = arith.constant 16 : i32
      %scan3A_126 = arith.constant 0 : i32
      %scan3A_127 = arith.constant 0 : i32
      %scan3A_128 = arith.constant 16 : i32
      %scan3A_129 = arith.addi %scan3A_127, %scan3A_128 : i32
      %scan3A_130 = arith.constant 1 : i32
      %scan3A_131 = scf.for %scan3A_134 = %scan3A_127 to %scan3A_129 step %scan3A_130 iter_args(%scan3A_135 = %scan3A_126) -> (i32)  : i32 {
        %dma_wait3A_136 = arith.constant 0 : i32
        %dma_wait3A_137 = tpu.memref_slice %arg18[%scan3A_134, %dma_wait3A_136] : memref<16x128xf32, #tpu.memory_space<vmem>> -> memref<1x128xf32, #tpu.memory_space<vmem>>
        %dma_wait3A_138 = tpu.memref_squeeze %dma_wait3A_137 : memref<1x128xf32, #tpu.memory_space<vmem>> -> memref<128xf32, #tpu.memory_space<vmem>>
        %dma_wait3A_139 = arith.constant 0 : i32
        %dma_wait3A_140 = tpu.memref_slice %arg15[%scan3A_134, %dma_wait3A_139] : memref<16x128xi32, #tpu.memory_space<vmem>> -> memref<1x128xi32, #tpu.memory_space<vmem>>
        %dma_wait3A_141 = tpu.memref_squeeze %dma_wait3A_140 : memref<1x128xi32, #tpu.memory_space<vmem>> -> memref<128xi32, #tpu.memory_space<vmem>>
        %dma_wait3A_142 = arith.constant 0 : i32
        %dma_wait3A_143 = tpu.memref_slice %arg10[%dma_wait3A_142] : memref<100352xf32, #tpu.memory_space<vmem_shared>> -> memref<100352xf32, #tpu.memory_space<vmem_shared>>
        tpu.wait_indirect_dma semaphore(%arg22 : memref<!tpu.dma_semaphore, #tpu.memory_space<semaphore_mem>>) src(%dma_wait3A_138 : memref<128xf32, #tpu.memory_space<vmem>>) dst(%dma_wait3A_143 : memref<100352xf32, #tpu.memory_space<vmem_shared>>)
        %dma_wait3A_144 = arith.constant 0 : i32
        %dma_wait3A_145 = tpu.memref_slice %arg19[%scan3A_134, %dma_wait3A_144] : memref<16x128xf32, #tpu.memory_space<vmem>> -> memref<1x128xf32, #tpu.memory_space<vmem>>
        %dma_wait3A_146 = tpu.memref_squeeze %dma_wait3A_145 : memref<1x128xf32, #tpu.memory_space<vmem>> -> memref<128xf32, #tpu.memory_space<vmem>>
        %dma_wait3A_147 = arith.constant 0 : i32
        %dma_wait3A_148 = tpu.memref_slice %arg15[%scan3A_134, %dma_wait3A_147] : memref<16x128xi32, #tpu.memory_space<vmem>> -> memref<1x128xi32, #tpu.memory_space<vmem>>
        %dma_wait3A_149 = tpu.memref_squeeze %dma_wait3A_148 : memref<1x128xi32, #tpu.memory_space<vmem>> -> memref<128xi32, #tpu.memory_space<vmem>>
        %dma_wait3A_150 = arith.constant 0 : i32
        %dma_wait3A_151 = tpu.memref_slice %arg11[%dma_wait3A_150] : memref<100352xf32, #tpu.memory_space<vmem_shared>> -> memref<100352xf32, #tpu.memory_space<vmem_shared>>
        tpu.wait_indirect_dma semaphore(%arg22 : memref<!tpu.dma_semaphore, #tpu.memory_space<semaphore_mem>>) src(%dma_wait3A_146 : memref<128xf32, #tpu.memory_space<vmem>>) dst(%dma_wait3A_151 : memref<100352xf32, #tpu.memory_space<vmem_shared>>)
        %scan3A_152 = arith.constant 0 : i32
        scf.yield %scan3A_152 : i32
      }
      %scan3A_132 = arith.constant 16 : i32
      %scan3A_133 = arith.constant 0 : i32
      scf.yield %scan3A_133 : i32
    }
    %scan3A_23 = arith.constant 50 : i32
    %barrier3A_24 = arith.constant 0 : index
    tpu.barrier barrier_id(%barrier3A_24)
    %run_scoped3A = arith.constant 0 : i32
    "tpu.region"() ({
      %run_scoped3A_26 = tpu.sem_alloc : memref<!tpu.dma_semaphore, #tpu.memory_space<semaphore_mem>>
      %dma_start3A_27 = tpu.memref_slice %arg7[%arg0, %run_scoped3A, %mul3A_2] : memref<2x2x100352xf32, #tpu.memory_space<hbm>> -> memref<1x1x6272xf32, #tpu.memory_space<hbm>>
      %dma_start3A_28 = tpu.memref_squeeze %dma_start3A_27 : memref<1x1x6272xf32, #tpu.memory_space<hbm>> -> memref<6272xf32, #tpu.memory_space<hbm>>
      %dma_start3A_29 = tpu.memref_slice %arg10[%mul3A_2] : memref<100352xf32, #tpu.memory_space<vmem_shared>> -> memref<6272xf32, #tpu.memory_space<vmem_shared>>
      tpu.enqueue_dma source(%dma_start3A_29 : memref<6272xf32, #tpu.memory_space<vmem_shared>>) target(%dma_start3A_28 : memref<6272xf32, #tpu.memory_space<hbm>>) target_semaphore(%run_scoped3A_26 : memref<!tpu.dma_semaphore, #tpu.memory_space<semaphore_mem>>)
      %dma_wait3A = tpu.memref_slice %arg7[%arg0, %run_scoped3A, %mul3A_2] : memref<2x2x100352xf32, #tpu.memory_space<hbm>> -> memref<1x1x6272xf32, #tpu.memory_space<hbm>>
      %dma_wait3A_30 = tpu.memref_squeeze %dma_wait3A : memref<1x1x6272xf32, #tpu.memory_space<hbm>> -> memref<6272xf32, #tpu.memory_space<hbm>>
      %dma_wait3A_31 = tpu.memref_slice %arg10[%mul3A_2] : memref<100352xf32, #tpu.memory_space<vmem_shared>> -> memref<6272xf32, #tpu.memory_space<vmem_shared>>
      tpu.wait_dma2 semaphore(%run_scoped3A_26 : memref<!tpu.dma_semaphore, #tpu.memory_space<semaphore_mem>>) src(%dma_wait3A_31 : memref<6272xf32, #tpu.memory_space<vmem_shared>>) dst(%dma_wait3A_30 : memref<6272xf32, #tpu.memory_space<hbm>>)
      tpu.yield
    }) : () -> ()
    %run_scoped3A_25 = arith.constant 1 : i32
    "tpu.region"() ({
      %run_scoped3A_26 = tpu.sem_alloc : memref<!tpu.dma_semaphore, #tpu.memory_space<semaphore_mem>>
      %dma_start3A_27 = tpu.memref_slice %arg7[%arg0, %run_scoped3A_25, %mul3A_2] : memref<2x2x100352xf32, #tpu.memory_space<hbm>> -> memref<1x1x6272xf32, #tpu.memory_space<hbm>>
      %dma_start3A_28 = tpu.memref_squeeze %dma_start3A_27 : memref<1x1x6272xf32, #tpu.memory_space<hbm>> -> memref<6272xf32, #tpu.memory_space<hbm>>
      %dma_start3A_29 = tpu.memref_slice %arg11[%mul3A_2] : memref<100352xf32, #tpu.memory_space<vmem_shared>> -> memref<6272xf32, #tpu.memory_space<vmem_shared>>
      tpu.enqueue_dma source(%dma_start3A_29 : memref<6272xf32, #tpu.memory_space<vmem_shared>>) target(%dma_start3A_28 : memref<6272xf32, #tpu.memory_space<hbm>>) target_semaphore(%run_scoped3A_26 : memref<!tpu.dma_semaphore, #tpu.memory_space<semaphore_mem>>)
      %dma_wait3A = tpu.memref_slice %arg7[%arg0, %run_scoped3A_25, %mul3A_2] : memref<2x2x100352xf32, #tpu.memory_space<hbm>> -> memref<1x1x6272xf32, #tpu.memory_space<hbm>>
      %dma_wait3A_30 = tpu.memref_squeeze %dma_wait3A : memref<1x1x6272xf32, #tpu.memory_space<hbm>> -> memref<6272xf32, #tpu.memory_space<hbm>>
      %dma_wait3A_31 = tpu.memref_slice %arg11[%mul3A_2] : memref<100352xf32, #tpu.memory_space<vmem_shared>> -> memref<6272xf32, #tpu.memory_space<vmem_shared>>
      tpu.wait_dma2 semaphore(%run_scoped3A_26 : memref<!tpu.dma_semaphore, #tpu.memory_space<semaphore_mem>>) src(%dma_wait3A_31 : memref<6272xf32, #tpu.memory_space<vmem_shared>>) dst(%dma_wait3A_30 : memref<6272xf32, #tpu.memory_space<hbm>>)
      tpu.yield
    }) : () -> ()
    return
  }
}

#map = affine_map<(d0, d1) -> (0)>
#map1 = affine_map<(d0, d1) -> (0, 0, 0)>
module attributes {stable_mosaic.version = 14 : i64} {
  func.func @_agg_body(%arg0: i32, %arg1: i32, %arg2: memref<100352xf32, #tpu.memory_space<hbm>>, %arg3: memref<100352xf32, #tpu.memory_space<hbm>>, %arg4: memref<100352xf32, #tpu.memory_space<hbm>>, %arg5: memref<32x1600x128xi32, #tpu.memory_space<hbm>>, %arg6: memref<32x1600x128xi32, #tpu.memory_space<hbm>>, %arg7: memref<2x2x100352xf32, #tpu.memory_space<hbm>>, %arg8: memref<100352xf32, #tpu.memory_space<vmem_shared>>, %arg9: memref<100352xf32, #tpu.memory_space<vmem_shared>>, %arg10: memref<100352xf32, #tpu.memory_space<vmem_shared>>, %arg11: memref<100352xf32, #tpu.memory_space<vmem_shared>>, %arg12: memref<16x128xi32, #tpu.memory_space<vmem>>, %arg13: memref<16x128xi32, #tpu.memory_space<vmem>>, %arg14: memref<16x128xi32, #tpu.memory_space<vmem>>, %arg15: memref<16x128xi32, #tpu.memory_space<vmem>>, %arg16: memref<16x128xf32, #tpu.memory_space<vmem>>, %arg17: memref<16x128xf32, #tpu.memory_space<vmem>>, %arg18: memref<16x128xf32, #tpu.memory_space<vmem>>, %arg19: memref<16x128xf32, #tpu.memory_space<vmem>>, %arg20: memref<!tpu.dma_semaphore, #tpu.memory_space<semaphore_mem>>, %arg21: memref<!tpu.dma_semaphore, #tpu.memory_space<semaphore_mem>>, %arg22: memref<!tpu.dma_semaphore, #tpu.memory_space<semaphore_mem>>) attributes {dimension_semantics = [#tpu.dimension_semantics<core_parallel>, #tpu.dimension_semantics<subcore_parallel>], iteration_bounds = array<i64: 2, 16>, scalar_prefetch = 0 : i64, scratch_operands = 15 : i64, tpu.core_type = #tpu.core_type<sc_vector_subcore>, window_params = [{transform_indices = #map}, {transform_indices = #map}, {transform_indices = #map}, {transform_indices = #map1}, {transform_indices = #map1}, {transform_indices = #map1}]} {
    %mul3A = arith.constant 16 : i32
    %mul3A_0 = arith.muli %arg0, %mul3A : i32
    %add3A = arith.addi %mul3A_0, %arg1 : i32
    %mul3A_1 = arith.constant 6272 : i32
    %mul3A_2 = arith.muli %arg1, %mul3A_1 : i32
    "tpu.region"() ({
      %run_scoped3A_26 = tpu.sem_alloc : memref<!tpu.dma_semaphore, #tpu.memory_space<semaphore_mem>>
      %dma_start3A_27 = tpu.memref_slice %arg8[%mul3A_2] : memref<100352xf32, #tpu.memory_space<vmem_shared>> -> memref<6272xf32, #tpu.memory_space<vmem_shared>>
      %dma_start3A_28 = tpu.memref_slice %arg2[%mul3A_2] : memref<100352xf32, #tpu.memory_space<hbm>> -> memref<6272xf32, #tpu.memory_space<hbm>>
      tpu.enqueue_dma source(%dma_start3A_28 : memref<6272xf32, #tpu.memory_space<hbm>>) target(%dma_start3A_27 : memref<6272xf32, #tpu.memory_space<vmem_shared>>) target_semaphore(%run_scoped3A_26 : memref<!tpu.dma_semaphore, #tpu.memory_space<semaphore_mem>>)
      %dma_wait3A = tpu.memref_slice %arg8[%mul3A_2] : memref<100352xf32, #tpu.memory_space<vmem_shared>> -> memref<6272xf32, #tpu.memory_space<vmem_shared>>
      %dma_wait3A_29 = tpu.memref_slice %arg2[%mul3A_2] : memref<100352xf32, #tpu.memory_space<hbm>> -> memref<6272xf32, #tpu.memory_space<hbm>>
      tpu.wait_dma2 semaphore(%run_scoped3A_26 : memref<!tpu.dma_semaphore, #tpu.memory_space<semaphore_mem>>) src(%dma_wait3A_29 : memref<6272xf32, #tpu.memory_space<hbm>>) dst(%dma_wait3A : memref<6272xf32, #tpu.memory_space<vmem_shared>>)
      tpu.yield
    }) : () -> ()
    "tpu.region"() ({
      %run_scoped3A_26 = tpu.sem_alloc : memref<!tpu.dma_semaphore, #tpu.memory_space<semaphore_mem>>
      %dma_start3A_27 = tpu.memref_slice %arg9[%mul3A_2] : memref<100352xf32, #tpu.memory_space<vmem_shared>> -> memref<6272xf32, #tpu.memory_space<vmem_shared>>
      %dma_start3A_28 = tpu.memref_slice %arg3[%mul3A_2] : memref<100352xf32, #tpu.memory_space<hbm>> -> memref<6272xf32, #tpu.memory_space<hbm>>
      tpu.enqueue_dma source(%dma_start3A_28 : memref<6272xf32, #tpu.memory_space<hbm>>) target(%dma_start3A_27 : memref<6272xf32, #tpu.memory_space<vmem_shared>>) target_semaphore(%run_scoped3A_26 : memref<!tpu.dma_semaphore, #tpu.memory_space<semaphore_mem>>)
      %dma_wait3A = tpu.memref_slice %arg9[%mul3A_2] : memref<100352xf32, #tpu.memory_space<vmem_shared>> -> memref<6272xf32, #tpu.memory_space<vmem_shared>>
      %dma_wait3A_29 = tpu.memref_slice %arg3[%mul3A_2] : memref<100352xf32, #tpu.memory_space<hbm>> -> memref<6272xf32, #tpu.memory_space<hbm>>
      tpu.wait_dma2 semaphore(%run_scoped3A_26 : memref<!tpu.dma_semaphore, #tpu.memory_space<semaphore_mem>>) src(%dma_wait3A_29 : memref<6272xf32, #tpu.memory_space<hbm>>) dst(%dma_wait3A : memref<6272xf32, #tpu.memory_space<vmem_shared>>)
      tpu.yield
    }) : () -> ()
    "tpu.region"() ({
      %run_scoped3A_26 = tpu.sem_alloc : memref<!tpu.dma_semaphore, #tpu.memory_space<semaphore_mem>>
      %dma_start3A_27 = tpu.memref_slice %arg10[%mul3A_2] : memref<100352xf32, #tpu.memory_space<vmem_shared>> -> memref<6272xf32, #tpu.memory_space<vmem_shared>>
      %dma_start3A_28 = tpu.memref_slice %arg4[%mul3A_2] : memref<100352xf32, #tpu.memory_space<hbm>> -> memref<6272xf32, #tpu.memory_space<hbm>>
      tpu.enqueue_dma source(%dma_start3A_28 : memref<6272xf32, #tpu.memory_space<hbm>>) target(%dma_start3A_27 : memref<6272xf32, #tpu.memory_space<vmem_shared>>) target_semaphore(%run_scoped3A_26 : memref<!tpu.dma_semaphore, #tpu.memory_space<semaphore_mem>>)
      %dma_wait3A = tpu.memref_slice %arg10[%mul3A_2] : memref<100352xf32, #tpu.memory_space<vmem_shared>> -> memref<6272xf32, #tpu.memory_space<vmem_shared>>
      %dma_wait3A_29 = tpu.memref_slice %arg4[%mul3A_2] : memref<100352xf32, #tpu.memory_space<hbm>> -> memref<6272xf32, #tpu.memory_space<hbm>>
      tpu.wait_dma2 semaphore(%run_scoped3A_26 : memref<!tpu.dma_semaphore, #tpu.memory_space<semaphore_mem>>) src(%dma_wait3A_29 : memref<6272xf32, #tpu.memory_space<hbm>>) dst(%dma_wait3A : memref<6272xf32, #tpu.memory_space<vmem_shared>>)
      tpu.yield
    }) : () -> ()
    "tpu.region"() ({
      %run_scoped3A_26 = tpu.sem_alloc : memref<!tpu.dma_semaphore, #tpu.memory_space<semaphore_mem>>
      %dma_start3A_27 = tpu.memref_slice %arg11[%mul3A_2] : memref<100352xf32, #tpu.memory_space<vmem_shared>> -> memref<6272xf32, #tpu.memory_space<vmem_shared>>
      %dma_start3A_28 = tpu.memref_slice %arg4[%mul3A_2] : memref<100352xf32, #tpu.memory_space<hbm>> -> memref<6272xf32, #tpu.memory_space<hbm>>
      tpu.enqueue_dma source(%dma_start3A_28 : memref<6272xf32, #tpu.memory_space<hbm>>) target(%dma_start3A_27 : memref<6272xf32, #tpu.memory_space<vmem_shared>>) target_semaphore(%run_scoped3A_26 : memref<!tpu.dma_semaphore, #tpu.memory_space<semaphore_mem>>)
      %dma_wait3A = tpu.memref_slice %arg11[%mul3A_2] : memref<100352xf32, #tpu.memory_space<vmem_shared>> -> memref<6272xf32, #tpu.memory_space<vmem_shared>>
      %dma_wait3A_29 = tpu.memref_slice %arg4[%mul3A_2] : memref<100352xf32, #tpu.memory_space<hbm>> -> memref<6272xf32, #tpu.memory_space<hbm>>
      tpu.wait_dma2 semaphore(%run_scoped3A_26 : memref<!tpu.dma_semaphore, #tpu.memory_space<semaphore_mem>>) src(%dma_wait3A_29 : memref<6272xf32, #tpu.memory_space<hbm>>) dst(%dma_wait3A : memref<6272xf32, #tpu.memory_space<vmem_shared>>)
      tpu.yield
    }) : () -> ()
    %barrier3A = arith.constant 0 : index
    tpu.barrier barrier_id(%barrier3A)
    %dma_start3A = arith.constant 0 : i32
    %dma_start3A_3 = arith.constant 0 : i32
    %dma_start3A_4 = tpu.memref_slice %arg5[%add3A, %dma_start3A, %dma_start3A_3] : memref<32x1600x128xi32, #tpu.memory_space<hbm>> -> memref<1x16x128xi32, #tpu.memory_space<hbm>>
    %dma_start3A_5 = tpu.memref_squeeze %dma_start3A_4 : memref<1x16x128xi32, #tpu.memory_space<hbm>> -> memref<16x128xi32, #tpu.memory_space<hbm>>
    %dma_start3A_6 = arith.constant 0 : i32
    %dma_start3A_7 = arith.constant 0 : i32
    %dma_start3A_8 = tpu.memref_slice %arg5[%add3A, %dma_start3A_6, %dma_start3A_7] : memref<32x1600x128xi32, #tpu.memory_space<hbm>> -> memref<1x16x128xi32, #tpu.memory_space<hbm>>
    %dma_start3A_9 = tpu.memref_squeeze %dma_start3A_8 : memref<1x16x128xi32, #tpu.memory_space<hbm>> -> memref<16x128xi32, #tpu.memory_space<hbm>>
    tpu.enqueue_dma source(%dma_start3A_9 : memref<16x128xi32, #tpu.memory_space<hbm>>) target(%arg12 : memref<16x128xi32, #tpu.memory_space<vmem>>) target_semaphore(%arg20 : memref<!tpu.dma_semaphore, #tpu.memory_space<semaphore_mem>>)
    %dma_start3A_10 = arith.constant 0 : i32
    %dma_start3A_11 = arith.constant 0 : i32
    %dma_start3A_12 = tpu.memref_slice %arg6[%add3A, %dma_start3A_10, %dma_start3A_11] : memref<32x1600x128xi32, #tpu.memory_space<hbm>> -> memref<1x16x128xi32, #tpu.memory_space<hbm>>
    %dma_start3A_13 = tpu.memref_squeeze %dma_start3A_12 : memref<1x16x128xi32, #tpu.memory_space<hbm>> -> memref<16x128xi32, #tpu.memory_space<hbm>>
    %dma_start3A_14 = arith.constant 0 : i32
    %dma_start3A_15 = arith.constant 0 : i32
    %dma_start3A_16 = tpu.memref_slice %arg6[%add3A, %dma_start3A_14, %dma_start3A_15] : memref<32x1600x128xi32, #tpu.memory_space<hbm>> -> memref<1x16x128xi32, #tpu.memory_space<hbm>>
    %dma_start3A_17 = tpu.memref_squeeze %dma_start3A_16 : memref<1x16x128xi32, #tpu.memory_space<hbm>> -> memref<16x128xi32, #tpu.memory_space<hbm>>
    tpu.enqueue_dma source(%dma_start3A_17 : memref<16x128xi32, #tpu.memory_space<hbm>>) target(%arg13 : memref<16x128xi32, #tpu.memory_space<vmem>>) target_semaphore(%arg20 : memref<!tpu.dma_semaphore, #tpu.memory_space<semaphore_mem>>)
    %scan3A = arith.constant 0 : i32
    %scan3A_18 = arith.constant 0 : i32
    %scan3A_19 = arith.constant 50 : i32
    %scan3A_20 = arith.addi %scan3A_18, %scan3A_19 : i32
    %scan3A_21 = arith.constant 1 : i32
    %scan3A_22 = scf.for %scan3A_26 = %scan3A_18 to %scan3A_20 step %scan3A_21 iter_args(%scan3A_27 = %scan3A) -> (i32)  : i32 {
      %mul3A_28 = arith.constant 2 : i32
      %mul3A_29 = arith.muli %mul3A_28, %scan3A_26 : i32
      %mul3A_30 = arith.constant 2 : i32
      %mul3A_31 = arith.muli %mul3A_30, %scan3A_26 : i32
      %add3A_32 = arith.constant 1 : i32
      %add3A_33 = arith.addi %mul3A_31, %add3A_32 : i32
      %mul3A_34 = arith.constant 16 : i32
      %mul3A_35 = arith.muli %mul3A_29, %mul3A_34 : i32
      %mul3A_36 = arith.constant 16 : i32
      %mul3A_37 = arith.muli %add3A_33, %mul3A_36 : i32
      %dma_wait3A = arith.constant 0 : i32
      %dma_wait3A_38 = tpu.memref_slice %arg5[%add3A, %mul3A_35, %dma_wait3A] : memref<32x1600x128xi32, #tpu.memory_space<hbm>> -> memref<1x16x128xi32, #tpu.memory_space<hbm>>
      %dma_wait3A_39 = tpu.memref_squeeze %dma_wait3A_38 : memref<1x16x128xi32, #tpu.memory_space<hbm>> -> memref<16x128xi32, #tpu.memory_space<hbm>>
      %dma_wait3A_40 = arith.constant 0 : i32
      %dma_wait3A_41 = tpu.memref_slice %arg5[%add3A, %mul3A_35, %dma_wait3A_40] : memref<32x1600x128xi32, #tpu.memory_space<hbm>> -> memref<1x16x128xi32, #tpu.memory_space<hbm>>
      %dma_wait3A_42 = tpu.memref_squeeze %dma_wait3A_41 : memref<1x16x128xi32, #tpu.memory_space<hbm>> -> memref<16x128xi32, #tpu.memory_space<hbm>>
      tpu.wait_dma2 semaphore(%arg20 : memref<!tpu.dma_semaphore, #tpu.memory_space<semaphore_mem>>) src(%dma_wait3A_42 : memref<16x128xi32, #tpu.memory_space<hbm>>) dst(%arg12 : memref<16x128xi32, #tpu.memory_space<vmem>>)
      %dma_wait3A_43 = arith.constant 0 : i32
      %dma_wait3A_44 = tpu.memref_slice %arg6[%add3A, %mul3A_35, %dma_wait3A_43] : memref<32x1600x128xi32, #tpu.memory_space<hbm>> -> memref<1x16x128xi32, #tpu.memory_space<hbm>>
      %dma_wait3A_45 = tpu.memref_squeeze %dma_wait3A_44 : memref<1x16x128xi32, #tpu.memory_space<hbm>> -> memref<16x128xi32, #tpu.memory_space<hbm>>
      %dma_wait3A_46 = arith.constant 0 : i32
      %dma_wait3A_47 = tpu.memref_slice %arg6[%add3A, %mul3A_35, %dma_wait3A_46] : memref<32x1600x128xi32, #tpu.memory_space<hbm>> -> memref<1x16x128xi32, #tpu.memory_space<hbm>>
      %dma_wait3A_48 = tpu.memref_squeeze %dma_wait3A_47 : memref<1x16x128xi32, #tpu.memory_space<hbm>> -> memref<16x128xi32, #tpu.memory_space<hbm>>
      tpu.wait_dma2 semaphore(%arg20 : memref<!tpu.dma_semaphore, #tpu.memory_space<semaphore_mem>>) src(%dma_wait3A_48 : memref<16x128xi32, #tpu.memory_space<hbm>>) dst(%arg13 : memref<16x128xi32, #tpu.memory_space<vmem>>)
      %dma_start3A_49 = arith.constant 0 : i32
      %dma_start3A_50 = tpu.memref_slice %arg5[%add3A, %mul3A_37, %dma_start3A_49] : memref<32x1600x128xi32, #tpu.memory_space<hbm>> -> memref<1x16x128xi32, #tpu.memory_space<hbm>>
      %dma_start3A_51 = tpu.memref_squeeze %dma_start3A_50 : memref<1x16x128xi32, #tpu.memory_space<hbm>> -> memref<16x128xi32, #tpu.memory_space<hbm>>
      %dma_start3A_52 = arith.constant 0 : i32
      %dma_start3A_53 = tpu.memref_slice %arg5[%add3A, %mul3A_37, %dma_start3A_52] : memref<32x1600x128xi32, #tpu.memory_space<hbm>> -> memref<1x16x128xi32, #tpu.memory_space<hbm>>
      %dma_start3A_54 = tpu.memref_squeeze %dma_start3A_53 : memref<1x16x128xi32, #tpu.memory_space<hbm>> -> memref<16x128xi32, #tpu.memory_space<hbm>>
      tpu.enqueue_dma source(%dma_start3A_54 : memref<16x128xi32, #tpu.memory_space<hbm>>) target(%arg14 : memref<16x128xi32, #tpu.memory_space<vmem>>) target_semaphore(%arg20 : memref<!tpu.dma_semaphore, #tpu.memory_space<semaphore_mem>>)
      %dma_start3A_55 = arith.constant 0 : i32
      %dma_start3A_56 = tpu.memref_slice %arg6[%add3A, %mul3A_37, %dma_start3A_55] : memref<32x1600x128xi32, #tpu.memory_space<hbm>> -> memref<1x16x128xi32, #tpu.memory_space<hbm>>
      %dma_start3A_57 = tpu.memref_squeeze %dma_start3A_56 : memref<1x16x128xi32, #tpu.memory_space<hbm>> -> memref<16x128xi32, #tpu.memory_space<hbm>>
      %dma_start3A_58 = arith.constant 0 : i32
      %dma_start3A_59 = tpu.memref_slice %arg6[%add3A, %mul3A_37, %dma_start3A_58] : memref<32x1600x128xi32, #tpu.memory_space<hbm>> -> memref<1x16x128xi32, #tpu.memory_space<hbm>>
      %dma_start3A_60 = tpu.memref_squeeze %dma_start3A_59 : memref<1x16x128xi32, #tpu.memory_space<hbm>> -> memref<16x128xi32, #tpu.memory_space<hbm>>
      tpu.enqueue_dma source(%dma_start3A_60 : memref<16x128xi32, #tpu.memory_space<hbm>>) target(%arg15 : memref<16x128xi32, #tpu.memory_space<vmem>>) target_semaphore(%arg20 : memref<!tpu.dma_semaphore, #tpu.memory_space<semaphore_mem>>)
      %scan3A_61 = arith.constant 0 : i32
      %scan3A_62 = arith.constant 0 : i32
      %scan3A_63 = arith.constant 16 : i32
      %scan3A_64 = arith.addi %scan3A_62, %scan3A_63 : i32
      %scan3A_65 = arith.constant 1 : i32
      %scan3A_66 = scf.for %scan3A_134 = %scan3A_62 to %scan3A_64 step %scan3A_65 iter_args(%scan3A_135 = %scan3A_61) -> (i32)  : i32 {
        %dma_start3A_136 = arith.constant 0 : i32
        %dma_start3A_137 = tpu.memref_slice %arg16[%scan3A_134, %dma_start3A_136] : memref<16x128xf32, #tpu.memory_space<vmem>> -> memref<1x128xf32, #tpu.memory_space<vmem>>
        %dma_start3A_138 = tpu.memref_squeeze %dma_start3A_137 : memref<1x128xf32, #tpu.memory_space<vmem>> -> memref<128xf32, #tpu.memory_space<vmem>>
        %dma_start3A_139 = arith.constant 0 : i32
        %dma_start3A_140 = tpu.memref_slice %arg12[%scan3A_134, %dma_start3A_139] : memref<16x128xi32, #tpu.memory_space<vmem>> -> memref<1x128xi32, #tpu.memory_space<vmem>>
        %dma_start3A_141 = tpu.memref_squeeze %dma_start3A_140 : memref<1x128xi32, #tpu.memory_space<vmem>> -> memref<128xi32, #tpu.memory_space<vmem>>
        %dma_start3A_142 = arith.constant 0 : i32
        %dma_start3A_143 = tpu.memref_slice %arg8[%dma_start3A_142] : memref<100352xf32, #tpu.memory_space<vmem_shared>> -> memref<100352xf32, #tpu.memory_space<vmem_shared>>
        tpu.enqueue_indirect_dma source(%dma_start3A_143 : memref<100352xf32, #tpu.memory_space<vmem_shared>>) target(%dma_start3A_138 : memref<128xf32, #tpu.memory_space<vmem>>) offsets(%dma_start3A_141 : memref<128xi32, #tpu.memory_space<vmem>>) semaphore(%arg21 : memref<!tpu.dma_semaphore, #tpu.memory_space<semaphore_mem>>)
        %dma_start3A_144 = arith.constant 0 : i32
        %dma_start3A_145 = tpu.memref_slice %arg17[%scan3A_134, %dma_start3A_144] : memref<16x128xf32, #tpu.memory_space<vmem>> -> memref<1x128xf32, #tpu.memory_space<vmem>>
        %dma_start3A_146 = tpu.memref_squeeze %dma_start3A_145 : memref<1x128xf32, #tpu.memory_space<vmem>> -> memref<128xf32, #tpu.memory_space<vmem>>
        %dma_start3A_147 = arith.constant 0 : i32
        %dma_start3A_148 = tpu.memref_slice %arg12[%scan3A_134, %dma_start3A_147] : memref<16x128xi32, #tpu.memory_space<vmem>> -> memref<1x128xi32, #tpu.memory_space<vmem>>
        %dma_start3A_149 = tpu.memref_squeeze %dma_start3A_148 : memref<1x128xi32, #tpu.memory_space<vmem>> -> memref<128xi32, #tpu.memory_space<vmem>>
        %dma_start3A_150 = arith.constant 0 : i32
        %dma_start3A_151 = tpu.memref_slice %arg9[%dma_start3A_150] : memref<100352xf32, #tpu.memory_space<vmem_shared>> -> memref<100352xf32, #tpu.memory_space<vmem_shared>>
        tpu.enqueue_indirect_dma source(%dma_start3A_151 : memref<100352xf32, #tpu.memory_space<vmem_shared>>) target(%dma_start3A_146 : memref<128xf32, #tpu.memory_space<vmem>>) offsets(%dma_start3A_149 : memref<128xi32, #tpu.memory_space<vmem>>) semaphore(%arg21 : memref<!tpu.dma_semaphore, #tpu.memory_space<semaphore_mem>>)
        %scan3A_152 = arith.constant 0 : i32
        scf.yield %scan3A_152 : i32
      }
      %scan3A_67 = arith.constant 16 : i32
      %scan3A_68 = arith.constant 0 : i32
      %scan3A_69 = arith.constant 0 : i32
      %scan3A_70 = arith.constant 16 : i32
      %scan3A_71 = arith.addi %scan3A_69, %scan3A_70 : i32
      %scan3A_72 = arith.constant 1 : i32
      %scan3A_73 = scf.for %scan3A_134 = %scan3A_69 to %scan3A_71 step %scan3A_72 iter_args(%scan3A_135 = %scan3A_68) -> (i32)  : i32 {
        %dma_wait3A_136 = arith.constant 0 : i32
        %dma_wait3A_137 = tpu.memref_slice %arg16[%scan3A_134, %dma_wait3A_136] : memref<16x128xf32, #tpu.memory_space<vmem>> -> memref<1x128xf32, #tpu.memory_space<vmem>>
        %dma_wait3A_138 = tpu.memref_squeeze %dma_wait3A_137 : memref<1x128xf32, #tpu.memory_space<vmem>> -> memref<128xf32, #tpu.memory_space<vmem>>
        %dma_wait3A_139 = arith.constant 0 : i32
        %dma_wait3A_140 = tpu.memref_slice %arg12[%scan3A_134, %dma_wait3A_139] : memref<16x128xi32, #tpu.memory_space<vmem>> -> memref<1x128xi32, #tpu.memory_space<vmem>>
        %dma_wait3A_141 = tpu.memref_squeeze %dma_wait3A_140 : memref<1x128xi32, #tpu.memory_space<vmem>> -> memref<128xi32, #tpu.memory_space<vmem>>
        %dma_wait3A_142 = arith.constant 0 : i32
        %dma_wait3A_143 = tpu.memref_slice %arg8[%dma_wait3A_142] : memref<100352xf32, #tpu.memory_space<vmem_shared>> -> memref<100352xf32, #tpu.memory_space<vmem_shared>>
        tpu.wait_indirect_dma semaphore(%arg21 : memref<!tpu.dma_semaphore, #tpu.memory_space<semaphore_mem>>) src(%dma_wait3A_143 : memref<100352xf32, #tpu.memory_space<vmem_shared>>) dst(%dma_wait3A_138 : memref<128xf32, #tpu.memory_space<vmem>>)
        %dma_wait3A_144 = arith.constant 0 : i32
        %dma_wait3A_145 = tpu.memref_slice %arg17[%scan3A_134, %dma_wait3A_144] : memref<16x128xf32, #tpu.memory_space<vmem>> -> memref<1x128xf32, #tpu.memory_space<vmem>>
        %dma_wait3A_146 = tpu.memref_squeeze %dma_wait3A_145 : memref<1x128xf32, #tpu.memory_space<vmem>> -> memref<128xf32, #tpu.memory_space<vmem>>
        %dma_wait3A_147 = arith.constant 0 : i32
        %dma_wait3A_148 = tpu.memref_slice %arg12[%scan3A_134, %dma_wait3A_147] : memref<16x128xi32, #tpu.memory_space<vmem>> -> memref<1x128xi32, #tpu.memory_space<vmem>>
        %dma_wait3A_149 = tpu.memref_squeeze %dma_wait3A_148 : memref<1x128xi32, #tpu.memory_space<vmem>> -> memref<128xi32, #tpu.memory_space<vmem>>
        %dma_wait3A_150 = arith.constant 0 : i32
        %dma_wait3A_151 = tpu.memref_slice %arg9[%dma_wait3A_150] : memref<100352xf32, #tpu.memory_space<vmem_shared>> -> memref<100352xf32, #tpu.memory_space<vmem_shared>>
        tpu.wait_indirect_dma semaphore(%arg21 : memref<!tpu.dma_semaphore, #tpu.memory_space<semaphore_mem>>) src(%dma_wait3A_151 : memref<100352xf32, #tpu.memory_space<vmem_shared>>) dst(%dma_wait3A_146 : memref<128xf32, #tpu.memory_space<vmem>>)
        %scan3A_152 = arith.constant 0 : i32
        scf.yield %scan3A_152 : i32
      }
      %scan3A_74 = arith.constant 16 : i32
      %scan3A_75 = arith.constant 0 : i32
      %scan3A_76 = arith.constant 0 : i32
      %scan3A_77 = arith.constant 16 : i32
      %scan3A_78 = arith.addi %scan3A_76, %scan3A_77 : i32
      %scan3A_79 = arith.constant 1 : i32
      %scan3A_80 = scf.for %scan3A_134 = %scan3A_76 to %scan3A_78 step %scan3A_79 iter_args(%scan3A_135 = %scan3A_75) -> (i32)  : i32 {
        %dma_start3A_136 = arith.constant 0 : i32
        %dma_start3A_137 = tpu.memref_slice %arg16[%scan3A_134, %dma_start3A_136] : memref<16x128xf32, #tpu.memory_space<vmem>> -> memref<1x128xf32, #tpu.memory_space<vmem>>
        %dma_start3A_138 = tpu.memref_squeeze %dma_start3A_137 : memref<1x128xf32, #tpu.memory_space<vmem>> -> memref<128xf32, #tpu.memory_space<vmem>>
        %dma_start3A_139 = arith.constant 0 : i32
        %dma_start3A_140 = tpu.memref_slice %arg13[%scan3A_134, %dma_start3A_139] : memref<16x128xi32, #tpu.memory_space<vmem>> -> memref<1x128xi32, #tpu.memory_space<vmem>>
        %dma_start3A_141 = tpu.memref_squeeze %dma_start3A_140 : memref<1x128xi32, #tpu.memory_space<vmem>> -> memref<128xi32, #tpu.memory_space<vmem>>
        %dma_start3A_142 = arith.constant 0 : i32
        %dma_start3A_143 = tpu.memref_slice %arg10[%dma_start3A_142] : memref<100352xf32, #tpu.memory_space<vmem_shared>> -> memref<100352xf32, #tpu.memory_space<vmem_shared>>
        tpu.enqueue_indirect_dma source(%dma_start3A_138 : memref<128xf32, #tpu.memory_space<vmem>>) target(%dma_start3A_143 : memref<100352xf32, #tpu.memory_space<vmem_shared>>) offsets(%dma_start3A_141 : memref<128xi32, #tpu.memory_space<vmem>>) semaphore(%arg22 : memref<!tpu.dma_semaphore, #tpu.memory_space<semaphore_mem>>) {add = true}
        %dma_start3A_144 = arith.constant 0 : i32
        %dma_start3A_145 = tpu.memref_slice %arg17[%scan3A_134, %dma_start3A_144] : memref<16x128xf32, #tpu.memory_space<vmem>> -> memref<1x128xf32, #tpu.memory_space<vmem>>
        %dma_start3A_146 = tpu.memref_squeeze %dma_start3A_145 : memref<1x128xf32, #tpu.memory_space<vmem>> -> memref<128xf32, #tpu.memory_space<vmem>>
        %dma_start3A_147 = arith.constant 0 : i32
        %dma_start3A_148 = tpu.memref_slice %arg13[%scan3A_134, %dma_start3A_147] : memref<16x128xi32, #tpu.memory_space<vmem>> -> memref<1x128xi32, #tpu.memory_space<vmem>>
        %dma_start3A_149 = tpu.memref_squeeze %dma_start3A_148 : memref<1x128xi32, #tpu.memory_space<vmem>> -> memref<128xi32, #tpu.memory_space<vmem>>
        %dma_start3A_150 = arith.constant 0 : i32
        %dma_start3A_151 = tpu.memref_slice %arg11[%dma_start3A_150] : memref<100352xf32, #tpu.memory_space<vmem_shared>> -> memref<100352xf32, #tpu.memory_space<vmem_shared>>
        tpu.enqueue_indirect_dma source(%dma_start3A_146 : memref<128xf32, #tpu.memory_space<vmem>>) target(%dma_start3A_151 : memref<100352xf32, #tpu.memory_space<vmem_shared>>) offsets(%dma_start3A_149 : memref<128xi32, #tpu.memory_space<vmem>>) semaphore(%arg22 : memref<!tpu.dma_semaphore, #tpu.memory_space<semaphore_mem>>) {add = true}
        %scan3A_152 = arith.constant 0 : i32
        scf.yield %scan3A_152 : i32
      }
      %scan3A_81 = arith.constant 16 : i32
      %dma_wait3A_82 = arith.constant 0 : i32
      %dma_wait3A_83 = tpu.memref_slice %arg5[%add3A, %mul3A_37, %dma_wait3A_82] : memref<32x1600x128xi32, #tpu.memory_space<hbm>> -> memref<1x16x128xi32, #tpu.memory_space<hbm>>
      %dma_wait3A_84 = tpu.memref_squeeze %dma_wait3A_83 : memref<1x16x128xi32, #tpu.memory_space<hbm>> -> memref<16x128xi32, #tpu.memory_space<hbm>>
      %dma_wait3A_85 = arith.constant 0 : i32
      %dma_wait3A_86 = tpu.memref_slice %arg5[%add3A, %mul3A_37, %dma_wait3A_85] : memref<32x1600x128xi32, #tpu.memory_space<hbm>> -> memref<1x16x128xi32, #tpu.memory_space<hbm>>
      %dma_wait3A_87 = tpu.memref_squeeze %dma_wait3A_86 : memref<1x16x128xi32, #tpu.memory_space<hbm>> -> memref<16x128xi32, #tpu.memory_space<hbm>>
      tpu.wait_dma2 semaphore(%arg20 : memref<!tpu.dma_semaphore, #tpu.memory_space<semaphore_mem>>) src(%dma_wait3A_87 : memref<16x128xi32, #tpu.memory_space<hbm>>) dst(%arg14 : memref<16x128xi32, #tpu.memory_space<vmem>>)
      %dma_wait3A_88 = arith.constant 0 : i32
      %dma_wait3A_89 = tpu.memref_slice %arg6[%add3A, %mul3A_37, %dma_wait3A_88] : memref<32x1600x128xi32, #tpu.memory_space<hbm>> -> memref<1x16x128xi32, #tpu.memory_space<hbm>>
      %dma_wait3A_90 = tpu.memref_squeeze %dma_wait3A_89 : memref<1x16x128xi32, #tpu.memory_space<hbm>> -> memref<16x128xi32, #tpu.memory_space<hbm>>
      %dma_wait3A_91 = arith.constant 0 : i32
      %dma_wait3A_92 = tpu.memref_slice %arg6[%add3A, %mul3A_37, %dma_wait3A_91] : memref<32x1600x128xi32, #tpu.memory_space<hbm>> -> memref<1x16x128xi32, #tpu.memory_space<hbm>>
      %dma_wait3A_93 = tpu.memref_squeeze %dma_wait3A_92 : memref<1x16x128xi32, #tpu.memory_space<hbm>> -> memref<16x128xi32, #tpu.memory_space<hbm>>
      tpu.wait_dma2 semaphore(%arg20 : memref<!tpu.dma_semaphore, #tpu.memory_space<semaphore_mem>>) src(%dma_wait3A_93 : memref<16x128xi32, #tpu.memory_space<hbm>>) dst(%arg15 : memref<16x128xi32, #tpu.memory_space<vmem>>)
      %scan3A_94 = arith.constant 0 : i32
      %scan3A_95 = arith.constant 0 : i32
      %scan3A_96 = arith.constant 16 : i32
      %scan3A_97 = arith.addi %scan3A_95, %scan3A_96 : i32
      %scan3A_98 = arith.constant 1 : i32
      %scan3A_99 = scf.for %scan3A_134 = %scan3A_95 to %scan3A_97 step %scan3A_98 iter_args(%scan3A_135 = %scan3A_94) -> (i32)  : i32 {
        %dma_start3A_136 = arith.constant 0 : i32
        %dma_start3A_137 = tpu.memref_slice %arg18[%scan3A_134, %dma_start3A_136] : memref<16x128xf32, #tpu.memory_space<vmem>> -> memref<1x128xf32, #tpu.memory_space<vmem>>
        %dma_start3A_138 = tpu.memref_squeeze %dma_start3A_137 : memref<1x128xf32, #tpu.memory_space<vmem>> -> memref<128xf32, #tpu.memory_space<vmem>>
        %dma_start3A_139 = arith.constant 0 : i32
        %dma_start3A_140 = tpu.memref_slice %arg14[%scan3A_134, %dma_start3A_139] : memref<16x128xi32, #tpu.memory_space<vmem>> -> memref<1x128xi32, #tpu.memory_space<vmem>>
        %dma_start3A_141 = tpu.memref_squeeze %dma_start3A_140 : memref<1x128xi32, #tpu.memory_space<vmem>> -> memref<128xi32, #tpu.memory_space<vmem>>
        %dma_start3A_142 = arith.constant 0 : i32
        %dma_start3A_143 = tpu.memref_slice %arg8[%dma_start3A_142] : memref<100352xf32, #tpu.memory_space<vmem_shared>> -> memref<100352xf32, #tpu.memory_space<vmem_shared>>
        tpu.enqueue_indirect_dma source(%dma_start3A_143 : memref<100352xf32, #tpu.memory_space<vmem_shared>>) target(%dma_start3A_138 : memref<128xf32, #tpu.memory_space<vmem>>) offsets(%dma_start3A_141 : memref<128xi32, #tpu.memory_space<vmem>>) semaphore(%arg21 : memref<!tpu.dma_semaphore, #tpu.memory_space<semaphore_mem>>)
        %dma_start3A_144 = arith.constant 0 : i32
        %dma_start3A_145 = tpu.memref_slice %arg19[%scan3A_134, %dma_start3A_144] : memref<16x128xf32, #tpu.memory_space<vmem>> -> memref<1x128xf32, #tpu.memory_space<vmem>>
        %dma_start3A_146 = tpu.memref_squeeze %dma_start3A_145 : memref<1x128xf32, #tpu.memory_space<vmem>> -> memref<128xf32, #tpu.memory_space<vmem>>
        %dma_start3A_147 = arith.constant 0 : i32
        %dma_start3A_148 = tpu.memref_slice %arg14[%scan3A_134, %dma_start3A_147] : memref<16x128xi32, #tpu.memory_space<vmem>> -> memref<1x128xi32, #tpu.memory_space<vmem>>
        %dma_start3A_149 = tpu.memref_squeeze %dma_start3A_148 : memref<1x128xi32, #tpu.memory_space<vmem>> -> memref<128xi32, #tpu.memory_space<vmem>>
        %dma_start3A_150 = arith.constant 0 : i32
        %dma_start3A_151 = tpu.memref_slice %arg9[%dma_start3A_150] : memref<100352xf32, #tpu.memory_space<vmem_shared>> -> memref<100352xf32, #tpu.memory_space<vmem_shared>>
        tpu.enqueue_indirect_dma source(%dma_start3A_151 : memref<100352xf32, #tpu.memory_space<vmem_shared>>) target(%dma_start3A_146 : memref<128xf32, #tpu.memory_space<vmem>>) offsets(%dma_start3A_149 : memref<128xi32, #tpu.memory_space<vmem>>) semaphore(%arg21 : memref<!tpu.dma_semaphore, #tpu.memory_space<semaphore_mem>>)
        %scan3A_152 = arith.constant 0 : i32
        scf.yield %scan3A_152 : i32
      }
      %scan3A_100 = arith.constant 16 : i32
      %scan3A_101 = arith.constant 0 : i32
      %scan3A_102 = arith.constant 0 : i32
      %scan3A_103 = arith.constant 16 : i32
      %scan3A_104 = arith.addi %scan3A_102, %scan3A_103 : i32
      %scan3A_105 = arith.constant 1 : i32
      %scan3A_106 = scf.for %scan3A_134 = %scan3A_102 to %scan3A_104 step %scan3A_105 iter_args(%scan3A_135 = %scan3A_101) -> (i32)  : i32 {
        %dma_wait3A_136 = arith.constant 0 : i32
        %dma_wait3A_137 = tpu.memref_slice %arg16[%scan3A_134, %dma_wait3A_136] : memref<16x128xf32, #tpu.memory_space<vmem>> -> memref<1x128xf32, #tpu.memory_space<vmem>>
        %dma_wait3A_138 = tpu.memref_squeeze %dma_wait3A_137 : memref<1x128xf32, #tpu.memory_space<vmem>> -> memref<128xf32, #tpu.memory_space<vmem>>
        %dma_wait3A_139 = arith.constant 0 : i32
        %dma_wait3A_140 = tpu.memref_slice %arg13[%scan3A_134, %dma_wait3A_139] : memref<16x128xi32, #tpu.memory_space<vmem>> -> memref<1x128xi32, #tpu.memory_space<vmem>>
        %dma_wait3A_141 = tpu.memref_squeeze %dma_wait3A_140 : memref<1x128xi32, #tpu.memory_space<vmem>> -> memref<128xi32, #tpu.memory_space<vmem>>
        %dma_wait3A_142 = arith.constant 0 : i32
        %dma_wait3A_143 = tpu.memref_slice %arg10[%dma_wait3A_142] : memref<100352xf32, #tpu.memory_space<vmem_shared>> -> memref<100352xf32, #tpu.memory_space<vmem_shared>>
        tpu.wait_indirect_dma semaphore(%arg22 : memref<!tpu.dma_semaphore, #tpu.memory_space<semaphore_mem>>) src(%dma_wait3A_138 : memref<128xf32, #tpu.memory_space<vmem>>) dst(%dma_wait3A_143 : memref<100352xf32, #tpu.memory_space<vmem_shared>>)
        %dma_wait3A_144 = arith.constant 0 : i32
        %dma_wait3A_145 = tpu.memref_slice %arg17[%scan3A_134, %dma_wait3A_144] : memref<16x128xf32, #tpu.memory_space<vmem>> -> memref<1x128xf32, #tpu.memory_space<vmem>>
        %dma_wait3A_146 = tpu.memref_squeeze %dma_wait3A_145 : memref<1x128xf32, #tpu.memory_space<vmem>> -> memref<128xf32, #tpu.memory_space<vmem>>
        %dma_wait3A_147 = arith.constant 0 : i32
        %dma_wait3A_148 = tpu.memref_slice %arg13[%scan3A_134, %dma_wait3A_147] : memref<16x128xi32, #tpu.memory_space<vmem>> -> memref<1x128xi32, #tpu.memory_space<vmem>>
        %dma_wait3A_149 = tpu.memref_squeeze %dma_wait3A_148 : memref<1x128xi32, #tpu.memory_space<vmem>> -> memref<128xi32, #tpu.memory_space<vmem>>
        %dma_wait3A_150 = arith.constant 0 : i32
        %dma_wait3A_151 = tpu.memref_slice %arg11[%dma_wait3A_150] : memref<100352xf32, #tpu.memory_space<vmem_shared>> -> memref<100352xf32, #tpu.memory_space<vmem_shared>>
        tpu.wait_indirect_dma semaphore(%arg22 : memref<!tpu.dma_semaphore, #tpu.memory_space<semaphore_mem>>) src(%dma_wait3A_146 : memref<128xf32, #tpu.memory_space<vmem>>) dst(%dma_wait3A_151 : memref<100352xf32, #tpu.memory_space<vmem_shared>>)
        %scan3A_152 = arith.constant 0 : i32
        scf.yield %scan3A_152 : i32
      }
      %scan3A_107 = arith.constant 16 : i32
      %add3A_108 = arith.constant 1 : i32
      %add3A_109 = arith.addi %add3A_33, %add3A_108 : i32
      %lt3A = arith.constant 100 : i32
      %lt3A_110 = arith.cmpi slt, %add3A_109, %lt3A : i32
      %convert_element_type3A = arith.extui %lt3A_110 : i1 to i32
      %cond3A = arith.constant 0 : i32
      %cond3A_111 = arith.cmpi ne, %convert_element_type3A, %cond3A : i32
      scf.if %cond3A_111 {
        %add3A_134 = arith.constant 1 : i32
        %add3A_135 = arith.addi %add3A_33, %add3A_134 : i32
        %mul3A_136 = arith.constant 16 : i32
        %mul3A_137 = arith.muli %add3A_135, %mul3A_136 : i32
        %dma_start3A_138 = arith.constant 0 : i32
        %dma_start3A_139 = tpu.memref_slice %arg5[%add3A, %mul3A_137, %dma_start3A_138] : memref<32x1600x128xi32, #tpu.memory_space<hbm>> -> memref<1x16x128xi32, #tpu.memory_space<hbm>>
        %dma_start3A_140 = tpu.memref_squeeze %dma_start3A_139 : memref<1x16x128xi32, #tpu.memory_space<hbm>> -> memref<16x128xi32, #tpu.memory_space<hbm>>
        %dma_start3A_141 = arith.constant 0 : i32
        %dma_start3A_142 = tpu.memref_slice %arg5[%add3A, %mul3A_137, %dma_start3A_141] : memref<32x1600x128xi32, #tpu.memory_space<hbm>> -> memref<1x16x128xi32, #tpu.memory_space<hbm>>
        %dma_start3A_143 = tpu.memref_squeeze %dma_start3A_142 : memref<1x16x128xi32, #tpu.memory_space<hbm>> -> memref<16x128xi32, #tpu.memory_space<hbm>>
        tpu.enqueue_dma source(%dma_start3A_143 : memref<16x128xi32, #tpu.memory_space<hbm>>) target(%arg12 : memref<16x128xi32, #tpu.memory_space<vmem>>) target_semaphore(%arg20 : memref<!tpu.dma_semaphore, #tpu.memory_space<semaphore_mem>>)
        %dma_start3A_144 = arith.constant 0 : i32
        %dma_start3A_145 = tpu.memref_slice %arg6[%add3A, %mul3A_137, %dma_start3A_144] : memref<32x1600x128xi32, #tpu.memory_space<hbm>> -> memref<1x16x128xi32, #tpu.memory_space<hbm>>
        %dma_start3A_146 = tpu.memref_squeeze %dma_start3A_145 : memref<1x16x128xi32, #tpu.memory_space<hbm>> -> memref<16x128xi32, #tpu.memory_space<hbm>>
        %dma_start3A_147 = arith.constant 0 : i32
        %dma_start3A_148 = tpu.memref_slice %arg6[%add3A, %mul3A_137, %dma_start3A_147] : memref<32x1600x128xi32, #tpu.memory_space<hbm>> -> memref<1x16x128xi32, #tpu.memory_space<hbm>>
        %dma_start3A_149 = tpu.memref_squeeze %dma_start3A_148 : memref<1x16x128xi32, #tpu.memory_space<hbm>> -> memref<16x128xi32, #tpu.memory_space<hbm>>
        tpu.enqueue_dma source(%dma_start3A_149 : memref<16x128xi32, #tpu.memory_space<hbm>>) target(%arg13 : memref<16x128xi32, #tpu.memory_space<vmem>>) target_semaphore(%arg20 : memref<!tpu.dma_semaphore, #tpu.memory_space<semaphore_mem>>)
      } else {
      }
      %scan3A_112 = arith.constant 0 : i32
      %scan3A_113 = arith.constant 0 : i32
      %scan3A_114 = arith.constant 16 : i32
      %scan3A_115 = arith.addi %scan3A_113, %scan3A_114 : i32
      %scan3A_116 = arith.constant 1 : i32
      %scan3A_117 = scf.for %scan3A_134 = %scan3A_113 to %scan3A_115 step %scan3A_116 iter_args(%scan3A_135 = %scan3A_112) -> (i32)  : i32 {
        %dma_wait3A_136 = arith.constant 0 : i32
        %dma_wait3A_137 = tpu.memref_slice %arg18[%scan3A_134, %dma_wait3A_136] : memref<16x128xf32, #tpu.memory_space<vmem>> -> memref<1x128xf32, #tpu.memory_space<vmem>>
        %dma_wait3A_138 = tpu.memref_squeeze %dma_wait3A_137 : memref<1x128xf32, #tpu.memory_space<vmem>> -> memref<128xf32, #tpu.memory_space<vmem>>
        %dma_wait3A_139 = arith.constant 0 : i32
        %dma_wait3A_140 = tpu.memref_slice %arg14[%scan3A_134, %dma_wait3A_139] : memref<16x128xi32, #tpu.memory_space<vmem>> -> memref<1x128xi32, #tpu.memory_space<vmem>>
        %dma_wait3A_141 = tpu.memref_squeeze %dma_wait3A_140 : memref<1x128xi32, #tpu.memory_space<vmem>> -> memref<128xi32, #tpu.memory_space<vmem>>
        %dma_wait3A_142 = arith.constant 0 : i32
        %dma_wait3A_143 = tpu.memref_slice %arg8[%dma_wait3A_142] : memref<100352xf32, #tpu.memory_space<vmem_shared>> -> memref<100352xf32, #tpu.memory_space<vmem_shared>>
        tpu.wait_indirect_dma semaphore(%arg21 : memref<!tpu.dma_semaphore, #tpu.memory_space<semaphore_mem>>) src(%dma_wait3A_143 : memref<100352xf32, #tpu.memory_space<vmem_shared>>) dst(%dma_wait3A_138 : memref<128xf32, #tpu.memory_space<vmem>>)
        %dma_wait3A_144 = arith.constant 0 : i32
        %dma_wait3A_145 = tpu.memref_slice %arg19[%scan3A_134, %dma_wait3A_144] : memref<16x128xf32, #tpu.memory_space<vmem>> -> memref<1x128xf32, #tpu.memory_space<vmem>>
        %dma_wait3A_146 = tpu.memref_squeeze %dma_wait3A_145 : memref<1x128xf32, #tpu.memory_space<vmem>> -> memref<128xf32, #tpu.memory_space<vmem>>
        %dma_wait3A_147 = arith.constant 0 : i32
        %dma_wait3A_148 = tpu.memref_slice %arg14[%scan3A_134, %dma_wait3A_147] : memref<16x128xi32, #tpu.memory_space<vmem>> -> memref<1x128xi32, #tpu.memory_space<vmem>>
        %dma_wait3A_149 = tpu.memref_squeeze %dma_wait3A_148 : memref<1x128xi32, #tpu.memory_space<vmem>> -> memref<128xi32, #tpu.memory_space<vmem>>
        %dma_wait3A_150 = arith.constant 0 : i32
        %dma_wait3A_151 = tpu.memref_slice %arg9[%dma_wait3A_150] : memref<100352xf32, #tpu.memory_space<vmem_shared>> -> memref<100352xf32, #tpu.memory_space<vmem_shared>>
        tpu.wait_indirect_dma semaphore(%arg21 : memref<!tpu.dma_semaphore, #tpu.memory_space<semaphore_mem>>) src(%dma_wait3A_151 : memref<100352xf32, #tpu.memory_space<vmem_shared>>) dst(%dma_wait3A_146 : memref<128xf32, #tpu.memory_space<vmem>>)
        %scan3A_152 = arith.constant 0 : i32
        scf.yield %scan3A_152 : i32
      }
      %scan3A_118 = arith.constant 16 : i32
      %scan3A_119 = arith.constant 0 : i32
      %scan3A_120 = arith.constant 0 : i32
      %scan3A_121 = arith.constant 16 : i32
      %scan3A_122 = arith.addi %scan3A_120, %scan3A_121 : i32
      %scan3A_123 = arith.constant 1 : i32
      %scan3A_124 = scf.for %scan3A_134 = %scan3A_120 to %scan3A_122 step %scan3A_123 iter_args(%scan3A_135 = %scan3A_119) -> (i32)  : i32 {
        %dma_start3A_136 = arith.constant 0 : i32
        %dma_start3A_137 = tpu.memref_slice %arg18[%scan3A_134, %dma_start3A_136] : memref<16x128xf32, #tpu.memory_space<vmem>> -> memref<1x128xf32, #tpu.memory_space<vmem>>
        %dma_start3A_138 = tpu.memref_squeeze %dma_start3A_137 : memref<1x128xf32, #tpu.memory_space<vmem>> -> memref<128xf32, #tpu.memory_space<vmem>>
        %dma_start3A_139 = arith.constant 0 : i32
        %dma_start3A_140 = tpu.memref_slice %arg15[%scan3A_134, %dma_start3A_139] : memref<16x128xi32, #tpu.memory_space<vmem>> -> memref<1x128xi32, #tpu.memory_space<vmem>>
        %dma_start3A_141 = tpu.memref_squeeze %dma_start3A_140 : memref<1x128xi32, #tpu.memory_space<vmem>> -> memref<128xi32, #tpu.memory_space<vmem>>
        %dma_start3A_142 = arith.constant 0 : i32
        %dma_start3A_143 = tpu.memref_slice %arg10[%dma_start3A_142] : memref<100352xf32, #tpu.memory_space<vmem_shared>> -> memref<100352xf32, #tpu.memory_space<vmem_shared>>
        tpu.enqueue_indirect_dma source(%dma_start3A_138 : memref<128xf32, #tpu.memory_space<vmem>>) target(%dma_start3A_143 : memref<100352xf32, #tpu.memory_space<vmem_shared>>) offsets(%dma_start3A_141 : memref<128xi32, #tpu.memory_space<vmem>>) semaphore(%arg22 : memref<!tpu.dma_semaphore, #tpu.memory_space<semaphore_mem>>) {add = true}
        %dma_start3A_144 = arith.constant 0 : i32
        %dma_start3A_145 = tpu.memref_slice %arg19[%scan3A_134, %dma_start3A_144] : memref<16x128xf32, #tpu.memory_space<vmem>> -> memref<1x128xf32, #tpu.memory_space<vmem>>
        %dma_start3A_146 = tpu.memref_squeeze %dma_start3A_145 : memref<1x128xf32, #tpu.memory_space<vmem>> -> memref<128xf32, #tpu.memory_space<vmem>>
        %dma_start3A_147 = arith.constant 0 : i32
        %dma_start3A_148 = tpu.memref_slice %arg15[%scan3A_134, %dma_start3A_147] : memref<16x128xi32, #tpu.memory_space<vmem>> -> memref<1x128xi32, #tpu.memory_space<vmem>>
        %dma_start3A_149 = tpu.memref_squeeze %dma_start3A_148 : memref<1x128xi32, #tpu.memory_space<vmem>> -> memref<128xi32, #tpu.memory_space<vmem>>
        %dma_start3A_150 = arith.constant 0 : i32
        %dma_start3A_151 = tpu.memref_slice %arg11[%dma_start3A_150] : memref<100352xf32, #tpu.memory_space<vmem_shared>> -> memref<100352xf32, #tpu.memory_space<vmem_shared>>
        tpu.enqueue_indirect_dma source(%dma_start3A_146 : memref<128xf32, #tpu.memory_space<vmem>>) target(%dma_start3A_151 : memref<100352xf32, #tpu.memory_space<vmem_shared>>) offsets(%dma_start3A_149 : memref<128xi32, #tpu.memory_space<vmem>>) semaphore(%arg22 : memref<!tpu.dma_semaphore, #tpu.memory_space<semaphore_mem>>) {add = true}
        %scan3A_152 = arith.constant 0 : i32
        scf.yield %scan3A_152 : i32
      }
      %scan3A_125 = arith.constant 16 : i32
      %scan3A_126 = arith.constant 0 : i32
      %scan3A_127 = arith.constant 0 : i32
      %scan3A_128 = arith.constant 16 : i32
      %scan3A_129 = arith.addi %scan3A_127, %scan3A_128 : i32
      %scan3A_130 = arith.constant 1 : i32
      %scan3A_131 = scf.for %scan3A_134 = %scan3A_127 to %scan3A_129 step %scan3A_130 iter_args(%scan3A_135 = %scan3A_126) -> (i32)  : i32 {
        %dma_wait3A_136 = arith.constant 0 : i32
        %dma_wait3A_137 = tpu.memref_slice %arg18[%scan3A_134, %dma_wait3A_136] : memref<16x128xf32, #tpu.memory_space<vmem>> -> memref<1x128xf32, #tpu.memory_space<vmem>>
        %dma_wait3A_138 = tpu.memref_squeeze %dma_wait3A_137 : memref<1x128xf32, #tpu.memory_space<vmem>> -> memref<128xf32, #tpu.memory_space<vmem>>
        %dma_wait3A_139 = arith.constant 0 : i32
        %dma_wait3A_140 = tpu.memref_slice %arg15[%scan3A_134, %dma_wait3A_139] : memref<16x128xi32, #tpu.memory_space<vmem>> -> memref<1x128xi32, #tpu.memory_space<vmem>>
        %dma_wait3A_141 = tpu.memref_squeeze %dma_wait3A_140 : memref<1x128xi32, #tpu.memory_space<vmem>> -> memref<128xi32, #tpu.memory_space<vmem>>
        %dma_wait3A_142 = arith.constant 0 : i32
        %dma_wait3A_143 = tpu.memref_slice %arg10[%dma_wait3A_142] : memref<100352xf32, #tpu.memory_space<vmem_shared>> -> memref<100352xf32, #tpu.memory_space<vmem_shared>>
        tpu.wait_indirect_dma semaphore(%arg22 : memref<!tpu.dma_semaphore, #tpu.memory_space<semaphore_mem>>) src(%dma_wait3A_138 : memref<128xf32, #tpu.memory_space<vmem>>) dst(%dma_wait3A_143 : memref<100352xf32, #tpu.memory_space<vmem_shared>>)
        %dma_wait3A_144 = arith.constant 0 : i32
        %dma_wait3A_145 = tpu.memref_slice %arg19[%scan3A_134, %dma_wait3A_144] : memref<16x128xf32, #tpu.memory_space<vmem>> -> memref<1x128xf32, #tpu.memory_space<vmem>>
        %dma_wait3A_146 = tpu.memref_squeeze %dma_wait3A_145 : memref<1x128xf32, #tpu.memory_space<vmem>> -> memref<128xf32, #tpu.memory_space<vmem>>
        %dma_wait3A_147 = arith.constant 0 : i32
        %dma_wait3A_148 = tpu.memref_slice %arg15[%scan3A_134, %dma_wait3A_147] : memref<16x128xi32, #tpu.memory_space<vmem>> -> memref<1x128xi32, #tpu.memory_space<vmem>>
        %dma_wait3A_149 = tpu.memref_squeeze %dma_wait3A_148 : memref<1x128xi32, #tpu.memory_space<vmem>> -> memref<128xi32, #tpu.memory_space<vmem>>
        %dma_wait3A_150 = arith.constant 0 : i32
        %dma_wait3A_151 = tpu.memref_slice %arg11[%dma_wait3A_150] : memref<100352xf32, #tpu.memory_space<vmem_shared>> -> memref<100352xf32, #tpu.memory_space<vmem_shared>>
        tpu.wait_indirect_dma semaphore(%arg22 : memref<!tpu.dma_semaphore, #tpu.memory_space<semaphore_mem>>) src(%dma_wait3A_146 : memref<128xf32, #tpu.memory_space<vmem>>) dst(%dma_wait3A_151 : memref<100352xf32, #tpu.memory_space<vmem_shared>>)
        %scan3A_152 = arith.constant 0 : i32
        scf.yield %scan3A_152 : i32
      }
      %scan3A_132 = arith.constant 16 : i32
      %scan3A_133 = arith.constant 0 : i32
      scf.yield %scan3A_133 : i32
    }
    %scan3A_23 = arith.constant 50 : i32
    %barrier3A_24 = arith.constant 0 : index
    tpu.barrier barrier_id(%barrier3A_24)
    %run_scoped3A = arith.constant 0 : i32
    "tpu.region"() ({
      %run_scoped3A_26 = tpu.sem_alloc : memref<!tpu.dma_semaphore, #tpu.memory_space<semaphore_mem>>
      %dma_start3A_27 = tpu.memref_slice %arg7[%arg0, %run_scoped3A, %mul3A_2] : memref<2x2x100352xf32, #tpu.memory_space<hbm>> -> memref<1x1x6272xf32, #tpu.memory_space<hbm>>
      %dma_start3A_28 = tpu.memref_squeeze %dma_start3A_27 : memref<1x1x6272xf32, #tpu.memory_space<hbm>> -> memref<6272xf32, #tpu.memory_space<hbm>>
      %dma_start3A_29 = tpu.memref_slice %arg10[%mul3A_2] : memref<100352xf32, #tpu.memory_space<vmem_shared>> -> memref<6272xf32, #tpu.memory_space<vmem_shared>>
      tpu.enqueue_dma source(%dma_start3A_29 : memref<6272xf32, #tpu.memory_space<vmem_shared>>) target(%dma_start3A_28 : memref<6272xf32, #tpu.memory_space<hbm>>) target_semaphore(%run_scoped3A_26 : memref<!tpu.dma_semaphore, #tpu.memory_space<semaphore_mem>>)
      %dma_wait3A = tpu.memref_slice %arg7[%arg0, %run_scoped3A, %mul3A_2] : memref<2x2x100352xf32, #tpu.memory_space<hbm>> -> memref<1x1x6272xf32, #tpu.memory_space<hbm>>
      %dma_wait3A_30 = tpu.memref_squeeze %dma_wait3A : memref<1x1x6272xf32, #tpu.memory_space<hbm>> -> memref<6272xf32, #tpu.memory_space<hbm>>
      %dma_wait3A_31 = tpu.memref_slice %arg10[%mul3A_2] : memref<100352xf32, #tpu.memory_space<vmem_shared>> -> memref<6272xf32, #tpu.memory_space<vmem_shared>>
      tpu.wait_dma2 semaphore(%run_scoped3A_26 : memref<!tpu.dma_semaphore, #tpu.memory_space<semaphore_mem>>) src(%dma_wait3A_31 : memref<6272xf32, #tpu.memory_space<vmem_shared>>) dst(%dma_wait3A_30 : memref<6272xf32, #tpu.memory_space<hbm>>)
      tpu.yield
    }) : () -> ()
    %run_scoped3A_25 = arith.constant 1 : i32
    "tpu.region"() ({
      %run_scoped3A_26 = tpu.sem_alloc : memref<!tpu.dma_semaphore, #tpu.memory_space<semaphore_mem>>
      %dma_start3A_27 = tpu.memref_slice %arg7[%arg0, %run_scoped3A_25, %mul3A_2] : memref<2x2x100352xf32, #tpu.memory_space<hbm>> -> memref<1x1x6272xf32, #tpu.memory_space<hbm>>
      %dma_start3A_28 = tpu.memref_squeeze %dma_start3A_27 : memref<1x1x6272xf32, #tpu.memory_space<hbm>> -> memref<6272xf32, #tpu.memory_space<hbm>>
      %dma_start3A_29 = tpu.memref_slice %arg11[%mul3A_2] : memref<100352xf32, #tpu.memory_space<vmem_shared>> -> memref<6272xf32, #tpu.memory_space<vmem_shared>>
      tpu.enqueue_dma source(%dma_start3A_29 : memref<6272xf32, #tpu.memory_space<vmem_shared>>) target(%dma_start3A_28 : memref<6272xf32, #tpu.memory_space<hbm>>) target_semaphore(%run_scoped3A_26 : memref<!tpu.dma_semaphore, #tpu.memory_space<semaphore_mem>>)
      %dma_wait3A = tpu.memref_slice %arg7[%arg0, %run_scoped3A_25, %mul3A_2] : memref<2x2x100352xf32, #tpu.memory_space<hbm>> -> memref<1x1x6272xf32, #tpu.memory_space<hbm>>
      %dma_wait3A_30 = tpu.memref_squeeze %dma_wait3A : memref<1x1x6272xf32, #tpu.memory_space<hbm>> -> memref<6272xf32, #tpu.memory_space<hbm>>
      %dma_wait3A_31 = tpu.memref_slice %arg11[%mul3A_2] : memref<100352xf32, #tpu.memory_space<vmem_shared>> -> memref<6272xf32, #tpu.memory_space<vmem_shared>>
      tpu.wait_dma2 semaphore(%run_scoped3A_26 : memref<!tpu.dma_semaphore, #tpu.memory_space<semaphore_mem>>) src(%dma_wait3A_31 : memref<6272xf32, #tpu.memory_space<vmem_shared>>) dst(%dma_wait3A_30 : memref<6272xf32, #tpu.memory_space<hbm>>)
      tpu.yield
    }) : () -> ()
    return
  }
}

module attributes {stable_mosaic.version = 14 : i64} {
  func.func @_dense1_body(%arg0: memref<2x784x128xf32, #tpu.memory_space<vmem>>, %arg1: memref<2x784x128xf32, #tpu.memory_space<vmem>>, %arg2: memref<784x128xf32, #tpu.memory_space<vmem>>, %arg3: memref<2x784x128xf32, #tpu.memory_space<vmem>>) attributes {dimension_semantics = [], scalar_prefetch = 0 : i64, scratch_operands = 0 : i64, tpu.core_type = #tpu.core_type<tc>} {
    %get3A = arith.constant 0 : index
    %get3A_0 = arith.constant 0 : index
    %get3A_1 = arith.constant 0 : index
    %get3A_2 = vector.load %arg0[%get3A, %get3A_0, %get3A_1] : memref<2x784x128xf32, #tpu.memory_space<vmem>>, vector<1x784x128xf32>
    %get3A_3 = vector.shape_cast %get3A_2 : vector<1x784x128xf32> to vector<784x128xf32>
    %get3A_4 = arith.constant 1 : index
    %get3A_5 = arith.constant 0 : index
    %get3A_6 = arith.constant 0 : index
    %get3A_7 = vector.load %arg0[%get3A_4, %get3A_5, %get3A_6] : memref<2x784x128xf32, #tpu.memory_space<vmem>>, vector<1x784x128xf32>
    %get3A_8 = vector.shape_cast %get3A_7 : vector<1x784x128xf32> to vector<784x128xf32>
    %add3A = arith.addf %get3A_3, %get3A_8 : vector<784x128xf32>
    %max3A = arith.constant 1.000000e+00 : f32
    %max3A_9 = vector.broadcast %max3A : f32 to vector<784x128xf32>
    %max3A_10 = arith.maximumf %add3A, %max3A_9 : vector<784x128xf32>
    %rsqrt3A = math.rsqrt %max3A_10 : vector<784x128xf32>
    %swap3A = arith.constant 0 : index
    %swap3A_11 = arith.constant 0 : index
    %swap3A_12 = vector.load %arg2[%swap3A, %swap3A_11] : memref<784x128xf32, #tpu.memory_space<vmem>>, vector<784x128xf32>
    tpu.vector_store %arg2[%swap3A, %swap3A_11], %rsqrt3A {strides = array<i32>} : memref<784x128xf32, #tpu.memory_space<vmem>>, vector<784x128xf32>,
    %get3A_13 = arith.constant 0 : index
    %get3A_14 = arith.constant 0 : index
    %get3A_15 = arith.constant 0 : index
    %get3A_16 = vector.load %arg1[%get3A_13, %get3A_14, %get3A_15] : memref<2x784x128xf32, #tpu.memory_space<vmem>>, vector<1x784x128xf32>
    %get3A_17 = vector.shape_cast %get3A_16 : vector<1x784x128xf32> to vector<784x128xf32>
    %mul3A = arith.mulf %get3A_17, %rsqrt3A : vector<784x128xf32>
    %swap3A_18 = arith.constant 0 : index
    %swap3A_19 = arith.constant 0 : index
    %swap3A_20 = arith.constant 0 : index
    %swap3A_21 = vector.load %arg3[%swap3A_18, %swap3A_19, %swap3A_20] : memref<2x784x128xf32, #tpu.memory_space<vmem>>, vector<1x784x128xf32>
    %swap3A_22 = vector.shape_cast %swap3A_21 : vector<1x784x128xf32> to vector<784x128xf32>
    %swap3A_23 = vector.shape_cast %mul3A : vector<784x128xf32> to vector<1x784x128xf32>
    tpu.vector_store %arg3[%swap3A_18, %swap3A_19, %swap3A_20], %swap3A_23 {strides = array<i32>} : memref<2x784x128xf32, #tpu.memory_space<vmem>>, vector<1x784x128xf32>,
    %get3A_24 = arith.constant 1 : index
    %get3A_25 = arith.constant 0 : index
    %get3A_26 = arith.constant 0 : index
    %get3A_27 = vector.load %arg1[%get3A_24, %get3A_25, %get3A_26] : memref<2x784x128xf32, #tpu.memory_space<vmem>>, vector<1x784x128xf32>
    %get3A_28 = vector.shape_cast %get3A_27 : vector<1x784x128xf32> to vector<784x128xf32>
    %mul3A_29 = arith.mulf %get3A_28, %rsqrt3A : vector<784x128xf32>
    %swap3A_30 = arith.constant 1 : index
    %swap3A_31 = arith.constant 0 : index
    %swap3A_32 = arith.constant 0 : index
    %swap3A_33 = vector.load %arg3[%swap3A_30, %swap3A_31, %swap3A_32] : memref<2x784x128xf32, #tpu.memory_space<vmem>>, vector<1x784x128xf32>
    %swap3A_34 = vector.shape_cast %swap3A_33 : vector<1x784x128xf32> to vector<784x128xf32>
    %swap3A_35 = vector.shape_cast %mul3A_29 : vector<784x128xf32> to vector<1x784x128xf32>
    tpu.vector_store %arg3[%swap3A_30, %swap3A_31, %swap3A_32], %swap3A_35 {strides = array<i32>} : memref<2x784x128xf32, #tpu.memory_space<vmem>>, vector<1x784x128xf32>,
    return
  }
}

module attributes {stable_mosaic.version = 14 : i64} {
  func.func @_dense2_body(%arg0: memref<2x2x784x128xf32, #tpu.memory_space<vmem>>, %arg1: memref<784x128xf32, #tpu.memory_space<vmem>>, %arg2: memref<2x8xf32, #tpu.memory_space<smem>>, %arg3: memref<8xf32, #tpu.memory_space<smem>>, %arg4: memref<8x2xf32, #tpu.memory_space<smem>>, %arg5: memref<2x784x128xf32, #tpu.memory_space<vmem>>) attributes {dimension_semantics = [], scalar_prefetch = 0 : i64, scratch_operands = 0 : i64, tpu.core_type = #tpu.core_type<tc>} {
    %get3A = arith.constant 0 : index
    %get3A_0 = arith.constant 0 : index
    %get3A_1 = vector.load %arg1[%get3A, %get3A_0] : memref<784x128xf32, #tpu.memory_space<vmem>>, vector<784x128xf32>
    %get3A_2 = arith.constant 0 : index
    %get3A_3 = arith.constant 0 : index
    %get3A_4 = arith.constant 0 : index
    %get3A_5 = arith.constant 0 : index
    %get3A_6 = vector.load %arg0[%get3A_2, %get3A_3, %get3A_4, %get3A_5] : memref<2x2x784x128xf32, #tpu.memory_space<vmem>>, vector<1x1x784x128xf32>
    %get3A_7 = vector.shape_cast %get3A_6 : vector<1x1x784x128xf32> to vector<784x128xf32>
    %get3A_8 = arith.constant 1 : index
    %get3A_9 = arith.constant 0 : index
    %get3A_10 = arith.constant 0 : index
    %get3A_11 = arith.constant 0 : index
    %get3A_12 = vector.load %arg0[%get3A_8, %get3A_9, %get3A_10, %get3A_11] : memref<2x2x784x128xf32, #tpu.memory_space<vmem>>, vector<1x1x784x128xf32>
    %get3A_13 = vector.shape_cast %get3A_12 : vector<1x1x784x128xf32> to vector<784x128xf32>
    %add3A = arith.addf %get3A_7, %get3A_13 : vector<784x128xf32>
    %mul3A = arith.mulf %add3A, %get3A_1 : vector<784x128xf32>
    %get3A_14 = arith.constant 0 : index
    %get3A_15 = arith.constant 1 : index
    %get3A_16 = arith.constant 0 : index
    %get3A_17 = arith.constant 0 : index
    %get3A_18 = vector.load %arg0[%get3A_14, %get3A_15, %get3A_16, %get3A_17] : memref<2x2x784x128xf32, #tpu.memory_space<vmem>>, vector<1x1x784x128xf32>
    %get3A_19 = vector.shape_cast %get3A_18 : vector<1x1x784x128xf32> to vector<784x128xf32>
    %get3A_20 = arith.constant 1 : index
    %get3A_21 = arith.constant 1 : index
    %get3A_22 = arith.constant 0 : index
    %get3A_23 = arith.constant 0 : index
    %get3A_24 = vector.load %arg0[%get3A_20, %get3A_21, %get3A_22, %get3A_23] : memref<2x2x784x128xf32, #tpu.memory_space<vmem>>, vector<1x1x784x128xf32>
    %get3A_25 = vector.shape_cast %get3A_24 : vector<1x1x784x128xf32> to vector<784x128xf32>
    %add3A_26 = arith.addf %get3A_19, %get3A_25 : vector<784x128xf32>
    %mul3A_27 = arith.mulf %add3A_26, %get3A_1 : vector<784x128xf32>
    %broadcast_in_dim3A = arith.constant 0.000000e+00 : f32
    %broadcast_in_dim3A_28 = vector.broadcast %broadcast_in_dim3A : f32 to vector<784x128xf32>
    %broadcast_in_dim3A_29 = arith.constant 0.000000e+00 : f32
    %broadcast_in_dim3A_30 = vector.broadcast %broadcast_in_dim3A_29 : f32 to vector<784x128xf32>
    %get3A_31 = arith.constant 0 : index
    %get3A_32 = arith.constant 0 : index
    %get3A_33 = memref.load %arg2[%get3A_31, %get3A_32] : memref<2x8xf32, #tpu.memory_space<smem>>
    %mul3A_34 = vector.broadcast %get3A_33 : f32 to vector<784x128xf32>
    %mul3A_35 = arith.mulf %mul3A, %mul3A_34 : vector<784x128xf32>
    %get3A_36 = arith.constant 1 : index
    %get3A_37 = arith.constant 0 : index
    %get3A_38 = memref.load %arg2[%get3A_36, %get3A_37] : memref<2x8xf32, #tpu.memory_space<smem>>
    %mul3A_39 = vector.broadcast %get3A_38 : f32 to vector<784x128xf32>
    %mul3A_40 = arith.mulf %mul3A_27, %mul3A_39 : vector<784x128xf32>
    %add3A_41 = arith.addf %mul3A_35, %mul3A_40 : vector<784x128xf32>
    %get3A_42 = arith.constant 0 : index
    %get3A_43 = memref.load %arg3[%get3A_42] : memref<8xf32, #tpu.memory_space<smem>>
    %add3A_44 = vector.broadcast %get3A_43 : f32 to vector<784x128xf32>
    %add3A_45 = arith.addf %add3A_41, %add3A_44 : vector<784x128xf32>
    %max3A = arith.constant 0.000000e+00 : f32
    %max3A_46 = vector.broadcast %max3A : f32 to vector<784x128xf32>
    %max3A_47 = arith.maximumf %add3A_45, %max3A_46 : vector<784x128xf32>
    %get3A_48 = arith.constant 0 : index
    %get3A_49 = arith.constant 0 : index
    %get3A_50 = memref.load %arg4[%get3A_48, %get3A_49] : memref<8x2xf32, #tpu.memory_space<smem>>
    %mul3A_51 = vector.broadcast %get3A_50 : f32 to vector<784x128xf32>
    %mul3A_52 = arith.mulf %max3A_47, %mul3A_51 : vector<784x128xf32>
    %add3A_53 = arith.addf %broadcast_in_dim3A_28, %mul3A_52 : vector<784x128xf32>
    %get3A_54 = arith.constant 0 : index
    %get3A_55 = arith.constant 1 : index
    %get3A_56 = memref.load %arg4[%get3A_54, %get3A_55] : memref<8x2xf32, #tpu.memory_space<smem>>
    %mul3A_57 = vector.broadcast %get3A_56 : f32 to vector<784x128xf32>
    %mul3A_58 = arith.mulf %max3A_47, %mul3A_57 : vector<784x128xf32>
    %add3A_59 = arith.addf %broadcast_in_dim3A_30, %mul3A_58 : vector<784x128xf32>
    %get3A_60 = arith.constant 0 : index
    %get3A_61 = arith.constant 1 : index
    %get3A_62 = memref.load %arg2[%get3A_60, %get3A_61] : memref<2x8xf32, #tpu.memory_space<smem>>
    %mul3A_63 = vector.broadcast %get3A_62 : f32 to vector<784x128xf32>
    %mul3A_64 = arith.mulf %mul3A, %mul3A_63 : vector<784x128xf32>
    %get3A_65 = arith.constant 1 : index
    %get3A_66 = arith.constant 1 : index
    %get3A_67 = memref.load %arg2[%get3A_65, %get3A_66] : memref<2x8xf32, #tpu.memory_space<smem>>
    %mul3A_68 = vector.broadcast %get3A_67 : f32 to vector<784x128xf32>
    %mul3A_69 = arith.mulf %mul3A_27, %mul3A_68 : vector<784x128xf32>
    %add3A_70 = arith.addf %mul3A_64, %mul3A_69 : vector<784x128xf32>
    %get3A_71 = arith.constant 1 : index
    %get3A_72 = memref.load %arg3[%get3A_71] : memref<8xf32, #tpu.memory_space<smem>>
    %add3A_73 = vector.broadcast %get3A_72 : f32 to vector<784x128xf32>
    %add3A_74 = arith.addf %add3A_70, %add3A_73 : vector<784x128xf32>
    %max3A_75 = arith.constant 0.000000e+00 : f32
    %max3A_76 = vector.broadcast %max3A_75 : f32 to vector<784x128xf32>
    %max3A_77 = arith.maximumf %add3A_74, %max3A_76 : vector<784x128xf32>
    %get3A_78 = arith.constant 1 : index
    %get3A_79 = arith.constant 0 : index
    %get3A_80 = memref.load %arg4[%get3A_78, %get3A_79] : memref<8x2xf32, #tpu.memory_space<smem>>
    %mul3A_81 = vector.broadcast %get3A_80 : f32 to vector<784x128xf32>
    %mul3A_82 = arith.mulf %max3A_77, %mul3A_81 : vector<784x128xf32>
    %add3A_83 = arith.addf %add3A_53, %mul3A_82 : vector<784x128xf32>
    %get3A_84 = arith.constant 1 : index
    %get3A_85 = arith.constant 1 : index
    %get3A_86 = memref.load %arg4[%get3A_84, %get3A_85] : memref<8x2xf32, #tpu.memory_space<smem>>
    %mul3A_87 = vector.broadcast %get3A_86 : f32 to vector<784x128xf32>
    %mul3A_88 = arith.mulf %max3A_77, %mul3A_87 : vector<784x128xf32>
    %add3A_89 = arith.addf %add3A_59, %mul3A_88 : vector<784x128xf32>
    %get3A_90 = arith.constant 0 : index
    %get3A_91 = arith.constant 2 : index
    %get3A_92 = memref.load %arg2[%get3A_90, %get3A_91] : memref<2x8xf32, #tpu.memory_space<smem>>
    %mul3A_93 = vector.broadcast %get3A_92 : f32 to vector<784x128xf32>
    %mul3A_94 = arith.mulf %mul3A, %mul3A_93 : vector<784x128xf32>
    %get3A_95 = arith.constant 1 : index
    %get3A_96 = arith.constant 2 : index
    %get3A_97 = memref.load %arg2[%get3A_95, %get3A_96] : memref<2x8xf32, #tpu.memory_space<smem>>
    %mul3A_98 = vector.broadcast %get3A_97 : f32 to vector<784x128xf32>
    %mul3A_99 = arith.mulf %mul3A_27, %mul3A_98 : vector<784x128xf32>
    %add3A_100 = arith.addf %mul3A_94, %mul3A_99 : vector<784x128xf32>
    %get3A_101 = arith.constant 2 : index
    %get3A_102 = memref.load %arg3[%get3A_101] : memref<8xf32, #tpu.memory_space<smem>>
    %add3A_103 = vector.broadcast %get3A_102 : f32 to vector<784x128xf32>
    %add3A_104 = arith.addf %add3A_100, %add3A_103 : vector<784x128xf32>
    %max3A_105 = arith.constant 0.000000e+00 : f32
    %max3A_106 = vector.broadcast %max3A_105 : f32 to vector<784x128xf32>
    %max3A_107 = arith.maximumf %add3A_104, %max3A_106 : vector<784x128xf32>
    %get3A_108 = arith.constant 2 : index
    %get3A_109 = arith.constant 0 : index
    %get3A_110 = memref.load %arg4[%get3A_108, %get3A_109] : memref<8x2xf32, #tpu.memory_space<smem>>
    %mul3A_111 = vector.broadcast %get3A_110 : f32 to vector<784x128xf32>
    %mul3A_112 = arith.mulf %max3A_107, %mul3A_111 : vector<784x128xf32>
    %add3A_113 = arith.addf %add3A_83, %mul3A_112 : vector<784x128xf32>
    %get3A_114 = arith.constant 2 : index
    %get3A_115 = arith.constant 1 : index
    %get3A_116 = memref.load %arg4[%get3A_114, %get3A_115] : memref<8x2xf32, #tpu.memory_space<smem>>
    %mul3A_117 = vector.broadcast %get3A_116 : f32 to vector<784x128xf32>
    %mul3A_118 = arith.mulf %max3A_107, %mul3A_117 : vector<784x128xf32>
    %add3A_119 = arith.addf %add3A_89, %mul3A_118 : vector<784x128xf32>
    %get3A_120 = arith.constant 0 : index
    %get3A_121 = arith.constant 3 : index
    %get3A_122 = memref.load %arg2[%get3A_120, %get3A_121] : memref<2x8xf32, #tpu.memory_space<smem>>
    %mul3A_123 = vector.broadcast %get3A_122 : f32 to vector<784x128xf32>
    %mul3A_124 = arith.mulf %mul3A, %mul3A_123 : vector<784x128xf32>
    %get3A_125 = arith.constant 1 : index
    %get3A_126 = arith.constant 3 : index
    %get3A_127 = memref.load %arg2[%get3A_125, %get3A_126] : memref<2x8xf32, #tpu.memory_space<smem>>
    %mul3A_128 = vector.broadcast %get3A_127 : f32 to vector<784x128xf32>
    %mul3A_129 = arith.mulf %mul3A_27, %mul3A_128 : vector<784x128xf32>
    %add3A_130 = arith.addf %mul3A_124, %mul3A_129 : vector<784x128xf32>
    %get3A_131 = arith.constant 3 : index
    %get3A_132 = memref.load %arg3[%get3A_131] : memref<8xf32, #tpu.memory_space<smem>>
    %add3A_133 = vector.broadcast %get3A_132 : f32 to vector<784x128xf32>
    %add3A_134 = arith.addf %add3A_130, %add3A_133 : vector<784x128xf32>
    %max3A_135 = arith.constant 0.000000e+00 : f32
    %max3A_136 = vector.broadcast %max3A_135 : f32 to vector<784x128xf32>
    %max3A_137 = arith.maximumf %add3A_134, %max3A_136 : vector<784x128xf32>
    %get3A_138 = arith.constant 3 : index
    %get3A_139 = arith.constant 0 : index
    %get3A_140 = memref.load %arg4[%get3A_138, %get3A_139] : memref<8x2xf32, #tpu.memory_space<smem>>
    %mul3A_141 = vector.broadcast %get3A_140 : f32 to vector<784x128xf32>
    %mul3A_142 = arith.mulf %max3A_137, %mul3A_141 : vector<784x128xf32>
    %add3A_143 = arith.addf %add3A_113, %mul3A_142 : vector<784x128xf32>
    %get3A_144 = arith.constant 3 : index
    %get3A_145 = arith.constant 1 : index
    %get3A_146 = memref.load %arg4[%get3A_144, %get3A_145] : memref<8x2xf32, #tpu.memory_space<smem>>
    %mul3A_147 = vector.broadcast %get3A_146 : f32 to vector<784x128xf32>
    %mul3A_148 = arith.mulf %max3A_137, %mul3A_147 : vector<784x128xf32>
    %add3A_149 = arith.addf %add3A_119, %mul3A_148 : vector<784x128xf32>
    %get3A_150 = arith.constant 0 : index
    %get3A_151 = arith.constant 4 : index
    %get3A_152 = memref.load %arg2[%get3A_150, %get3A_151] : memref<2x8xf32, #tpu.memory_space<smem>>
    %mul3A_153 = vector.broadcast %get3A_152 : f32 to vector<784x128xf32>
    %mul3A_154 = arith.mulf %mul3A, %mul3A_153 : vector<784x128xf32>
    %get3A_155 = arith.constant 1 : index
    %get3A_156 = arith.constant 4 : index
    %get3A_157 = memref.load %arg2[%get3A_155, %get3A_156] : memref<2x8xf32, #tpu.memory_space<smem>>
    %mul3A_158 = vector.broadcast %get3A_157 : f32 to vector<784x128xf32>
    %mul3A_159 = arith.mulf %mul3A_27, %mul3A_158 : vector<784x128xf32>
    %add3A_160 = arith.addf %mul3A_154, %mul3A_159 : vector<784x128xf32>
    %get3A_161 = arith.constant 4 : index
    %get3A_162 = memref.load %arg3[%get3A_161] : memref<8xf32, #tpu.memory_space<smem>>
    %add3A_163 = vector.broadcast %get3A_162 : f32 to vector<784x128xf32>
    %add3A_164 = arith.addf %add3A_160, %add3A_163 : vector<784x128xf32>
    %max3A_165 = arith.constant 0.000000e+00 : f32
    %max3A_166 = vector.broadcast %max3A_165 : f32 to vector<784x128xf32>
    %max3A_167 = arith.maximumf %add3A_164, %max3A_166 : vector<784x128xf32>
    %get3A_168 = arith.constant 4 : index
    %get3A_169 = arith.constant 0 : index
    %get3A_170 = memref.load %arg4[%get3A_168, %get3A_169] : memref<8x2xf32, #tpu.memory_space<smem>>
    %mul3A_171 = vector.broadcast %get3A_170 : f32 to vector<784x128xf32>
    %mul3A_172 = arith.mulf %max3A_167, %mul3A_171 : vector<784x128xf32>
    %add3A_173 = arith.addf %add3A_143, %mul3A_172 : vector<784x128xf32>
    %get3A_174 = arith.constant 4 : index
    %get3A_175 = arith.constant 1 : index
    %get3A_176 = memref.load %arg4[%get3A_174, %get3A_175] : memref<8x2xf32, #tpu.memory_space<smem>>
    %mul3A_177 = vector.broadcast %get3A_176 : f32 to vector<784x128xf32>
    %mul3A_178 = arith.mulf %max3A_167, %mul3A_177 : vector<784x128xf32>
    %add3A_179 = arith.addf %add3A_149, %mul3A_178 : vector<784x128xf32>
    %get3A_180 = arith.constant 0 : index
    %get3A_181 = arith.constant 5 : index
    %get3A_182 = memref.load %arg2[%get3A_180, %get3A_181] : memref<2x8xf32, #tpu.memory_space<smem>>
    %mul3A_183 = vector.broadcast %get3A_182 : f32 to vector<784x128xf32>
    %mul3A_184 = arith.mulf %mul3A, %mul3A_183 : vector<784x128xf32>
    %get3A_185 = arith.constant 1 : index
    %get3A_186 = arith.constant 5 : index
    %get3A_187 = memref.load %arg2[%get3A_185, %get3A_186] : memref<2x8xf32, #tpu.memory_space<smem>>
    %mul3A_188 = vector.broadcast %get3A_187 : f32 to vector<784x128xf32>
    %mul3A_189 = arith.mulf %mul3A_27, %mul3A_188 : vector<784x128xf32>
    %add3A_190 = arith.addf %mul3A_184, %mul3A_189 : vector<784x128xf32>
    %get3A_191 = arith.constant 5 : index
    %get3A_192 = memref.load %arg3[%get3A_191] : memref<8xf32, #tpu.memory_space<smem>>
    %add3A_193 = vector.broadcast %get3A_192 : f32 to vector<784x128xf32>
    %add3A_194 = arith.addf %add3A_190, %add3A_193 : vector<784x128xf32>
    %max3A_195 = arith.constant 0.000000e+00 : f32
    %max3A_196 = vector.broadcast %max3A_195 : f32 to vector<784x128xf32>
    %max3A_197 = arith.maximumf %add3A_194, %max3A_196 : vector<784x128xf32>
    %get3A_198 = arith.constant 5 : index
    %get3A_199 = arith.constant 0 : index
    %get3A_200 = memref.load %arg4[%get3A_198, %get3A_199] : memref<8x2xf32, #tpu.memory_space<smem>>
    %mul3A_201 = vector.broadcast %get3A_200 : f32 to vector<784x128xf32>
    %mul3A_202 = arith.mulf %max3A_197, %mul3A_201 : vector<784x128xf32>
    %add3A_203 = arith.addf %add3A_173, %mul3A_202 : vector<784x128xf32>
    %get3A_204 = arith.constant 5 : index
    %get3A_205 = arith.constant 1 : index
    %get3A_206 = memref.load %arg4[%get3A_204, %get3A_205] : memref<8x2xf32, #tpu.memory_space<smem>>
    %mul3A_207 = vector.broadcast %get3A_206 : f32 to vector<784x128xf32>
    %mul3A_208 = arith.mulf %max3A_197, %mul3A_207 : vector<784x128xf32>
    %add3A_209 = arith.addf %add3A_179, %mul3A_208 : vector<784x128xf32>
    %get3A_210 = arith.constant 0 : index
    %get3A_211 = arith.constant 6 : index
    %get3A_212 = memref.load %arg2[%get3A_210, %get3A_211] : memref<2x8xf32, #tpu.memory_space<smem>>
    %mul3A_213 = vector.broadcast %get3A_212 : f32 to vector<784x128xf32>
    %mul3A_214 = arith.mulf %mul3A, %mul3A_213 : vector<784x128xf32>
    %get3A_215 = arith.constant 1 : index
    %get3A_216 = arith.constant 6 : index
    %get3A_217 = memref.load %arg2[%get3A_215, %get3A_216] : memref<2x8xf32, #tpu.memory_space<smem>>
    %mul3A_218 = vector.broadcast %get3A_217 : f32 to vector<784x128xf32>
    %mul3A_219 = arith.mulf %mul3A_27, %mul3A_218 : vector<784x128xf32>
    %add3A_220 = arith.addf %mul3A_214, %mul3A_219 : vector<784x128xf32>
    %get3A_221 = arith.constant 6 : index
    %get3A_222 = memref.load %arg3[%get3A_221] : memref<8xf32, #tpu.memory_space<smem>>
    %add3A_223 = vector.broadcast %get3A_222 : f32 to vector<784x128xf32>
    %add3A_224 = arith.addf %add3A_220, %add3A_223 : vector<784x128xf32>
    %max3A_225 = arith.constant 0.000000e+00 : f32
    %max3A_226 = vector.broadcast %max3A_225 : f32 to vector<784x128xf32>
    %max3A_227 = arith.maximumf %add3A_224, %max3A_226 : vector<784x128xf32>
    %get3A_228 = arith.constant 6 : index
    %get3A_229 = arith.constant 0 : index
    %get3A_230 = memref.load %arg4[%get3A_228, %get3A_229] : memref<8x2xf32, #tpu.memory_space<smem>>
    %mul3A_231 = vector.broadcast %get3A_230 : f32 to vector<784x128xf32>
    %mul3A_232 = arith.mulf %max3A_227, %mul3A_231 : vector<784x128xf32>
    %add3A_233 = arith.addf %add3A_203, %mul3A_232 : vector<784x128xf32>
    %get3A_234 = arith.constant 6 : index
    %get3A_235 = arith.constant 1 : index
    %get3A_236 = memref.load %arg4[%get3A_234, %get3A_235] : memref<8x2xf32, #tpu.memory_space<smem>>
    %mul3A_237 = vector.broadcast %get3A_236 : f32 to vector<784x128xf32>
    %mul3A_238 = arith.mulf %max3A_227, %mul3A_237 : vector<784x128xf32>
    %add3A_239 = arith.addf %add3A_209, %mul3A_238 : vector<784x128xf32>
    %get3A_240 = arith.constant 0 : index
    %get3A_241 = arith.constant 7 : index
    %get3A_242 = memref.load %arg2[%get3A_240, %get3A_241] : memref<2x8xf32, #tpu.memory_space<smem>>
    %mul3A_243 = vector.broadcast %get3A_242 : f32 to vector<784x128xf32>
    %mul3A_244 = arith.mulf %mul3A, %mul3A_243 : vector<784x128xf32>
    %get3A_245 = arith.constant 1 : index
    %get3A_246 = arith.constant 7 : index
    %get3A_247 = memref.load %arg2[%get3A_245, %get3A_246] : memref<2x8xf32, #tpu.memory_space<smem>>
    %mul3A_248 = vector.broadcast %get3A_247 : f32 to vector<784x128xf32>
    %mul3A_249 = arith.mulf %mul3A_27, %mul3A_248 : vector<784x128xf32>
    %add3A_250 = arith.addf %mul3A_244, %mul3A_249 : vector<784x128xf32>
    %get3A_251 = arith.constant 7 : index
    %get3A_252 = memref.load %arg3[%get3A_251] : memref<8xf32, #tpu.memory_space<smem>>
    %add3A_253 = vector.broadcast %get3A_252 : f32 to vector<784x128xf32>
    %add3A_254 = arith.addf %add3A_250, %add3A_253 : vector<784x128xf32>
    %max3A_255 = arith.constant 0.000000e+00 : f32
    %max3A_256 = vector.broadcast %max3A_255 : f32 to vector<784x128xf32>
    %max3A_257 = arith.maximumf %add3A_254, %max3A_256 : vector<784x128xf32>
    %get3A_258 = arith.constant 7 : index
    %get3A_259 = arith.constant 0 : index
    %get3A_260 = memref.load %arg4[%get3A_258, %get3A_259] : memref<8x2xf32, #tpu.memory_space<smem>>
    %mul3A_261 = vector.broadcast %get3A_260 : f32 to vector<784x128xf32>
    %mul3A_262 = arith.mulf %max3A_257, %mul3A_261 : vector<784x128xf32>
    %add3A_263 = arith.addf %add3A_233, %mul3A_262 : vector<784x128xf32>
    %get3A_264 = arith.constant 7 : index
    %get3A_265 = arith.constant 1 : index
    %get3A_266 = memref.load %arg4[%get3A_264, %get3A_265] : memref<8x2xf32, #tpu.memory_space<smem>>
    %mul3A_267 = vector.broadcast %get3A_266 : f32 to vector<784x128xf32>
    %mul3A_268 = arith.mulf %max3A_257, %mul3A_267 : vector<784x128xf32>
    %add3A_269 = arith.addf %add3A_239, %mul3A_268 : vector<784x128xf32>
    %mul3A_270 = arith.mulf %add3A_263, %get3A_1 : vector<784x128xf32>
    %swap3A = arith.constant 0 : index
    %swap3A_271 = arith.constant 0 : index
    %swap3A_272 = arith.constant 0 : index
    %swap3A_273 = vector.load %arg5[%swap3A, %swap3A_271, %swap3A_272] : memref<2x784x128xf32, #tpu.memory_space<vmem>>, vector<1x784x128xf32>
    %swap3A_274 = vector.shape_cast %swap3A_273 : vector<1x784x128xf32> to vector<784x128xf32>
    %swap3A_275 = vector.shape_cast %mul3A_270 : vector<784x128xf32> to vector<1x784x128xf32>
    tpu.vector_store %arg5[%swap3A, %swap3A_271, %swap3A_272], %swap3A_275 {strides = array<i32>} : memref<2x784x128xf32, #tpu.memory_space<vmem>>, vector<1x784x128xf32>,
    %mul3A_276 = arith.mulf %add3A_269, %get3A_1 : vector<784x128xf32>
    %swap3A_277 = arith.constant 1 : index
    %swap3A_278 = arith.constant 0 : index
    %swap3A_279 = arith.constant 0 : index
    %swap3A_280 = vector.load %arg5[%swap3A_277, %swap3A_278, %swap3A_279] : memref<2x784x128xf32, #tpu.memory_space<vmem>>, vector<1x784x128xf32>
    %swap3A_281 = vector.shape_cast %swap3A_280 : vector<1x784x128xf32> to vector<784x128xf32>
    %swap3A_282 = vector.shape_cast %mul3A_276 : vector<784x128xf32> to vector<1x784x128xf32>
    tpu.vector_store %arg5[%swap3A_277, %swap3A_278, %swap3A_279], %swap3A_282 {strides = array<i32>} : memref<2x784x128xf32, #tpu.memory_space<vmem>>, vector<1x784x128xf32>,
    return
  }
}

module attributes {stable_mosaic.version = 14 : i64} {
  func.func @_fin_body(%arg0: memref<2x2x784x128xf32, #tpu.memory_space<vmem>>, %arg1: memref<784x128xf32, #tpu.memory_space<vmem>>, %arg2: memref<2x1x128xf32, #tpu.memory_space<vmem>>, %arg3: memref<2x784x128xf32, #tpu.memory_space<vmem>>) attributes {dimension_semantics = [], scalar_prefetch = 0 : i64, scratch_operands = 0 : i64, tpu.core_type = #tpu.core_type<tc>} {
    %get3A = arith.constant 0 : index
    %get3A_0 = arith.constant 0 : index
    %get3A_1 = vector.load %arg1[%get3A, %get3A_0] : memref<784x128xf32, #tpu.memory_space<vmem>>, vector<784x128xf32>
    %get3A_2 = arith.constant 0 : index
    %get3A_3 = arith.constant 0 : index
    %get3A_4 = arith.constant 0 : index
    %get3A_5 = arith.constant 0 : index
    %get3A_6 = vector.load %arg0[%get3A_2, %get3A_3, %get3A_4, %get3A_5] : memref<2x2x784x128xf32, #tpu.memory_space<vmem>>, vector<1x1x784x128xf32>
    %get3A_7 = vector.shape_cast %get3A_6 : vector<1x1x784x128xf32> to vector<784x128xf32>
    %get3A_8 = arith.constant 1 : index
    %get3A_9 = arith.constant 0 : index
    %get3A_10 = arith.constant 0 : index
    %get3A_11 = arith.constant 0 : index
    %get3A_12 = vector.load %arg0[%get3A_8, %get3A_9, %get3A_10, %get3A_11] : memref<2x2x784x128xf32, #tpu.memory_space<vmem>>, vector<1x1x784x128xf32>
    %get3A_13 = vector.shape_cast %get3A_12 : vector<1x1x784x128xf32> to vector<784x128xf32>
    %add3A = arith.addf %get3A_7, %get3A_13 : vector<784x128xf32>
    %mul3A = arith.mulf %add3A, %get3A_1 : vector<784x128xf32>
    %get3A_14 = arith.constant 0 : index
    %get3A_15 = arith.constant 0 : index
    %get3A_16 = arith.constant 0 : index
    %get3A_17 = vector.load %arg2[%get3A_14, %get3A_15, %get3A_16] : memref<2x1x128xf32, #tpu.memory_space<vmem>>, vector<1x1x128xf32>
    %get3A_18 = vector.shape_cast %get3A_17 : vector<1x1x128xf32> to vector<1x128xf32>
    %add3A_19 = vector.broadcast %get3A_18 : vector<1x128xf32> to vector<784x128xf32>
    %add3A_20 = arith.addf %mul3A, %add3A_19 : vector<784x128xf32>
    %swap3A = arith.constant 0 : index
    %swap3A_21 = arith.constant 0 : index
    %swap3A_22 = arith.constant 0 : index
    %swap3A_23 = vector.load %arg3[%swap3A, %swap3A_21, %swap3A_22] : memref<2x784x128xf32, #tpu.memory_space<vmem>>, vector<1x784x128xf32>
    %swap3A_24 = vector.shape_cast %swap3A_23 : vector<1x784x128xf32> to vector<784x128xf32>
    %swap3A_25 = vector.shape_cast %add3A_20 : vector<784x128xf32> to vector<1x784x128xf32>
    tpu.vector_store %arg3[%swap3A, %swap3A_21, %swap3A_22], %swap3A_25 {strides = array<i32>} : memref<2x784x128xf32, #tpu.memory_space<vmem>>, vector<1x784x128xf32>,
    %get3A_26 = arith.constant 0 : index
    %get3A_27 = arith.constant 1 : index
    %get3A_28 = arith.constant 0 : index
    %get3A_29 = arith.constant 0 : index
    %get3A_30 = vector.load %arg0[%get3A_26, %get3A_27, %get3A_28, %get3A_29] : memref<2x2x784x128xf32, #tpu.memory_space<vmem>>, vector<1x1x784x128xf32>
    %get3A_31 = vector.shape_cast %get3A_30 : vector<1x1x784x128xf32> to vector<784x128xf32>
    %get3A_32 = arith.constant 1 : index
    %get3A_33 = arith.constant 1 : index
    %get3A_34 = arith.constant 0 : index
    %get3A_35 = arith.constant 0 : index
    %get3A_36 = vector.load %arg0[%get3A_32, %get3A_33, %get3A_34, %get3A_35] : memref<2x2x784x128xf32, #tpu.memory_space<vmem>>, vector<1x1x784x128xf32>
    %get3A_37 = vector.shape_cast %get3A_36 : vector<1x1x784x128xf32> to vector<784x128xf32>
    %add3A_38 = arith.addf %get3A_31, %get3A_37 : vector<784x128xf32>
    %mul3A_39 = arith.mulf %add3A_38, %get3A_1 : vector<784x128xf32>
    %get3A_40 = arith.constant 1 : index
    %get3A_41 = arith.constant 0 : index
    %get3A_42 = arith.constant 0 : index
    %get3A_43 = vector.load %arg2[%get3A_40, %get3A_41, %get3A_42] : memref<2x1x128xf32, #tpu.memory_space<vmem>>, vector<1x1x128xf32>
    %get3A_44 = vector.shape_cast %get3A_43 : vector<1x1x128xf32> to vector<1x128xf32>
    %add3A_45 = vector.broadcast %get3A_44 : vector<1x128xf32> to vector<784x128xf32>
    %add3A_46 = arith.addf %mul3A_39, %add3A_45 : vector<784x128xf32>
    %swap3A_47 = arith.constant 1 : index
    %swap3A_48 = arith.constant 0 : index
    %swap3A_49 = arith.constant 0 : index
    %swap3A_50 = vector.load %arg3[%swap3A_47, %swap3A_48, %swap3A_49] : memref<2x784x128xf32, #tpu.memory_space<vmem>>, vector<1x784x128xf32>
    %swap3A_51 = vector.shape_cast %swap3A_50 : vector<1x784x128xf32> to vector<784x128xf32>
    %swap3A_52 = vector.shape_cast %add3A_46 : vector<784x128xf32> to vector<1x784x128xf32>
    tpu.vector_store %arg3[%swap3A_47, %swap3A_48, %swap3A_49], %swap3A_52 {strides = array<i32>} : memref<2x784x128xf32, #tpu.memory_space<vmem>>, vector<1x784x128xf32>,
    return
  }
}

</mosaic_0001>

<sc_bundles>
// kernel: kernel.11.cloned.1.call-start
scs
__scs_entry_jumppad:
0x0: {  	(pc) =	sbr.rel $0x88, $3  }
0x1: {  	(tag) =	ssettag $0x0;
	lr =	simm.s32 $0x1  }
0x2: {  	[smem:$0x3F9B] =	sst lr;
	_ =	strace $0xD0000000  }
0x3: {  	_ = 	snop  }
0x4: {  	_ = 	snop  }
0x5: {  	_ = 	snop  }
0x6: {  	_ = 	snop  }
0x7: {  	_ = 	snop  }
__scs_overlays_trampoline_lowered:
0x8: {  	[smem:$0x3FAA] =	sst s0  }
0x9: {  	[smem:$0x3FAB] =	sst s1  }
0xa: {  	[smem:$0x3FAC] =	sst s2  }
0xb: {  	[smem:$0x3FAD] =	sst s3  }
0xc: {  	[smem:$0x3FAE] =	sst s4  }
0xd: {  	[smem:$0x3FAF] =	sst s5  }
0xe: {  	[smem:$0x3FB0] =	sst s6  }
0xf: {  	[smem:$0x3FB1] =	sst s7  }
0x10: {  	[smem:$0x3FB2] =	sst s8  }
0x11: {  	[smem:$0x3FB3] =	sst s9;
	s0 =	simm.s32 @!p0 $0x0  }
0x12: {  	s1 =	sld [smem:$0x3F99];
	s0 =	simm.s32 @p0 $0x1  }
0x13: {  	[smem:$0x3FB4] =	sst s0;
	s0 =	simm.s32 @!p1 $0x0  }
0x14: {  	s2 =	sld [smem:$0x3F98];
	s0 =	simm.s32 @p1 $0x1  }
0x15: {  	[smem:$0x3FB5] =	sst s0;
	s0 =	simm.s32 @!p2 $0x0  }
0x16: {  	s3 =	sld [smem:$0x3FDB];
	s0 =	simm.s32 @p2 $0x1  }
0x17: {  	s4 =	simm.s32 $0x1BF5;
	[smem:$0x3FB7] =	sst s0  }
0x18: {  	s0 =	sld [smem:$0x3F9A];
	_ =	swait.ge [sflag:s4], $0x0  }
0x19: {  	s7 =	sld [smem:$0x3F9B]  }
0x1a: {  	s8 =	sadd.s32 $0xFFFFE003, lr  }
0x1b: {  	s9 =	sadd.s32 $0xFFFFFEF7, lr;
	s5 =	simm.s32 $0xFFFFFFFF;
	p2 =	slt.u32 s8, $0xFFFFF086  }
0x1c: {  	p1 =	slt.u32 s9, $0xF7A;
	s5 =	simm.s32 @!p2 $0x0  }
0x1d: {  	s5 =	simm.s32 @p1 $0x1;
	p0 =	seq.s32 s7, s2  }
0x1e: {  	s7 =	smul.u32 @!p0 $0xF7A, s2;
	p2 =	seq.s32 @!p0 s5, $0x0  }
0x1f: {  	s9 =	smul.u32 $0xF7A, s1;
	s8 =	simm.s32 @!p0 $0x1BF5;
	p2 =	por !p2, p0  }
0x20: {  	[sflag:s8] =	ssyncset.s32 @!p0 $0xFFFFF086;
	s6 =	sadd.s32 @!p0 s3, s7;
	s7 =	simm.s32 @!p0 $0x108  }
0x21: {  	s3 =	sadd.s32 s3, s9;
	s6 =	sadd.s32 @!p0 $0x88, s6;
	s7 =	simm.s32 @p2 $0x1082  }
0x22: {  	[simem:s7], [sflag:s8] =	dma.local @!p0 [hbm:s6], $0xF7A  }
0x23: {  	s9 =	sor.u32 $0xD0000000, s2;
	s6 =	simm.s32 $0x108;
	_ =	swait.ge @!p0 [sflag:s8], $0x0  }
0x24: {  	s3 =	sadd.s32 $0x88, s3;
	s6 =	simm.s32 @!p1 $0x1082;
	[sflag:s4] =	ssyncset.s32 $0xFFFFF086  }
0x25: {  	[simem:s6], [sflag:s4] =	dma.local [hbm:s3], $0xF7A  }
0x26: {  	[smem:$0x3F9B] =	sst s1;
	(tag) =	ssettag s2;
	_ =	strace s9  }
0x27: {  	s1 =	sld [smem:$0x3FAB]  }
0x28: {  	s2 =	sld [smem:$0x3FAC]  }
0x29: {  	s4 =	sld [smem:$0x3FAE]  }
0x2a: {  	p0 =	seq.s32 s5, $0x0;
	s5 =	sld [smem:$0x3FAF]  }
0x2b: {  	s6 =	sld [smem:$0x3FB0]  }
0x2c: {  	s7 =	sld [smem:$0x3FB1]  }
0x2d: {  	s3 =	simm.s32 $0x108;
	s8 =	sld [smem:$0x3FB2]  }
0x2e: {  	s3 =	simm.s32 @!p0 $0x1082;
	s9 =	sld [smem:$0x3FB3]  }
0x2f: {  	lr =	sadd.s32 s0, s3;
	s0 =	sld [smem:$0x3FAA]  }
0x30: {  	s3 =	sld [smem:$0x3FAD]  }
0x31: {  	[smem:$0x3FB6] =	sst s10  }
0x32: {  	s10 =	sld [smem:$0x3FB4];
	_ =	sdelay $0x3  }
0x33: {  	p0 =	seq.s32 s10, $0x1;
	s10 =	sld [smem:$0x3FB6];
	_ =	sdelay $0x3  }
0x34: {  	[smem:$0x3FB6] =	sst s10  }
0x35: {  	s10 =	sld [smem:$0x3FB5];
	_ =	sdelay $0x3  }
0x36: {  	p1 =	seq.s32 s10, $0x1;
	s10 =	sld [smem:$0x3FB6];
	_ =	sdelay $0x3  }
0x37: {  	[smem:$0x3FB6] =	sst s10  }
0x38: {  	s10 =	sld [smem:$0x3FB7]  }
0x39: {  	_ = 	snop;
	(pc) =	sbr.ind lr, $3  }
0x3a: {  	_ = 	snop  }
0x3b: {  	_ = 	snop  }
0x3c: {  	p2 =	seq.s32 s10, $0x1;
	s10 =	sld [smem:$0x3FB6]  }
0x3d: {  	_ =	shalt  }
0x3e: {  	_ =	shalt  }
0x3f: {  	_ =	shalt  }
0x40: {  	_ =	shalt  }
0x41: {  	_ =	shalt  }
0x42: {  	_ =	shalt  }
0x43: {  	_ =	shalt  }
0x44: {  	_ =	shalt  }
0x45: {  	_ =	shalt  }
0x46: {  	_ =	shalt  }
0x47: {  	_ =	shalt  }
0x48: {  	_ =	shalt  }
0x49: {  	_ =	shalt  }
0x4a: {  	_ =	shalt  }
0x4b: {  	_ =	shalt  }
0x4c: {  	_ =	shalt  }
0x4d: {  	_ =	shalt  }
0x4e: {  	_ =	shalt  }
0x4f: {  	_ =	shalt  }
0x50: {  	_ =	shalt  }
0x51: {  	_ =	shalt  }
0x52: {  	_ =	shalt  }
0x53: {  	_ =	shalt  }
0x54: {  	_ =	shalt  }
0x55: {  	_ =	shalt  }
0x56: {  	_ =	shalt  }
0x57: {  	_ =	shalt  }
0x58: {  	_ =	shalt  }
0x59: {  	_ =	shalt  }
0x5a: {  	_ =	shalt  }
0x5b: {  	_ =	shalt  }
0x5c: {  	_ =	shalt  }
0x5d: {  	_ =	shalt  }
0x5e: {  	_ =	shalt  }
0x5f: {  	_ =	shalt  }
0x60: {  	_ =	shalt  }
0x61: {  	_ =	shalt  }
0x62: {  	_ =	shalt  }
0x63: {  	_ =	shalt  }
0x64: {  	_ =	shalt  }
0x65: {  	_ =	shalt  }
0x66: {  	_ =	shalt  }
0x67: {  	_ =	shalt  }
0x68: {  	_ =	shalt  }
0x69: {  	_ =	shalt  }
0x6a: {  	_ =	shalt  }
0x6b: {  	_ =	shalt  }
0x6c: {  	_ =	shalt  }
0x6d: {  	_ =	shalt  }
0x6e: {  	_ =	shalt  }
0x6f: {  	_ =	shalt  }
0x70: {  	_ =	shalt  }
0x71: {  	_ =	shalt  }
0x72: {  	_ =	shalt  }
0x73: {  	_ =	shalt  }
0x74: {  	_ =	shalt  }
0x75: {  	_ =	shalt  }
0x76: {  	_ =	shalt  }
0x77: {  	_ =	shalt  }
0x78: {  	_ =	shalt  }
0x79: {  	_ =	shalt  }
0x7a: {  	_ =	shalt  }
0x7b: {  	_ =	shalt  }
0x7c: {  	_ =	shalt  }
0x7d: {  	_ =	shalt  }
0x7e: {  	_ =	shalt  }
0x7f: {  	_ =	shalt  }
0x80: {  	_ =	shalt  }
0x81: {  	_ =	shalt  }
0x82: {  	_ =	shalt  }
0x83: {  	_ =	shalt  }
0x84: {  	_ =	shalt  }
0x85: {  	_ =	shalt  }
0x86: {  	_ =	shalt  }
0x87: {  	_ =	shalt  }
.Lfunc_end0:
.L_simem_size_0:
called_computation.1_lowered:
.L_overlay_start_0:
0x88: {  	s2 =	sld [smem:$0x3FD9]  }
0x89: {  	s3 =	sld [smem:$0x3FFE];
	_ =	sdelay $0x1  }
0x8a: {  	s1 =	srdreg.scid  }
0x8b: {  	s0 =	sand.u32 $0x1, s1  }
0x8c: {  	s17 =	sshll.u32 s0, $0xA;
	s2 =	sadd.s32 s3, s2  }
0x8d: {  	s2 =	sadd.s32 s2, s17  }
0x8e: {  	[smem:$0x3FC2] =	sst s2  }
0x8f: {  	_ = 	snop  }
0x90: {  	s2 =	sld [smem:$0x3FD0];
	(tm) =	ssettm $0x1  }
0x91: {  	s18 =	sld [smem:$0x3FFB];
	_ =	sdelay $0x3  }
0x92: {  	_ =	strace s18  }
0x93: {  	s3 =	sld [smem:$0x3FFC];
	_ =	sdelay $0x3  }
0x94: {  	_ =	strace s3  }
0x95: {  	s3 =	sld [smem:$0x3FFD];
	_ =	sdelay $0x3  }
0x96: {  	_ =	strace s3  }
0x97: {  	_ =	strace $0x8FFFFFFF  }
0x98: {  	s19 =	sld [smem:$0x3FDB];
	_ =	sdelay $0x1  }
0x99: {  	s4 =	simm.s32 $_scs_section_size  }
0x9a: {  	s5 =	simm.s32 $_size__tile_overlayer_lowered;
	s6 =	simm.s32 $_tile_overlayer_lowered  }
0x9b: {  	s22 =	simm.s32 $0x1BFF;
	s21 =	sshll.u32 s6, $0x1;
	s3 =	sadd.s32 s4, s19  }
0x9c: {  	s7 =	simm.s32 $0x0;
	s20 =	sshll.u32 s5, $0x1;
	s5 =	sadd.s32 s21, s3  }
0x9d: {  	[timem:s7], [sflag:s22] =	dma.local [hbm:s5], s20  }
0x9e: {  	_ =	swait.ge [sflag:s22], s20  }
0x9f: {  	s4 =	ssub.s32 $0x0, s20;
	[sflag:s22] =	ssyncset.done $0x0  }
0xa0: {  	[sflag:s22] =	ssyncadd.s32 s4;
	_ =	sdelay $0x1  }
0xa1: {  	s23 =	simm.s32 $0x1B8B  }
0xa2: {  	_ =	swait.ge [sflag:s23], $0x1  }
0xa3: {  	[sflag:s23] =	ssyncset.done $0x0  }
0xa4: {  	s25 =	simm.s32 $0x1B8E;
	s24 =	sld [smem:$0x3FFE];
	[sflag:s23] =	ssyncadd.s32 $0xFFFFFFFF  }
0xa5: {  	s26 =	simm.s32 $execute0_lowered;
	[smem:$0x3FD2] =	sst s25  }
0xa6: {  	s5 =	sshll.u32 s26, $0x1;
	_ =	strace $0x80000049;
	[dreg:$0x1] =	wrdreg $0xFFFFFFFF  }
0xa7: {  	s28 =	simm.s32 $_size_execute0_lowered;
	s3 =	sadd.s32 s3, s5;
	[dreg:$0x0] =	wrdreg $0x0  }
0xa8: {  	s5 =	sshll.u32 s28, $0x1;
	[dreg:$0x2] =	wrdreg s3  }
0xa9: {  	[dreg:$0x3] =	wrdreg s5  }
0xaa: {  	[dreg:$0x4] =	wrdreg $0xC0  }
0xab: {  	_ =	task [dreg:s7], $0x5FFFF  }
0xac: {  	[dreg:$0x1] =	wrdreg $0xFFFFFFFF  }
0xad: {  	[dreg:$0x0] =	wrdreg $0x60  }
0xae: {  	[dreg:$0x2] =	wrdreg s2  }
0xaf: {  	[dreg:$0x3] =	wrdreg s24  }
0xb0: {  	[dreg:$0x4] =	wrdreg $0x0  }
0xb1: {  	[dreg:$0x5] =	wrdreg $0x18800  }
0xb2: {  	[dreg:$0x6] =	wrdreg $0x31000  }
0xb3: {  	[dreg:$0x7] =	wrdreg $0x49800  }
0xb4: {  	[dreg:$0x8] =	wrdreg $0x9  }
0xb5: {  	_ =	task.clear_ibuf [dreg:s7], $0x9FFFF;
	_ =	strace $0x90000049  }
0xb6: {  	s29 =	simm.s32 $0x9;
	_ =	strace $0x8000004B  }
0xb7: {  	_ =	swait.ge [sflag:s29], $0x1  }
0xb8: {  	[sflag:s29] =	ssyncadd.s32 $0xFFFFFFFF  }
0xb9: {  	_ =	strace $0x9000004B  }
0xba: {  	_ =	sfence  }
0xbb: {  	s30 =	sld [smem:$0x0];
	_ =	sdelay $0x2  }
0xbc: {  	s31 =	sshll.u32 s1, $0xD;
	s1 =	sshrl.u32 s1, $0x2  }
0xbd: {  	s3 =	sand.u32 $0x4000, s31;
	s1 =	sadd.s32 s1, s30  }
0xbe: {  	s0 =	sor.u32 s3, s0;
	s1 =	sshll.u32 s1, $0x11  }
0xbf: {  	s0 =	sor.u32 s1, s0  }
0xc0: {  	s0 =	sadd.s32 $0x8F2B, s0  }
0xc1: {  	[sflag:s0] =	ssyncadd.remote.s32 $0x1  }
0xc2: {  	_ =	sfence.sel $0xFFFF  }
0xc3: {  	[dreg:$0x0] =	wrdreg $0xFFFFFFFF;
	(pc) =	sbr.abs _section_cstart, $3  }
0xc4: {  	[dreg:$0x1] =	wrdreg $0xFFFFFFFF  }
0xc5: {  	_ =	task.clear_ibuf [dreg:s7], $0x2FFFF;
	_ =	strace $0x9FFFFFFF  }
0xc6: {  	(tm) =	ssettm $0x7FFFFFFF  }
0xc7: {  	_ =	shalt  }
tec
execute0_lowered:
.L_overlay_start_1:
0x0: {  	(tag) =	ssettag $0x1  }
0x1: {  	s0 =	rddreg [dreg:$0x0]  }
0x2: {  	s2 =	rddreg [dreg:$0x1]  }
0x3: {  	s1 =	rddreg [dreg:$0x2]  }
0x4: {  	s3 =	rddreg [dreg:$0x3]  }
0x5: {  	s4 =	rddreg [dreg:$0x4]  }
0x6: {  	s5 =	rddreg [dreg:$0x5]  }
0x7: {  	s15 =	stileid.u32;
	s7 =	srdreg.scid;
	s19 =	simm.s32 $0x0  }
0x8: {  	s31 =	simm.s32 $0x7A00;
	s28 =	simm.s32 $0x8A00;
	s30 =	simm.s32 $0x6280  }
0x9: {  	s29 =	simm.s32 $0x2;
	s6 =	smul.u32 $0x1880, s15;
	s7 =	sand.u32 $0x1, s7  }
0xa: {  	[smem:$0x7FF] =	sst s19;
	s11 =	sadd.s32 $0x18D800, s2;
	s24 =	smul.u32 $0x32000, s15  }
0xb: {  	s13 =	sadd.s32 $0xC5800, s2;
	s23 =	sshll.u32 s15, $0x6;
	s9 =	smul.u32 $0x31000, s7  }
0xc: {  	_ =	strace $0x8000004A;
	s12 =	ssub.s32 $0x2, s7;
	s22 =	sshll.u32 s7, $0x4  }
0xd: {  	s7 =	smul.u32 $0x320000, s7;
	s17 =	sor.u32 $0x1C04, s23;
	s8 =	sshrl.u32 s6, $0x3  }
0xe: {  	s14 =	sshrl.u32 s12, $0x1;
	s26 =	sadd.s32 s6, s4;
	[dreg:$0xc] =	wrdreg s17  }
0xf: {  	s10 =	sadd.s32 s8, s2;
	s9 =	sadd.s32 s6, s9;
	s0 =	sadd.s32 s0, s8  }
0x10: {  	[dreg:$0xe] =	wrdreg s26;
	s7 =	sadd.s32 s24, s7;
	s9 =	sshrl.u32 s9, $0x3  }
0x11: {  	[dreg:$0xb] =	wrdreg s0;
	s0 =	sadd.s32 s6, s3;
	s25 =	sadd.s32 $0x2200, s10  }
0x12: {  	s10 =	sadd.s32 $0x5400, s10;
	s16 =	sor.u32 $0x1000, s7;
	s7 =	sor.u32 $0x800, s7  }
0x13: {  	s2 =	sadd.s32 s9, s2;
	s9 =	ssub.s32 s12, s14;
	[dreg:$0xd] =	wrdreg s25  }
0x14: {  	s14 =	sadd.s32 s6, s1;
	[dreg:$0xf] =	wrdreg s10;
	s6 =	sadd.s32 s6, s5  }
0x15: {  	s20 =	sshrl.u32 s16, $0x3;
	s0 =	sshrl.u32 s0, $0x3;
	[dreg:$0x10] =	wrdreg s6  }
0x16: {  	s12 =	sor.u32 s15, s22;
	s21 =	sadd.s32 s20, s13;
	[dreg:$0x17] =	wrdreg s0  }
0x17: {  	s7 =	sshrl.u32 s7, $0x3;
	s22 =	sadd.s32 $0x8600, s2;
	[dreg:$0x7] =	wrdreg s21  }
0x18: {  	s10 =	simm.s32 $0x8B00;
	s6 =	sadd.s32 s20, s11;
	[dreg:$0x13] =	wrdreg s22  }
0x19: {  	s16 =	simm.s32 $0x8400;
	s2 =	sadd.s32 $0xB700, s2;
	[dreg:$0x8] =	wrdreg s6  }
0x1a: {  	s12 =	smul.u32 $0x32000, s12;
	s23 =	sadd.s32 s7, s13;
	[dreg:$0x14] =	wrdreg s2  }
0x1b: {  	s24 =	sadd.s32 s7, s11;
	s25 =	smax.u32 s9, $0x1;
	[dreg:$0x9] =	wrdreg s23  }
0x1c: {  	s26 =	sshrl.u32 s14, $0x3;
	s20 =	simm.s32 $0x6A00;
	[dreg:$0x15] =	wrdreg s25  }
0x1d: {  	s0 =	simm.s32 $0x8A80;
	s7 =	simm.s32 $0x6300;
	[dreg:$0xa] =	wrdreg s24  }
0x1e: {  	s9 =	simm.s32 $0x8300;
	s14 =	simm.s32 $0x8B80;
	[dreg:$0x16] =	wrdreg s26  }
0x1f: {  	s21 =	simm.s32 $0x6200;
	s23 =	simm.s32 $0x1;
	s25 =	simm.s32 $0x7200  }
0x20: {  	s26 =	simm.s32 $0x80;
	s22 =	simm.s32 $0x8200;
	s2 =	simm.s32 $0x8280  }
0x21: {  	s24 =	simm.s32 $0x8C00;
	s6 =	simm.s32 $0x3;
	s15 =	sshrl.u32 s12, $0x3  }
0x22: {  	s12 =	simm.s32 $0x6380;
	s18 =	sadd.s32 s11, s15;
	s8 =	sadd.s32 s13, s15  }
0x23: {  	s13 =	simm.s32 $0x8380;
	s15 =	simm.s32 $0x6400;
	[dreg:$0x11] =	wrdreg s18  }
0x24: {  	s11 =	simm.s32 $0x0;
	[dreg:$0x12] =	wrdreg s8;
	s18 =	simm.s32 $0x4  }
.LBB2_1:
0x25: {  	[dreg:$0x18] =	wrdreg s11  }
0x26: {  	s8 =	rddreg [dreg:$0xb]  }
0x27: {  	s11 =	rddreg [dreg:$0x16]  }
0x28: {  	[spmem:s11], [sflag:s17] =	dma.local [hbm:s8], $0x310  }
0x29: {  	_ =	swait.ge [sflag:s18], $0x310  }
0x2a: {  	[sflag:s18] =	ssyncset.done $0x0;
	s8 =	rddreg [dreg:$0xd]  }
0x2b: {  	s11 =	rddreg [dreg:$0x17];
	[sflag:s18] =	ssyncadd.s32 $0xFFFFFCF0  }
0x2c: {  	[spmem:s11], [sflag:s17] =	dma.local [hbm:s8], $0x310  }
0x2d: {  	_ =	swait.ge [sflag:s18], $0x310  }
0x2e: {  	s11 =	rddreg [dreg:$0xe]  }
0x2f: {  	[sflag:s18] =	ssyncset.done $0x0;
	s8 =	rddreg [dreg:$0xf];
	s11 =	sshrl.u32 s11, $0x3  }
0x30: {  	[sflag:s18] =	ssyncadd.s32 $0xFFFFFCF0;
	[dreg:$0x19] =	wrdreg s11  }
0x31: {  	[spmem:s11], [sflag:s17] =	dma.local [hbm:s8], $0x310  }
0x32: {  	_ =	swait.ge [sflag:s18], $0x310  }
0x33: {  	s11 =	rddreg [dreg:$0x10]  }
0x34: {  	[sflag:s18] =	ssyncset.done $0x0;
	s11 =	sshrl.u32 s11, $0x3  }
0x35: {  	[sflag:s18] =	ssyncadd.s32 $0xFFFFFCF0;
	[dreg:$0x1a] =	wrdreg s11  }
0x36: {  	[spmem:s11], [sflag:s17] =	dma.local [hbm:s8], $0x310  }
0x37: {  	_ =	swait.ge [sflag:s18], $0x310  }
0x38: {  	[sflag:s18] =	ssyncset.done $0x0  }
0x39: {  	[sflag:s18] =	ssyncadd.s32 $0xFFFFFCF0  }
0x3a: {  	[bflag:$0x0] =	sbarrier.arrive $0xFFFF  }
0x3b: {  	s11 =	rddreg [dreg:$0x11]  }
0x3c: {  	[tilespmem:s21], [sflag:$0x1] =	stream.linear.gather [hbm4b:s11+s19], $0x800, $0x38;
	[tilespmem:$0xA200] =	vst v63  }
0x3d: {  	s17 =	rddreg [dreg:$0x12]  }
0x3e: {  	[tilespmem:s20], [sflag:$0x1] =	stream.linear.gather [hbm4b:s17+s19], $0x800, $0x38;
	[tilespmem:$0xA200] =	vst v63  }
0x3f: {  	_ =	swait.ge [sflag:s23], $0x800  }
0x40: {  	[sflag:s23] =	ssyncset.done $0x0  }
0x41: {  	[sflag:s23] =	ssyncadd.s32 $0xFFFFF800  }
0x42: {  	_ =	swait.ge [sflag:s23], $0x800  }
0x43: {  	s18 =	rddreg [dreg:$0xa];
	[sflag:s23] =	ssyncset.done $0x0  }
0x44: {  	s8 =	rddreg [dreg:$0x9];
	[sflag:s23] =	ssyncadd.s32 $0xFFFFF800;
	s17 =	sadd.s32 $0x0, s18  }
0x45: {  	[tilespmem:s25], [sflag:$0x1] =	stream.linear.gather [hbm4b:s17+s19], $0x800, $0x38;
	[tilespmem:$0xA200] =	vst v63  }
0x46: {  	s11 =	sadd.s32 $0x0, s8  }
0x47: {  	[tilespmem:s31], [sflag:$0x1] =	stream.linear.gather [hbm4b:s11+s19], $0x800, $0x38;
	[tilespmem:$0xA200] =	vst v63  }
0x48: {  	_ = 	snop  }
0x49: {  	[tilespmem:s22], [sflag:$0x2] =	stream.indirect.gather [spmem:s1], $0x1, s21, s26, $0xb8;
	[tilespmem:$0xA200] =	vst v63  }
0x4a: {  	_ = 	snop  }
0x4b: {  	[tilespmem:s28], [sflag:$0x2] =	stream.indirect.gather [spmem:s3], $0x1, s21, s26, $0xb8;
	[tilespmem:$0xA200] =	vst v63  }
0x4c: {  	_ = 	snop  }
0x4d: {  	[tilespmem:s2], [sflag:$0x2] =	stream.indirect.gather [spmem:s1], $0x1, s30, s26, $0xb8;
	[tilespmem:$0xA200] =	vst v63  }
0x4e: {  	_ = 	snop  }
0x4f: {  	[tilespmem:s0], [sflag:$0x2] =	stream.indirect.gather [spmem:s3], $0x1, s30, s26, $0xb8;
	[tilespmem:$0xA200] =	vst v63  }
0x50: {  	_ = 	snop  }
0x51: {  	[tilespmem:s9], [sflag:$0x2] =	stream.indirect.gather [spmem:s1], $0x1, s7, s26, $0xb8;
	[tilespmem:$0xA200] =	vst v63  }
0x52: {  	_ = 	snop  }
0x53: {  	[tilespmem:s10], [sflag:$0x2] =	stream.indirect.gather [spmem:s3], $0x1, s7, s26, $0xb8;
	[tilespmem:$0xA200] =	vst v63  }
0x54: {  	_ = 	snop  }
0x55: {  	[tilespmem:s13], [sflag:$0x2] =	stream.indirect.gather [spmem:s1], $0x1, s12, s26, $0xb8;
	[tilespmem:$0xA200] =	vst v63  }
0x56: {  	_ = 	snop  }
0x57: {  	[tilespmem:s14], [sflag:$0x2] =	stream.indirect.gather [spmem:s3], $0x1, s12, s26, $0xb8;
	[tilespmem:$0xA200] =	vst v63  }
0x58: {  	_ = 	snop  }
0x59: {  	[tilespmem:s16], [sflag:$0x2] =	stream.indirect.gather [spmem:s1], $0x1, s15, s26, $0xb8;
	[tilespmem:$0xA200] =	vst v63  }
0x5a: {  	_ = 	snop  }
0x5b: {  	[tilespmem:s24], [sflag:$0x2] =	stream.indirect.gather [spmem:s3], $0x1, s15, s26, $0xb8;
	[tilespmem:$0xA200] =	vst v63  }
0x5c: {  	s8 =	simm.s32 $0x8480;
	s12 =	simm.s32 $0x6480  }
0x5d: {  	[tilespmem:s8], [sflag:$0x2] =	stream.indirect.gather [spmem:s1], $0x1, s12, s26, $0xb8;
	[tilespmem:$0xA200] =	vst v63  }
0x5e: {  	s15 =	simm.s32 $0x8C80  }
0x5f: {  	[tilespmem:s15], [sflag:$0x2] =	stream.indirect.gather [spmem:s3], $0x1, s12, s26, $0xb8;
	[tilespmem:$0xA200] =	vst v63  }
0x60: {  	s17 =	simm.s32 $0x6500;
	s12 =	simm.s32 $0x8500  }
0x61: {  	[tilespmem:s12], [sflag:$0x2] =	stream.indirect.gather [spmem:s1], $0x1, s17, s26, $0xb8;
	[tilespmem:$0xA200] =	vst v63  }
0x62: {  	s18 =	simm.s32 $0x8D00  }
0x63: {  	[tilespmem:s18], [sflag:$0x2] =	stream.indirect.gather [spmem:s3], $0x1, s17, s26, $0xb8;
	[tilespmem:$0xA200] =	vst v63  }
0x64: {  	s23 =	simm.s32 $0x6580;
	s17 =	simm.s32 $0x8580  }
0x65: {  	[tilespmem:s17], [sflag:$0x2] =	stream.indirect.gather [spmem:s1], $0x1, s23, s26, $0xb8;
	[tilespmem:$0xA200] =	vst v63  }
0x66: {  	s30 =	simm.s32 $0x8D80  }
0x67: {  	[tilespmem:s30], [sflag:$0x2] =	stream.indirect.gather [spmem:s3], $0x1, s23, s26, $0xb8;
	[tilespmem:$0xA200] =	vst v63  }
0x68: {  	s11 =	simm.s32 $0x6600;
	s30 =	simm.s32 $0x8600  }
0x69: {  	[tilespmem:s30], [sflag:$0x2] =	stream.indirect.gather [spmem:s1], $0x1, s11, s26, $0xb8;
	[tilespmem:$0xA200] =	vst v63  }
0x6a: {  	s15 =	simm.s32 $0x8E00  }
0x6b: {  	[tilespmem:s15], [sflag:$0x2] =	stream.indirect.gather [spmem:s3], $0x1, s11, s26, $0xb8;
	[tilespmem:$0xA200] =	vst v63  }
0x6c: {  	s18 =	simm.s32 $0x6680;
	s11 =	simm.s32 $0x8680  }
0x6d: {  	[tilespmem:s11], [sflag:$0x2] =	stream.indirect.gather [spmem:s1], $0x1, s18, s26, $0xb8;
	[tilespmem:$0xA200] =	vst v63  }
0x6e: {  	s23 =	simm.s32 $0x8E80  }
0x6f: {  	[tilespmem:s23], [sflag:$0x2] =	stream.indirect.gather [spmem:s3], $0x1, s18, s26, $0xb8;
	[tilespmem:$0xA200] =	vst v63  }
0x70: {  	s15 =	simm.s32 $0x8700;
	s18 =	simm.s32 $0x6700  }
0x71: {  	[tilespmem:s15], [sflag:$0x2] =	stream.indirect.gather [spmem:s1], $0x1, s18, s26, $0xb8;
	[tilespmem:$0xA200] =	vst v63  }
0x72: {  	s23 =	simm.s32 $0x8F00  }
0x73: {  	[tilespmem:s23], [sflag:$0x2] =	stream.indirect.gather [spmem:s3], $0x1, s18, s26, $0xb8;
	[tilespmem:$0xA200] =	vst v63  }
0x74: {  	s7 =	simm.s32 $0x6780;
	s18 =	simm.s32 $0x8780  }
0x75: {  	[tilespmem:s18], [sflag:$0x2] =	stream.indirect.gather [spmem:s1], $0x1, s7, s26, $0xb8;
	[tilespmem:$0xA200] =	vst v63  }
0x76: {  	s23 =	simm.s32 $0x8F80  }
0x77: {  	[tilespmem:s23], [sflag:$0x2] =	stream.indirect.gather [spmem:s3], $0x1, s7, s26, $0xb8;
	[tilespmem:$0xA200] =	vst v63  }
0x78: {  	s7 =	simm.s32 $0x6800;
	s23 =	simm.s32 $0x8800  }
0x79: {  	[tilespmem:s23], [sflag:$0x2] =	stream.indirect.gather [spmem:s1], $0x1, s7, s26, $0xb8;
	[tilespmem:$0xA200] =	vst v63  }
0x7a: {  	s23 =	simm.s32 $0x9000  }
0x7b: {  	[tilespmem:s23], [sflag:$0x2] =	stream.indirect.gather [spmem:s3], $0x1, s7, s26, $0xb8;
	[tilespmem:$0xA200] =	vst v63  }
0x7c: {  	s7 =	simm.s32 $0x6880;
	s23 =	simm.s32 $0x8880  }
0x7d: {  	[tilespmem:s23], [sflag:$0x2] =	stream.indirect.gather [spmem:s1], $0x1, s7, s26, $0xb8;
	[tilespmem:$0xA200] =	vst v63  }
0x7e: {  	s23 =	simm.s32 $0x9080  }
0x7f: {  	[tilespmem:s23], [sflag:$0x2] =	stream.indirect.gather [spmem:s3], $0x1, s7, s26, $0xb8;
	[tilespmem:$0xA200] =	vst v63  }
0x80: {  	s7 =	simm.s32 $0x6900;
	s23 =	simm.s32 $0x8900  }
0x81: {  	[tilespmem:s23], [sflag:$0x2] =	stream.indirect.gather [spmem:s1], $0x1, s7, s26, $0xb8;
	[tilespmem:$0xA200] =	vst v63  }
0x82: {  	s23 =	simm.s32 $0x9100  }
0x83: {  	[tilespmem:s23], [sflag:$0x2] =	stream.indirect.gather [spmem:s3], $0x1, s7, s26, $0xb8;
	[tilespmem:$0xA200] =	vst v63  }
0x84: {  	s7 =	simm.s32 $0x6980;
	s23 =	simm.s32 $0x8980  }
0x85: {  	[tilespmem:s23], [sflag:$0x2] =	stream.indirect.gather [spmem:s1], $0x1, s7, s26, $0xb8;
	[tilespmem:$0xA200] =	vst v63  }
0x86: {  	s23 =	simm.s32 $0x9180  }
0x87: {  	[tilespmem:s23], [sflag:$0x2] =	stream.indirect.gather [spmem:s3], $0x1, s7, s26, $0xb8;
	[tilespmem:$0xA200] =	vst v63  }
0x88: {  	_ =	swait.ge [sflag:s29], $0x80  }
0x89: {  	[sflag:s29] =	ssyncset.done $0x0  }
0x8a: {  	[sflag:s29] =	ssyncadd.s32 $0xFFFFFF80  }
0x8b: {  	_ =	swait.ge [sflag:s29], $0x80  }
0x8c: {  	[sflag:s29] =	ssyncset.done $0x0  }
0x8d: {  	[sflag:s29] =	ssyncadd.s32 $0xFFFFFF80  }
0x8e: {  	_ =	swait.ge [sflag:s29], $0x80  }
0x8f: {  	[sflag:s29] =	ssyncset.done $0x0  }
0x90: {  	[sflag:s29] =	ssyncadd.s32 $0xFFFFFF80  }
0x91: {  	_ =	swait.ge [sflag:s29], $0x80  }
0x92: {  	[sflag:s29] =	ssyncset.done $0x0  }
0x93: {  	[sflag:s29] =	ssyncadd.s32 $0xFFFFFF80  }
0x94: {  	_ =	swait.ge [sflag:s29], $0x80  }
0x95: {  	[sflag:s29] =	ssyncset.done $0x0  }
0x96: {  	[sflag:s29] =	ssyncadd.s32 $0xFFFFFF80  }
0x97: {  	_ =	swait.ge [sflag:s29], $0x80  }
0x98: {  	[sflag:s29] =	ssyncset.done $0x0  }
0x99: {  	[sflag:s29] =	ssyncadd.s32 $0xFFFFFF80  }
0x9a: {  	_ =	swait.ge [sflag:s29], $0x80  }
0x9b: {  	[sflag:s29] =	ssyncset.done $0x0  }
0x9c: {  	[sflag:s29] =	ssyncadd.s32 $0xFFFFFF80  }
0x9d: {  	_ =	swait.ge [sflag:s29], $0x80  }
0x9e: {  	[sflag:s29] =	ssyncset.done $0x0  }
0x9f: {  	[sflag:s29] =	ssyncadd.s32 $0xFFFFFF80  }
0xa0: {  	_ =	swait.ge [sflag:s29], $0x80  }
0xa1: {  	[sflag:s29] =	ssyncset.done $0x0  }
0xa2: {  	[sflag:s29] =	ssyncadd.s32 $0xFFFFFF80  }
0xa3: {  	_ =	swait.ge [sflag:s29], $0x80  }
0xa4: {  	[sflag:s29] =	ssyncset.done $0x0  }
0xa5: {  	[sflag:s29] =	ssyncadd.s32 $0xFFFFFF80  }
0xa6: {  	_ =	swait.ge [sflag:s29], $0x80  }
0xa7: {  	[sflag:s29] =	ssyncset.done $0x0  }
0xa8: {  	[sflag:s29] =	ssyncadd.s32 $0xFFFFFF80  }
0xa9: {  	_ =	swait.ge [sflag:s29], $0x80  }
0xaa: {  	[sflag:s29] =	ssyncset.done $0x0  }
0xab: {  	[sflag:s29] =	ssyncadd.s32 $0xFFFFFF80  }
0xac: {  	_ =	swait.ge [sflag:s29], $0x80  }
0xad: {  	[sflag:s29] =	ssyncset.done $0x0  }
0xae: {  	[sflag:s29] =	ssyncadd.s32 $0xFFFFFF80  }
0xaf: {  	_ =	swait.ge [sflag:s29], $0x80  }
0xb0: {  	[sflag:s29] =	ssyncset.done $0x0  }
0xb1: {  	[sflag:s29] =	ssyncadd.s32 $0xFFFFFF80  }
0xb2: {  	_ =	swait.ge [sflag:s29], $0x80  }
0xb3: {  	[sflag:s29] =	ssyncset.done $0x0  }
0xb4: {  	[sflag:s29] =	ssyncadd.s32 $0xFFFFFF80  }
0xb5: {  	_ =	swait.ge [sflag:s29], $0x80  }
0xb6: {  	[sflag:s29] =	ssyncset.done $0x0  }
0xb7: {  	[sflag:s29] =	ssyncadd.s32 $0xFFFFFF80  }
0xb8: {  	_ =	swait.ge [sflag:s29], $0x80  }
0xb9: {  	[sflag:s29] =	ssyncset.done $0x0  }
0xba: {  	[sflag:s29] =	ssyncadd.s32 $0xFFFFFF80  }
0xbb: {  	_ =	swait.ge [sflag:s29], $0x80  }
0xbc: {  	[sflag:s29] =	ssyncset.done $0x0  }
0xbd: {  	[sflag:s29] =	ssyncadd.s32 $0xFFFFFF80  }
0xbe: {  	_ =	swait.ge [sflag:s29], $0x80  }
0xbf: {  	[sflag:s29] =	ssyncset.done $0x0  }
0xc0: {  	[sflag:s29] =	ssyncadd.s32 $0xFFFFFF80  }
0xc1: {  	_ =	swait.ge [sflag:s29], $0x80  }
0xc2: {  	[sflag:s29] =	ssyncset.done $0x0  }
0xc3: {  	[sflag:s29] =	ssyncadd.s32 $0xFFFFFF80  }
0xc4: {  	_ =	swait.ge [sflag:s29], $0x80  }
0xc5: {  	[sflag:s29] =	ssyncset.done $0x0  }
0xc6: {  	[sflag:s29] =	ssyncadd.s32 $0xFFFFFF80  }
0xc7: {  	_ =	swait.ge [sflag:s29], $0x80  }
0xc8: {  	[sflag:s29] =	ssyncset.done $0x0  }
0xc9: {  	[sflag:s29] =	ssyncadd.s32 $0xFFFFFF80  }
0xca: {  	_ =	swait.ge [sflag:s29], $0x80  }
0xcb: {  	[sflag:s29] =	ssyncset.done $0x0  }
0xcc: {  	[sflag:s29] =	ssyncadd.s32 $0xFFFFFF80  }
0xcd: {  	_ =	swait.ge [sflag:s29], $0x80  }
0xce: {  	[sflag:s29] =	ssyncset.done $0x0  }
0xcf: {  	[sflag:s29] =	ssyncadd.s32 $0xFFFFFF80  }
0xd0: {  	_ =	swait.ge [sflag:s29], $0x80  }
0xd1: {  	[sflag:s29] =	ssyncset.done $0x0  }
0xd2: {  	[sflag:s29] =	ssyncadd.s32 $0xFFFFFF80  }
0xd3: {  	_ =	swait.ge [sflag:s29], $0x80  }
0xd4: {  	[sflag:s29] =	ssyncset.done $0x0  }
0xd5: {  	[sflag:s29] =	ssyncadd.s32 $0xFFFFFF80  }
0xd6: {  	_ =	swait.ge [sflag:s29], $0x80  }
0xd7: {  	[sflag:s29] =	ssyncset.done $0x0  }
0xd8: {  	[sflag:s29] =	ssyncadd.s32 $0xFFFFFF80  }
0xd9: {  	_ =	swait.ge [sflag:s29], $0x80  }
0xda: {  	[sflag:s29] =	ssyncset.done $0x0  }
0xdb: {  	[sflag:s29] =	ssyncadd.s32 $0xFFFFFF80  }
0xdc: {  	_ =	swait.ge [sflag:s29], $0x80  }
0xdd: {  	[sflag:s29] =	ssyncset.done $0x0  }
0xde: {  	[sflag:s29] =	ssyncadd.s32 $0xFFFFFF80  }
0xdf: {  	_ =	swait.ge [sflag:s29], $0x80  }
0xe0: {  	[sflag:s29] =	ssyncset.done $0x0  }
0xe1: {  	[sflag:s29] =	ssyncadd.s32 $0xFFFFFF80  }
0xe2: {  	_ =	swait.ge [sflag:s29], $0x80  }
0xe3: {  	[sflag:s29] =	ssyncset.done $0x0  }
0xe4: {  	[sflag:s29] =	ssyncadd.s32 $0xFFFFFF80  }
0xe5: {  	_ =	swait.ge [sflag:s29], $0x80  }
0xe6: {  	[sflag:s29] =	ssyncset.done $0x0  }
0xe7: {  	[sflag:s29] =	ssyncadd.s32 $0xFFFFFF80  }
0xe8: {  	[spmem:s4] =	stream.indirect.scatter.add.f32 [tilespmem:s22], [sflag:$0x3], $0x1, s20, s26, $0xb8;
	[tilespmem:$0xA200] =	vst v63  }
0xe9: {  	_ = 	snop  }
0xea: {  	[spmem:s5] =	stream.indirect.scatter.add.f32 [tilespmem:s28], [sflag:$0x3], $0x1, s20, s26, $0xb8;
	[tilespmem:$0xA200] =	vst v63  }
0xeb: {  	s28 =	simm.s32 $0x6A80  }
0xec: {  	[spmem:s4] =	stream.indirect.scatter.add.f32 [tilespmem:s2], [sflag:$0x3], $0x1, s28, s26, $0xb8;
	[tilespmem:$0xA200] =	vst v63  }
0xed: {  	_ = 	snop  }
0xee: {  	[spmem:s5] =	stream.indirect.scatter.add.f32 [tilespmem:s0], [sflag:$0x3], $0x1, s28, s26, $0xb8;
	[tilespmem:$0xA200] =	vst v63  }
0xef: {  	s7 =	simm.s32 $0x6B00  }
0xf0: {  	[spmem:s4] =	stream.indirect.scatter.add.f32 [tilespmem:s9], [sflag:$0x3], $0x1, s7, s26, $0xb8;
	[tilespmem:$0xA200] =	vst v63  }
0xf1: {  	_ = 	snop  }
0xf2: {  	[spmem:s5] =	stream.indirect.scatter.add.f32 [tilespmem:s10], [sflag:$0x3], $0x1, s7, s26, $0xb8;
	[tilespmem:$0xA200] =	vst v63  }
0xf3: {  	s10 =	simm.s32 $0x6B80  }
0xf4: {  	[spmem:s4] =	stream.indirect.scatter.add.f32 [tilespmem:s13], [sflag:$0x3], $0x1, s10, s26, $0xb8;
	[tilespmem:$0xA200] =	vst v63  }
0xf5: {  	_ = 	snop  }
0xf6: {  	[spmem:s5] =	stream.indirect.scatter.add.f32 [tilespmem:s14], [sflag:$0x3], $0x1, s10, s26, $0xb8;
	[tilespmem:$0xA200] =	vst v63  }
0xf7: {  	s20 =	simm.s32 $0x6C00  }
0xf8: {  	[spmem:s4] =	stream.indirect.scatter.add.f32 [tilespmem:s16], [sflag:$0x3], $0x1, s20, s26, $0xb8;
	[tilespmem:$0xA200] =	vst v63  }
0xf9: {  	_ = 	snop  }
0xfa: {  	[spmem:s5] =	stream.indirect.scatter.add.f32 [tilespmem:s24], [sflag:$0x3], $0x1, s20, s26, $0xb8;
	[tilespmem:$0xA200] =	vst v63  }
0xfb: {  	s22 =	simm.s32 $0x6C80  }
0xfc: {  	[spmem:s4] =	stream.indirect.scatter.add.f32 [tilespmem:s8], [sflag:$0x3], $0x1, s22, s26, $0xb8;
	[tilespmem:$0xA200] =	vst v63  }
0xfd: {  	s23 =	simm.s32 $0x8C80  }
0xfe: {  	[spmem:s5] =	stream.indirect.scatter.add.f32 [tilespmem:s23], [sflag:$0x3], $0x1, s22, s26, $0xb8;
	[tilespmem:$0xA200] =	vst v63  }
0xff: {  	s24 =	simm.s32 $0x6D00  }
0x100: {  	[spmem:s4] =	stream.indirect.scatter.add.f32 [tilespmem:s12], [sflag:$0x3], $0x1, s24, s26, $0xb8;
	[tilespmem:$0xA200] =	vst v63  }
0x101: {  	s28 =	simm.s32 $0x8D00  }
0x102: {  	[spmem:s5] =	stream.indirect.scatter.add.f32 [tilespmem:s28], [sflag:$0x3], $0x1, s24, s26, $0xb8;
	[tilespmem:$0xA200] =	vst v63  }
0x103: {  	s2 =	simm.s32 $0x6D80  }
0x104: {  	[spmem:s4] =	stream.indirect.scatter.add.f32 [tilespmem:s17], [sflag:$0x3], $0x1, s2, s26, $0xb8;
	[tilespmem:$0xA200] =	vst v63  }
0x105: {  	s7 =	simm.s32 $0x8D80  }
0x106: {  	[spmem:s5] =	stream.indirect.scatter.add.f32 [tilespmem:s7], [sflag:$0x3], $0x1, s2, s26, $0xb8;
	[tilespmem:$0xA200] =	vst v63  }
0x107: {  	s8 =	simm.s32 $0x6E00  }
0x108: {  	[spmem:s4] =	stream.indirect.scatter.add.f32 [tilespmem:s30], [sflag:$0x3], $0x1, s8, s26, $0xb8;
	[tilespmem:$0xA200] =	vst v63  }
0x109: {  	s9 =	simm.s32 $0x8E00  }
0x10a: {  	[spmem:s5] =	stream.indirect.scatter.add.f32 [tilespmem:s9], [sflag:$0x3], $0x1, s8, s26, $0xb8;
	[tilespmem:$0xA200] =	vst v63  }
0x10b: {  	s10 =	simm.s32 $0x6E80  }
0x10c: {  	[spmem:s4] =	stream.indirect.scatter.add.f32 [tilespmem:s11], [sflag:$0x3], $0x1, s10, s26, $0xb8;
	[tilespmem:$0xA200] =	vst v63  }
0x10d: {  	s12 =	simm.s32 $0x8E80  }
0x10e: {  	[spmem:s5] =	stream.indirect.scatter.add.f32 [tilespmem:s12], [sflag:$0x3], $0x1, s10, s26, $0xb8;
	[tilespmem:$0xA200] =	vst v63  }
0x10f: {  	s13 =	simm.s32 $0x6F00  }
0x110: {  	[spmem:s4] =	stream.indirect.scatter.add.f32 [tilespmem:s15], [sflag:$0x3], $0x1, s13, s26, $0xb8;
	[tilespmem:$0xA200] =	vst v63  }
0x111: {  	s14 =	simm.s32 $0x8F00  }
0x112: {  	[spmem:s5] =	stream.indirect.scatter.add.f32 [tilespmem:s14], [sflag:$0x3], $0x1, s13, s26, $0xb8;
	[tilespmem:$0xA200] =	vst v63  }
0x113: {  	s15 =	simm.s32 $0x6F80  }
0x114: {  	[spmem:s4] =	stream.indirect.scatter.add.f32 [tilespmem:s18], [sflag:$0x3], $0x1, s15, s26, $0xb8;
	[tilespmem:$0xA200] =	vst v63  }
0x115: {  	s16 =	simm.s32 $0x8F80  }
0x116: {  	[spmem:s5] =	stream.indirect.scatter.add.f32 [tilespmem:s16], [sflag:$0x3], $0x1, s15, s26, $0xb8;
	[tilespmem:$0xA200] =	vst v63  }
0x117: {  	s17 =	simm.s32 $0x7000;
	s18 =	simm.s32 $0x8800  }
0x118: {  	[spmem:s4] =	stream.indirect.scatter.add.f32 [tilespmem:s18], [sflag:$0x3], $0x1, s17, s26, $0xb8;
	[tilespmem:$0xA200] =	vst v63  }
0x119: {  	s20 =	simm.s32 $0x9000  }
0x11a: {  	[spmem:s5] =	stream.indirect.scatter.add.f32 [tilespmem:s20], [sflag:$0x3], $0x1, s17, s26, $0xb8;
	[tilespmem:$0xA200] =	vst v63  }
0x11b: {  	s22 =	simm.s32 $0x7080;
	s23 =	simm.s32 $0x8880  }
0x11c: {  	[spmem:s4] =	stream.indirect.scatter.add.f32 [tilespmem:s23], [sflag:$0x3], $0x1, s22, s26, $0xb8;
	[tilespmem:$0xA200] =	vst v63  }
0x11d: {  	s24 =	simm.s32 $0x9080  }
0x11e: {  	[spmem:s5] =	stream.indirect.scatter.add.f32 [tilespmem:s24], [sflag:$0x3], $0x1, s22, s26, $0xb8;
	[tilespmem:$0xA200] =	vst v63  }
0x11f: {  	s28 =	simm.s32 $0x7100;
	s30 =	simm.s32 $0x8900  }
0x120: {  	[spmem:s4] =	stream.indirect.scatter.add.f32 [tilespmem:s30], [sflag:$0x3], $0x1, s28, s26, $0xb8;
	[tilespmem:$0xA200] =	vst v63  }
0x121: {  	s7 =	simm.s32 $0x9100  }
0x122: {  	[spmem:s5] =	stream.indirect.scatter.add.f32 [tilespmem:s7], [sflag:$0x3], $0x1, s28, s26, $0xb8;
	[tilespmem:$0xA200] =	vst v63  }
0x123: {  	s8 =	simm.s32 $0x7180;
	s9 =	simm.s32 $0x8980  }
0x124: {  	[spmem:s4] =	stream.indirect.scatter.add.f32 [tilespmem:s9], [sflag:$0x3], $0x1, s8, s26, $0xb8;
	[tilespmem:$0xA200] =	vst v63  }
0x125: {  	s10 =	simm.s32 $0x9180;
	s23 =	simm.s32 $0x1  }
0x126: {  	[spmem:s5] =	stream.indirect.scatter.add.f32 [tilespmem:s10], [sflag:$0x3], $0x1, s8, s26, $0xb8;
	[tilespmem:$0xA200] =	vst v63  }
0x127: {  	_ =	swait.ge [sflag:s23], $0x800  }
0x128: {  	[sflag:s23] =	ssyncset.done $0x0  }
0x129: {  	[sflag:s23] =	ssyncadd.s32 $0xFFFFF800  }
0x12a: {  	_ =	swait.ge [sflag:s23], $0x800  }
0x12b: {  	[sflag:s23] =	ssyncset.done $0x0  }
0x12c: {  	s11 =	simm.s32 $0x9200;
	[sflag:s23] =	ssyncadd.s32 $0xFFFFF800  }
0x12d: {  	[tilespmem:s11], [sflag:$0x2] =	stream.indirect.gather [spmem:s1], $0x1, s25, s26, $0xb8;
	[tilespmem:$0xA200] =	vst v63  }
0x12e: {  	s12 =	simm.s32 $0x9A00  }
0x12f: {  	[tilespmem:s12], [sflag:$0x2] =	stream.indirect.gather [spmem:s3], $0x1, s25, s26, $0xb8;
	[tilespmem:$0xA200] =	vst v63  }
0x130: {  	s13 =	simm.s32 $0x7280;
	s7 =	simm.s32 $0x9280  }
0x131: {  	[tilespmem:s7], [sflag:$0x2] =	stream.indirect.gather [spmem:s1], $0x1, s13, s26, $0xb8;
	[tilespmem:$0xA200] =	vst v63  }
0x132: {  	s14 =	simm.s32 $0x9A80  }
0x133: {  	[tilespmem:s14], [sflag:$0x2] =	stream.indirect.gather [spmem:s3], $0x1, s13, s26, $0xb8;
	[tilespmem:$0xA200] =	vst v63  }
0x134: {  	s15 =	simm.s32 $0x7300;
	s9 =	simm.s32 $0x9300  }
0x135: {  	[tilespmem:s9], [sflag:$0x2] =	stream.indirect.gather [spmem:s1], $0x1, s15, s26, $0xb8;
	[tilespmem:$0xA200] =	vst v63  }
0x136: {  	s16 =	simm.s32 $0x9B00  }
0x137: {  	[tilespmem:s16], [sflag:$0x2] =	stream.indirect.gather [spmem:s3], $0x1, s15, s26, $0xb8;
	[tilespmem:$0xA200] =	vst v63  }
0x138: {  	s17 =	simm.s32 $0x7380;
	s11 =	simm.s32 $0x9380  }
0x139: {  	[tilespmem:s11], [sflag:$0x2] =	stream.indirect.gather [spmem:s1], $0x1, s17, s26, $0xb8;
	[tilespmem:$0xA200] =	vst v63  }
0x13a: {  	s18 =	simm.s32 $0x9B80  }
0x13b: {  	[tilespmem:s18], [sflag:$0x2] =	stream.indirect.gather [spmem:s3], $0x1, s17, s26, $0xb8;
	[tilespmem:$0xA200] =	vst v63  }
0x13c: {  	s20 =	simm.s32 $0x7400;
	s13 =	simm.s32 $0x9400  }
0x13d: {  	[tilespmem:s13], [sflag:$0x2] =	stream.indirect.gather [spmem:s1], $0x1, s20, s26, $0xb8;
	[tilespmem:$0xA200] =	vst v63  }
0x13e: {  	s22 =	simm.s32 $0x9C00  }
0x13f: {  	[tilespmem:s22], [sflag:$0x2] =	stream.indirect.gather [spmem:s3], $0x1, s20, s26, $0xb8;
	[tilespmem:$0xA200] =	vst v63  }
0x140: {  	s24 =	simm.s32 $0x7480;
	s15 =	simm.s32 $0x9480  }
0x141: {  	[tilespmem:s15], [sflag:$0x2] =	stream.indirect.gather [spmem:s1], $0x1, s24, s26, $0xb8;
	[tilespmem:$0xA200] =	vst v63  }
0x142: {  	s25 =	simm.s32 $0x9C80  }
0x143: {  	[tilespmem:s25], [sflag:$0x2] =	stream.indirect.gather [spmem:s3], $0x1, s24, s26, $0xb8;
	[tilespmem:$0xA200] =	vst v63  }
0x144: {  	s28 =	simm.s32 $0x7500;
	s20 =	simm.s32 $0x9500  }
0x145: {  	[tilespmem:s20], [sflag:$0x2] =	stream.indirect.gather [spmem:s1], $0x1, s28, s26, $0xb8;
	[tilespmem:$0xA200] =	vst v63  }
0x146: {  	s30 =	simm.s32 $0x9D00  }
0x147: {  	[tilespmem:s30], [sflag:$0x2] =	stream.indirect.gather [spmem:s3], $0x1, s28, s26, $0xb8;
	[tilespmem:$0xA200] =	vst v63  }
0x148: {  	s8 =	simm.s32 $0x7580;
	s24 =	simm.s32 $0x9580  }
0x149: {  	[tilespmem:s24], [sflag:$0x2] =	stream.indirect.gather [spmem:s1], $0x1, s8, s26, $0xb8;
	[tilespmem:$0xA200] =	vst v63  }
0x14a: {  	s10 =	simm.s32 $0x9D80  }
0x14b: {  	[tilespmem:s10], [sflag:$0x2] =	stream.indirect.gather [spmem:s3], $0x1, s8, s26, $0xb8;
	[tilespmem:$0xA200] =	vst v63  }
0x14c: {  	s12 =	simm.s32 $0x7600;
	s28 =	simm.s32 $0x9600  }
0x14d: {  	[tilespmem:s28], [sflag:$0x2] =	stream.indirect.gather [spmem:s1], $0x1, s12, s26, $0xb8;
	[tilespmem:$0xA200] =	vst v63  }
0x14e: {  	s30 =	simm.s32 $0x9E00  }
0x14f: {  	[tilespmem:s30], [sflag:$0x2] =	stream.indirect.gather [spmem:s3], $0x1, s12, s26, $0xb8;
	[tilespmem:$0xA200] =	vst v63  }
0x150: {  	s14 =	simm.s32 $0x7680;
	s25 =	simm.s32 $0x9680  }
0x151: {  	[tilespmem:s25], [sflag:$0x2] =	stream.indirect.gather [spmem:s1], $0x1, s14, s26, $0xb8;
	[tilespmem:$0xA200] =	vst v63  }
0x152: {  	s16 =	simm.s32 $0x9E80  }
0x153: {  	[tilespmem:s16], [sflag:$0x2] =	stream.indirect.gather [spmem:s3], $0x1, s14, s26, $0xb8;
	[tilespmem:$0xA200] =	vst v63  }
0x154: {  	s17 =	simm.s32 $0x7700;
	s8 =	simm.s32 $0x9700  }
0x155: {  	[tilespmem:s8], [sflag:$0x2] =	stream.indirect.gather [spmem:s1], $0x1, s17, s26, $0xb8;
	[tilespmem:$0xA200] =	vst v63  }
0x156: {  	s18 =	simm.s32 $0x9F00  }
0x157: {  	[tilespmem:s18], [sflag:$0x2] =	stream.indirect.gather [spmem:s3], $0x1, s17, s26, $0xb8;
	[tilespmem:$0xA200] =	vst v63  }
0x158: {  	s22 =	simm.s32 $0x7780;
	s10 =	simm.s32 $0x9780  }
0x159: {  	[tilespmem:s10], [sflag:$0x2] =	stream.indirect.gather [spmem:s1], $0x1, s22, s26, $0xb8;
	[tilespmem:$0xA200] =	vst v63  }
0x15a: {  	s0 =	simm.s32 $0x9F80  }
0x15b: {  	[tilespmem:s0], [sflag:$0x2] =	stream.indirect.gather [spmem:s3], $0x1, s22, s26, $0xb8;
	[tilespmem:$0xA200] =	vst v63  }
0x15c: {  	s12 =	simm.s32 $0x9800;
	s14 =	simm.s32 $0x7800  }
0x15d: {  	[tilespmem:s12], [sflag:$0x2] =	stream.indirect.gather [spmem:s1], $0x1, s14, s26, $0xb8;
	[tilespmem:$0xA200] =	vst v63  }
0x15e: {  	s16 =	simm.s32 $0xA000  }
0x15f: {  	[tilespmem:s16], [sflag:$0x2] =	stream.indirect.gather [spmem:s3], $0x1, s14, s26, $0xb8;
	[tilespmem:$0xA200] =	vst v63  }
0x160: {  	s17 =	simm.s32 $0x7880;
	s14 =	simm.s32 $0x9880  }
0x161: {  	[tilespmem:s14], [sflag:$0x2] =	stream.indirect.gather [spmem:s1], $0x1, s17, s26, $0xb8;
	[tilespmem:$0xA200] =	vst v63  }
0x162: {  	s18 =	simm.s32 $0xA080  }
0x163: {  	[tilespmem:s18], [sflag:$0x2] =	stream.indirect.gather [spmem:s3], $0x1, s17, s26, $0xb8;
	[tilespmem:$0xA200] =	vst v63  }
0x164: {  	s22 =	simm.s32 $0x7900;
	s16 =	simm.s32 $0x9900  }
0x165: {  	[tilespmem:s16], [sflag:$0x2] =	stream.indirect.gather [spmem:s1], $0x1, s22, s26, $0xb8;
	[tilespmem:$0xA200] =	vst v63  }
0x166: {  	s0 =	simm.s32 $0xA100  }
0x167: {  	[tilespmem:s0], [sflag:$0x2] =	stream.indirect.gather [spmem:s3], $0x1, s22, s26, $0xb8;
	[tilespmem:$0xA200] =	vst v63  }
0x168: {  	s18 =	simm.s32 $0x7980;
	s22 =	simm.s32 $0x9980  }
0x169: {  	[tilespmem:s22], [sflag:$0x2] =	stream.indirect.gather [spmem:s1], $0x1, s18, s26, $0xb8;
	[tilespmem:$0xA200] =	vst v63  }
0x16a: {  	s0 =	simm.s32 $0xA180  }
0x16b: {  	[tilespmem:s0], [sflag:$0x2] =	stream.indirect.gather [spmem:s3], $0x1, s18, s26, $0xb8;
	[tilespmem:$0xA200] =	vst v63  }
0x16c: {  	_ =	swait.ge [sflag:s6], $0x80  }
0x16d: {  	[sflag:s6] =	ssyncset.done $0x0  }
0x16e: {  	[sflag:s6] =	ssyncadd.s32 $0xFFFFFF80  }
0x16f: {  	_ =	swait.ge [sflag:s6], $0x80  }
0x170: {  	[sflag:s6] =	ssyncset.done $0x0  }
0x171: {  	[sflag:s6] =	ssyncadd.s32 $0xFFFFFF80  }
0x172: {  	_ =	swait.ge [sflag:s6], $0x80  }
0x173: {  	[sflag:s6] =	ssyncset.done $0x0  }
0x174: {  	[sflag:s6] =	ssyncadd.s32 $0xFFFFFF80  }
0x175: {  	_ =	swait.ge [sflag:s6], $0x80  }
0x176: {  	[sflag:s6] =	ssyncset.done $0x0  }
0x177: {  	[sflag:s6] =	ssyncadd.s32 $0xFFFFFF80  }
0x178: {  	_ =	swait.ge [sflag:s6], $0x80  }
0x179: {  	[sflag:s6] =	ssyncset.done $0x0  }
0x17a: {  	[sflag:s6] =	ssyncadd.s32 $0xFFFFFF80  }
0x17b: {  	_ =	swait.ge [sflag:s6], $0x80  }
0x17c: {  	[sflag:s6] =	ssyncset.done $0x0  }
0x17d: {  	[sflag:s6] =	ssyncadd.s32 $0xFFFFFF80  }
0x17e: {  	_ =	swait.ge [sflag:s6], $0x80  }
0x17f: {  	[sflag:s6] =	ssyncset.done $0x0  }
0x180: {  	[sflag:s6] =	ssyncadd.s32 $0xFFFFFF80  }
0x181: {  	_ =	swait.ge [sflag:s6], $0x80  }
0x182: {  	[sflag:s6] =	ssyncset.done $0x0  }
0x183: {  	[sflag:s6] =	ssyncadd.s32 $0xFFFFFF80  }
0x184: {  	_ =	swait.ge [sflag:s6], $0x80  }
0x185: {  	[sflag:s6] =	ssyncset.done $0x0  }
0x186: {  	[sflag:s6] =	ssyncadd.s32 $0xFFFFFF80  }
0x187: {  	_ =	swait.ge [sflag:s6], $0x80  }
0x188: {  	[sflag:s6] =	ssyncset.done $0x0  }
0x189: {  	[sflag:s6] =	ssyncadd.s32 $0xFFFFFF80  }
0x18a: {  	_ =	swait.ge [sflag:s6], $0x80  }
0x18b: {  	[sflag:s6] =	ssyncset.done $0x0  }
0x18c: {  	[sflag:s6] =	ssyncadd.s32 $0xFFFFFF80  }
0x18d: {  	_ =	swait.ge [sflag:s6], $0x80  }
0x18e: {  	[sflag:s6] =	ssyncset.done $0x0  }
0x18f: {  	[sflag:s6] =	ssyncadd.s32 $0xFFFFFF80  }
0x190: {  	_ =	swait.ge [sflag:s6], $0x80  }
0x191: {  	[sflag:s6] =	ssyncset.done $0x0  }
0x192: {  	[sflag:s6] =	ssyncadd.s32 $0xFFFFFF80  }
0x193: {  	_ =	swait.ge [sflag:s6], $0x80  }
0x194: {  	[sflag:s6] =	ssyncset.done $0x0  }
0x195: {  	[sflag:s6] =	ssyncadd.s32 $0xFFFFFF80  }
0x196: {  	_ =	swait.ge [sflag:s6], $0x80  }
0x197: {  	[sflag:s6] =	ssyncset.done $0x0  }
0x198: {  	[sflag:s6] =	ssyncadd.s32 $0xFFFFFF80  }
0x199: {  	_ =	swait.ge [sflag:s6], $0x80  }
0x19a: {  	[sflag:s6] =	ssyncset.done $0x0  }
0x19b: {  	[sflag:s6] =	ssyncadd.s32 $0xFFFFFF80  }
0x19c: {  	_ =	swait.ge [sflag:s6], $0x80  }
0x19d: {  	[sflag:s6] =	ssyncset.done $0x0  }
0x19e: {  	[sflag:s6] =	ssyncadd.s32 $0xFFFFFF80  }
0x19f: {  	_ =	swait.ge [sflag:s6], $0x80  }
0x1a0: {  	[sflag:s6] =	ssyncset.done $0x0  }
0x1a1: {  	[sflag:s6] =	ssyncadd.s32 $0xFFFFFF80  }
0x1a2: {  	_ =	swait.ge [sflag:s6], $0x80  }
0x1a3: {  	[sflag:s6] =	ssyncset.done $0x0  }
0x1a4: {  	[sflag:s6] =	ssyncadd.s32 $0xFFFFFF80  }
0x1a5: {  	_ =	swait.ge [sflag:s6], $0x80  }
0x1a6: {  	[sflag:s6] =	ssyncset.done $0x0  }
0x1a7: {  	[sflag:s6] =	ssyncadd.s32 $0xFFFFFF80  }
0x1a8: {  	_ =	swait.ge [sflag:s6], $0x80  }
0x1a9: {  	[sflag:s6] =	ssyncset.done $0x0  }
0x1aa: {  	[sflag:s6] =	ssyncadd.s32 $0xFFFFFF80  }
0x1ab: {  	_ =	swait.ge [sflag:s6], $0x80  }
0x1ac: {  	[sflag:s6] =	ssyncset.done $0x0  }
0x1ad: {  	[sflag:s6] =	ssyncadd.s32 $0xFFFFFF80  }
0x1ae: {  	_ =	swait.ge [sflag:s6], $0x80  }
0x1af: {  	[sflag:s6] =	ssyncset.done $0x0  }
0x1b0: {  	[sflag:s6] =	ssyncadd.s32 $0xFFFFFF80  }
0x1b1: {  	_ =	swait.ge [sflag:s6], $0x80  }
0x1b2: {  	[sflag:s6] =	ssyncset.done $0x0  }
0x1b3: {  	[sflag:s6] =	ssyncadd.s32 $0xFFFFFF80  }
0x1b4: {  	_ =	swait.ge [sflag:s6], $0x80  }
0x1b5: {  	[sflag:s6] =	ssyncset.done $0x0  }
0x1b6: {  	[sflag:s6] =	ssyncadd.s32 $0xFFFFFF80  }
0x1b7: {  	_ =	swait.ge [sflag:s6], $0x80  }
0x1b8: {  	[sflag:s6] =	ssyncset.done $0x0  }
0x1b9: {  	[sflag:s6] =	ssyncadd.s32 $0xFFFFFF80  }
0x1ba: {  	_ =	swait.ge [sflag:s6], $0x80  }
0x1bb: {  	[sflag:s6] =	ssyncset.done $0x0  }
0x1bc: {  	[sflag:s6] =	ssyncadd.s32 $0xFFFFFF80  }
0x1bd: {  	_ =	swait.ge [sflag:s6], $0x80  }
0x1be: {  	[sflag:s6] =	ssyncset.done $0x0  }
0x1bf: {  	[sflag:s6] =	ssyncadd.s32 $0xFFFFFF80  }
0x1c0: {  	_ =	swait.ge [sflag:s6], $0x80  }
0x1c1: {  	[sflag:s6] =	ssyncset.done $0x0  }
0x1c2: {  	[sflag:s6] =	ssyncadd.s32 $0xFFFFFF80  }
0x1c3: {  	_ =	swait.ge [sflag:s6], $0x80  }
0x1c4: {  	[sflag:s6] =	ssyncset.done $0x0  }
0x1c5: {  	[sflag:s6] =	ssyncadd.s32 $0xFFFFFF80  }
0x1c6: {  	_ =	swait.ge [sflag:s6], $0x80  }
0x1c7: {  	[sflag:s6] =	ssyncset.done $0x0  }
0x1c8: {  	p0 =	por $0x0, $0x0;
	[sflag:s6] =	ssyncadd.s32 $0xFFFFFF80  }
0x1c9: {  	s0 =	simm.s32 @!p0 $0x0;
	_ =	swait.ge [sflag:s6], $0x80  }
0x1ca: {  	s18 =	simm.s32 @!p0 $0x6200;
	s17 =	rddreg [dreg:$0x8];
	[sflag:s6] =	ssyncset.done $0x0  }
0x1cb: {  	s2 =	rddreg [dreg:$0x7];
	[sflag:s6] =	ssyncadd.s32 $0xFFFFFF80;
	s17 =	sadd.s32 @!p0 $0x0, s17  }
0x1cc: {  	[tilespmem:s18], [sflag:$0x1] =	stream.linear.gather @!p0 [hbm4b:s17+s0], $0x800, $0x38;
	[tilespmem:$0xA200] =	vst v63  }
0x1cd: {  	s0 =	simm.s32 @!p0 $0x0;
	s17 =	simm.s32 @!p0 $0x6A00;
	s18 =	sadd.s32 @!p0 $0x0, s2  }
0x1ce: {  	[tilespmem:s17], [sflag:$0x1] =	stream.linear.gather @!p0 [hbm4b:s18+s0], $0x800, $0x38;
	[tilespmem:$0xA200] =	vst v63  }
0x1cf: {  	_ =	swait.ge [sflag:s29], $0x80  }
0x1d0: {  	[sflag:s29] =	ssyncset.done $0x0  }
0x1d1: {  	[sflag:s29] =	ssyncadd.s32 $0xFFFFFF80  }
0x1d2: {  	_ =	swait.ge [sflag:s29], $0x80  }
0x1d3: {  	[sflag:s29] =	ssyncset.done $0x0  }
0x1d4: {  	[sflag:s29] =	ssyncadd.s32 $0xFFFFFF80  }
0x1d5: {  	_ =	swait.ge [sflag:s29], $0x80  }
0x1d6: {  	[sflag:s29] =	ssyncset.done $0x0  }
0x1d7: {  	[sflag:s29] =	ssyncadd.s32 $0xFFFFFF80  }
0x1d8: {  	_ =	swait.ge [sflag:s29], $0x80  }
0x1d9: {  	[sflag:s29] =	ssyncset.done $0x0  }
0x1da: {  	[sflag:s29] =	ssyncadd.s32 $0xFFFFFF80  }
0x1db: {  	_ =	swait.ge [sflag:s29], $0x80  }
0x1dc: {  	[sflag:s29] =	ssyncset.done $0x0  }
0x1dd: {  	[sflag:s29] =	ssyncadd.s32 $0xFFFFFF80  }
0x1de: {  	_ =	swait.ge [sflag:s29], $0x80  }
0x1df: {  	[sflag:s29] =	ssyncset.done $0x0  }
0x1e0: {  	[sflag:s29] =	ssyncadd.s32 $0xFFFFFF80  }
0x1e1: {  	_ =	swait.ge [sflag:s29], $0x80  }
0x1e2: {  	[sflag:s29] =	ssyncset.done $0x0  }
0x1e3: {  	[sflag:s29] =	ssyncadd.s32 $0xFFFFFF80  }
0x1e4: {  	_ =	swait.ge [sflag:s29], $0x80  }
0x1e5: {  	[sflag:s29] =	ssyncset.done $0x0  }
0x1e6: {  	[sflag:s29] =	ssyncadd.s32 $0xFFFFFF80  }
0x1e7: {  	_ =	swait.ge [sflag:s29], $0x80  }
0x1e8: {  	[sflag:s29] =	ssyncset.done $0x0  }
0x1e9: {  	[sflag:s29] =	ssyncadd.s32 $0xFFFFFF80  }
0x1ea: {  	_ =	swait.ge [sflag:s29], $0x80  }
0x1eb: {  	[sflag:s29] =	ssyncset.done $0x0  }
0x1ec: {  	[sflag:s29] =	ssyncadd.s32 $0xFFFFFF80  }
0x1ed: {  	_ =	swait.ge [sflag:s29], $0x80  }
0x1ee: {  	[sflag:s29] =	ssyncset.done $0x0  }
0x1ef: {  	[sflag:s29] =	ssyncadd.s32 $0xFFFFFF80  }
0x1f0: {  	_ =	swait.ge [sflag:s29], $0x80  }
0x1f1: {  	[sflag:s29] =	ssyncset.done $0x0  }
0x1f2: {  	[sflag:s29] =	ssyncadd.s32 $0xFFFFFF80  }
0x1f3: {  	_ =	swait.ge [sflag:s29], $0x80  }
0x1f4: {  	[sflag:s29] =	ssyncset.done $0x0  }
0x1f5: {  	[sflag:s29] =	ssyncadd.s32 $0xFFFFFF80  }
0x1f6: {  	_ =	swait.ge [sflag:s29], $0x80  }
0x1f7: {  	[sflag:s29] =	ssyncset.done $0x0  }
0x1f8: {  	[sflag:s29] =	ssyncadd.s32 $0xFFFFFF80  }
0x1f9: {  	_ =	swait.ge [sflag:s29], $0x80  }
0x1fa: {  	[sflag:s29] =	ssyncset.done $0x0  }
0x1fb: {  	[sflag:s29] =	ssyncadd.s32 $0xFFFFFF80  }
0x1fc: {  	_ =	swait.ge [sflag:s29], $0x80  }
0x1fd: {  	[sflag:s29] =	ssyncset.done $0x0  }
0x1fe: {  	[sflag:s29] =	ssyncadd.s32 $0xFFFFFF80  }
0x1ff: {  	_ =	swait.ge [sflag:s29], $0x80  }
0x200: {  	[sflag:s29] =	ssyncset.done $0x0  }
0x201: {  	[sflag:s29] =	ssyncadd.s32 $0xFFFFFF80  }
0x202: {  	_ =	swait.ge [sflag:s29], $0x80  }
0x203: {  	[sflag:s29] =	ssyncset.done $0x0  }
0x204: {  	[sflag:s29] =	ssyncadd.s32 $0xFFFFFF80  }
0x205: {  	_ =	swait.ge [sflag:s29], $0x80  }
0x206: {  	[sflag:s29] =	ssyncset.done $0x0  }
0x207: {  	[sflag:s29] =	ssyncadd.s32 $0xFFFFFF80  }
0x208: {  	_ =	swait.ge [sflag:s29], $0x80  }
0x209: {  	[sflag:s29] =	ssyncset.done $0x0  }
0x20a: {  	[sflag:s29] =	ssyncadd.s32 $0xFFFFFF80  }
0x20b: {  	_ =	swait.ge [sflag:s29], $0x80  }
0x20c: {  	[sflag:s29] =	ssyncset.done $0x0  }
0x20d: {  	[sflag:s29] =	ssyncadd.s32 $0xFFFFFF80  }
0x20e: {  	_ =	swait.ge [sflag:s29], $0x80  }
0x20f: {  	[sflag:s29] =	ssyncset.done $0x0  }
0x210: {  	[sflag:s29] =	ssyncadd.s32 $0xFFFFFF80  }
0x211: {  	_ =	swait.ge [sflag:s29], $0x80  }
0x212: {  	[sflag:s29] =	ssyncset.done $0x0  }
0x213: {  	[sflag:s29] =	ssyncadd.s32 $0xFFFFFF80  }
0x214: {  	_ =	swait.ge [sflag:s29], $0x80  }
0x215: {  	[sflag:s29] =	ssyncset.done $0x0  }
0x216: {  	[sflag:s29] =	ssyncadd.s32 $0xFFFFFF80  }
0x217: {  	_ =	swait.ge [sflag:s29], $0x80  }
0x218: {  	[sflag:s29] =	ssyncset.done $0x0  }
0x219: {  	[sflag:s29] =	ssyncadd.s32 $0xFFFFFF80  }
0x21a: {  	_ =	swait.ge [sflag:s29], $0x80  }
0x21b: {  	[sflag:s29] =	ssyncset.done $0x0  }
0x21c: {  	[sflag:s29] =	ssyncadd.s32 $0xFFFFFF80  }
0x21d: {  	_ =	swait.ge [sflag:s29], $0x80  }
0x21e: {  	[sflag:s29] =	ssyncset.done $0x0  }
0x21f: {  	[sflag:s29] =	ssyncadd.s32 $0xFFFFFF80  }
0x220: {  	_ =	swait.ge [sflag:s29], $0x80  }
0x221: {  	[sflag:s29] =	ssyncset.done $0x0  }
0x222: {  	[sflag:s29] =	ssyncadd.s32 $0xFFFFFF80  }
0x223: {  	_ =	swait.ge [sflag:s29], $0x80  }
0x224: {  	[sflag:s29] =	ssyncset.done $0x0  }
0x225: {  	[sflag:s29] =	ssyncadd.s32 $0xFFFFFF80  }
0x226: {  	_ =	swait.ge [sflag:s29], $0x80  }
0x227: {  	[sflag:s29] =	ssyncset.done $0x0  }
0x228: {  	[sflag:s29] =	ssyncadd.s32 $0xFFFFFF80  }
0x229: {  	_ =	swait.ge [sflag:s29], $0x80  }
0x22a: {  	[sflag:s29] =	ssyncset.done $0x0  }
0x22b: {  	[sflag:s29] =	ssyncadd.s32 $0xFFFFFF80  }
0x22c: {  	_ =	swait.ge [sflag:s29], $0x80  }
0x22d: {  	[sflag:s29] =	ssyncset.done $0x0  }
0x22e: {  	s17 =	simm.s32 $0x9200;
	[sflag:s29] =	ssyncadd.s32 $0xFFFFFF80  }
0x22f: {  	[spmem:s4] =	stream.indirect.scatter.add.f32 [tilespmem:s17], [sflag:$0x3], $0x1, s31, s26, $0xb8;
	[tilespmem:$0xA200] =	vst v63  }
0x230: {  	s18 =	simm.s32 $0x9A00  }
0x231: {  	[spmem:s5] =	stream.indirect.scatter.add.f32 [tilespmem:s18], [sflag:$0x3], $0x1, s31, s26, $0xb8;
	[tilespmem:$0xA200] =	vst v63  }
0x232: {  	s31 =	simm.s32 $0x7A80  }
0x233: {  	[spmem:s4] =	stream.indirect.scatter.add.f32 [tilespmem:s7], [sflag:$0x3], $0x1, s31, s26, $0xb8;
	[tilespmem:$0xA200] =	vst v63  }
0x234: {  	s0 =	simm.s32 $0x9A80  }
0x235: {  	[spmem:s5] =	stream.indirect.scatter.add.f32 [tilespmem:s0], [sflag:$0x3], $0x1, s31, s26, $0xb8;
	[tilespmem:$0xA200] =	vst v63  }
0x236: {  	s17 =	simm.s32 $0x7B00  }
0x237: {  	[spmem:s4] =	stream.indirect.scatter.add.f32 [tilespmem:s9], [sflag:$0x3], $0x1, s17, s26, $0xb8;
	[tilespmem:$0xA200] =	vst v63  }
0x238: {  	s18 =	simm.s32 $0x9B00  }
0x239: {  	[spmem:s5] =	stream.indirect.scatter.add.f32 [tilespmem:s18], [sflag:$0x3], $0x1, s17, s26, $0xb8;
	[tilespmem:$0xA200] =	vst v63  }
0x23a: {  	s31 =	simm.s32 $0x7B80  }
0x23b: {  	[spmem:s4] =	stream.indirect.scatter.add.f32 [tilespmem:s11], [sflag:$0x3], $0x1, s31, s26, $0xb8;
	[tilespmem:$0xA200] =	vst v63  }
0x23c: {  	s0 =	simm.s32 $0x9B80  }
0x23d: {  	[spmem:s5] =	stream.indirect.scatter.add.f32 [tilespmem:s0], [sflag:$0x3], $0x1, s31, s26, $0xb8;
	[tilespmem:$0xA200] =	vst v63  }
0x23e: {  	s9 =	simm.s32 $0x7C00  }
0x23f: {  	[spmem:s4] =	stream.indirect.scatter.add.f32 [tilespmem:s13], [sflag:$0x3], $0x1, s9, s26, $0xb8;
	[tilespmem:$0xA200] =	vst v63  }
0x240: {  	s11 =	simm.s32 $0x9C00  }
0x241: {  	[spmem:s5] =	stream.indirect.scatter.add.f32 [tilespmem:s11], [sflag:$0x3], $0x1, s9, s26, $0xb8;
	[tilespmem:$0xA200] =	vst v63  }
0x242: {  	s13 =	simm.s32 $0x7C80  }
0x243: {  	[spmem:s4] =	stream.indirect.scatter.add.f32 [tilespmem:s15], [sflag:$0x3], $0x1, s13, s26, $0xb8;
	[tilespmem:$0xA200] =	vst v63  }
0x244: {  	s15 =	simm.s32 $0x9C80  }
0x245: {  	[spmem:s5] =	stream.indirect.scatter.add.f32 [tilespmem:s15], [sflag:$0x3], $0x1, s13, s26, $0xb8;
	[tilespmem:$0xA200] =	vst v63  }
0x246: {  	s17 =	simm.s32 $0x7D00  }
0x247: {  	[spmem:s4] =	stream.indirect.scatter.add.f32 [tilespmem:s20], [sflag:$0x3], $0x1, s17, s26, $0xb8;
	[tilespmem:$0xA200] =	vst v63  }
0x248: {  	s18 =	simm.s32 $0x9D00  }
0x249: {  	[spmem:s5] =	stream.indirect.scatter.add.f32 [tilespmem:s18], [sflag:$0x3], $0x1, s17, s26, $0xb8;
	[tilespmem:$0xA200] =	vst v63  }
0x24a: {  	s20 =	simm.s32 $0x7D80  }
0x24b: {  	[spmem:s4] =	stream.indirect.scatter.add.f32 [tilespmem:s24], [sflag:$0x3], $0x1, s20, s26, $0xb8;
	[tilespmem:$0xA200] =	vst v63  }
0x24c: {  	s24 =	simm.s32 $0x9D80  }
0x24d: {  	[spmem:s5] =	stream.indirect.scatter.add.f32 [tilespmem:s24], [sflag:$0x3], $0x1, s20, s26, $0xb8;
	[tilespmem:$0xA200] =	vst v63  }
0x24e: {  	s31 =	simm.s32 $0x7E00  }
0x24f: {  	[spmem:s4] =	stream.indirect.scatter.add.f32 [tilespmem:s28], [sflag:$0x3], $0x1, s31, s26, $0xb8;
	[tilespmem:$0xA200] =	vst v63  }
0x250: {  	_ = 	snop  }
0x251: {  	[spmem:s5] =	stream.indirect.scatter.add.f32 [tilespmem:s30], [sflag:$0x3], $0x1, s31, s26, $0xb8;
	[tilespmem:$0xA200] =	vst v63  }
0x252: {  	s0 =	simm.s32 $0x7E80  }
0x253: {  	[spmem:s4] =	stream.indirect.scatter.add.f32 [tilespmem:s25], [sflag:$0x3], $0x1, s0, s26, $0xb8;
	[tilespmem:$0xA200] =	vst v63  }
0x254: {  	s7 =	simm.s32 $0x9E80  }
0x255: {  	[spmem:s5] =	stream.indirect.scatter.add.f32 [tilespmem:s7], [sflag:$0x3], $0x1, s0, s26, $0xb8;
	[tilespmem:$0xA200] =	vst v63  }
0x256: {  	s9 =	simm.s32 $0x7F00  }
0x257: {  	[spmem:s4] =	stream.indirect.scatter.add.f32 [tilespmem:s8], [sflag:$0x3], $0x1, s9, s26, $0xb8;
	[tilespmem:$0xA200] =	vst v63  }
0x258: {  	s11 =	simm.s32 $0x9F00  }
0x259: {  	[spmem:s5] =	stream.indirect.scatter.add.f32 [tilespmem:s11], [sflag:$0x3], $0x1, s9, s26, $0xb8;
	[tilespmem:$0xA200] =	vst v63  }
0x25a: {  	s13 =	simm.s32 $0x7F80  }
0x25b: {  	[spmem:s4] =	stream.indirect.scatter.add.f32 [tilespmem:s10], [sflag:$0x3], $0x1, s13, s26, $0xb8;
	[tilespmem:$0xA200] =	vst v63  }
0x25c: {  	s15 =	simm.s32 $0x9F80  }
0x25d: {  	[spmem:s5] =	stream.indirect.scatter.add.f32 [tilespmem:s15], [sflag:$0x3], $0x1, s13, s26, $0xb8;
	[tilespmem:$0xA200] =	vst v63  }
0x25e: {  	s17 =	simm.s32 $0x8000  }
0x25f: {  	[spmem:s4] =	stream.indirect.scatter.add.f32 [tilespmem:s12], [sflag:$0x3], $0x1, s17, s26, $0xb8;
	[tilespmem:$0xA200] =	vst v63  }
0x260: {  	s18 =	simm.s32 $0xA000  }
0x261: {  	[spmem:s5] =	stream.indirect.scatter.add.f32 [tilespmem:s18], [sflag:$0x3], $0x1, s17, s26, $0xb8;
	[tilespmem:$0xA200] =	vst v63  }
0x262: {  	s20 =	simm.s32 $0x8080  }
0x263: {  	[spmem:s4] =	stream.indirect.scatter.add.f32 [tilespmem:s14], [sflag:$0x3], $0x1, s20, s26, $0xb8;
	[tilespmem:$0xA200] =	vst v63  }
0x264: {  	s24 =	simm.s32 $0xA080  }
0x265: {  	[spmem:s5] =	stream.indirect.scatter.add.f32 [tilespmem:s24], [sflag:$0x3], $0x1, s20, s26, $0xb8;
	[tilespmem:$0xA200] =	vst v63  }
0x266: {  	s25 =	simm.s32 $0x8100  }
0x267: {  	[spmem:s4] =	stream.indirect.scatter.add.f32 [tilespmem:s16], [sflag:$0x3], $0x1, s25, s26, $0xb8;
	[tilespmem:$0xA200] =	vst v63  }
0x268: {  	s28 =	simm.s32 $0xA100  }
0x269: {  	[spmem:s5] =	stream.indirect.scatter.add.f32 [tilespmem:s28], [sflag:$0x3], $0x1, s25, s26, $0xb8;
	[tilespmem:$0xA200] =	vst v63  }
0x26a: {  	s30 =	simm.s32 $0x8180  }
0x26b: {  	[spmem:s4] =	stream.indirect.scatter.add.f32 [tilespmem:s22], [sflag:$0x3], $0x1, s30, s26, $0xb8;
	[tilespmem:$0xA200] =	vst v63  }
0x26c: {  	s31 =	simm.s32 $0xA180  }
0x26d: {  	[spmem:s5] =	stream.indirect.scatter.add.f32 [tilespmem:s31], [sflag:$0x3], $0x1, s30, s26, $0xb8;
	[tilespmem:$0xA200] =	vst v63  }
0x26e: {  	_ =	swait.ge [sflag:s6], $0x80  }
0x26f: {  	[sflag:s6] =	ssyncset.done $0x0  }
0x270: {  	[sflag:s6] =	ssyncadd.s32 $0xFFFFFF80  }
0x271: {  	_ =	swait.ge [sflag:s6], $0x80  }
0x272: {  	[sflag:s6] =	ssyncset.done $0x0  }
0x273: {  	[sflag:s6] =	ssyncadd.s32 $0xFFFFFF80  }
0x274: {  	_ =	swait.ge [sflag:s6], $0x80  }
0x275: {  	[sflag:s6] =	ssyncset.done $0x0  }
0x276: {  	[sflag:s6] =	ssyncadd.s32 $0xFFFFFF80  }
0x277: {  	_ =	swait.ge [sflag:s6], $0x80  }
0x278: {  	[sflag:s6] =	ssyncset.done $0x0  }
0x279: {  	[sflag:s6] =	ssyncadd.s32 $0xFFFFFF80  }
0x27a: {  	_ =	swait.ge [sflag:s6], $0x80  }
0x27b: {  	[sflag:s6] =	ssyncset.done $0x0  }
0x27c: {  	[sflag:s6] =	ssyncadd.s32 $0xFFFFFF80  }
0x27d: {  	_ =	swait.ge [sflag:s6], $0x80  }
0x27e: {  	[sflag:s6] =	ssyncset.done $0x0  }
0x27f: {  	[sflag:s6] =	ssyncadd.s32 $0xFFFFFF80  }
0x280: {  	_ =	swait.ge [sflag:s6], $0x80  }
0x281: {  	[sflag:s6] =	ssyncset.done $0x0  }
0x282: {  	[sflag:s6] =	ssyncadd.s32 $0xFFFFFF80  }
0x283: {  	_ =	swait.ge [sflag:s6], $0x80  }
0x284: {  	[sflag:s6] =	ssyncset.done $0x0  }
0x285: {  	[sflag:s6] =	ssyncadd.s32 $0xFFFFFF80  }
0x286: {  	_ =	swait.ge [sflag:s6], $0x80  }
0x287: {  	[sflag:s6] =	ssyncset.done $0x0  }
0x288: {  	[sflag:s6] =	ssyncadd.s32 $0xFFFFFF80  }
0x289: {  	_ =	swait.ge [sflag:s6], $0x80  }
0x28a: {  	[sflag:s6] =	ssyncset.done $0x0  }
0x28b: {  	[sflag:s6] =	ssyncadd.s32 $0xFFFFFF80  }
0x28c: {  	_ =	swait.ge [sflag:s6], $0x80  }
0x28d: {  	[sflag:s6] =	ssyncset.done $0x0  }
0x28e: {  	[sflag:s6] =	ssyncadd.s32 $0xFFFFFF80  }
0x28f: {  	_ =	swait.ge [sflag:s6], $0x80  }
0x290: {  	[sflag:s6] =	ssyncset.done $0x0  }
0x291: {  	[sflag:s6] =	ssyncadd.s32 $0xFFFFFF80  }
0x292: {  	_ =	swait.ge [sflag:s6], $0x80  }
0x293: {  	[sflag:s6] =	ssyncset.done $0x0  }
0x294: {  	[sflag:s6] =	ssyncadd.s32 $0xFFFFFF80  }
0x295: {  	_ =	swait.ge [sflag:s6], $0x80  }
0x296: {  	[sflag:s6] =	ssyncset.done $0x0  }
0x297: {  	[sflag:s6] =	ssyncadd.s32 $0xFFFFFF80  }
0x298: {  	_ =	swait.ge [sflag:s6], $0x80  }
0x299: {  	[sflag:s6] =	ssyncset.done $0x0  }
0x29a: {  	[sflag:s6] =	ssyncadd.s32 $0xFFFFFF80  }
0x29b: {  	_ =	swait.ge [sflag:s6], $0x80  }
0x29c: {  	[sflag:s6] =	ssyncset.done $0x0  }
0x29d: {  	[sflag:s6] =	ssyncadd.s32 $0xFFFFFF80  }
0x29e: {  	_ =	swait.ge [sflag:s6], $0x80  }
0x29f: {  	[sflag:s6] =	ssyncset.done $0x0  }
0x2a0: {  	[sflag:s6] =	ssyncadd.s32 $0xFFFFFF80  }
0x2a1: {  	_ =	swait.ge [sflag:s6], $0x80  }
0x2a2: {  	[sflag:s6] =	ssyncset.done $0x0  }
0x2a3: {  	[sflag:s6] =	ssyncadd.s32 $0xFFFFFF80  }
0x2a4: {  	_ =	swait.ge [sflag:s6], $0x80  }
0x2a5: {  	[sflag:s6] =	ssyncset.done $0x0  }
0x2a6: {  	[sflag:s6] =	ssyncadd.s32 $0xFFFFFF80  }
0x2a7: {  	_ =	swait.ge [sflag:s6], $0x80  }
0x2a8: {  	[sflag:s6] =	ssyncset.done $0x0  }
0x2a9: {  	[sflag:s6] =	ssyncadd.s32 $0xFFFFFF80  }
0x2aa: {  	_ =	swait.ge [sflag:s6], $0x80  }
0x2ab: {  	[sflag:s6] =	ssyncset.done $0x0  }
0x2ac: {  	[sflag:s6] =	ssyncadd.s32 $0xFFFFFF80  }
0x2ad: {  	_ =	swait.ge [sflag:s6], $0x80  }
0x2ae: {  	[sflag:s6] =	ssyncset.done $0x0  }
0x2af: {  	[sflag:s6] =	ssyncadd.s32 $0xFFFFFF80  }
0x2b0: {  	_ =	swait.ge [sflag:s6], $0x80  }
0x2b1: {  	[sflag:s6] =	ssyncset.done $0x0  }
0x2b2: {  	[sflag:s6] =	ssyncadd.s32 $0xFFFFFF80  }
0x2b3: {  	_ =	swait.ge [sflag:s6], $0x80  }
0x2b4: {  	[sflag:s6] =	ssyncset.done $0x0  }
0x2b5: {  	[sflag:s6] =	ssyncadd.s32 $0xFFFFFF80  }
0x2b6: {  	_ =	swait.ge [sflag:s6], $0x80  }
0x2b7: {  	[sflag:s6] =	ssyncset.done $0x0  }
0x2b8: {  	[sflag:s6] =	ssyncadd.s32 $0xFFFFFF80  }
0x2b9: {  	_ =	swait.ge [sflag:s6], $0x80  }
0x2ba: {  	[sflag:s6] =	ssyncset.done $0x0  }
0x2bb: {  	[sflag:s6] =	ssyncadd.s32 $0xFFFFFF80  }
0x2bc: {  	_ =	swait.ge [sflag:s6], $0x80  }
0x2bd: {  	[sflag:s6] =	ssyncset.done $0x0  }
0x2be: {  	[sflag:s6] =	ssyncadd.s32 $0xFFFFFF80  }
0x2bf: {  	_ =	swait.ge [sflag:s6], $0x80  }
0x2c0: {  	[sflag:s6] =	ssyncset.done $0x0  }
0x2c1: {  	[sflag:s6] =	ssyncadd.s32 $0xFFFFFF80  }
0x2c2: {  	_ =	swait.ge [sflag:s6], $0x80  }
0x2c3: {  	[sflag:s6] =	ssyncset.done $0x0  }
0x2c4: {  	[sflag:s6] =	ssyncadd.s32 $0xFFFFFF80  }
0x2c5: {  	_ =	swait.ge [sflag:s6], $0x80  }
0x2c6: {  	[sflag:s6] =	ssyncset.done $0x0  }
0x2c7: {  	[sflag:s6] =	ssyncadd.s32 $0xFFFFFF80  }
0x2c8: {  	_ =	swait.ge [sflag:s6], $0x80  }
0x2c9: {  	[sflag:s6] =	ssyncset.done $0x0  }
0x2ca: {  	[sflag:s6] =	ssyncadd.s32 $0xFFFFFF80  }
0x2cb: {  	s17 =	simm.s32 $0x200;
	_ =	swait.ge [sflag:s6], $0x80  }
.LBB2_2:
0x2cc: {  	[sflag:s6] =	ssyncset.done $0x0  }
0x2cd: {  	[sflag:s6] =	ssyncadd.s32 $0xFFFFFF80  }
0x2ce: {  	_ =	swait.ge [sflag:s23], $0x800  }
0x2cf: {  	[sflag:s23] =	ssyncset.done $0x0  }
0x2d0: {  	[sflag:s23] =	ssyncadd.s32 $0xFFFFF800  }
0x2d1: {  	s18 =	smov.u32 s17;
	_ =	swait.ge [sflag:s23], $0x800  }
0x2d2: {  	s0 =	simm.s32 $0x7200;
	s20 =	rddreg [dreg:$0xa];
	[sflag:s23] =	ssyncset.done $0x0  }
0x2d3: {  	s11 =	rddreg [dreg:$0x9];
	[sflag:s23] =	ssyncadd.s32 $0xFFFFF800;
	s20 =	sadd.s32 s18, s20  }
0x2d4: {  	[tilespmem:s0], [sflag:$0x1] =	stream.linear.gather [hbm4b:s20+s19], $0x800, $0x38;
	[tilespmem:$0xA200] =	vst v63  }
0x2d5: {  	s16 =	simm.s32 $0x7A00;
	s11 =	sadd.s32 s18, s11  }
0x2d6: {  	[tilespmem:s16], [sflag:$0x1] =	stream.linear.gather [hbm4b:s11+s19], $0x800, $0x38;
	[tilespmem:$0xA200] =	vst v63  }
0x2d7: {  	s20 =	simm.s32 $0x8200  }
0x2d8: {  	[tilespmem:s20], [sflag:$0x2] =	stream.indirect.gather [spmem:s1], $0x1, s21, s26, $0xb8;
	[tilespmem:$0xA200] =	vst v63  }
0x2d9: {  	s22 =	simm.s32 $0x8A00  }
0x2da: {  	[tilespmem:s22], [sflag:$0x2] =	stream.indirect.gather [spmem:s3], $0x1, s21, s26, $0xb8;
	[tilespmem:$0xA200] =	vst v63  }
0x2db: {  	s2 =	simm.s32 $0x8280;
	s23 =	simm.s32 $0x6280  }
0x2dc: {  	[tilespmem:s2], [sflag:$0x2] =	stream.indirect.gather [spmem:s1], $0x1, s23, s26, $0xb8;
	[tilespmem:$0xA200] =	vst v63  }
0x2dd: {  	s24 =	simm.s32 $0x8A80  }
0x2de: {  	[tilespmem:s24], [sflag:$0x2] =	stream.indirect.gather [spmem:s3], $0x1, s23, s26, $0xb8;
	[tilespmem:$0xA200] =	vst v63  }
0x2df: {  	s25 =	simm.s32 $0x6300;
	s28 =	simm.s32 $0x8300  }
0x2e0: {  	[tilespmem:s28], [sflag:$0x2] =	stream.indirect.gather [spmem:s1], $0x1, s25, s26, $0xb8;
	[tilespmem:$0xA200] =	vst v63  }
0x2e1: {  	s30 =	simm.s32 $0x8B00  }
0x2e2: {  	[tilespmem:s30], [sflag:$0x2] =	stream.indirect.gather [spmem:s3], $0x1, s25, s26, $0xb8;
	[tilespmem:$0xA200] =	vst v63  }
0x2e3: {  	s31 =	simm.s32 $0x6380;
	s7 =	simm.s32 $0x8380  }
0x2e4: {  	[tilespmem:s7], [sflag:$0x2] =	stream.indirect.gather [spmem:s1], $0x1, s31, s26, $0xb8;
	[tilespmem:$0xA200] =	vst v63  }
0x2e5: {  	s8 =	simm.s32 $0x8B80  }
0x2e6: {  	[tilespmem:s8], [sflag:$0x2] =	stream.indirect.gather [spmem:s3], $0x1, s31, s26, $0xb8;
	[tilespmem:$0xA200] =	vst v63  }
0x2e7: {  	s9 =	simm.s32 $0x6400;
	s10 =	simm.s32 $0x8400  }
0x2e8: {  	[tilespmem:s10], [sflag:$0x2] =	stream.indirect.gather [spmem:s1], $0x1, s9, s26, $0xb8;
	[tilespmem:$0xA200] =	vst v63  }
0x2e9: {  	s11 =	simm.s32 $0x8C00  }
0x2ea: {  	[tilespmem:s11], [sflag:$0x2] =	stream.indirect.gather [spmem:s3], $0x1, s9, s26, $0xb8;
	[tilespmem:$0xA200] =	vst v63  }
0x2eb: {  	s12 =	simm.s32 $0x6480;
	s19 =	simm.s32 $0x8480  }
0x2ec: {  	[tilespmem:s19], [sflag:$0x2] =	stream.indirect.gather [spmem:s1], $0x1, s12, s26, $0xb8;
	[tilespmem:$0xA200] =	vst v63  }
0x2ed: {  	s20 =	simm.s32 $0x8C80  }
0x2ee: {  	[tilespmem:s20], [sflag:$0x2] =	stream.indirect.gather [spmem:s3], $0x1, s12, s26, $0xb8;
	[tilespmem:$0xA200] =	vst v63  }
0x2ef: {  	s13 =	simm.s32 $0x6500;
	s21 =	simm.s32 $0x8500  }
0x2f0: {  	[tilespmem:s21], [sflag:$0x2] =	stream.indirect.gather [spmem:s1], $0x1, s13, s26, $0xb8;
	[tilespmem:$0xA200] =	vst v63  }
0x2f1: {  	s31 =	simm.s32 $0x8D00  }
0x2f2: {  	[tilespmem:s31], [sflag:$0x2] =	stream.indirect.gather [spmem:s3], $0x1, s13, s26, $0xb8;
	[tilespmem:$0xA200] =	vst v63  }
0x2f3: {  	s14 =	simm.s32 $0x6580;
	s2 =	simm.s32 $0x8580  }
0x2f4: {  	[tilespmem:s2], [sflag:$0x2] =	stream.indirect.gather [spmem:s1], $0x1, s14, s26, $0xb8;
	[tilespmem:$0xA200] =	vst v63  }
0x2f5: {  	s22 =	simm.s32 $0x8D80  }
0x2f6: {  	[tilespmem:s22], [sflag:$0x2] =	stream.indirect.gather [spmem:s3], $0x1, s14, s26, $0xb8;
	[tilespmem:$0xA200] =	vst v63  }
0x2f7: {  	s15 =	simm.s32 $0x6600;
	s30 =	simm.s32 $0x8600  }
0x2f8: {  	[tilespmem:s30], [sflag:$0x2] =	stream.indirect.gather [spmem:s1], $0x1, s15, s26, $0xb8;
	[tilespmem:$0xA200] =	vst v63  }
0x2f9: {  	s16 =	simm.s32 $0x8E00  }
0x2fa: {  	[tilespmem:s16], [sflag:$0x2] =	stream.indirect.gather [spmem:s3], $0x1, s15, s26, $0xb8;
	[tilespmem:$0xA200] =	vst v63  }
0x2fb: {  	s23 =	simm.s32 $0x6680;
	s7 =	simm.s32 $0x8680  }
0x2fc: {  	[tilespmem:s7], [sflag:$0x2] =	stream.indirect.gather [spmem:s1], $0x1, s23, s26, $0xb8;
	[tilespmem:$0xA200] =	vst v63  }
0x2fd: {  	s9 =	simm.s32 $0x8E80  }
0x2fe: {  	[tilespmem:s9], [sflag:$0x2] =	stream.indirect.gather [spmem:s3], $0x1, s23, s26, $0xb8;
	[tilespmem:$0xA200] =	vst v63  }
0x2ff: {  	s24 =	simm.s32 $0x6700;
	s10 =	simm.s32 $0x8700  }
0x300: {  	[tilespmem:s10], [sflag:$0x2] =	stream.indirect.gather [spmem:s1], $0x1, s24, s26, $0xb8;
	[tilespmem:$0xA200] =	vst v63  }
0x301: {  	s12 =	simm.s32 $0x8F00  }
0x302: {  	[tilespmem:s12], [sflag:$0x2] =	stream.indirect.gather [spmem:s3], $0x1, s24, s26, $0xb8;
	[tilespmem:$0xA200] =	vst v63  }
0x303: {  	s25 =	simm.s32 $0x6780;
	s13 =	simm.s32 $0x8780  }
0x304: {  	[tilespmem:s13], [sflag:$0x2] =	stream.indirect.gather [spmem:s1], $0x1, s25, s26, $0xb8;
	[tilespmem:$0xA200] =	vst v63  }
0x305: {  	s14 =	simm.s32 $0x8F80  }
0x306: {  	[tilespmem:s14], [sflag:$0x2] =	stream.indirect.gather [spmem:s3], $0x1, s25, s26, $0xb8;
	[tilespmem:$0xA200] =	vst v63  }
0x307: {  	s28 =	simm.s32 $0x6800;
	s15 =	simm.s32 $0x8800  }
0x308: {  	[tilespmem:s15], [sflag:$0x2] =	stream.indirect.gather [spmem:s1], $0x1, s28, s26, $0xb8;
	[tilespmem:$0xA200] =	vst v63  }
0x309: {  	s16 =	simm.s32 $0x9000  }
0x30a: {  	[tilespmem:s16], [sflag:$0x2] =	stream.indirect.gather [spmem:s3], $0x1, s28, s26, $0xb8;
	[tilespmem:$0xA200] =	vst v63  }
0x30b: {  	s0 =	simm.s32 $0x6880;
	s24 =	simm.s32 $0x8880  }
0x30c: {  	[tilespmem:s24], [sflag:$0x2] =	stream.indirect.gather [spmem:s1], $0x1, s0, s26, $0xb8;
	[tilespmem:$0xA200] =	vst v63  }
0x30d: {  	s25 =	simm.s32 $0x9080  }
0x30e: {  	[tilespmem:s25], [sflag:$0x2] =	stream.indirect.gather [spmem:s3], $0x1, s0, s26, $0xb8;
	[tilespmem:$0xA200] =	vst v63  }
0x30f: {  	s8 =	simm.s32 $0x6900;
	s28 =	simm.s32 $0x8900  }
0x310: {  	[tilespmem:s28], [sflag:$0x2] =	stream.indirect.gather [spmem:s1], $0x1, s8, s26, $0xb8;
	[tilespmem:$0xA200] =	vst v63  }
0x311: {  	s23 =	simm.s32 $0x9100  }
0x312: {  	[tilespmem:s23], [sflag:$0x2] =	stream.indirect.gather [spmem:s3], $0x1, s8, s26, $0xb8;
	[tilespmem:$0xA200] =	vst v63  }
0x313: {  	s11 =	simm.s32 $0x6980;
	s8 =	simm.s32 $0x8980  }
0x314: {  	[tilespmem:s8], [sflag:$0x2] =	stream.indirect.gather [spmem:s1], $0x1, s11, s26, $0xb8;
	[tilespmem:$0xA200] =	vst v63  }
0x315: {  	s0 =	simm.s32 $0x9180  }
0x316: {  	[tilespmem:s0], [sflag:$0x2] =	stream.indirect.gather [spmem:s3], $0x1, s11, s26, $0xb8;
	[tilespmem:$0xA200] =	vst v63  }
0x317: {  	_ =	swait.ge [sflag:s29], $0x80  }
0x318: {  	[sflag:s29] =	ssyncset.done $0x0  }
0x319: {  	[sflag:s29] =	ssyncadd.s32 $0xFFFFFF80  }
0x31a: {  	_ =	swait.ge [sflag:s29], $0x80  }
0x31b: {  	[sflag:s29] =	ssyncset.done $0x0  }
0x31c: {  	[sflag:s29] =	ssyncadd.s32 $0xFFFFFF80  }
0x31d: {  	_ =	swait.ge [sflag:s29], $0x80  }
0x31e: {  	[sflag:s29] =	ssyncset.done $0x0  }
0x31f: {  	[sflag:s29] =	ssyncadd.s32 $0xFFFFFF80  }
0x320: {  	_ =	swait.ge [sflag:s29], $0x80  }
0x321: {  	[sflag:s29] =	ssyncset.done $0x0  }
0x322: {  	[sflag:s29] =	ssyncadd.s32 $0xFFFFFF80  }
0x323: {  	_ =	swait.ge [sflag:s29], $0x80  }
0x324: {  	[sflag:s29] =	ssyncset.done $0x0  }
0x325: {  	[sflag:s29] =	ssyncadd.s32 $0xFFFFFF80  }
0x326: {  	_ =	swait.ge [sflag:s29], $0x80  }
0x327: {  	[sflag:s29] =	ssyncset.done $0x0  }
0x328: {  	[sflag:s29] =	ssyncadd.s32 $0xFFFFFF80  }
0x329: {  	_ =	swait.ge [sflag:s29], $0x80  }
0x32a: {  	[sflag:s29] =	ssyncset.done $0x0  }
0x32b: {  	[sflag:s29] =	ssyncadd.s32 $0xFFFFFF80  }
0x32c: {  	_ =	swait.ge [sflag:s29], $0x80  }
0x32d: {  	[sflag:s29] =	ssyncset.done $0x0  }
0x32e: {  	[sflag:s29] =	ssyncadd.s32 $0xFFFFFF80  }
0x32f: {  	_ =	swait.ge [sflag:s29], $0x80  }
0x330: {  	[sflag:s29] =	ssyncset.done $0x0  }
0x331: {  	[sflag:s29] =	ssyncadd.s32 $0xFFFFFF80  }
0x332: {  	_ =	swait.ge [sflag:s29], $0x80  }
0x333: {  	[sflag:s29] =	ssyncset.done $0x0  }
0x334: {  	[sflag:s29] =	ssyncadd.s32 $0xFFFFFF80  }
0x335: {  	_ =	swait.ge [sflag:s29], $0x80  }
0x336: {  	[sflag:s29] =	ssyncset.done $0x0  }
0x337: {  	[sflag:s29] =	ssyncadd.s32 $0xFFFFFF80  }
0x338: {  	_ =	swait.ge [sflag:s29], $0x80  }
0x339: {  	[sflag:s29] =	ssyncset.done $0x0  }
0x33a: {  	[sflag:s29] =	ssyncadd.s32 $0xFFFFFF80  }
0x33b: {  	_ =	swait.ge [sflag:s29], $0x80  }
0x33c: {  	[sflag:s29] =	ssyncset.done $0x0  }
0x33d: {  	[sflag:s29] =	ssyncadd.s32 $0xFFFFFF80  }
0x33e: {  	_ =	swait.ge [sflag:s29], $0x80  }
0x33f: {  	[sflag:s29] =	ssyncset.done $0x0  }
0x340: {  	[sflag:s29] =	ssyncadd.s32 $0xFFFFFF80  }
0x341: {  	_ =	swait.ge [sflag:s29], $0x80  }
0x342: {  	[sflag:s29] =	ssyncset.done $0x0  }
0x343: {  	[sflag:s29] =	ssyncadd.s32 $0xFFFFFF80  }
0x344: {  	_ =	swait.ge [sflag:s29], $0x80  }
0x345: {  	[sflag:s29] =	ssyncset.done $0x0  }
0x346: {  	[sflag:s29] =	ssyncadd.s32 $0xFFFFFF80  }
0x347: {  	_ =	swait.ge [sflag:s29], $0x80  }
0x348: {  	[sflag:s29] =	ssyncset.done $0x0  }
0x349: {  	[sflag:s29] =	ssyncadd.s32 $0xFFFFFF80  }
0x34a: {  	_ =	swait.ge [sflag:s29], $0x80  }
0x34b: {  	[sflag:s29] =	ssyncset.done $0x0  }
0x34c: {  	[sflag:s29] =	ssyncadd.s32 $0xFFFFFF80  }
0x34d: {  	_ =	swait.ge [sflag:s29], $0x80  }
0x34e: {  	[sflag:s29] =	ssyncset.done $0x0  }
0x34f: {  	[sflag:s29] =	ssyncadd.s32 $0xFFFFFF80  }
0x350: {  	_ =	swait.ge [sflag:s29], $0x80  }
0x351: {  	[sflag:s29] =	ssyncset.done $0x0  }
0x352: {  	[sflag:s29] =	ssyncadd.s32 $0xFFFFFF80  }
0x353: {  	_ =	swait.ge [sflag:s29], $0x80  }
0x354: {  	[sflag:s29] =	ssyncset.done $0x0  }
0x355: {  	[sflag:s29] =	ssyncadd.s32 $0xFFFFFF80  }
0x356: {  	_ =	swait.ge [sflag:s29], $0x80  }
0x357: {  	[sflag:s29] =	ssyncset.done $0x0  }
0x358: {  	[sflag:s29] =	ssyncadd.s32 $0xFFFFFF80  }
0x359: {  	_ =	swait.ge [sflag:s29], $0x80  }
0x35a: {  	[sflag:s29] =	ssyncset.done $0x0  }
0x35b: {  	[sflag:s29] =	ssyncadd.s32 $0xFFFFFF80  }
0x35c: {  	_ =	swait.ge [sflag:s29], $0x80  }
0x35d: {  	[sflag:s29] =	ssyncset.done $0x0  }
0x35e: {  	[sflag:s29] =	ssyncadd.s32 $0xFFFFFF80  }
0x35f: {  	_ =	swait.ge [sflag:s29], $0x80  }
0x360: {  	[sflag:s29] =	ssyncset.done $0x0  }
0x361: {  	[sflag:s29] =	ssyncadd.s32 $0xFFFFFF80  }
0x362: {  	_ =	swait.ge [sflag:s29], $0x80  }
0x363: {  	[sflag:s29] =	ssyncset.done $0x0  }
0x364: {  	[sflag:s29] =	ssyncadd.s32 $0xFFFFFF80  }
0x365: {  	_ =	swait.ge [sflag:s29], $0x80  }
0x366: {  	[sflag:s29] =	ssyncset.done $0x0  }
0x367: {  	[sflag:s29] =	ssyncadd.s32 $0xFFFFFF80  }
0x368: {  	_ =	swait.ge [sflag:s29], $0x80  }
0x369: {  	[sflag:s29] =	ssyncset.done $0x0  }
0x36a: {  	[sflag:s29] =	ssyncadd.s32 $0xFFFFFF80  }
0x36b: {  	_ =	swait.ge [sflag:s29], $0x80  }
0x36c: {  	[sflag:s29] =	ssyncset.done $0x0  }
0x36d: {  	[sflag:s29] =	ssyncadd.s32 $0xFFFFFF80  }
0x36e: {  	_ =	swait.ge [sflag:s29], $0x80  }
0x36f: {  	[sflag:s29] =	ssyncset.done $0x0  }
0x370: {  	[sflag:s29] =	ssyncadd.s32 $0xFFFFFF80  }
0x371: {  	_ =	swait.ge [sflag:s29], $0x80  }
0x372: {  	[sflag:s29] =	ssyncset.done $0x0  }
0x373: {  	[sflag:s29] =	ssyncadd.s32 $0xFFFFFF80  }
0x374: {  	_ =	swait.ge [sflag:s29], $0x80  }
0x375: {  	[sflag:s29] =	ssyncset.done $0x0  }
0x376: {  	s11 =	simm.s32 $0x6A00;
	s0 =	simm.s32 $0x8200;
	[sflag:s29] =	ssyncadd.s32 $0xFFFFFF80  }
0x377: {  	[spmem:s4] =	stream.indirect.scatter.add.f32 [tilespmem:s0], [sflag:$0x3], $0x1, s11, s26, $0xb8;
	[tilespmem:$0xA200] =	vst v63  }
0x378: {  	s0 =	simm.s32 $0x8A00  }
0x379: {  	[spmem:s5] =	stream.indirect.scatter.add.f32 [tilespmem:s0], [sflag:$0x3], $0x1, s11, s26, $0xb8;
	[tilespmem:$0xA200] =	vst v63  }
0x37a: {  	s11 =	simm.s32 $0x6A80;
	s0 =	simm.s32 $0x8280  }
0x37b: {  	[spmem:s4] =	stream.indirect.scatter.add.f32 [tilespmem:s0], [sflag:$0x3], $0x1, s11, s26, $0xb8;
	[tilespmem:$0xA200] =	vst v63  }
0x37c: {  	s0 =	simm.s32 $0x8A80  }
0x37d: {  	[spmem:s5] =	stream.indirect.scatter.add.f32 [tilespmem:s0], [sflag:$0x3], $0x1, s11, s26, $0xb8;
	[tilespmem:$0xA200] =	vst v63  }
0x37e: {  	s11 =	simm.s32 $0x6B00;
	s0 =	simm.s32 $0x8300  }
0x37f: {  	[spmem:s4] =	stream.indirect.scatter.add.f32 [tilespmem:s0], [sflag:$0x3], $0x1, s11, s26, $0xb8;
	[tilespmem:$0xA200] =	vst v63  }
0x380: {  	s0 =	simm.s32 $0x8B00  }
0x381: {  	[spmem:s5] =	stream.indirect.scatter.add.f32 [tilespmem:s0], [sflag:$0x3], $0x1, s11, s26, $0xb8;
	[tilespmem:$0xA200] =	vst v63  }
0x382: {  	s11 =	simm.s32 $0x6B80;
	s0 =	simm.s32 $0x8380  }
0x383: {  	[spmem:s4] =	stream.indirect.scatter.add.f32 [tilespmem:s0], [sflag:$0x3], $0x1, s11, s26, $0xb8;
	[tilespmem:$0xA200] =	vst v63  }
0x384: {  	s0 =	simm.s32 $0x8B80  }
0x385: {  	[spmem:s5] =	stream.indirect.scatter.add.f32 [tilespmem:s0], [sflag:$0x3], $0x1, s11, s26, $0xb8;
	[tilespmem:$0xA200] =	vst v63  }
0x386: {  	s11 =	simm.s32 $0x6C00;
	s0 =	simm.s32 $0x8400  }
0x387: {  	[spmem:s4] =	stream.indirect.scatter.add.f32 [tilespmem:s0], [sflag:$0x3], $0x1, s11, s26, $0xb8;
	[tilespmem:$0xA200] =	vst v63  }
0x388: {  	s0 =	simm.s32 $0x8C00  }
0x389: {  	[spmem:s5] =	stream.indirect.scatter.add.f32 [tilespmem:s0], [sflag:$0x3], $0x1, s11, s26, $0xb8;
	[tilespmem:$0xA200] =	vst v63  }
0x38a: {  	s0 =	simm.s32 $0x6C80  }
0x38b: {  	[spmem:s4] =	stream.indirect.scatter.add.f32 [tilespmem:s19], [sflag:$0x3], $0x1, s0, s26, $0xb8;
	[tilespmem:$0xA200] =	vst v63  }
0x38c: {  	_ = 	snop  }
0x38d: {  	[spmem:s5] =	stream.indirect.scatter.add.f32 [tilespmem:s20], [sflag:$0x3], $0x1, s0, s26, $0xb8;
	[tilespmem:$0xA200] =	vst v63  }
0x38e: {  	s20 =	simm.s32 $0x6D00  }
0x38f: {  	[spmem:s4] =	stream.indirect.scatter.add.f32 [tilespmem:s21], [sflag:$0x3], $0x1, s20, s26, $0xb8;
	[tilespmem:$0xA200] =	vst v63  }
0x390: {  	_ = 	snop  }
0x391: {  	[spmem:s5] =	stream.indirect.scatter.add.f32 [tilespmem:s31], [sflag:$0x3], $0x1, s20, s26, $0xb8;
	[tilespmem:$0xA200] =	vst v63  }
0x392: {  	s21 =	simm.s32 $0x6D80  }
0x393: {  	[spmem:s4] =	stream.indirect.scatter.add.f32 [tilespmem:s2], [sflag:$0x3], $0x1, s21, s26, $0xb8;
	[tilespmem:$0xA200] =	vst v63  }
0x394: {  	_ = 	snop  }
0x395: {  	[spmem:s5] =	stream.indirect.scatter.add.f32 [tilespmem:s22], [sflag:$0x3], $0x1, s21, s26, $0xb8;
	[tilespmem:$0xA200] =	vst v63  }
0x396: {  	s22 =	simm.s32 $0x6E00  }
0x397: {  	[spmem:s4] =	stream.indirect.scatter.add.f32 [tilespmem:s30], [sflag:$0x3], $0x1, s22, s26, $0xb8;
	[tilespmem:$0xA200] =	vst v63  }
0x398: {  	s31 =	simm.s32 $0x8E00  }
0x399: {  	[spmem:s5] =	stream.indirect.scatter.add.f32 [tilespmem:s31], [sflag:$0x3], $0x1, s22, s26, $0xb8;
	[tilespmem:$0xA200] =	vst v63  }
0x39a: {  	s2 =	simm.s32 $0x6E80  }
0x39b: {  	[spmem:s4] =	stream.indirect.scatter.add.f32 [tilespmem:s7], [sflag:$0x3], $0x1, s2, s26, $0xb8;
	[tilespmem:$0xA200] =	vst v63  }
0x39c: {  	_ = 	snop  }
0x39d: {  	[spmem:s5] =	stream.indirect.scatter.add.f32 [tilespmem:s9], [sflag:$0x3], $0x1, s2, s26, $0xb8;
	[tilespmem:$0xA200] =	vst v63  }
0x39e: {  	s11 =	simm.s32 $0x6F00  }
0x39f: {  	[spmem:s4] =	stream.indirect.scatter.add.f32 [tilespmem:s10], [sflag:$0x3], $0x1, s11, s26, $0xb8;
	[tilespmem:$0xA200] =	vst v63  }
0x3a0: {  	_ = 	snop  }
0x3a1: {  	[spmem:s5] =	stream.indirect.scatter.add.f32 [tilespmem:s12], [sflag:$0x3], $0x1, s11, s26, $0xb8;
	[tilespmem:$0xA200] =	vst v63  }
0x3a2: {  	s12 =	simm.s32 $0x6F80  }
0x3a3: {  	[spmem:s4] =	stream.indirect.scatter.add.f32 [tilespmem:s13], [sflag:$0x3], $0x1, s12, s26, $0xb8;
	[tilespmem:$0xA200] =	vst v63  }
0x3a4: {  	_ = 	snop  }
0x3a5: {  	[spmem:s5] =	stream.indirect.scatter.add.f32 [tilespmem:s14], [sflag:$0x3], $0x1, s12, s26, $0xb8;
	[tilespmem:$0xA200] =	vst v63  }
0x3a6: {  	s14 =	simm.s32 $0x7000  }
0x3a7: {  	[spmem:s4] =	stream.indirect.scatter.add.f32 [tilespmem:s15], [sflag:$0x3], $0x1, s14, s26, $0xb8;
	[tilespmem:$0xA200] =	vst v63  }
0x3a8: {  	_ = 	snop  }
0x3a9: {  	[spmem:s5] =	stream.indirect.scatter.add.f32 [tilespmem:s16], [sflag:$0x3], $0x1, s14, s26, $0xb8;
	[tilespmem:$0xA200] =	vst v63  }
0x3aa: {  	s15 =	simm.s32 $0x7080  }
0x3ab: {  	[spmem:s4] =	stream.indirect.scatter.add.f32 [tilespmem:s24], [sflag:$0x3], $0x1, s15, s26, $0xb8;
	[tilespmem:$0xA200] =	vst v63  }
0x3ac: {  	_ = 	snop  }
0x3ad: {  	[spmem:s5] =	stream.indirect.scatter.add.f32 [tilespmem:s25], [sflag:$0x3], $0x1, s15, s26, $0xb8;
	[tilespmem:$0xA200] =	vst v63  }
0x3ae: {  	s16 =	simm.s32 $0x7100  }
0x3af: {  	[spmem:s4] =	stream.indirect.scatter.add.f32 [tilespmem:s28], [sflag:$0x3], $0x1, s16, s26, $0xb8;
	[tilespmem:$0xA200] =	vst v63  }
0x3b0: {  	_ = 	snop  }
0x3b1: {  	[spmem:s5] =	stream.indirect.scatter.add.f32 [tilespmem:s23], [sflag:$0x3], $0x1, s16, s26, $0xb8;
	[tilespmem:$0xA200] =	vst v63  }
0x3b2: {  	s19 =	simm.s32 $0x7180  }
0x3b3: {  	[spmem:s4] =	stream.indirect.scatter.add.f32 [tilespmem:s8], [sflag:$0x3], $0x1, s19, s26, $0xb8;
	[tilespmem:$0xA200] =	vst v63  }
0x3b4: {  	s20 =	simm.s32 $0x9180;
	s23 =	simm.s32 $0x1  }
0x3b5: {  	[spmem:s5] =	stream.indirect.scatter.add.f32 [tilespmem:s20], [sflag:$0x3], $0x1, s19, s26, $0xb8;
	[tilespmem:$0xA200] =	vst v63  }
0x3b6: {  	_ =	swait.ge [sflag:s23], $0x800  }
0x3b7: {  	[sflag:s23] =	ssyncset.done $0x0  }
0x3b8: {  	[sflag:s23] =	ssyncadd.s32 $0xFFFFF800  }
0x3b9: {  	_ =	swait.ge [sflag:s23], $0x800  }
0x3ba: {  	[sflag:s23] =	ssyncset.done $0x0  }
0x3bb: {  	s21 =	simm.s32 $0x9200;
	s22 =	simm.s32 $0x7200;
	[sflag:s23] =	ssyncadd.s32 $0xFFFFF800  }
0x3bc: {  	[tilespmem:s21], [sflag:$0x2] =	stream.indirect.gather [spmem:s1], $0x1, s22, s26, $0xb8;
	[tilespmem:$0xA200] =	vst v63  }
0x3bd: {  	s24 =	simm.s32 $0x9A00  }
0x3be: {  	[tilespmem:s24], [sflag:$0x2] =	stream.indirect.gather [spmem:s3], $0x1, s22, s26, $0xb8;
	[tilespmem:$0xA200] =	vst v63  }
0x3bf: {  	s7 =	simm.s32 $0x9280;
	s25 =	simm.s32 $0x7280  }
0x3c0: {  	[tilespmem:s7], [sflag:$0x2] =	stream.indirect.gather [spmem:s1], $0x1, s25, s26, $0xb8;
	[tilespmem:$0xA200] =	vst v63  }
0x3c1: {  	s9 =	simm.s32 $0x9A80  }
0x3c2: {  	[tilespmem:s9], [sflag:$0x2] =	stream.indirect.gather [spmem:s3], $0x1, s25, s26, $0xb8;
	[tilespmem:$0xA200] =	vst v63  }
0x3c3: {  	s10 =	simm.s32 $0x9300;
	s28 =	simm.s32 $0x7300  }
0x3c4: {  	[tilespmem:s10], [sflag:$0x2] =	stream.indirect.gather [spmem:s1], $0x1, s28, s26, $0xb8;
	[tilespmem:$0xA200] =	vst v63  }
0x3c5: {  	s12 =	simm.s32 $0x9B00  }
0x3c6: {  	[tilespmem:s12], [sflag:$0x2] =	stream.indirect.gather [spmem:s3], $0x1, s28, s26, $0xb8;
	[tilespmem:$0xA200] =	vst v63  }
0x3c7: {  	s30 =	simm.s32 $0x7380;
	s13 =	simm.s32 $0x9380  }
0x3c8: {  	[tilespmem:s13], [sflag:$0x2] =	stream.indirect.gather [spmem:s1], $0x1, s30, s26, $0xb8;
	[tilespmem:$0xA200] =	vst v63  }
0x3c9: {  	s14 =	simm.s32 $0x9B80  }
0x3ca: {  	[tilespmem:s14], [sflag:$0x2] =	stream.indirect.gather [spmem:s3], $0x1, s30, s26, $0xb8;
	[tilespmem:$0xA200] =	vst v63  }
0x3cb: {  	s31 =	simm.s32 $0x7400;
	s15 =	simm.s32 $0x9400  }
0x3cc: {  	[tilespmem:s15], [sflag:$0x2] =	stream.indirect.gather [spmem:s1], $0x1, s31, s26, $0xb8;
	[tilespmem:$0xA200] =	vst v63  }
0x3cd: {  	s16 =	simm.s32 $0x9C00  }
0x3ce: {  	[tilespmem:s16], [sflag:$0x2] =	stream.indirect.gather [spmem:s3], $0x1, s31, s26, $0xb8;
	[tilespmem:$0xA200] =	vst v63  }
0x3cf: {  	s0 =	simm.s32 $0x7480;
	s22 =	simm.s32 $0x9480  }
0x3d0: {  	[tilespmem:s22], [sflag:$0x2] =	stream.indirect.gather [spmem:s1], $0x1, s0, s26, $0xb8;
	[tilespmem:$0xA200] =	vst v63  }
0x3d1: {  	s24 =	simm.s32 $0x9C80  }
0x3d2: {  	[tilespmem:s24], [sflag:$0x2] =	stream.indirect.gather [spmem:s3], $0x1, s0, s26, $0xb8;
	[tilespmem:$0xA200] =	vst v63  }
0x3d3: {  	s8 =	simm.s32 $0x7500;
	s25 =	simm.s32 $0x9500  }
0x3d4: {  	[tilespmem:s25], [sflag:$0x2] =	stream.indirect.gather [spmem:s1], $0x1, s8, s26, $0xb8;
	[tilespmem:$0xA200] =	vst v63  }
0x3d5: {  	s28 =	simm.s32 $0x9D00  }
0x3d6: {  	[tilespmem:s28], [sflag:$0x2] =	stream.indirect.gather [spmem:s3], $0x1, s8, s26, $0xb8;
	[tilespmem:$0xA200] =	vst v63  }
0x3d7: {  	s11 =	simm.s32 $0x7580;
	s30 =	simm.s32 $0x9580  }
0x3d8: {  	[tilespmem:s30], [sflag:$0x2] =	stream.indirect.gather [spmem:s1], $0x1, s11, s26, $0xb8;
	[tilespmem:$0xA200] =	vst v63  }
0x3d9: {  	s31 =	simm.s32 $0x9D80  }
0x3da: {  	[tilespmem:s31], [sflag:$0x2] =	stream.indirect.gather [spmem:s3], $0x1, s11, s26, $0xb8;
	[tilespmem:$0xA200] =	vst v63  }
0x3db: {  	s19 =	simm.s32 $0x7600;
	s0 =	simm.s32 $0x9600  }
0x3dc: {  	[tilespmem:s0], [sflag:$0x2] =	stream.indirect.gather [spmem:s1], $0x1, s19, s26, $0xb8;
	[tilespmem:$0xA200] =	vst v63  }
0x3dd: {  	s20 =	simm.s32 $0x9E00  }
0x3de: {  	[tilespmem:s20], [sflag:$0x2] =	stream.indirect.gather [spmem:s3], $0x1, s19, s26, $0xb8;
	[tilespmem:$0xA200] =	vst v63  }
0x3df: {  	s21 =	simm.s32 $0x7680;
	s11 =	simm.s32 $0x9680  }
0x3e0: {  	[tilespmem:s11], [sflag:$0x2] =	stream.indirect.gather [spmem:s1], $0x1, s21, s26, $0xb8;
	[tilespmem:$0xA200] =	vst v63  }
0x3e1: {  	s19 =	simm.s32 $0x9E80  }
0x3e2: {  	[tilespmem:s19], [sflag:$0x2] =	stream.indirect.gather [spmem:s3], $0x1, s21, s26, $0xb8;
	[tilespmem:$0xA200] =	vst v63  }
0x3e3: {  	s20 =	simm.s32 $0x7700;
	s21 =	simm.s32 $0x9700  }
0x3e4: {  	[tilespmem:s21], [sflag:$0x2] =	stream.indirect.gather [spmem:s1], $0x1, s20, s26, $0xb8;
	[tilespmem:$0xA200] =	vst v63  }
0x3e5: {  	s11 =	simm.s32 $0x9F00  }
0x3e6: {  	[tilespmem:s11], [sflag:$0x2] =	stream.indirect.gather [spmem:s3], $0x1, s20, s26, $0xb8;
	[tilespmem:$0xA200] =	vst v63  }
0x3e7: {  	s19 =	simm.s32 $0x7780;
	s20 =	simm.s32 $0x9780  }
0x3e8: {  	[tilespmem:s20], [sflag:$0x2] =	stream.indirect.gather [spmem:s1], $0x1, s19, s26, $0xb8;
	[tilespmem:$0xA200] =	vst v63  }
0x3e9: {  	s21 =	simm.s32 $0x9F80  }
0x3ea: {  	[tilespmem:s21], [sflag:$0x2] =	stream.indirect.gather [spmem:s3], $0x1, s19, s26, $0xb8;
	[tilespmem:$0xA200] =	vst v63  }
0x3eb: {  	s11 =	simm.s32 $0x7800;
	s19 =	simm.s32 $0x9800  }
0x3ec: {  	[tilespmem:s19], [sflag:$0x2] =	stream.indirect.gather [spmem:s1], $0x1, s11, s26, $0xb8;
	[tilespmem:$0xA200] =	vst v63  }
0x3ed: {  	s20 =	simm.s32 $0xA000  }
0x3ee: {  	[tilespmem:s20], [sflag:$0x2] =	stream.indirect.gather [spmem:s3], $0x1, s11, s26, $0xb8;
	[tilespmem:$0xA200] =	vst v63  }
0x3ef: {  	s21 =	simm.s32 $0x7880;
	s11 =	simm.s32 $0x9880  }
0x3f0: {  	[tilespmem:s11], [sflag:$0x2] =	stream.indirect.gather [spmem:s1], $0x1, s21, s26, $0xb8;
	[tilespmem:$0xA200] =	vst v63  }
0x3f1: {  	s19 =	simm.s32 $0xA080  }
0x3f2: {  	[tilespmem:s19], [sflag:$0x2] =	stream.indirect.gather [spmem:s3], $0x1, s21, s26, $0xb8;
	[tilespmem:$0xA200] =	vst v63  }
0x3f3: {  	s20 =	simm.s32 $0x7900;
	s21 =	simm.s32 $0x9900  }
0x3f4: {  	[tilespmem:s21], [sflag:$0x2] =	stream.indirect.gather [spmem:s1], $0x1, s20, s26, $0xb8;
	[tilespmem:$0xA200] =	vst v63  }
0x3f5: {  	s11 =	simm.s32 $0xA100  }
0x3f6: {  	[tilespmem:s11], [sflag:$0x2] =	stream.indirect.gather [spmem:s3], $0x1, s20, s26, $0xb8;
	[tilespmem:$0xA200] =	vst v63  }
0x3f7: {  	s19 =	simm.s32 $0x7980;
	s20 =	simm.s32 $0x9980  }
0x3f8: {  	[tilespmem:s20], [sflag:$0x2] =	stream.indirect.gather [spmem:s1], $0x1, s19, s26, $0xb8;
	[tilespmem:$0xA200] =	vst v63  }
0x3f9: {  	s21 =	simm.s32 $0xA180  }
0x3fa: {  	[tilespmem:s21], [sflag:$0x2] =	stream.indirect.gather [spmem:s3], $0x1, s19, s26, $0xb8;
	[tilespmem:$0xA200] =	vst v63  }
0x3fb: {  	_ =	swait.ge [sflag:s6], $0x80  }
0x3fc: {  	[sflag:s6] =	ssyncset.done $0x0  }
0x3fd: {  	[sflag:s6] =	ssyncadd.s32 $0xFFFFFF80  }
0x3fe: {  	_ =	swait.ge [sflag:s6], $0x80  }
0x3ff: {  	[sflag:s6] =	ssyncset.done $0x0  }
0x400: {  	[sflag:s6] =	ssyncadd.s32 $0xFFFFFF80  }
0x401: {  	_ =	swait.ge [sflag:s6], $0x80  }
0x402: {  	[sflag:s6] =	ssyncset.done $0x0  }
0x403: {  	[sflag:s6] =	ssyncadd.s32 $0xFFFFFF80  }
0x404: {  	_ =	swait.ge [sflag:s6], $0x80  }
0x405: {  	[sflag:s6] =	ssyncset.done $0x0  }
0x406: {  	[sflag:s6] =	ssyncadd.s32 $0xFFFFFF80  }
0x407: {  	_ =	swait.ge [sflag:s6], $0x80  }
0x408: {  	[sflag:s6] =	ssyncset.done $0x0  }
0x409: {  	[sflag:s6] =	ssyncadd.s32 $0xFFFFFF80  }
0x40a: {  	_ =	swait.ge [sflag:s6], $0x80  }
0x40b: {  	[sflag:s6] =	ssyncset.done $0x0  }
0x40c: {  	[sflag:s6] =	ssyncadd.s32 $0xFFFFFF80  }
0x40d: {  	_ =	swait.ge [sflag:s6], $0x80  }
0x40e: {  	[sflag:s6] =	ssyncset.done $0x0  }
0x40f: {  	[sflag:s6] =	ssyncadd.s32 $0xFFFFFF80  }
0x410: {  	_ =	swait.ge [sflag:s6], $0x80  }
0x411: {  	[sflag:s6] =	ssyncset.done $0x0  }
0x412: {  	[sflag:s6] =	ssyncadd.s32 $0xFFFFFF80  }
0x413: {  	_ =	swait.ge [sflag:s6], $0x80  }
0x414: {  	[sflag:s6] =	ssyncset.done $0x0  }
0x415: {  	[sflag:s6] =	ssyncadd.s32 $0xFFFFFF80  }
0x416: {  	_ =	swait.ge [sflag:s6], $0x80  }
0x417: {  	[sflag:s6] =	ssyncset.done $0x0  }
0x418: {  	[sflag:s6] =	ssyncadd.s32 $0xFFFFFF80  }
0x419: {  	_ =	swait.ge [sflag:s6], $0x80  }
0x41a: {  	[sflag:s6] =	ssyncset.done $0x0  }
0x41b: {  	[sflag:s6] =	ssyncadd.s32 $0xFFFFFF80  }
0x41c: {  	_ =	swait.ge [sflag:s6], $0x80  }
0x41d: {  	[sflag:s6] =	ssyncset.done $0x0  }
0x41e: {  	[sflag:s6] =	ssyncadd.s32 $0xFFFFFF80  }
0x41f: {  	_ =	swait.ge [sflag:s6], $0x80  }
0x420: {  	[sflag:s6] =	ssyncset.done $0x0  }
0x421: {  	[sflag:s6] =	ssyncadd.s32 $0xFFFFFF80  }
0x422: {  	_ =	swait.ge [sflag:s6], $0x80  }
0x423: {  	[sflag:s6] =	ssyncset.done $0x0  }
0x424: {  	[sflag:s6] =	ssyncadd.s32 $0xFFFFFF80  }
0x425: {  	_ =	swait.ge [sflag:s6], $0x80  }
0x426: {  	[sflag:s6] =	ssyncset.done $0x0  }
0x427: {  	[sflag:s6] =	ssyncadd.s32 $0xFFFFFF80  }
0x428: {  	_ =	swait.ge [sflag:s6], $0x80  }
0x429: {  	[sflag:s6] =	ssyncset.done $0x0  }
0x42a: {  	[sflag:s6] =	ssyncadd.s32 $0xFFFFFF80  }
0x42b: {  	_ =	swait.ge [sflag:s6], $0x80  }
0x42c: {  	[sflag:s6] =	ssyncset.done $0x0  }
0x42d: {  	[sflag:s6] =	ssyncadd.s32 $0xFFFFFF80  }
0x42e: {  	_ =	swait.ge [sflag:s6], $0x80  }
0x42f: {  	[sflag:s6] =	ssyncset.done $0x0  }
0x430: {  	[sflag:s6] =	ssyncadd.s32 $0xFFFFFF80  }
0x431: {  	_ =	swait.ge [sflag:s6], $0x80  }
0x432: {  	[sflag:s6] =	ssyncset.done $0x0  }
0x433: {  	[sflag:s6] =	ssyncadd.s32 $0xFFFFFF80  }
0x434: {  	_ =	swait.ge [sflag:s6], $0x80  }
0x435: {  	[sflag:s6] =	ssyncset.done $0x0  }
0x436: {  	[sflag:s6] =	ssyncadd.s32 $0xFFFFFF80  }
0x437: {  	_ =	swait.ge [sflag:s6], $0x80  }
0x438: {  	[sflag:s6] =	ssyncset.done $0x0  }
0x439: {  	[sflag:s6] =	ssyncadd.s32 $0xFFFFFF80  }
0x43a: {  	_ =	swait.ge [sflag:s6], $0x80  }
0x43b: {  	[sflag:s6] =	ssyncset.done $0x0  }
0x43c: {  	[sflag:s6] =	ssyncadd.s32 $0xFFFFFF80  }
0x43d: {  	_ =	swait.ge [sflag:s6], $0x80  }
0x43e: {  	[sflag:s6] =	ssyncset.done $0x0  }
0x43f: {  	[sflag:s6] =	ssyncadd.s32 $0xFFFFFF80  }
0x440: {  	_ =	swait.ge [sflag:s6], $0x80  }
0x441: {  	[sflag:s6] =	ssyncset.done $0x0  }
0x442: {  	[sflag:s6] =	ssyncadd.s32 $0xFFFFFF80  }
0x443: {  	_ =	swait.ge [sflag:s6], $0x80  }
0x444: {  	[sflag:s6] =	ssyncset.done $0x0  }
0x445: {  	[sflag:s6] =	ssyncadd.s32 $0xFFFFFF80  }
0x446: {  	_ =	swait.ge [sflag:s6], $0x80  }
0x447: {  	[sflag:s6] =	ssyncset.done $0x0  }
0x448: {  	[sflag:s6] =	ssyncadd.s32 $0xFFFFFF80  }
0x449: {  	_ =	swait.ge [sflag:s6], $0x80  }
0x44a: {  	[sflag:s6] =	ssyncset.done $0x0  }
0x44b: {  	[sflag:s6] =	ssyncadd.s32 $0xFFFFFF80  }
0x44c: {  	_ =	swait.ge [sflag:s6], $0x80  }
0x44d: {  	[sflag:s6] =	ssyncset.done $0x0  }
0x44e: {  	[sflag:s6] =	ssyncadd.s32 $0xFFFFFF80  }
0x44f: {  	_ =	swait.ge [sflag:s6], $0x80  }
0x450: {  	[sflag:s6] =	ssyncset.done $0x0  }
0x451: {  	[sflag:s6] =	ssyncadd.s32 $0xFFFFFF80  }
0x452: {  	_ =	swait.ge [sflag:s6], $0x80  }
0x453: {  	[sflag:s6] =	ssyncset.done $0x0  }
0x454: {  	[sflag:s6] =	ssyncadd.s32 $0xFFFFFF80  }
0x455: {  	_ =	swait.ge [sflag:s6], $0x80  }
0x456: {  	[sflag:s6] =	ssyncset.done $0x0  }
0x457: {  	p1 =	seq.s32 s18, $0x6200;
	[sflag:s6] =	ssyncadd.s32 $0xFFFFFF80  }
0x458: {  	s8 =	simm.s32 @!p1 $0x0;
	_ =	swait.ge [sflag:s6], $0x80  }
0x459: {  	s19 =	simm.s32 @!p1 $0x6200;
	s11 =	rddreg [dreg:$0x8];
	[sflag:s6] =	ssyncset.done $0x0  }
0x45a: {  	s20 =	rddreg [dreg:$0x7];
	[sflag:s6] =	ssyncadd.s32 $0xFFFFFF80;
	s11 =	sadd.s32 @!p1 s18, s11  }
0x45b: {  	[tilespmem:s19], [sflag:$0x1] =	stream.linear.gather @!p1 [hbm4b:s11+s8], $0x800, $0x38;
	[tilespmem:$0xA200] =	vst v63  }
0x45c: {  	s21 =	simm.s32 @!p1 $0x6A00;
	s11 =	sadd.s32 @!p1 s18, s20  }
0x45d: {  	[tilespmem:s21], [sflag:$0x1] =	stream.linear.gather @!p1 [hbm4b:s11+s8], $0x800, $0x38;
	[tilespmem:$0xA200] =	vst v63  }
0x45e: {  	_ =	swait.ge [sflag:s29], $0x80  }
0x45f: {  	[sflag:s29] =	ssyncset.done $0x0  }
0x460: {  	[sflag:s29] =	ssyncadd.s32 $0xFFFFFF80  }
0x461: {  	_ =	swait.ge [sflag:s29], $0x80  }
0x462: {  	[sflag:s29] =	ssyncset.done $0x0  }
0x463: {  	[sflag:s29] =	ssyncadd.s32 $0xFFFFFF80  }
0x464: {  	_ =	swait.ge [sflag:s29], $0x80  }
0x465: {  	[sflag:s29] =	ssyncset.done $0x0  }
0x466: {  	[sflag:s29] =	ssyncadd.s32 $0xFFFFFF80  }
0x467: {  	_ =	swait.ge [sflag:s29], $0x80  }
0x468: {  	[sflag:s29] =	ssyncset.done $0x0  }
0x469: {  	[sflag:s29] =	ssyncadd.s32 $0xFFFFFF80  }
0x46a: {  	_ =	swait.ge [sflag:s29], $0x80  }
0x46b: {  	[sflag:s29] =	ssyncset.done $0x0  }
0x46c: {  	[sflag:s29] =	ssyncadd.s32 $0xFFFFFF80  }
0x46d: {  	_ =	swait.ge [sflag:s29], $0x80  }
0x46e: {  	[sflag:s29] =	ssyncset.done $0x0  }
0x46f: {  	[sflag:s29] =	ssyncadd.s32 $0xFFFFFF80  }
0x470: {  	_ =	swait.ge [sflag:s29], $0x80  }
0x471: {  	[sflag:s29] =	ssyncset.done $0x0  }
0x472: {  	[sflag:s29] =	ssyncadd.s32 $0xFFFFFF80  }
0x473: {  	_ =	swait.ge [sflag:s29], $0x80  }
0x474: {  	[sflag:s29] =	ssyncset.done $0x0  }
0x475: {  	[sflag:s29] =	ssyncadd.s32 $0xFFFFFF80  }
0x476: {  	_ =	swait.ge [sflag:s29], $0x80  }
0x477: {  	[sflag:s29] =	ssyncset.done $0x0  }
0x478: {  	[sflag:s29] =	ssyncadd.s32 $0xFFFFFF80  }
0x479: {  	_ =	swait.ge [sflag:s29], $0x80  }
0x47a: {  	[sflag:s29] =	ssyncset.done $0x0  }
0x47b: {  	[sflag:s29] =	ssyncadd.s32 $0xFFFFFF80  }
0x47c: {  	_ =	swait.ge [sflag:s29], $0x80  }
0x47d: {  	[sflag:s29] =	ssyncset.done $0x0  }
0x47e: {  	[sflag:s29] =	ssyncadd.s32 $0xFFFFFF80  }
0x47f: {  	_ =	swait.ge [sflag:s29], $0x80  }
0x480: {  	[sflag:s29] =	ssyncset.done $0x0  }
0x481: {  	[sflag:s29] =	ssyncadd.s32 $0xFFFFFF80  }
0x482: {  	_ =	swait.ge [sflag:s29], $0x80  }
0x483: {  	[sflag:s29] =	ssyncset.done $0x0  }
0x484: {  	[sflag:s29] =	ssyncadd.s32 $0xFFFFFF80  }
0x485: {  	_ =	swait.ge [sflag:s29], $0x80  }
0x486: {  	[sflag:s29] =	ssyncset.done $0x0  }
0x487: {  	[sflag:s29] =	ssyncadd.s32 $0xFFFFFF80  }
0x488: {  	_ =	swait.ge [sflag:s29], $0x80  }
0x489: {  	[sflag:s29] =	ssyncset.done $0x0  }
0x48a: {  	[sflag:s29] =	ssyncadd.s32 $0xFFFFFF80  }
0x48b: {  	_ =	swait.ge [sflag:s29], $0x80  }
0x48c: {  	[sflag:s29] =	ssyncset.done $0x0  }
0x48d: {  	[sflag:s29] =	ssyncadd.s32 $0xFFFFFF80  }
0x48e: {  	_ =	swait.ge [sflag:s29], $0x80  }
0x48f: {  	[sflag:s29] =	ssyncset.done $0x0  }
0x490: {  	[sflag:s29] =	ssyncadd.s32 $0xFFFFFF80  }
0x491: {  	_ =	swait.ge [sflag:s29], $0x80  }
0x492: {  	[sflag:s29] =	ssyncset.done $0x0  }
0x493: {  	[sflag:s29] =	ssyncadd.s32 $0xFFFFFF80  }
0x494: {  	_ =	swait.ge [sflag:s29], $0x80  }
0x495: {  	[sflag:s29] =	ssyncset.done $0x0  }
0x496: {  	[sflag:s29] =	ssyncadd.s32 $0xFFFFFF80  }
0x497: {  	_ =	swait.ge [sflag:s29], $0x80  }
0x498: {  	[sflag:s29] =	ssyncset.done $0x0  }
0x499: {  	[sflag:s29] =	ssyncadd.s32 $0xFFFFFF80  }
0x49a: {  	_ =	swait.ge [sflag:s29], $0x80  }
0x49b: {  	[sflag:s29] =	ssyncset.done $0x0  }
0x49c: {  	[sflag:s29] =	ssyncadd.s32 $0xFFFFFF80  }
0x49d: {  	_ =	swait.ge [sflag:s29], $0x80  }
0x49e: {  	[sflag:s29] =	ssyncset.done $0x0  }
0x49f: {  	[sflag:s29] =	ssyncadd.s32 $0xFFFFFF80  }
0x4a0: {  	_ =	swait.ge [sflag:s29], $0x80  }
0x4a1: {  	[sflag:s29] =	ssyncset.done $0x0  }
0x4a2: {  	[sflag:s29] =	ssyncadd.s32 $0xFFFFFF80  }
0x4a3: {  	_ =	swait.ge [sflag:s29], $0x80  }
0x4a4: {  	[sflag:s29] =	ssyncset.done $0x0  }
0x4a5: {  	[sflag:s29] =	ssyncadd.s32 $0xFFFFFF80  }
0x4a6: {  	_ =	swait.ge [sflag:s29], $0x80  }
0x4a7: {  	[sflag:s29] =	ssyncset.done $0x0  }
0x4a8: {  	[sflag:s29] =	ssyncadd.s32 $0xFFFFFF80  }
0x4a9: {  	_ =	swait.ge [sflag:s29], $0x80  }
0x4aa: {  	[sflag:s29] =	ssyncset.done $0x0  }
0x4ab: {  	[sflag:s29] =	ssyncadd.s32 $0xFFFFFF80  }
0x4ac: {  	_ =	swait.ge [sflag:s29], $0x80  }
0x4ad: {  	[sflag:s29] =	ssyncset.done $0x0  }
0x4ae: {  	[sflag:s29] =	ssyncadd.s32 $0xFFFFFF80  }
0x4af: {  	_ =	swait.ge [sflag:s29], $0x80  }
0x4b0: {  	[sflag:s29] =	ssyncset.done $0x0  }
0x4b1: {  	[sflag:s29] =	ssyncadd.s32 $0xFFFFFF80  }
0x4b2: {  	_ =	swait.ge [sflag:s29], $0x80  }
0x4b3: {  	[sflag:s29] =	ssyncset.done $0x0  }
0x4b4: {  	[sflag:s29] =	ssyncadd.s32 $0xFFFFFF80  }
0x4b5: {  	_ =	swait.ge [sflag:s29], $0x80  }
0x4b6: {  	[sflag:s29] =	ssyncset.done $0x0  }
0x4b7: {  	[sflag:s29] =	ssyncadd.s32 $0xFFFFFF80  }
0x4b8: {  	_ =	swait.ge [sflag:s29], $0x80  }
0x4b9: {  	[sflag:s29] =	ssyncset.done $0x0  }
0x4ba: {  	[sflag:s29] =	ssyncadd.s32 $0xFFFFFF80  }
0x4bb: {  	_ =	swait.ge [sflag:s29], $0x80  }
0x4bc: {  	[sflag:s29] =	ssyncset.done $0x0  }
0x4bd: {  	s18 =	simm.s32 $0x7A00;
	s11 =	simm.s32 $0x9200;
	[sflag:s29] =	ssyncadd.s32 $0xFFFFFF80  }
0x4be: {  	[spmem:s4] =	stream.indirect.scatter.add.f32 [tilespmem:s11], [sflag:$0x3], $0x1, s18, s26, $0xb8;
	[tilespmem:$0xA200] =	vst v63  }
0x4bf: {  	s20 =	simm.s32 $0x9A00  }
0x4c0: {  	[spmem:s5] =	stream.indirect.scatter.add.f32 [tilespmem:s20], [sflag:$0x3], $0x1, s18, s26, $0xb8;
	[tilespmem:$0xA200] =	vst v63  }
0x4c1: {  	s8 =	simm.s32 $0x7A80  }
0x4c2: {  	[spmem:s4] =	stream.indirect.scatter.add.f32 [tilespmem:s7], [sflag:$0x3], $0x1, s8, s26, $0xb8;
	[tilespmem:$0xA200] =	vst v63  }
0x4c3: {  	_ = 	snop  }
0x4c4: {  	[spmem:s5] =	stream.indirect.scatter.add.f32 [tilespmem:s9], [sflag:$0x3], $0x1, s8, s26, $0xb8;
	[tilespmem:$0xA200] =	vst v63  }
0x4c5: {  	s11 =	simm.s32 $0x7B00  }
0x4c6: {  	[spmem:s4] =	stream.indirect.scatter.add.f32 [tilespmem:s10], [sflag:$0x3], $0x1, s11, s26, $0xb8;
	[tilespmem:$0xA200] =	vst v63  }
0x4c7: {  	_ = 	snop  }
0x4c8: {  	[spmem:s5] =	stream.indirect.scatter.add.f32 [tilespmem:s12], [sflag:$0x3], $0x1, s11, s26, $0xb8;
	[tilespmem:$0xA200] =	vst v63  }
0x4c9: {  	s12 =	simm.s32 $0x7B80  }
0x4ca: {  	[spmem:s4] =	stream.indirect.scatter.add.f32 [tilespmem:s13], [sflag:$0x3], $0x1, s12, s26, $0xb8;
	[tilespmem:$0xA200] =	vst v63  }
0x4cb: {  	_ = 	snop  }
0x4cc: {  	[spmem:s5] =	stream.indirect.scatter.add.f32 [tilespmem:s14], [sflag:$0x3], $0x1, s12, s26, $0xb8;
	[tilespmem:$0xA200] =	vst v63  }
0x4cd: {  	s14 =	simm.s32 $0x7C00  }
0x4ce: {  	[spmem:s4] =	stream.indirect.scatter.add.f32 [tilespmem:s15], [sflag:$0x3], $0x1, s14, s26, $0xb8;
	[tilespmem:$0xA200] =	vst v63  }
0x4cf: {  	_ = 	snop  }
0x4d0: {  	[spmem:s5] =	stream.indirect.scatter.add.f32 [tilespmem:s16], [sflag:$0x3], $0x1, s14, s26, $0xb8;
	[tilespmem:$0xA200] =	vst v63  }
0x4d1: {  	s18 =	simm.s32 $0x7C80  }
0x4d2: {  	[spmem:s4] =	stream.indirect.scatter.add.f32 [tilespmem:s22], [sflag:$0x3], $0x1, s18, s26, $0xb8;
	[tilespmem:$0xA200] =	vst v63  }
0x4d3: {  	_ = 	snop  }
0x4d4: {  	[spmem:s5] =	stream.indirect.scatter.add.f32 [tilespmem:s24], [sflag:$0x3], $0x1, s18, s26, $0xb8;
	[tilespmem:$0xA200] =	vst v63  }
0x4d5: {  	s20 =	simm.s32 $0x7D00  }
0x4d6: {  	[spmem:s4] =	stream.indirect.scatter.add.f32 [tilespmem:s25], [sflag:$0x3], $0x1, s20, s26, $0xb8;
	[tilespmem:$0xA200] =	vst v63  }
0x4d7: {  	_ = 	snop  }
0x4d8: {  	[spmem:s5] =	stream.indirect.scatter.add.f32 [tilespmem:s28], [sflag:$0x3], $0x1, s20, s26, $0xb8;
	[tilespmem:$0xA200] =	vst v63  }
0x4d9: {  	s22 =	simm.s32 $0x7D80  }
0x4da: {  	[spmem:s4] =	stream.indirect.scatter.add.f32 [tilespmem:s30], [sflag:$0x3], $0x1, s22, s26, $0xb8;
	[tilespmem:$0xA200] =	vst v63  }
0x4db: {  	_ = 	snop  }
0x4dc: {  	[spmem:s5] =	stream.indirect.scatter.add.f32 [tilespmem:s31], [sflag:$0x3], $0x1, s22, s26, $0xb8;
	[tilespmem:$0xA200] =	vst v63  }
0x4dd: {  	s24 =	simm.s32 $0x7E00  }
0x4de: {  	[spmem:s4] =	stream.indirect.scatter.add.f32 [tilespmem:s0], [sflag:$0x3], $0x1, s24, s26, $0xb8;
	[tilespmem:$0xA200] =	vst v63  }
0x4df: {  	s25 =	simm.s32 $0x9E00  }
0x4e0: {  	[spmem:s5] =	stream.indirect.scatter.add.f32 [tilespmem:s25], [sflag:$0x3], $0x1, s24, s26, $0xb8;
	[tilespmem:$0xA200] =	vst v63  }
0x4e1: {  	s28 =	simm.s32 $0x7E80;
	s30 =	simm.s32 $0x9680  }
0x4e2: {  	[spmem:s4] =	stream.indirect.scatter.add.f32 [tilespmem:s30], [sflag:$0x3], $0x1, s28, s26, $0xb8;
	[tilespmem:$0xA200] =	vst v63  }
0x4e3: {  	s31 =	simm.s32 $0x9E80  }
0x4e4: {  	[spmem:s5] =	stream.indirect.scatter.add.f32 [tilespmem:s31], [sflag:$0x3], $0x1, s28, s26, $0xb8;
	[tilespmem:$0xA200] =	vst v63  }
0x4e5: {  	s7 =	simm.s32 $0x7F00;
	s8 =	simm.s32 $0x9700  }
0x4e6: {  	[spmem:s4] =	stream.indirect.scatter.add.f32 [tilespmem:s8], [sflag:$0x3], $0x1, s7, s26, $0xb8;
	[tilespmem:$0xA200] =	vst v63  }
0x4e7: {  	s9 =	simm.s32 $0x9F00  }
0x4e8: {  	[spmem:s5] =	stream.indirect.scatter.add.f32 [tilespmem:s9], [sflag:$0x3], $0x1, s7, s26, $0xb8;
	[tilespmem:$0xA200] =	vst v63  }
0x4e9: {  	s10 =	simm.s32 $0x7F80;
	s11 =	simm.s32 $0x9780  }
0x4ea: {  	[spmem:s4] =	stream.indirect.scatter.add.f32 [tilespmem:s11], [sflag:$0x3], $0x1, s10, s26, $0xb8;
	[tilespmem:$0xA200] =	vst v63  }
0x4eb: {  	s12 =	simm.s32 $0x9F80  }
0x4ec: {  	[spmem:s5] =	stream.indirect.scatter.add.f32 [tilespmem:s12], [sflag:$0x3], $0x1, s10, s26, $0xb8;
	[tilespmem:$0xA200] =	vst v63  }
0x4ed: {  	s13 =	simm.s32 $0x8000;
	s14 =	simm.s32 $0x9800  }
0x4ee: {  	[spmem:s4] =	stream.indirect.scatter.add.f32 [tilespmem:s14], [sflag:$0x3], $0x1, s13, s26, $0xb8;
	[tilespmem:$0xA200] =	vst v63  }
0x4ef: {  	s15 =	simm.s32 $0xA000  }
0x4f0: {  	[spmem:s5] =	stream.indirect.scatter.add.f32 [tilespmem:s15], [sflag:$0x3], $0x1, s13, s26, $0xb8;
	[tilespmem:$0xA200] =	vst v63  }
0x4f1: {  	s16 =	simm.s32 $0x8080;
	s18 =	simm.s32 $0x9880  }
0x4f2: {  	[spmem:s4] =	stream.indirect.scatter.add.f32 [tilespmem:s18], [sflag:$0x3], $0x1, s16, s26, $0xb8;
	[tilespmem:$0xA200] =	vst v63  }
0x4f3: {  	s20 =	simm.s32 $0xA080  }
0x4f4: {  	[spmem:s5] =	stream.indirect.scatter.add.f32 [tilespmem:s20], [sflag:$0x3], $0x1, s16, s26, $0xb8;
	[tilespmem:$0xA200] =	vst v63  }
0x4f5: {  	s22 =	simm.s32 $0x8100;
	s24 =	simm.s32 $0x9900  }
0x4f6: {  	[spmem:s4] =	stream.indirect.scatter.add.f32 [tilespmem:s24], [sflag:$0x3], $0x1, s22, s26, $0xb8;
	[tilespmem:$0xA200] =	vst v63  }
0x4f7: {  	s25 =	simm.s32 $0xA100  }
0x4f8: {  	[spmem:s5] =	stream.indirect.scatter.add.f32 [tilespmem:s25], [sflag:$0x3], $0x1, s22, s26, $0xb8;
	[tilespmem:$0xA200] =	vst v63  }
0x4f9: {  	s30 =	simm.s32 $0x9980;
	s28 =	simm.s32 $0x8180  }
0x4fa: {  	[spmem:s4] =	stream.indirect.scatter.add.f32 [tilespmem:s30], [sflag:$0x3], $0x1, s28, s26, $0xb8;
	[tilespmem:$0xA200] =	vst v63  }
0x4fb: {  	s31 =	simm.s32 $0xA180  }
0x4fc: {  	[spmem:s5] =	stream.indirect.scatter.add.f32 [tilespmem:s31], [sflag:$0x3], $0x1, s28, s26, $0xb8;
	[tilespmem:$0xA200] =	vst v63  }
0x4fd: {  	_ =	swait.ge [sflag:s6], $0x80  }
0x4fe: {  	[sflag:s6] =	ssyncset.done $0x0  }
0x4ff: {  	[sflag:s6] =	ssyncadd.s32 $0xFFFFFF80  }
0x500: {  	_ =	swait.ge [sflag:s6], $0x80  }
0x501: {  	[sflag:s6] =	ssyncset.done $0x0  }
0x502: {  	[sflag:s6] =	ssyncadd.s32 $0xFFFFFF80  }
0x503: {  	_ =	swait.ge [sflag:s6], $0x80  }
0x504: {  	[sflag:s6] =	ssyncset.done $0x0  }
0x505: {  	[sflag:s6] =	ssyncadd.s32 $0xFFFFFF80  }
0x506: {  	_ =	swait.ge [sflag:s6], $0x80  }
0x507: {  	[sflag:s6] =	ssyncset.done $0x0  }
0x508: {  	[sflag:s6] =	ssyncadd.s32 $0xFFFFFF80  }
0x509: {  	_ =	swait.ge [sflag:s6], $0x80  }
0x50a: {  	[sflag:s6] =	ssyncset.done $0x0  }
0x50b: {  	[sflag:s6] =	ssyncadd.s32 $0xFFFFFF80  }
0x50c: {  	_ =	swait.ge [sflag:s6], $0x80  }
0x50d: {  	[sflag:s6] =	ssyncset.done $0x0  }
0x50e: {  	[sflag:s6] =	ssyncadd.s32 $0xFFFFFF80  }
0x50f: {  	_ =	swait.ge [sflag:s6], $0x80  }
0x510: {  	[sflag:s6] =	ssyncset.done $0x0  }
0x511: {  	[sflag:s6] =	ssyncadd.s32 $0xFFFFFF80  }
0x512: {  	_ =	swait.ge [sflag:s6], $0x80  }
0x513: {  	[sflag:s6] =	ssyncset.done $0x0  }
0x514: {  	[sflag:s6] =	ssyncadd.s32 $0xFFFFFF80  }
0x515: {  	_ =	swait.ge [sflag:s6], $0x80  }
0x516: {  	[sflag:s6] =	ssyncset.done $0x0  }
0x517: {  	[sflag:s6] =	ssyncadd.s32 $0xFFFFFF80  }
0x518: {  	_ =	swait.ge [sflag:s6], $0x80  }
0x519: {  	[sflag:s6] =	ssyncset.done $0x0  }
0x51a: {  	[sflag:s6] =	ssyncadd.s32 $0xFFFFFF80  }
0x51b: {  	_ =	swait.ge [sflag:s6], $0x80  }
0x51c: {  	[sflag:s6] =	ssyncset.done $0x0  }
0x51d: {  	[sflag:s6] =	ssyncadd.s32 $0xFFFFFF80  }
0x51e: {  	_ =	swait.ge [sflag:s6], $0x80  }
0x51f: {  	[sflag:s6] =	ssyncset.done $0x0  }
0x520: {  	[sflag:s6] =	ssyncadd.s32 $0xFFFFFF80  }
0x521: {  	_ =	swait.ge [sflag:s6], $0x80  }
0x522: {  	[sflag:s6] =	ssyncset.done $0x0  }
0x523: {  	[sflag:s6] =	ssyncadd.s32 $0xFFFFFF80  }
0x524: {  	_ =	swait.ge [sflag:s6], $0x80  }
0x525: {  	[sflag:s6] =	ssyncset.done $0x0  }
0x526: {  	[sflag:s6] =	ssyncadd.s32 $0xFFFFFF80  }
0x527: {  	_ =	swait.ge [sflag:s6], $0x80  }
0x528: {  	[sflag:s6] =	ssyncset.done $0x0  }
0x529: {  	[sflag:s6] =	ssyncadd.s32 $0xFFFFFF80  }
0x52a: {  	_ =	swait.ge [sflag:s6], $0x80  }
0x52b: {  	[sflag:s6] =	ssyncset.done $0x0  }
0x52c: {  	[sflag:s6] =	ssyncadd.s32 $0xFFFFFF80  }
0x52d: {  	_ =	swait.ge [sflag:s6], $0x80  }
0x52e: {  	[sflag:s6] =	ssyncset.done $0x0  }
0x52f: {  	[sflag:s6] =	ssyncadd.s32 $0xFFFFFF80  }
0x530: {  	_ =	swait.ge [sflag:s6], $0x80  }
0x531: {  	[sflag:s6] =	ssyncset.done $0x0  }
0x532: {  	[sflag:s6] =	ssyncadd.s32 $0xFFFFFF80  }
0x533: {  	_ =	swait.ge [sflag:s6], $0x80  }
0x534: {  	[sflag:s6] =	ssyncset.done $0x0  }
0x535: {  	[sflag:s6] =	ssyncadd.s32 $0xFFFFFF80  }
0x536: {  	_ =	swait.ge [sflag:s6], $0x80  }
0x537: {  	[sflag:s6] =	ssyncset.done $0x0  }
0x538: {  	[sflag:s6] =	ssyncadd.s32 $0xFFFFFF80  }
0x539: {  	_ =	swait.ge [sflag:s6], $0x80  }
0x53a: {  	[sflag:s6] =	ssyncset.done $0x0  }
0x53b: {  	[sflag:s6] =	ssyncadd.s32 $0xFFFFFF80  }
0x53c: {  	_ =	swait.ge [sflag:s6], $0x80  }
0x53d: {  	[sflag:s6] =	ssyncset.done $0x0  }
0x53e: {  	[sflag:s6] =	ssyncadd.s32 $0xFFFFFF80  }
0x53f: {  	_ =	swait.ge [sflag:s6], $0x80  }
0x540: {  	[sflag:s6] =	ssyncset.done $0x0  }
0x541: {  	[sflag:s6] =	ssyncadd.s32 $0xFFFFFF80  }
0x542: {  	_ =	swait.ge [sflag:s6], $0x80  }
0x543: {  	[sflag:s6] =	ssyncset.done $0x0  }
0x544: {  	[sflag:s6] =	ssyncadd.s32 $0xFFFFFF80  }
0x545: {  	_ =	swait.ge [sflag:s6], $0x80  }
0x546: {  	[sflag:s6] =	ssyncset.done $0x0  }
0x547: {  	[sflag:s6] =	ssyncadd.s32 $0xFFFFFF80  }
0x548: {  	_ =	swait.ge [sflag:s6], $0x80  }
0x549: {  	[sflag:s6] =	ssyncset.done $0x0  }
0x54a: {  	[sflag:s6] =	ssyncadd.s32 $0xFFFFFF80  }
0x54b: {  	_ =	swait.ge [sflag:s6], $0x80  }
0x54c: {  	[sflag:s6] =	ssyncset.done $0x0  }
0x54d: {  	[sflag:s6] =	ssyncadd.s32 $0xFFFFFF80  }
0x54e: {  	_ =	swait.ge [sflag:s6], $0x80  }
0x54f: {  	[sflag:s6] =	ssyncset.done $0x0  }
0x550: {  	[sflag:s6] =	ssyncadd.s32 $0xFFFFFF80  }
0x551: {  	_ =	swait.ge [sflag:s6], $0x80  }
0x552: {  	[sflag:s6] =	ssyncset.done $0x0  }
0x553: {  	[sflag:s6] =	ssyncadd.s32 $0xFFFFFF80  }
0x554: {  	s17 =	sadd.s32 $0x200, s17;
	_ =	swait.ge [sflag:s6], $0x80  }
0x555: {  	p0 =	sne.s32 s17, $0x6400;
	[sflag:s6] =	ssyncset.done $0x0  }
.Ltmp0:
0x556: {  	[sflag:s6] =	ssyncadd.s32 $0xFFFFFF80;
	(pc) =	sbr.rel @p0 .LBB2_2-.Ltmp0, $4  }
0x557: {  	_ =	swait.ge [sflag:s6], $0x80  }
0x558: {  	[sflag:s6] =	ssyncset.done $0x0  }
0x559: {  	[sflag:s6] =	ssyncadd.s32 $0xFFFFFF80  }
0x55a: {  	s19 =	simm.s32 $0x0;
	s21 =	simm.s32 $0x6200;
	_ =	swait.ge [sflag:s6], $0x80  }
0x55b: {  	[sflag:s6] =	ssyncset.done $0x0  }
0x55c: {  	[sflag:s6] =	ssyncadd.s32 $0xFFFFFF80  }
0x55d: {  	[bflag:$0x0] =	sbarrier.arrive $0xFFFF  }
0x55e: {  	s17 =	rddreg [dreg:$0xc]  }
0x55f: {  	s8 =	rddreg [dreg:$0x13]  }
0x560: {  	s18 =	simm.s32 $0x4;
	s0 =	rddreg [dreg:$0x19]  }
0x561: {  	[hbm:s8], [sflag:s17] =	dma.local [spmem:s0], $0x310  }
0x562: {  	_ =	swait.ge [sflag:s18], $0x310  }
0x563: {  	[sflag:s18] =	ssyncset.done $0x0;
	s22 =	rddreg [dreg:$0x14]  }
0x564: {  	s24 =	rddreg [dreg:$0x1a];
	[sflag:s18] =	ssyncadd.s32 $0xFFFFFCF0  }
0x565: {  	[hbm:s22], [sflag:s17] =	dma.local [spmem:s24], $0x310  }
0x566: {  	_ =	swait.ge [sflag:s18], $0x310  }
0x567: {  	s20 =	simm.s32 $0x6A00;
	s28 =	simm.s32 $0x8A00;
	s11 =	rddreg [dreg:$0x18]  }
0x568: {  	s30 =	simm.s32 $0x6280;
	s25 =	rddreg [dreg:$0x15];
	s11 =	sadd.s32 $0x1, s11  }
0x569: {  	s2 =	simm.s32 $0x8280;
	s7 =	simm.s32 $0x6300;
	p0 =	sne.s32 s11, s25  }
.Ltmp1:
0x56a: {  	s9 =	simm.s32 $0x8300;
	s10 =	simm.s32 $0x8B00;
	(pc) =	sbr.rel @p0 .LBB2_1-.Ltmp1, $4  }
0x56b: {  	s12 =	simm.s32 $0x6380;
	s13 =	simm.s32 $0x8380;
	s14 =	simm.s32 $0x8B80  }
0x56c: {  	s15 =	simm.s32 $0x6400;
	s16 =	simm.s32 $0x8400;
	s31 =	simm.s32 $0x7A00  }
0x56d: {  	s0 =	simm.s32 $0x8A80;
	s22 =	simm.s32 $0x8200;
	[sflag:s18] =	ssyncset.done $0x0  }
0x56e: {  	s24 =	simm.s32 $0x8C00;
	[sflag:s18] =	ssyncadd.s32 $0xFFFFFCF0;
	s25 =	simm.s32 $0x7200  }
0x56f: {  	_ =	sfence.sel $0x180000  }
0x570: {  	[bflag:$0x0] =	sbarrier.arrive $0xFFFF  }
0x571: {  	_ =	strace $0x9000004A  }
0x572: {  	s0 =	stileid.u32;
	[bflag:$0x2] =	sbarrier.arrive $0xFFFF  }
0x573: {  	p0 =	sne.s32 s0, $0x0;
	s0 =	rddreg [dreg:$0x6]  }
0x574: {  	s0 =	sadd.s32 @!p0 $0x100000, s0  }
0x575: {  	[sflag:s0] =	ssyncadd.tile.s32 @!p0 $0x1;
	_ =	shalt  }
.Lfunc_end2:
_tile_overlayer_lowered:
.L_overlay_start_2:
0x576: {  	(tag) =	ssettag $0x2  }
0x577: {  	s0 =	rddreg [dreg:$0x0];
	s2 =	stileid.u32  }
0x578: {  	s1 =	rddreg [dreg:$0x1];
	p0 =	sne.s32 s2, $0x0  }
0x579: {  	s3 =	rddreg [dreg:$0x2];
	[bflag:$0x3] =	sbarrier.arrive $0xFFFF;
	s2 =	simm.s32 @!p0 $0x1C04  }
0x57a: {  	[timem:s3], [sflag:s2] =	dma.local @!p0 [hbm:s0], s1  }
0x57b: {  	s0 =	simm.s32 @!p0 $0x4  }
0x57c: {  	_ =	swait.ge @!p0 [sflag:s0], s1  }
0x57d: {  	s1 =	ssub.s32 @!p0 $0x0, s1;
	[sflag:s0] =	ssyncset.done @!p0 $0x0  }
0x57e: {  	[sflag:s0] =	ssyncadd.s32 @!p0 s1  }
0x57f: {  	[bflag:$0x3] =	sbarrier.arrive $0xFFFF  }
0x580: {  	_ =	shalt  }

// kernel: kernel.14.cloned.1.call-start
scs
__scs_entry_jumppad:
0x0: {  	(pc) =	sbr.rel $0x88, $3  }
0x1: {  	(tag) =	ssettag $0x0;
	lr =	simm.s32 $0x1  }
0x2: {  	[smem:$0x3F9B] =	sst lr;
	_ =	strace $0xD0000000  }
0x3: {  	_ = 	snop  }
0x4: {  	_ = 	snop  }
0x5: {  	_ = 	snop  }
0x6: {  	_ = 	snop  }
0x7: {  	_ = 	snop  }
__scs_overlays_trampoline_lowered:
0x8: {  	[smem:$0x3FAA] =	sst s0  }
0x9: {  	[smem:$0x3FAB] =	sst s1  }
0xa: {  	[smem:$0x3FAC] =	sst s2  }
0xb: {  	[smem:$0x3FAD] =	sst s3  }
0xc: {  	[smem:$0x3FAE] =	sst s4  }
0xd: {  	[smem:$0x3FAF] =	sst s5  }
0xe: {  	[smem:$0x3FB0] =	sst s6  }
0xf: {  	[smem:$0x3FB1] =	sst s7  }
0x10: {  	[smem:$0x3FB2] =	sst s8  }
0x11: {  	[smem:$0x3FB3] =	sst s9;
	s0 =	simm.s32 @!p0 $0x0  }
0x12: {  	s1 =	sld [smem:$0x3F99];
	s0 =	simm.s32 @p0 $0x1  }
0x13: {  	[smem:$0x3FB4] =	sst s0;
	s0 =	simm.s32 @!p1 $0x0  }
0x14: {  	s2 =	sld [smem:$0x3F98];
	s0 =	simm.s32 @p1 $0x1  }
0x15: {  	[smem:$0x3FB5] =	sst s0;
	s0 =	simm.s32 @!p2 $0x0  }
0x16: {  	s3 =	sld [smem:$0x3FDB];
	s0 =	simm.s32 @p2 $0x1  }
0x17: {  	s4 =	simm.s32 $0x1BF5;
	[smem:$0x3FB7] =	sst s0  }
0x18: {  	s0 =	sld [smem:$0x3F9A];
	_ =	swait.ge [sflag:s4], $0x0  }
0x19: {  	s7 =	sld [smem:$0x3F9B]  }
0x1a: {  	s8 =	sadd.s32 $0xFFFFE003, lr  }
0x1b: {  	s9 =	sadd.s32 $0xFFFFFEF7, lr;
	s5 =	simm.s32 $0xFFFFFFFF;
	p2 =	slt.u32 s8, $0xFFFFF086  }
0x1c: {  	p1 =	slt.u32 s9, $0xF7A;
	s5 =	simm.s32 @!p2 $0x0  }
0x1d: {  	s5 =	simm.s32 @p1 $0x1;
	p0 =	seq.s32 s7, s2  }
0x1e: {  	s7 =	smul.u32 @!p0 $0xF7A, s2;
	p2 =	seq.s32 @!p0 s5, $0x0  }
0x1f: {  	s9 =	smul.u32 $0xF7A, s1;
	s8 =	simm.s32 @!p0 $0x1BF5;
	p2 =	por !p2, p0  }
0x20: {  	[sflag:s8] =	ssyncset.s32 @!p0 $0xFFFFF086;
	s6 =	sadd.s32 @!p0 s3, s7;
	s7 =	simm.s32 @!p0 $0x108  }
0x21: {  	s3 =	sadd.s32 s3, s9;
	s6 =	sadd.s32 @!p0 $0x88, s6;
	s7 =	simm.s32 @p2 $0x1082  }
0x22: {  	[simem:s7], [sflag:s8] =	dma.local @!p0 [hbm:s6], $0xF7A  }
0x23: {  	s9 =	sor.u32 $0xD0000000, s2;
	s6 =	simm.s32 $0x108;
	_ =	swait.ge @!p0 [sflag:s8], $0x0  }
0x24: {  	s3 =	sadd.s32 $0x88, s3;
	s6 =	simm.s32 @!p1 $0x1082;
	[sflag:s4] =	ssyncset.s32 $0xFFFFF086  }
0x25: {  	[simem:s6], [sflag:s4] =	dma.local [hbm:s3], $0xF7A  }
0x26: {  	[smem:$0x3F9B] =	sst s1;
	(tag) =	ssettag s2;
	_ =	strace s9  }
0x27: {  	s1 =	sld [smem:$0x3FAB]  }
0x28: {  	s2 =	sld [smem:$0x3FAC]  }
0x29: {  	s4 =	sld [smem:$0x3FAE]  }
0x2a: {  	p0 =	seq.s32 s5, $0x0;
	s5 =	sld [smem:$0x3FAF]  }
0x2b: {  	s6 =	sld [smem:$0x3FB0]  }
0x2c: {  	s7 =	sld [smem:$0x3FB1]  }
0x2d: {  	s3 =	simm.s32 $0x108;
	s8 =	sld [smem:$0x3FB2]  }
0x2e: {  	s3 =	simm.s32 @!p0 $0x1082;
	s9 =	sld [smem:$0x3FB3]  }
0x2f: {  	lr =	sadd.s32 s0, s3;
	s0 =	sld [smem:$0x3FAA]  }
0x30: {  	s3 =	sld [smem:$0x3FAD]  }
0x31: {  	[smem:$0x3FB6] =	sst s10  }
0x32: {  	s10 =	sld [smem:$0x3FB4];
	_ =	sdelay $0x3  }
0x33: {  	p0 =	seq.s32 s10, $0x1;
	s10 =	sld [smem:$0x3FB6];
	_ =	sdelay $0x3  }
0x34: {  	[smem:$0x3FB6] =	sst s10  }
0x35: {  	s10 =	sld [smem:$0x3FB5];
	_ =	sdelay $0x3  }
0x36: {  	p1 =	seq.s32 s10, $0x1;
	s10 =	sld [smem:$0x3FB6];
	_ =	sdelay $0x3  }
0x37: {  	[smem:$0x3FB6] =	sst s10  }
0x38: {  	s10 =	sld [smem:$0x3FB7]  }
0x39: {  	_ = 	snop;
	(pc) =	sbr.ind lr, $3  }
0x3a: {  	_ = 	snop  }
0x3b: {  	_ = 	snop  }
0x3c: {  	p2 =	seq.s32 s10, $0x1;
	s10 =	sld [smem:$0x3FB6]  }
0x3d: {  	_ =	shalt  }
0x3e: {  	_ =	shalt  }
0x3f: {  	_ =	shalt  }
0x40: {  	_ =	shalt  }
0x41: {  	_ =	shalt  }
0x42: {  	_ =	shalt  }
0x43: {  	_ =	shalt  }
0x44: {  	_ =	shalt  }
0x45: {  	_ =	shalt  }
0x46: {  	_ =	shalt  }
0x47: {  	_ =	shalt  }
0x48: {  	_ =	shalt  }
0x49: {  	_ =	shalt  }
0x4a: {  	_ =	shalt  }
0x4b: {  	_ =	shalt  }
0x4c: {  	_ =	shalt  }
0x4d: {  	_ =	shalt  }
0x4e: {  	_ =	shalt  }
0x4f: {  	_ =	shalt  }
0x50: {  	_ =	shalt  }
0x51: {  	_ =	shalt  }
0x52: {  	_ =	shalt  }
0x53: {  	_ =	shalt  }
0x54: {  	_ =	shalt  }
0x55: {  	_ =	shalt  }
0x56: {  	_ =	shalt  }
0x57: {  	_ =	shalt  }
0x58: {  	_ =	shalt  }
0x59: {  	_ =	shalt  }
0x5a: {  	_ =	shalt  }
0x5b: {  	_ =	shalt  }
0x5c: {  	_ =	shalt  }
0x5d: {  	_ =	shalt  }
0x5e: {  	_ =	shalt  }
0x5f: {  	_ =	shalt  }
0x60: {  	_ =	shalt  }
0x61: {  	_ =	shalt  }
0x62: {  	_ =	shalt  }
0x63: {  	_ =	shalt  }
0x64: {  	_ =	shalt  }
0x65: {  	_ =	shalt  }
0x66: {  	_ =	shalt  }
0x67: {  	_ =	shalt  }
0x68: {  	_ =	shalt  }
0x69: {  	_ =	shalt  }
0x6a: {  	_ =	shalt  }
0x6b: {  	_ =	shalt  }
0x6c: {  	_ =	shalt  }
0x6d: {  	_ =	shalt  }
0x6e: {  	_ =	shalt  }
0x6f: {  	_ =	shalt  }
0x70: {  	_ =	shalt  }
0x71: {  	_ =	shalt  }
0x72: {  	_ =	shalt  }
0x73: {  	_ =	shalt  }
0x74: {  	_ =	shalt  }
0x75: {  	_ =	shalt  }
0x76: {  	_ =	shalt  }
0x77: {  	_ =	shalt  }
0x78: {  	_ =	shalt  }
0x79: {  	_ =	shalt  }
0x7a: {  	_ =	shalt  }
0x7b: {  	_ =	shalt  }
0x7c: {  	_ =	shalt  }
0x7d: {  	_ =	shalt  }
0x7e: {  	_ =	shalt  }
0x7f: {  	_ =	shalt  }
0x80: {  	_ =	shalt  }
0x81: {  	_ =	shalt  }
0x82: {  	_ =	shalt  }
0x83: {  	_ =	shalt  }
0x84: {  	_ =	shalt  }
0x85: {  	_ =	shalt  }
0x86: {  	_ =	shalt  }
0x87: {  	_ =	shalt  }
.Lfunc_end0:
.L_simem_size_0:
called_computation.2_lowered:
.L_overlay_start_0:
0x88: {  	s2 =	sld [smem:$0x3FD9]  }
0x89: {  	s3 =	sld [smem:$0x3FFE];
	_ =	sdelay $0x1  }
0x8a: {  	s1 =	srdreg.scid  }
0x8b: {  	s0 =	sand.u32 $0x1, s1  }
0x8c: {  	s17 =	sshll.u32 s0, $0xA;
	s2 =	sadd.s32 s3, s2  }
0x8d: {  	s2 =	sadd.s32 s2, s17  }
0x8e: {  	[smem:$0x3FC2] =	sst s2  }
0x8f: {  	_ = 	snop  }
0x90: {  	s2 =	sld [smem:$0x3FD0];
	(tm) =	ssettm $0x1  }
0x91: {  	s18 =	sld [smem:$0x3FFB];
	_ =	sdelay $0x3  }
0x92: {  	_ =	strace s18  }
0x93: {  	s3 =	sld [smem:$0x3FFC];
	_ =	sdelay $0x3  }
0x94: {  	_ =	strace s3  }
0x95: {  	s3 =	sld [smem:$0x3FFD];
	_ =	sdelay $0x3  }
0x96: {  	_ =	strace s3  }
0x97: {  	_ =	strace $0x8FFFFFFF  }
0x98: {  	s19 =	sld [smem:$0x3FDB];
	_ =	sdelay $0x1  }
0x99: {  	s4 =	simm.s32 $_scs_section_size  }
0x9a: {  	s5 =	simm.s32 $_size__tile_overlayer_lowered;
	s6 =	simm.s32 $_tile_overlayer_lowered  }
0x9b: {  	s22 =	simm.s32 $0x1BFF;
	s21 =	sshll.u32 s6, $0x1;
	s3 =	sadd.s32 s4, s19  }
0x9c: {  	s7 =	simm.s32 $0x0;
	s20 =	sshll.u32 s5, $0x1;
	s5 =	sadd.s32 s21, s3  }
0x9d: {  	[timem:s7], [sflag:s22] =	dma.local [hbm:s5], s20  }
0x9e: {  	_ =	swait.ge [sflag:s22], s20  }
0x9f: {  	s4 =	ssub.s32 $0x0, s20;
	[sflag:s22] =	ssyncset.done $0x0  }
0xa0: {  	[sflag:s22] =	ssyncadd.s32 s4;
	_ =	sdelay $0x1  }
0xa1: {  	s23 =	simm.s32 $0x1B8B  }
0xa2: {  	_ =	swait.ge [sflag:s23], $0x1  }
0xa3: {  	[sflag:s23] =	ssyncset.done $0x0  }
0xa4: {  	s25 =	simm.s32 $0x1B8E;
	s24 =	sld [smem:$0x3FFE];
	[sflag:s23] =	ssyncadd.s32 $0xFFFFFFFF  }
0xa5: {  	s26 =	simm.s32 $execute0_lowered;
	[smem:$0x3FD2] =	sst s25  }
0xa6: {  	s5 =	sshll.u32 s26, $0x1;
	_ =	strace $0x8000004C;
	[dreg:$0x1] =	wrdreg $0xFFFFFFFF  }
0xa7: {  	s28 =	simm.s32 $_size_execute0_lowered;
	s3 =	sadd.s32 s3, s5;
	[dreg:$0x0] =	wrdreg $0x0  }
0xa8: {  	s5 =	sshll.u32 s28, $0x1;
	[dreg:$0x2] =	wrdreg s3  }
0xa9: {  	[dreg:$0x3] =	wrdreg s5  }
0xaa: {  	[dreg:$0x4] =	wrdreg $0xC0  }
0xab: {  	_ =	task [dreg:s7], $0x5FFFF  }
0xac: {  	[dreg:$0x1] =	wrdreg $0xFFFFFFFF  }
0xad: {  	[dreg:$0x0] =	wrdreg $0x60  }
0xae: {  	[dreg:$0x2] =	wrdreg s2  }
0xaf: {  	[dreg:$0x3] =	wrdreg s24  }
0xb0: {  	[dreg:$0x4] =	wrdreg $0x0  }
0xb1: {  	[dreg:$0x5] =	wrdreg $0x18800  }
0xb2: {  	[dreg:$0x6] =	wrdreg $0x31000  }
0xb3: {  	[dreg:$0x7] =	wrdreg $0x49800  }
0xb4: {  	[dreg:$0x8] =	wrdreg $0x9  }
0xb5: {  	_ =	task.clear_ibuf [dreg:s7], $0x9FFFF;
	_ =	strace $0x9000004C  }
0xb6: {  	s29 =	simm.s32 $0x9;
	_ =	strace $0x8000004E  }
0xb7: {  	_ =	swait.ge [sflag:s29], $0x1  }
0xb8: {  	[sflag:s29] =	ssyncadd.s32 $0xFFFFFFFF  }
0xb9: {  	_ =	strace $0x9000004E  }
0xba: {  	_ =	sfence  }
0xbb: {  	s30 =	sld [smem:$0x0];
	_ =	sdelay $0x2  }
0xbc: {  	s31 =	sshll.u32 s1, $0xD;
	s1 =	sshrl.u32 s1, $0x2  }
0xbd: {  	s3 =	sand.u32 $0x4000, s31;
	s1 =	sadd.s32 s1, s30  }
0xbe: {  	s0 =	sor.u32 s3, s0;
	s1 =	sshll.u32 s1, $0x11  }
0xbf: {  	s0 =	sor.u32 s1, s0  }
0xc0: {  	s0 =	sadd.s32 $0x8F2B, s0  }
0xc1: {  	[sflag:s0] =	ssyncadd.remote.s32 $0x1  }
0xc2: {  	_ =	sfence.sel $0xFFFF  }
0xc3: {  	[dreg:$0x0] =	wrdreg $0xFFFFFFFF;
	(pc) =	sbr.abs _section_cstart, $3  }
0xc4: {  	[dreg:$0x1] =	wrdreg $0xFFFFFFFF  }
0xc5: {  	_ =	task.clear_ibuf [dreg:s7], $0x2FFFF;
	_ =	strace $0x9FFFFFFF  }
0xc6: {  	(tm) =	ssettm $0x7FFFFFFF  }
0xc7: {  	_ =	shalt  }
tec
execute0_lowered:
.L_overlay_start_1:
0x0: {  	(tag) =	ssettag $0x1  }
0x1: {  	s0 =	rddreg [dreg:$0x0]  }
0x2: {  	s2 =	rddreg [dreg:$0x1]  }
0x3: {  	s1 =	rddreg [dreg:$0x2]  }
0x4: {  	s3 =	rddreg [dreg:$0x3]  }
0x5: {  	s4 =	rddreg [dreg:$0x4]  }
0x6: {  	s5 =	rddreg [dreg:$0x5]  }
0x7: {  	s15 =	stileid.u32;
	s7 =	srdreg.scid;
	s19 =	simm.s32 $0x0  }
0x8: {  	s31 =	simm.s32 $0x7A00;
	s28 =	simm.s32 $0x8A00;
	s30 =	simm.s32 $0x6280  }
0x9: {  	s29 =	simm.s32 $0x2;
	s6 =	smul.u32 $0x1880, s15;
	s7 =	sand.u32 $0x1, s7  }
0xa: {  	[smem:$0x7FF] =	sst s19;
	s11 =	sadd.s32 $0x18D800, s2;
	s24 =	smul.u32 $0x32000, s15  }
0xb: {  	s13 =	sadd.s32 $0xC5800, s2;
	s23 =	sshll.u32 s15, $0x6;
	s9 =	smul.u32 $0x31000, s7  }
0xc: {  	_ =	strace $0x8000004D;
	s12 =	ssub.s32 $0x2, s7;
	s22 =	sshll.u32 s7, $0x4  }
0xd: {  	s7 =	smul.u32 $0x320000, s7;
	s17 =	sor.u32 $0x1C04, s23;
	s8 =	sshrl.u32 s6, $0x3  }
0xe: {  	s14 =	sshrl.u32 s12, $0x1;
	s26 =	sadd.s32 s6, s4;
	[dreg:$0xc] =	wrdreg s17  }
0xf: {  	s10 =	sadd.s32 s8, s2;
	s9 =	sadd.s32 s6, s9;
	s0 =	sadd.s32 s0, s8  }
0x10: {  	[dreg:$0xe] =	wrdreg s26;
	s7 =	sadd.s32 s24, s7;
	s9 =	sshrl.u32 s9, $0x3  }
0x11: {  	[dreg:$0xb] =	wrdreg s0;
	s0 =	sadd.s32 s6, s3;
	s25 =	sadd.s32 $0x2200, s10  }
0x12: {  	s10 =	sadd.s32 $0x5400, s10;
	s16 =	sor.u32 $0x1000, s7;
	s7 =	sor.u32 $0x800, s7  }
0x13: {  	s2 =	sadd.s32 s9, s2;
	s9 =	ssub.s32 s12, s14;
	[dreg:$0xd] =	wrdreg s25  }
0x14: {  	s14 =	sadd.s32 s6, s1;
	[dreg:$0xf] =	wrdreg s10;
	s6 =	sadd.s32 s6, s5  }
0x15: {  	s20 =	sshrl.u32 s16, $0x3;
	s0 =	sshrl.u32 s0, $0x3;
	[dreg:$0x10] =	wrdreg s6  }
0x16: {  	s12 =	sor.u32 s15, s22;
	s21 =	sadd.s32 s20, s13;
	[dreg:$0x17] =	wrdreg s0  }
0x17: {  	s7 =	sshrl.u32 s7, $0x3;
	s22 =	sadd.s32 $0x8600, s2;
	[dreg:$0x7] =	wrdreg s21  }
0x18: {  	s10 =	simm.s32 $0x8B00;
	s6 =	sadd.s32 s20, s11;
	[dreg:$0x13] =	wrdreg s22  }
0x19: {  	s16 =	simm.s32 $0x8400;
	s2 =	sadd.s32 $0xB700, s2;
	[dreg:$0x8] =	wrdreg s6  }
0x1a: {  	s12 =	smul.u32 $0x32000, s12;
	s23 =	sadd.s32 s7, s13;
	[dreg:$0x14] =	wrdreg s2  }
0x1b: {  	s24 =	sadd.s32 s7, s11;
	s25 =	smax.u32 s9, $0x1;
	[dreg:$0x9] =	wrdreg s23  }
0x1c: {  	s26 =	sshrl.u32 s14, $0x3;
	s20 =	simm.s32 $0x6A00;
	[dreg:$0x15] =	wrdreg s25  }
0x1d: {  	s0 =	simm.s32 $0x8A80;
	s7 =	simm.s32 $0x6300;
	[dreg:$0xa] =	wrdreg s24  }
0x1e: {  	s9 =	simm.s32 $0x8300;
	s14 =	simm.s32 $0x8B80;
	[dreg:$0x16] =	wrdreg s26  }
0x1f: {  	s21 =	simm.s32 $0x6200;
	s23 =	simm.s32 $0x1;
	s25 =	simm.s32 $0x7200  }
0x20: {  	s26 =	simm.s32 $0x80;
	s22 =	simm.s32 $0x8200;
	s2 =	simm.s32 $0x8280  }
0x21: {  	s24 =	simm.s32 $0x8C00;
	s6 =	simm.s32 $0x3;
	s15 =	sshrl.u32 s12, $0x3  }
0x22: {  	s12 =	simm.s32 $0x6380;
	s18 =	sadd.s32 s11, s15;
	s8 =	sadd.s32 s13, s15  }
0x23: {  	s13 =	simm.s32 $0x8380;
	s15 =	simm.s32 $0x6400;
	[dreg:$0x11] =	wrdreg s18  }
0x24: {  	s11 =	simm.s32 $0x0;
	[dreg:$0x12] =	wrdreg s8;
	s18 =	simm.s32 $0x4  }
.LBB2_1:
0x25: {  	[dreg:$0x18] =	wrdreg s11  }
0x26: {  	s8 =	rddreg [dreg:$0xb]  }
0x27: {  	s11 =	rddreg [dreg:$0x16]  }
0x28: {  	[spmem:s11], [sflag:s17] =	dma.local [hbm:s8], $0x310  }
0x29: {  	_ =	swait.ge [sflag:s18], $0x310  }
0x2a: {  	[sflag:s18] =	ssyncset.done $0x0;
	s8 =	rddreg [dreg:$0xd]  }
0x2b: {  	s11 =	rddreg [dreg:$0x17];
	[sflag:s18] =	ssyncadd.s32 $0xFFFFFCF0  }
0x2c: {  	[spmem:s11], [sflag:s17] =	dma.local [hbm:s8], $0x310  }
0x2d: {  	_ =	swait.ge [sflag:s18], $0x310  }
0x2e: {  	s11 =	rddreg [dreg:$0xe]  }
0x2f: {  	[sflag:s18] =	ssyncset.done $0x0;
	s8 =	rddreg [dreg:$0xf];
	s11 =	sshrl.u32 s11, $0x3  }
0x30: {  	[sflag:s18] =	ssyncadd.s32 $0xFFFFFCF0;
	[dreg:$0x19] =	wrdreg s11  }
0x31: {  	[spmem:s11], [sflag:s17] =	dma.local [hbm:s8], $0x310  }
0x32: {  	_ =	swait.ge [sflag:s18], $0x310  }
0x33: {  	s11 =	rddreg [dreg:$0x10]  }
0x34: {  	[sflag:s18] =	ssyncset.done $0x0;
	s11 =	sshrl.u32 s11, $0x3  }
0x35: {  	[sflag:s18] =	ssyncadd.s32 $0xFFFFFCF0;
	[dreg:$0x1a] =	wrdreg s11  }
0x36: {  	[spmem:s11], [sflag:s17] =	dma.local [hbm:s8], $0x310  }
0x37: {  	_ =	swait.ge [sflag:s18], $0x310  }
0x38: {  	[sflag:s18] =	ssyncset.done $0x0  }
0x39: {  	[sflag:s18] =	ssyncadd.s32 $0xFFFFFCF0  }
0x3a: {  	[bflag:$0x0] =	sbarrier.arrive $0xFFFF  }
0x3b: {  	s11 =	rddreg [dreg:$0x11]  }
0x3c: {  	[tilespmem:s21], [sflag:$0x1] =	stream.linear.gather [hbm4b:s11+s19], $0x800, $0x38;
	[tilespmem:$0xA200] =	vst v63  }
0x3d: {  	s17 =	rddreg [dreg:$0x12]  }
0x3e: {  	[tilespmem:s20], [sflag:$0x1] =	stream.linear.gather [hbm4b:s17+s19], $0x800, $0x38;
	[tilespmem:$0xA200] =	vst v63  }
0x3f: {  	_ =	swait.ge [sflag:s23], $0x800  }
0x40: {  	[sflag:s23] =	ssyncset.done $0x0  }
0x41: {  	[sflag:s23] =	ssyncadd.s32 $0xFFFFF800  }
0x42: {  	_ =	swait.ge [sflag:s23], $0x800  }
0x43: {  	s18 =	rddreg [dreg:$0xa];
	[sflag:s23] =	ssyncset.done $0x0  }
0x44: {  	s8 =	rddreg [dreg:$0x9];
	[sflag:s23] =	ssyncadd.s32 $0xFFFFF800;
	s17 =	sadd.s32 $0x0, s18  }
0x45: {  	[tilespmem:s25], [sflag:$0x1] =	stream.linear.gather [hbm4b:s17+s19], $0x800, $0x38;
	[tilespmem:$0xA200] =	vst v63  }
0x46: {  	s11 =	sadd.s32 $0x0, s8  }
0x47: {  	[tilespmem:s31], [sflag:$0x1] =	stream.linear.gather [hbm4b:s11+s19], $0x800, $0x38;
	[tilespmem:$0xA200] =	vst v63  }
0x48: {  	_ = 	snop  }
0x49: {  	[tilespmem:s22], [sflag:$0x2] =	stream.indirect.gather [spmem:s1], $0x1, s21, s26, $0xb8;
	[tilespmem:$0xA200] =	vst v63  }
0x4a: {  	_ = 	snop  }
0x4b: {  	[tilespmem:s28], [sflag:$0x2] =	stream.indirect.gather [spmem:s3], $0x1, s21, s26, $0xb8;
	[tilespmem:$0xA200] =	vst v63  }
0x4c: {  	_ = 	snop  }
0x4d: {  	[tilespmem:s2], [sflag:$0x2] =	stream.indirect.gather [spmem:s1], $0x1, s30, s26, $0xb8;
	[tilespmem:$0xA200] =	vst v63  }
0x4e: {  	_ = 	snop  }
0x4f: {  	[tilespmem:s0], [sflag:$0x2] =	stream.indirect.gather [spmem:s3], $0x1, s30, s26, $0xb8;
	[tilespmem:$0xA200] =	vst v63  }
0x50: {  	_ = 	snop  }
0x51: {  	[tilespmem:s9], [sflag:$0x2] =	stream.indirect.gather [spmem:s1], $0x1, s7, s26, $0xb8;
	[tilespmem:$0xA200] =	vst v63  }
0x52: {  	_ = 	snop  }
0x53: {  	[tilespmem:s10], [sflag:$0x2] =	stream.indirect.gather [spmem:s3], $0x1, s7, s26, $0xb8;
	[tilespmem:$0xA200] =	vst v63  }
0x54: {  	_ = 	snop  }
0x55: {  	[tilespmem:s13], [sflag:$0x2] =	stream.indirect.gather [spmem:s1], $0x1, s12, s26, $0xb8;
	[tilespmem:$0xA200] =	vst v63  }
0x56: {  	_ = 	snop  }
0x57: {  	[tilespmem:s14], [sflag:$0x2] =	stream.indirect.gather [spmem:s3], $0x1, s12, s26, $0xb8;
	[tilespmem:$0xA200] =	vst v63  }
0x58: {  	_ = 	snop  }
0x59: {  	[tilespmem:s16], [sflag:$0x2] =	stream.indirect.gather [spmem:s1], $0x1, s15, s26, $0xb8;
	[tilespmem:$0xA200] =	vst v63  }
0x5a: {  	_ = 	snop  }
0x5b: {  	[tilespmem:s24], [sflag:$0x2] =	stream.indirect.gather [spmem:s3], $0x1, s15, s26, $0xb8;
	[tilespmem:$0xA200] =	vst v63  }
0x5c: {  	s8 =	simm.s32 $0x8480;
	s12 =	simm.s32 $0x6480  }
0x5d: {  	[tilespmem:s8], [sflag:$0x2] =	stream.indirect.gather [spmem:s1], $0x1, s12, s26, $0xb8;
	[tilespmem:$0xA200] =	vst v63  }
0x5e: {  	s15 =	simm.s32 $0x8C80  }
0x5f: {  	[tilespmem:s15], [sflag:$0x2] =	stream.indirect.gather [spmem:s3], $0x1, s12, s26, $0xb8;
	[tilespmem:$0xA200] =	vst v63  }
0x60: {  	s17 =	simm.s32 $0x6500;
	s12 =	simm.s32 $0x8500  }
0x61: {  	[tilespmem:s12], [sflag:$0x2] =	stream.indirect.gather [spmem:s1], $0x1, s17, s26, $0xb8;
	[tilespmem:$0xA200] =	vst v63  }
0x62: {  	s18 =	simm.s32 $0x8D00  }
0x63: {  	[tilespmem:s18], [sflag:$0x2] =	stream.indirect.gather [spmem:s3], $0x1, s17, s26, $0xb8;
	[tilespmem:$0xA200] =	vst v63  }
0x64: {  	s23 =	simm.s32 $0x6580;
	s17 =	simm.s32 $0x8580  }
0x65: {  	[tilespmem:s17], [sflag:$0x2] =	stream.indirect.gather [spmem:s1], $0x1, s23, s26, $0xb8;
	[tilespmem:$0xA200] =	vst v63  }
0x66: {  	s30 =	simm.s32 $0x8D80  }
0x67: {  	[tilespmem:s30], [sflag:$0x2] =	stream.indirect.gather [spmem:s3], $0x1, s23, s26, $0xb8;
	[tilespmem:$0xA200] =	vst v63  }
0x68: {  	s11 =	simm.s32 $0x6600;
	s30 =	simm.s32 $0x8600  }
0x69: {  	[tilespmem:s30], [sflag:$0x2] =	stream.indirect.gather [spmem:s1], $0x1, s11, s26, $0xb8;
	[tilespmem:$0xA200] =	vst v63  }
0x6a: {  	s15 =	simm.s32 $0x8E00  }
0x6b: {  	[tilespmem:s15], [sflag:$0x2] =	stream.indirect.gather [spmem:s3], $0x1, s11, s26, $0xb8;
	[tilespmem:$0xA200] =	vst v63  }
0x6c: {  	s18 =	simm.s32 $0x6680;
	s11 =	simm.s32 $0x8680  }
0x6d: {  	[tilespmem:s11], [sflag:$0x2] =	stream.indirect.gather [spmem:s1], $0x1, s18, s26, $0xb8;
	[tilespmem:$0xA200] =	vst v63  }
0x6e: {  	s23 =	simm.s32 $0x8E80  }
0x6f: {  	[tilespmem:s23], [sflag:$0x2] =	stream.indirect.gather [spmem:s3], $0x1, s18, s26, $0xb8;
	[tilespmem:$0xA200] =	vst v63  }
0x70: {  	s15 =	simm.s32 $0x8700;
	s18 =	simm.s32 $0x6700  }
0x71: {  	[tilespmem:s15], [sflag:$0x2] =	stream.indirect.gather [spmem:s1], $0x1, s18, s26, $0xb8;
	[tilespmem:$0xA200] =	vst v63  }
0x72: {  	s23 =	simm.s32 $0x8F00  }
0x73: {  	[tilespmem:s23], [sflag:$0x2] =	stream.indirect.gather [spmem:s3], $0x1, s18, s26, $0xb8;
	[tilespmem:$0xA200] =	vst v63  }
0x74: {  	s7 =	simm.s32 $0x6780;
	s18 =	simm.s32 $0x8780  }
0x75: {  	[tilespmem:s18], [sflag:$0x2] =	stream.indirect.gather [spmem:s1], $0x1, s7, s26, $0xb8;
	[tilespmem:$0xA200] =	vst v63  }
0x76: {  	s23 =	simm.s32 $0x8F80  }
0x77: {  	[tilespmem:s23], [sflag:$0x2] =	stream.indirect.gather [spmem:s3], $0x1, s7, s26, $0xb8;
	[tilespmem:$0xA200] =	vst v63  }
0x78: {  	s7 =	simm.s32 $0x6800;
	s23 =	simm.s32 $0x8800  }
0x79: {  	[tilespmem:s23], [sflag:$0x2] =	stream.indirect.gather [spmem:s1], $0x1, s7, s26, $0xb8;
	[tilespmem:$0xA200] =	vst v63  }
0x7a: {  	s23 =	simm.s32 $0x9000  }
0x7b: {  	[tilespmem:s23], [sflag:$0x2] =	stream.indirect.gather [spmem:s3], $0x1, s7, s26, $0xb8;
	[tilespmem:$0xA200] =	vst v63  }
0x7c: {  	s7 =	simm.s32 $0x6880;
	s23 =	simm.s32 $0x8880  }
0x7d: {  	[tilespmem:s23], [sflag:$0x2] =	stream.indirect.gather [spmem:s1], $0x1, s7, s26, $0xb8;
	[tilespmem:$0xA200] =	vst v63  }
0x7e: {  	s23 =	simm.s32 $0x9080  }
0x7f: {  	[tilespmem:s23], [sflag:$0x2] =	stream.indirect.gather [spmem:s3], $0x1, s7, s26, $0xb8;
	[tilespmem:$0xA200] =	vst v63  }
0x80: {  	s7 =	simm.s32 $0x6900;
	s23 =	simm.s32 $0x8900  }
0x81: {  	[tilespmem:s23], [sflag:$0x2] =	stream.indirect.gather [spmem:s1], $0x1, s7, s26, $0xb8;
	[tilespmem:$0xA200] =	vst v63  }
0x82: {  	s23 =	simm.s32 $0x9100  }
0x83: {  	[tilespmem:s23], [sflag:$0x2] =	stream.indirect.gather [spmem:s3], $0x1, s7, s26, $0xb8;
	[tilespmem:$0xA200] =	vst v63  }
0x84: {  	s7 =	simm.s32 $0x6980;
	s23 =	simm.s32 $0x8980  }
0x85: {  	[tilespmem:s23], [sflag:$0x2] =	stream.indirect.gather [spmem:s1], $0x1, s7, s26, $0xb8;
	[tilespmem:$0xA200] =	vst v63  }
0x86: {  	s23 =	simm.s32 $0x9180  }
0x87: {  	[tilespmem:s23], [sflag:$0x2] =	stream.indirect.gather [spmem:s3], $0x1, s7, s26, $0xb8;
	[tilespmem:$0xA200] =	vst v63  }
0x88: {  	_ =	swait.ge [sflag:s29], $0x80  }
0x89: {  	[sflag:s29] =	ssyncset.done $0x0  }
0x8a: {  	[sflag:s29] =	ssyncadd.s32 $0xFFFFFF80  }
0x8b: {  	_ =	swait.ge [sflag:s29], $0x80  }
0x8c: {  	[sflag:s29] =	ssyncset.done $0x0  }
0x8d: {  	[sflag:s29] =	ssyncadd.s32 $0xFFFFFF80  }
0x8e: {  	_ =	swait.ge [sflag:s29], $0x80  }
0x8f: {  	[sflag:s29] =	ssyncset.done $0x0  }
0x90: {  	[sflag:s29] =	ssyncadd.s32 $0xFFFFFF80  }
0x91: {  	_ =	swait.ge [sflag:s29], $0x80  }
0x92: {  	[sflag:s29] =	ssyncset.done $0x0  }
0x93: {  	[sflag:s29] =	ssyncadd.s32 $0xFFFFFF80  }
0x94: {  	_ =	swait.ge [sflag:s29], $0x80  }
0x95: {  	[sflag:s29] =	ssyncset.done $0x0  }
0x96: {  	[sflag:s29] =	ssyncadd.s32 $0xFFFFFF80  }
0x97: {  	_ =	swait.ge [sflag:s29], $0x80  }
0x98: {  	[sflag:s29] =	ssyncset.done $0x0  }
0x99: {  	[sflag:s29] =	ssyncadd.s32 $0xFFFFFF80  }
0x9a: {  	_ =	swait.ge [sflag:s29], $0x80  }
0x9b: {  	[sflag:s29] =	ssyncset.done $0x0  }
0x9c: {  	[sflag:s29] =	ssyncadd.s32 $0xFFFFFF80  }
0x9d: {  	_ =	swait.ge [sflag:s29], $0x80  }
0x9e: {  	[sflag:s29] =	ssyncset.done $0x0  }
0x9f: {  	[sflag:s29] =	ssyncadd.s32 $0xFFFFFF80  }
0xa0: {  	_ =	swait.ge [sflag:s29], $0x80  }
0xa1: {  	[sflag:s29] =	ssyncset.done $0x0  }
0xa2: {  	[sflag:s29] =	ssyncadd.s32 $0xFFFFFF80  }
0xa3: {  	_ =	swait.ge [sflag:s29], $0x80  }
0xa4: {  	[sflag:s29] =	ssyncset.done $0x0  }
0xa5: {  	[sflag:s29] =	ssyncadd.s32 $0xFFFFFF80  }
0xa6: {  	_ =	swait.ge [sflag:s29], $0x80  }
0xa7: {  	[sflag:s29] =	ssyncset.done $0x0  }
0xa8: {  	[sflag:s29] =	ssyncadd.s32 $0xFFFFFF80  }
0xa9: {  	_ =	swait.ge [sflag:s29], $0x80  }
0xaa: {  	[sflag:s29] =	ssyncset.done $0x0  }
0xab: {  	[sflag:s29] =	ssyncadd.s32 $0xFFFFFF80  }
0xac: {  	_ =	swait.ge [sflag:s29], $0x80  }
0xad: {  	[sflag:s29] =	ssyncset.done $0x0  }
0xae: {  	[sflag:s29] =	ssyncadd.s32 $0xFFFFFF80  }
0xaf: {  	_ =	swait.ge [sflag:s29], $0x80  }
0xb0: {  	[sflag:s29] =	ssyncset.done $0x0  }
0xb1: {  	[sflag:s29] =	ssyncadd.s32 $0xFFFFFF80  }
0xb2: {  	_ =	swait.ge [sflag:s29], $0x80  }
0xb3: {  	[sflag:s29] =	ssyncset.done $0x0  }
0xb4: {  	[sflag:s29] =	ssyncadd.s32 $0xFFFFFF80  }
0xb5: {  	_ =	swait.ge [sflag:s29], $0x80  }
0xb6: {  	[sflag:s29] =	ssyncset.done $0x0  }
0xb7: {  	[sflag:s29] =	ssyncadd.s32 $0xFFFFFF80  }
0xb8: {  	_ =	swait.ge [sflag:s29], $0x80  }
0xb9: {  	[sflag:s29] =	ssyncset.done $0x0  }
0xba: {  	[sflag:s29] =	ssyncadd.s32 $0xFFFFFF80  }
0xbb: {  	_ =	swait.ge [sflag:s29], $0x80  }
0xbc: {  	[sflag:s29] =	ssyncset.done $0x0  }
0xbd: {  	[sflag:s29] =	ssyncadd.s32 $0xFFFFFF80  }
0xbe: {  	_ =	swait.ge [sflag:s29], $0x80  }
0xbf: {  	[sflag:s29] =	ssyncset.done $0x0  }
0xc0: {  	[sflag:s29] =	ssyncadd.s32 $0xFFFFFF80  }
0xc1: {  	_ =	swait.ge [sflag:s29], $0x80  }
0xc2: {  	[sflag:s29] =	ssyncset.done $0x0  }
0xc3: {  	[sflag:s29] =	ssyncadd.s32 $0xFFFFFF80  }
0xc4: {  	_ =	swait.ge [sflag:s29], $0x80  }
0xc5: {  	[sflag:s29] =	ssyncset.done $0x0  }
0xc6: {  	[sflag:s29] =	ssyncadd.s32 $0xFFFFFF80  }
0xc7: {  	_ =	swait.ge [sflag:s29], $0x80  }
0xc8: {  	[sflag:s29] =	ssyncset.done $0x0  }
0xc9: {  	[sflag:s29] =	ssyncadd.s32 $0xFFFFFF80  }
0xca: {  	_ =	swait.ge [sflag:s29], $0x80  }
0xcb: {  	[sflag:s29] =	ssyncset.done $0x0  }
0xcc: {  	[sflag:s29] =	ssyncadd.s32 $0xFFFFFF80  }
0xcd: {  	_ =	swait.ge [sflag:s29], $0x80  }
0xce: {  	[sflag:s29] =	ssyncset.done $0x0  }
0xcf: {  	[sflag:s29] =	ssyncadd.s32 $0xFFFFFF80  }
0xd0: {  	_ =	swait.ge [sflag:s29], $0x80  }
0xd1: {  	[sflag:s29] =	ssyncset.done $0x0  }
0xd2: {  	[sflag:s29] =	ssyncadd.s32 $0xFFFFFF80  }
0xd3: {  	_ =	swait.ge [sflag:s29], $0x80  }
0xd4: {  	[sflag:s29] =	ssyncset.done $0x0  }
0xd5: {  	[sflag:s29] =	ssyncadd.s32 $0xFFFFFF80  }
0xd6: {  	_ =	swait.ge [sflag:s29], $0x80  }
0xd7: {  	[sflag:s29] =	ssyncset.done $0x0  }
0xd8: {  	[sflag:s29] =	ssyncadd.s32 $0xFFFFFF80  }
0xd9: {  	_ =	swait.ge [sflag:s29], $0x80  }
0xda: {  	[sflag:s29] =	ssyncset.done $0x0  }
0xdb: {  	[sflag:s29] =	ssyncadd.s32 $0xFFFFFF80  }
0xdc: {  	_ =	swait.ge [sflag:s29], $0x80  }
0xdd: {  	[sflag:s29] =	ssyncset.done $0x0  }
0xde: {  	[sflag:s29] =	ssyncadd.s32 $0xFFFFFF80  }
0xdf: {  	_ =	swait.ge [sflag:s29], $0x80  }
0xe0: {  	[sflag:s29] =	ssyncset.done $0x0  }
0xe1: {  	[sflag:s29] =	ssyncadd.s32 $0xFFFFFF80  }
0xe2: {  	_ =	swait.ge [sflag:s29], $0x80  }
0xe3: {  	[sflag:s29] =	ssyncset.done $0x0  }
0xe4: {  	[sflag:s29] =	ssyncadd.s32 $0xFFFFFF80  }
0xe5: {  	_ =	swait.ge [sflag:s29], $0x80  }
0xe6: {  	[sflag:s29] =	ssyncset.done $0x0  }
0xe7: {  	[sflag:s29] =	ssyncadd.s32 $0xFFFFFF80  }
0xe8: {  	[spmem:s4] =	stream.indirect.scatter.add.f32 [tilespmem:s22], [sflag:$0x3], $0x1, s20, s26, $0xb8;
	[tilespmem:$0xA200] =	vst v63  }
0xe9: {  	_ = 	snop  }
0xea: {  	[spmem:s5] =	stream.indirect.scatter.add.f32 [tilespmem:s28], [sflag:$0x3], $0x1, s20, s26, $0xb8;
	[tilespmem:$0xA200] =	vst v63  }
0xeb: {  	s28 =	simm.s32 $0x6A80  }
0xec: {  	[spmem:s4] =	stream.indirect.scatter.add.f32 [tilespmem:s2], [sflag:$0x3], $0x1, s28, s26, $0xb8;
	[tilespmem:$0xA200] =	vst v63  }
0xed: {  	_ = 	snop  }
0xee: {  	[spmem:s5] =	stream.indirect.scatter.add.f32 [tilespmem:s0], [sflag:$0x3], $0x1, s28, s26, $0xb8;
	[tilespmem:$0xA200] =	vst v63  }
0xef: {  	s7 =	simm.s32 $0x6B00  }
0xf0: {  	[spmem:s4] =	stream.indirect.scatter.add.f32 [tilespmem:s9], [sflag:$0x3], $0x1, s7, s26, $0xb8;
	[tilespmem:$0xA200] =	vst v63  }
0xf1: {  	_ = 	snop  }
0xf2: {  	[spmem:s5] =	stream.indirect.scatter.add.f32 [tilespmem:s10], [sflag:$0x3], $0x1, s7, s26, $0xb8;
	[tilespmem:$0xA200] =	vst v63  }
0xf3: {  	s10 =	simm.s32 $0x6B80  }
0xf4: {  	[spmem:s4] =	stream.indirect.scatter.add.f32 [tilespmem:s13], [sflag:$0x3], $0x1, s10, s26, $0xb8;
	[tilespmem:$0xA200] =	vst v63  }
0xf5: {  	_ = 	snop  }
0xf6: {  	[spmem:s5] =	stream.indirect.scatter.add.f32 [tilespmem:s14], [sflag:$0x3], $0x1, s10, s26, $0xb8;
	[tilespmem:$0xA200] =	vst v63  }
0xf7: {  	s20 =	simm.s32 $0x6C00  }
0xf8: {  	[spmem:s4] =	stream.indirect.scatter.add.f32 [tilespmem:s16], [sflag:$0x3], $0x1, s20, s26, $0xb8;
	[tilespmem:$0xA200] =	vst v63  }
0xf9: {  	_ = 	snop  }
0xfa: {  	[spmem:s5] =	stream.indirect.scatter.add.f32 [tilespmem:s24], [sflag:$0x3], $0x1, s20, s26, $0xb8;
	[tilespmem:$0xA200] =	vst v63  }
0xfb: {  	s22 =	simm.s32 $0x6C80  }
0xfc: {  	[spmem:s4] =	stream.indirect.scatter.add.f32 [tilespmem:s8], [sflag:$0x3], $0x1, s22, s26, $0xb8;
	[tilespmem:$0xA200] =	vst v63  }
0xfd: {  	s23 =	simm.s32 $0x8C80  }
0xfe: {  	[spmem:s5] =	stream.indirect.scatter.add.f32 [tilespmem:s23], [sflag:$0x3], $0x1, s22, s26, $0xb8;
	[tilespmem:$0xA200] =	vst v63  }
0xff: {  	s24 =	simm.s32 $0x6D00  }
0x100: {  	[spmem:s4] =	stream.indirect.scatter.add.f32 [tilespmem:s12], [sflag:$0x3], $0x1, s24, s26, $0xb8;
	[tilespmem:$0xA200] =	vst v63  }
0x101: {  	s28 =	simm.s32 $0x8D00  }
0x102: {  	[spmem:s5] =	stream.indirect.scatter.add.f32 [tilespmem:s28], [sflag:$0x3], $0x1, s24, s26, $0xb8;
	[tilespmem:$0xA200] =	vst v63  }
0x103: {  	s2 =	simm.s32 $0x6D80  }
0x104: {  	[spmem:s4] =	stream.indirect.scatter.add.f32 [tilespmem:s17], [sflag:$0x3], $0x1, s2, s26, $0xb8;
	[tilespmem:$0xA200] =	vst v63  }
0x105: {  	s7 =	simm.s32 $0x8D80  }
0x106: {  	[spmem:s5] =	stream.indirect.scatter.add.f32 [tilespmem:s7], [sflag:$0x3], $0x1, s2, s26, $0xb8;
	[tilespmem:$0xA200] =	vst v63  }
0x107: {  	s8 =	simm.s32 $0x6E00  }
0x108: {  	[spmem:s4] =	stream.indirect.scatter.add.f32 [tilespmem:s30], [sflag:$0x3], $0x1, s8, s26, $0xb8;
	[tilespmem:$0xA200] =	vst v63  }
0x109: {  	s9 =	simm.s32 $0x8E00  }
0x10a: {  	[spmem:s5] =	stream.indirect.scatter.add.f32 [tilespmem:s9], [sflag:$0x3], $0x1, s8, s26, $0xb8;
	[tilespmem:$0xA200] =	vst v63  }
0x10b: {  	s10 =	simm.s32 $0x6E80  }
0x10c: {  	[spmem:s4] =	stream.indirect.scatter.add.f32 [tilespmem:s11], [sflag:$0x3], $0x1, s10, s26, $0xb8;
	[tilespmem:$0xA200] =	vst v63  }
0x10d: {  	s12 =	simm.s32 $0x8E80  }
0x10e: {  	[spmem:s5] =	stream.indirect.scatter.add.f32 [tilespmem:s12], [sflag:$0x3], $0x1, s10, s26, $0xb8;
	[tilespmem:$0xA200] =	vst v63  }
0x10f: {  	s13 =	simm.s32 $0x6F00  }
0x110: {  	[spmem:s4] =	stream.indirect.scatter.add.f32 [tilespmem:s15], [sflag:$0x3], $0x1, s13, s26, $0xb8;
	[tilespmem:$0xA200] =	vst v63  }
0x111: {  	s14 =	simm.s32 $0x8F00  }
0x112: {  	[spmem:s5] =	stream.indirect.scatter.add.f32 [tilespmem:s14], [sflag:$0x3], $0x1, s13, s26, $0xb8;
	[tilespmem:$0xA200] =	vst v63  }
0x113: {  	s15 =	simm.s32 $0x6F80  }
0x114: {  	[spmem:s4] =	stream.indirect.scatter.add.f32 [tilespmem:s18], [sflag:$0x3], $0x1, s15, s26, $0xb8;
	[tilespmem:$0xA200] =	vst v63  }
0x115: {  	s16 =	simm.s32 $0x8F80  }
0x116: {  	[spmem:s5] =	stream.indirect.scatter.add.f32 [tilespmem:s16], [sflag:$0x3], $0x1, s15, s26, $0xb8;
	[tilespmem:$0xA200] =	vst v63  }
0x117: {  	s17 =	simm.s32 $0x7000;
	s18 =	simm.s32 $0x8800  }
0x118: {  	[spmem:s4] =	stream.indirect.scatter.add.f32 [tilespmem:s18], [sflag:$0x3], $0x1, s17, s26, $0xb8;
	[tilespmem:$0xA200] =	vst v63  }
0x119: {  	s20 =	simm.s32 $0x9000  }
0x11a: {  	[spmem:s5] =	stream.indirect.scatter.add.f32 [tilespmem:s20], [sflag:$0x3], $0x1, s17, s26, $0xb8;
	[tilespmem:$0xA200] =	vst v63  }
0x11b: {  	s22 =	simm.s32 $0x7080;
	s23 =	simm.s32 $0x8880  }
0x11c: {  	[spmem:s4] =	stream.indirect.scatter.add.f32 [tilespmem:s23], [sflag:$0x3], $0x1, s22, s26, $0xb8;
	[tilespmem:$0xA200] =	vst v63  }
0x11d: {  	s24 =	simm.s32 $0x9080  }
0x11e: {  	[spmem:s5] =	stream.indirect.scatter.add.f32 [tilespmem:s24], [sflag:$0x3], $0x1, s22, s26, $0xb8;
	[tilespmem:$0xA200] =	vst v63  }
0x11f: {  	s28 =	simm.s32 $0x7100;
	s30 =	simm.s32 $0x8900  }
0x120: {  	[spmem:s4] =	stream.indirect.scatter.add.f32 [tilespmem:s30], [sflag:$0x3], $0x1, s28, s26, $0xb8;
	[tilespmem:$0xA200] =	vst v63  }
0x121: {  	s7 =	simm.s32 $0x9100  }
0x122: {  	[spmem:s5] =	stream.indirect.scatter.add.f32 [tilespmem:s7], [sflag:$0x3], $0x1, s28, s26, $0xb8;
	[tilespmem:$0xA200] =	vst v63  }
0x123: {  	s8 =	simm.s32 $0x7180;
	s9 =	simm.s32 $0x8980  }
0x124: {  	[spmem:s4] =	stream.indirect.scatter.add.f32 [tilespmem:s9], [sflag:$0x3], $0x1, s8, s26, $0xb8;
	[tilespmem:$0xA200] =	vst v63  }
0x125: {  	s10 =	simm.s32 $0x9180;
	s23 =	simm.s32 $0x1  }
0x126: {  	[spmem:s5] =	stream.indirect.scatter.add.f32 [tilespmem:s10], [sflag:$0x3], $0x1, s8, s26, $0xb8;
	[tilespmem:$0xA200] =	vst v63  }
0x127: {  	_ =	swait.ge [sflag:s23], $0x800  }
0x128: {  	[sflag:s23] =	ssyncset.done $0x0  }
0x129: {  	[sflag:s23] =	ssyncadd.s32 $0xFFFFF800  }
0x12a: {  	_ =	swait.ge [sflag:s23], $0x800  }
0x12b: {  	[sflag:s23] =	ssyncset.done $0x0  }
0x12c: {  	s11 =	simm.s32 $0x9200;
	[sflag:s23] =	ssyncadd.s32 $0xFFFFF800  }
0x12d: {  	[tilespmem:s11], [sflag:$0x2] =	stream.indirect.gather [spmem:s1], $0x1, s25, s26, $0xb8;
	[tilespmem:$0xA200] =	vst v63  }
0x12e: {  	s12 =	simm.s32 $0x9A00  }
0x12f: {  	[tilespmem:s12], [sflag:$0x2] =	stream.indirect.gather [spmem:s3], $0x1, s25, s26, $0xb8;
	[tilespmem:$0xA200] =	vst v63  }
0x130: {  	s13 =	simm.s32 $0x7280;
	s7 =	simm.s32 $0x9280  }
0x131: {  	[tilespmem:s7], [sflag:$0x2] =	stream.indirect.gather [spmem:s1], $0x1, s13, s26, $0xb8;
	[tilespmem:$0xA200] =	vst v63  }
0x132: {  	s14 =	simm.s32 $0x9A80  }
0x133: {  	[tilespmem:s14], [sflag:$0x2] =	stream.indirect.gather [spmem:s3], $0x1, s13, s26, $0xb8;
	[tilespmem:$0xA200] =	vst v63  }
0x134: {  	s15 =	simm.s32 $0x7300;
	s9 =	simm.s32 $0x9300  }
0x135: {  	[tilespmem:s9], [sflag:$0x2] =	stream.indirect.gather [spmem:s1], $0x1, s15, s26, $0xb8;
	[tilespmem:$0xA200] =	vst v63  }
0x136: {  	s16 =	simm.s32 $0x9B00  }
0x137: {  	[tilespmem:s16], [sflag:$0x2] =	stream.indirect.gather [spmem:s3], $0x1, s15, s26, $0xb8;
	[tilespmem:$0xA200] =	vst v63  }
0x138: {  	s17 =	simm.s32 $0x7380;
	s11 =	simm.s32 $0x9380  }
0x139: {  	[tilespmem:s11], [sflag:$0x2] =	stream.indirect.gather [spmem:s1], $0x1, s17, s26, $0xb8;
	[tilespmem:$0xA200] =	vst v63  }
0x13a: {  	s18 =	simm.s32 $0x9B80  }
0x13b: {  	[tilespmem:s18], [sflag:$0x2] =	stream.indirect.gather [spmem:s3], $0x1, s17, s26, $0xb8;
	[tilespmem:$0xA200] =	vst v63  }
0x13c: {  	s20 =	simm.s32 $0x7400;
	s13 =	simm.s32 $0x9400  }
0x13d: {  	[tilespmem:s13], [sflag:$0x2] =	stream.indirect.gather [spmem:s1], $0x1, s20, s26, $0xb8;
	[tilespmem:$0xA200] =	vst v63  }
0x13e: {  	s22 =	simm.s32 $0x9C00  }
0x13f: {  	[tilespmem:s22], [sflag:$0x2] =	stream.indirect.gather [spmem:s3], $0x1, s20, s26, $0xb8;
	[tilespmem:$0xA200] =	vst v63  }
0x140: {  	s24 =	simm.s32 $0x7480;
	s15 =	simm.s32 $0x9480  }
0x141: {  	[tilespmem:s15], [sflag:$0x2] =	stream.indirect.gather [spmem:s1], $0x1, s24, s26, $0xb8;
	[tilespmem:$0xA200] =	vst v63  }
0x142: {  	s25 =	simm.s32 $0x9C80  }
0x143: {  	[tilespmem:s25], [sflag:$0x2] =	stream.indirect.gather [spmem:s3], $0x1, s24, s26, $0xb8;
	[tilespmem:$0xA200] =	vst v63  }
0x144: {  	s28 =	simm.s32 $0x7500;
	s20 =	simm.s32 $0x9500  }
0x145: {  	[tilespmem:s20], [sflag:$0x2] =	stream.indirect.gather [spmem:s1], $0x1, s28, s26, $0xb8;
	[tilespmem:$0xA200] =	vst v63  }
0x146: {  	s30 =	simm.s32 $0x9D00  }
0x147: {  	[tilespmem:s30], [sflag:$0x2] =	stream.indirect.gather [spmem:s3], $0x1, s28, s26, $0xb8;
	[tilespmem:$0xA200] =	vst v63  }
0x148: {  	s8 =	simm.s32 $0x7580;
	s24 =	simm.s32 $0x9580  }
0x149: {  	[tilespmem:s24], [sflag:$0x2] =	stream.indirect.gather [spmem:s1], $0x1, s8, s26, $0xb8;
	[tilespmem:$0xA200] =	vst v63  }
0x14a: {  	s10 =	simm.s32 $0x9D80  }
0x14b: {  	[tilespmem:s10], [sflag:$0x2] =	stream.indirect.gather [spmem:s3], $0x1, s8, s26, $0xb8;
	[tilespmem:$0xA200] =	vst v63  }
0x14c: {  	s12 =	simm.s32 $0x7600;
	s28 =	simm.s32 $0x9600  }
0x14d: {  	[tilespmem:s28], [sflag:$0x2] =	stream.indirect.gather [spmem:s1], $0x1, s12, s26, $0xb8;
	[tilespmem:$0xA200] =	vst v63  }
0x14e: {  	s30 =	simm.s32 $0x9E00  }
0x14f: {  	[tilespmem:s30], [sflag:$0x2] =	stream.indirect.gather [spmem:s3], $0x1, s12, s26, $0xb8;
	[tilespmem:$0xA200] =	vst v63  }
0x150: {  	s14 =	simm.s32 $0x7680;
	s25 =	simm.s32 $0x9680  }
0x151: {  	[tilespmem:s25], [sflag:$0x2] =	stream.indirect.gather [spmem:s1], $0x1, s14, s26, $0xb8;
	[tilespmem:$0xA200] =	vst v63  }
0x152: {  	s16 =	simm.s32 $0x9E80  }
0x153: {  	[tilespmem:s16], [sflag:$0x2] =	stream.indirect.gather [spmem:s3], $0x1, s14, s26, $0xb8;
	[tilespmem:$0xA200] =	vst v63  }
0x154: {  	s17 =	simm.s32 $0x7700;
	s8 =	simm.s32 $0x9700  }
0x155: {  	[tilespmem:s8], [sflag:$0x2] =	stream.indirect.gather [spmem:s1], $0x1, s17, s26, $0xb8;
	[tilespmem:$0xA200] =	vst v63  }
0x156: {  	s18 =	simm.s32 $0x9F00  }
0x157: {  	[tilespmem:s18], [sflag:$0x2] =	stream.indirect.gather [spmem:s3], $0x1, s17, s26, $0xb8;
	[tilespmem:$0xA200] =	vst v63  }
0x158: {  	s22 =	simm.s32 $0x7780;
	s10 =	simm.s32 $0x9780  }
0x159: {  	[tilespmem:s10], [sflag:$0x2] =	stream.indirect.gather [spmem:s1], $0x1, s22, s26, $0xb8;
	[tilespmem:$0xA200] =	vst v63  }
0x15a: {  	s0 =	simm.s32 $0x9F80  }
0x15b: {  	[tilespmem:s0], [sflag:$0x2] =	stream.indirect.gather [spmem:s3], $0x1, s22, s26, $0xb8;
	[tilespmem:$0xA200] =	vst v63  }
0x15c: {  	s12 =	simm.s32 $0x9800;
	s14 =	simm.s32 $0x7800  }
0x15d: {  	[tilespmem:s12], [sflag:$0x2] =	stream.indirect.gather [spmem:s1], $0x1, s14, s26, $0xb8;
	[tilespmem:$0xA200] =	vst v63  }
0x15e: {  	s16 =	simm.s32 $0xA000  }
0x15f: {  	[tilespmem:s16], [sflag:$0x2] =	stream.indirect.gather [spmem:s3], $0x1, s14, s26, $0xb8;
	[tilespmem:$0xA200] =	vst v63  }
0x160: {  	s17 =	simm.s32 $0x7880;
	s14 =	simm.s32 $0x9880  }
0x161: {  	[tilespmem:s14], [sflag:$0x2] =	stream.indirect.gather [spmem:s1], $0x1, s17, s26, $0xb8;
	[tilespmem:$0xA200] =	vst v63  }
0x162: {  	s18 =	simm.s32 $0xA080  }
0x163: {  	[tilespmem:s18], [sflag:$0x2] =	stream.indirect.gather [spmem:s3], $0x1, s17, s26, $0xb8;
	[tilespmem:$0xA200] =	vst v63  }
0x164: {  	s22 =	simm.s32 $0x7900;
	s16 =	simm.s32 $0x9900  }
0x165: {  	[tilespmem:s16], [sflag:$0x2] =	stream.indirect.gather [spmem:s1], $0x1, s22, s26, $0xb8;
	[tilespmem:$0xA200] =	vst v63  }
0x166: {  	s0 =	simm.s32 $0xA100  }
0x167: {  	[tilespmem:s0], [sflag:$0x2] =	stream.indirect.gather [spmem:s3], $0x1, s22, s26, $0xb8;
	[tilespmem:$0xA200] =	vst v63  }
0x168: {  	s18 =	simm.s32 $0x7980;
	s22 =	simm.s32 $0x9980  }
0x169: {  	[tilespmem:s22], [sflag:$0x2] =	stream.indirect.gather [spmem:s1], $0x1, s18, s26, $0xb8;
	[tilespmem:$0xA200] =	vst v63  }
0x16a: {  	s0 =	simm.s32 $0xA180  }
0x16b: {  	[tilespmem:s0], [sflag:$0x2] =	stream.indirect.gather [spmem:s3], $0x1, s18, s26, $0xb8;
	[tilespmem:$0xA200] =	vst v63  }
0x16c: {  	_ =	swait.ge [sflag:s6], $0x80  }
0x16d: {  	[sflag:s6] =	ssyncset.done $0x0  }
0x16e: {  	[sflag:s6] =	ssyncadd.s32 $0xFFFFFF80  }
0x16f: {  	_ =	swait.ge [sflag:s6], $0x80  }
0x170: {  	[sflag:s6] =	ssyncset.done $0x0  }
0x171: {  	[sflag:s6] =	ssyncadd.s32 $0xFFFFFF80  }
0x172: {  	_ =	swait.ge [sflag:s6], $0x80  }
0x173: {  	[sflag:s6] =	ssyncset.done $0x0  }
0x174: {  	[sflag:s6] =	ssyncadd.s32 $0xFFFFFF80  }
0x175: {  	_ =	swait.ge [sflag:s6], $0x80  }
0x176: {  	[sflag:s6] =	ssyncset.done $0x0  }
0x177: {  	[sflag:s6] =	ssyncadd.s32 $0xFFFFFF80  }
0x178: {  	_ =	swait.ge [sflag:s6], $0x80  }
0x179: {  	[sflag:s6] =	ssyncset.done $0x0  }
0x17a: {  	[sflag:s6] =	ssyncadd.s32 $0xFFFFFF80  }
0x17b: {  	_ =	swait.ge [sflag:s6], $0x80  }
0x17c: {  	[sflag:s6] =	ssyncset.done $0x0  }
0x17d: {  	[sflag:s6] =	ssyncadd.s32 $0xFFFFFF80  }
0x17e: {  	_ =	swait.ge [sflag:s6], $0x80  }
0x17f: {  	[sflag:s6] =	ssyncset.done $0x0  }
0x180: {  	[sflag:s6] =	ssyncadd.s32 $0xFFFFFF80  }
0x181: {  	_ =	swait.ge [sflag:s6], $0x80  }
0x182: {  	[sflag:s6] =	ssyncset.done $0x0  }
0x183: {  	[sflag:s6] =	ssyncadd.s32 $0xFFFFFF80  }
0x184: {  	_ =	swait.ge [sflag:s6], $0x80  }
0x185: {  	[sflag:s6] =	ssyncset.done $0x0  }
0x186: {  	[sflag:s6] =	ssyncadd.s32 $0xFFFFFF80  }
0x187: {  	_ =	swait.ge [sflag:s6], $0x80  }
0x188: {  	[sflag:s6] =	ssyncset.done $0x0  }
0x189: {  	[sflag:s6] =	ssyncadd.s32 $0xFFFFFF80  }
0x18a: {  	_ =	swait.ge [sflag:s6], $0x80  }
0x18b: {  	[sflag:s6] =	ssyncset.done $0x0  }
0x18c: {  	[sflag:s6] =	ssyncadd.s32 $0xFFFFFF80  }
0x18d: {  	_ =	swait.ge [sflag:s6], $0x80  }
0x18e: {  	[sflag:s6] =	ssyncset.done $0x0  }
0x18f: {  	[sflag:s6] =	ssyncadd.s32 $0xFFFFFF80  }
0x190: {  	_ =	swait.ge [sflag:s6], $0x80  }
0x191: {  	[sflag:s6] =	ssyncset.done $0x0  }
0x192: {  	[sflag:s6] =	ssyncadd.s32 $0xFFFFFF80  }
0x193: {  	_ =	swait.ge [sflag:s6], $0x80  }
0x194: {  	[sflag:s6] =	ssyncset.done $0x0  }
0x195: {  	[sflag:s6] =	ssyncadd.s32 $0xFFFFFF80  }
0x196: {  	_ =	swait.ge [sflag:s6], $0x80  }
0x197: {  	[sflag:s6] =	ssyncset.done $0x0  }
0x198: {  	[sflag:s6] =	ssyncadd.s32 $0xFFFFFF80  }
0x199: {  	_ =	swait.ge [sflag:s6], $0x80  }
0x19a: {  	[sflag:s6] =	ssyncset.done $0x0  }
0x19b: {  	[sflag:s6] =	ssyncadd.s32 $0xFFFFFF80  }
0x19c: {  	_ =	swait.ge [sflag:s6], $0x80  }
0x19d: {  	[sflag:s6] =	ssyncset.done $0x0  }
0x19e: {  	[sflag:s6] =	ssyncadd.s32 $0xFFFFFF80  }
0x19f: {  	_ =	swait.ge [sflag:s6], $0x80  }
0x1a0: {  	[sflag:s6] =	ssyncset.done $0x0  }
0x1a1: {  	[sflag:s6] =	ssyncadd.s32 $0xFFFFFF80  }
0x1a2: {  	_ =	swait.ge [sflag:s6], $0x80  }
0x1a3: {  	[sflag:s6] =	ssyncset.done $0x0  }
0x1a4: {  	[sflag:s6] =	ssyncadd.s32 $0xFFFFFF80  }
0x1a5: {  	_ =	swait.ge [sflag:s6], $0x80  }
0x1a6: {  	[sflag:s6] =	ssyncset.done $0x0  }
0x1a7: {  	[sflag:s6] =	ssyncadd.s32 $0xFFFFFF80  }
0x1a8: {  	_ =	swait.ge [sflag:s6], $0x80  }
0x1a9: {  	[sflag:s6] =	ssyncset.done $0x0  }
0x1aa: {  	[sflag:s6] =	ssyncadd.s32 $0xFFFFFF80  }
0x1ab: {  	_ =	swait.ge [sflag:s6], $0x80  }
0x1ac: {  	[sflag:s6] =	ssyncset.done $0x0  }
0x1ad: {  	[sflag:s6] =	ssyncadd.s32 $0xFFFFFF80  }
0x1ae: {  	_ =	swait.ge [sflag:s6], $0x80  }
0x1af: {  	[sflag:s6] =	ssyncset.done $0x0  }
0x1b0: {  	[sflag:s6] =	ssyncadd.s32 $0xFFFFFF80  }
0x1b1: {  	_ =	swait.ge [sflag:s6], $0x80  }
0x1b2: {  	[sflag:s6] =	ssyncset.done $0x0  }
0x1b3: {  	[sflag:s6] =	ssyncadd.s32 $0xFFFFFF80  }
0x1b4: {  	_ =	swait.ge [sflag:s6], $0x80  }
0x1b5: {  	[sflag:s6] =	ssyncset.done $0x0  }
0x1b6: {  	[sflag:s6] =	ssyncadd.s32 $0xFFFFFF80  }
0x1b7: {  	_ =	swait.ge [sflag:s6], $0x80  }
0x1b8: {  	[sflag:s6] =	ssyncset.done $0x0  }
0x1b9: {  	[sflag:s6] =	ssyncadd.s32 $0xFFFFFF80  }
0x1ba: {  	_ =	swait.ge [sflag:s6], $0x80  }
0x1bb: {  	[sflag:s6] =	ssyncset.done $0x0  }
0x1bc: {  	[sflag:s6] =	ssyncadd.s32 $0xFFFFFF80  }
0x1bd: {  	_ =	swait.ge [sflag:s6], $0x80  }
0x1be: {  	[sflag:s6] =	ssyncset.done $0x0  }
0x1bf: {  	[sflag:s6] =	ssyncadd.s32 $0xFFFFFF80  }
0x1c0: {  	_ =	swait.ge [sflag:s6], $0x80  }
0x1c1: {  	[sflag:s6] =	ssyncset.done $0x0  }
0x1c2: {  	[sflag:s6] =	ssyncadd.s32 $0xFFFFFF80  }
0x1c3: {  	_ =	swait.ge [sflag:s6], $0x80  }
0x1c4: {  	[sflag:s6] =	ssyncset.done $0x0  }
0x1c5: {  	[sflag:s6] =	ssyncadd.s32 $0xFFFFFF80  }
0x1c6: {  	_ =	swait.ge [sflag:s6], $0x80  }
0x1c7: {  	[sflag:s6] =	ssyncset.done $0x0  }
0x1c8: {  	p0 =	por $0x0, $0x0;
	[sflag:s6] =	ssyncadd.s32 $0xFFFFFF80  }
0x1c9: {  	s0 =	simm.s32 @!p0 $0x0;
	_ =	swait.ge [sflag:s6], $0x80  }
0x1ca: {  	s18 =	simm.s32 @!p0 $0x6200;
	s17 =	rddreg [dreg:$0x8];
	[sflag:s6] =	ssyncset.done $0x0  }
0x1cb: {  	s2 =	rddreg [dreg:$0x7];
	[sflag:s6] =	ssyncadd.s32 $0xFFFFFF80;
	s17 =	sadd.s32 @!p0 $0x0, s17  }
0x1cc: {  	[tilespmem:s18], [sflag:$0x1] =	stream.linear.gather @!p0 [hbm4b:s17+s0], $0x800, $0x38;
	[tilespmem:$0xA200] =	vst v63  }
0x1cd: {  	s0 =	simm.s32 @!p0 $0x0;
	s17 =	simm.s32 @!p0 $0x6A00;
	s18 =	sadd.s32 @!p0 $0x0, s2  }
0x1ce: {  	[tilespmem:s17], [sflag:$0x1] =	stream.linear.gather @!p0 [hbm4b:s18+s0], $0x800, $0x38;
	[tilespmem:$0xA200] =	vst v63  }
0x1cf: {  	_ =	swait.ge [sflag:s29], $0x80  }
0x1d0: {  	[sflag:s29] =	ssyncset.done $0x0  }
0x1d1: {  	[sflag:s29] =	ssyncadd.s32 $0xFFFFFF80  }
0x1d2: {  	_ =	swait.ge [sflag:s29], $0x80  }
0x1d3: {  	[sflag:s29] =	ssyncset.done $0x0  }
0x1d4: {  	[sflag:s29] =	ssyncadd.s32 $0xFFFFFF80  }
0x1d5: {  	_ =	swait.ge [sflag:s29], $0x80  }
0x1d6: {  	[sflag:s29] =	ssyncset.done $0x0  }
0x1d7: {  	[sflag:s29] =	ssyncadd.s32 $0xFFFFFF80  }
0x1d8: {  	_ =	swait.ge [sflag:s29], $0x80  }
0x1d9: {  	[sflag:s29] =	ssyncset.done $0x0  }
0x1da: {  	[sflag:s29] =	ssyncadd.s32 $0xFFFFFF80  }
0x1db: {  	_ =	swait.ge [sflag:s29], $0x80  }
0x1dc: {  	[sflag:s29] =	ssyncset.done $0x0  }
0x1dd: {  	[sflag:s29] =	ssyncadd.s32 $0xFFFFFF80  }
0x1de: {  	_ =	swait.ge [sflag:s29], $0x80  }
0x1df: {  	[sflag:s29] =	ssyncset.done $0x0  }
0x1e0: {  	[sflag:s29] =	ssyncadd.s32 $0xFFFFFF80  }
0x1e1: {  	_ =	swait.ge [sflag:s29], $0x80  }
0x1e2: {  	[sflag:s29] =	ssyncset.done $0x0  }
0x1e3: {  	[sflag:s29] =	ssyncadd.s32 $0xFFFFFF80  }
0x1e4: {  	_ =	swait.ge [sflag:s29], $0x80  }
0x1e5: {  	[sflag:s29] =	ssyncset.done $0x0  }
0x1e6: {  	[sflag:s29] =	ssyncadd.s32 $0xFFFFFF80  }
0x1e7: {  	_ =	swait.ge [sflag:s29], $0x80  }
0x1e8: {  	[sflag:s29] =	ssyncset.done $0x0  }
0x1e9: {  	[sflag:s29] =	ssyncadd.s32 $0xFFFFFF80  }
0x1ea: {  	_ =	swait.ge [sflag:s29], $0x80  }
0x1eb: {  	[sflag:s29] =	ssyncset.done $0x0  }
0x1ec: {  	[sflag:s29] =	ssyncadd.s32 $0xFFFFFF80  }
0x1ed: {  	_ =	swait.ge [sflag:s29], $0x80  }
0x1ee: {  	[sflag:s29] =	ssyncset.done $0x0  }
0x1ef: {  	[sflag:s29] =	ssyncadd.s32 $0xFFFFFF80  }
0x1f0: {  	_ =	swait.ge [sflag:s29], $0x80  }
0x1f1: {  	[sflag:s29] =	ssyncset.done $0x0  }
0x1f2: {  	[sflag:s29] =	ssyncadd.s32 $0xFFFFFF80  }
0x1f3: {  	_ =	swait.ge [sflag:s29], $0x80  }
0x1f4: {  	[sflag:s29] =	ssyncset.done $0x0  }
0x1f5: {  	[sflag:s29] =	ssyncadd.s32 $0xFFFFFF80  }
0x1f6: {  	_ =	swait.ge [sflag:s29], $0x80  }
0x1f7: {  	[sflag:s29] =	ssyncset.done $0x0  }
0x1f8: {  	[sflag:s29] =	ssyncadd.s32 $0xFFFFFF80  }
0x1f9: {  	_ =	swait.ge [sflag:s29], $0x80  }
0x1fa: {  	[sflag:s29] =	ssyncset.done $0x0  }
0x1fb: {  	[sflag:s29] =	ssyncadd.s32 $0xFFFFFF80  }
0x1fc: {  	_ =	swait.ge [sflag:s29], $0x80  }
0x1fd: {  	[sflag:s29] =	ssyncset.done $0x0  }
0x1fe: {  	[sflag:s29] =	ssyncadd.s32 $0xFFFFFF80  }
0x1ff: {  	_ =	swait.ge [sflag:s29], $0x80  }
0x200: {  	[sflag:s29] =	ssyncset.done $0x0  }
0x201: {  	[sflag:s29] =	ssyncadd.s32 $0xFFFFFF80  }
0x202: {  	_ =	swait.ge [sflag:s29], $0x80  }
0x203: {  	[sflag:s29] =	ssyncset.done $0x0  }
0x204: {  	[sflag:s29] =	ssyncadd.s32 $0xFFFFFF80  }
0x205: {  	_ =	swait.ge [sflag:s29], $0x80  }
0x206: {  	[sflag:s29] =	ssyncset.done $0x0  }
0x207: {  	[sflag:s29] =	ssyncadd.s32 $0xFFFFFF80  }
0x208: {  	_ =	swait.ge [sflag:s29], $0x80  }
0x209: {  	[sflag:s29] =	ssyncset.done $0x0  }
0x20a: {  	[sflag:s29] =	ssyncadd.s32 $0xFFFFFF80  }
0x20b: {  	_ =	swait.ge [sflag:s29], $0x80  }
0x20c: {  	[sflag:s29] =	ssyncset.done $0x0  }
0x20d: {  	[sflag:s29] =	ssyncadd.s32 $0xFFFFFF80  }
0x20e: {  	_ =	swait.ge [sflag:s29], $0x80  }
0x20f: {  	[sflag:s29] =	ssyncset.done $0x0  }
0x210: {  	[sflag:s29] =	ssyncadd.s32 $0xFFFFFF80  }
0x211: {  	_ =	swait.ge [sflag:s29], $0x80  }
0x212: {  	[sflag:s29] =	ssyncset.done $0x0  }
0x213: {  	[sflag:s29] =	ssyncadd.s32 $0xFFFFFF80  }
0x214: {  	_ =	swait.ge [sflag:s29], $0x80  }
0x215: {  	[sflag:s29] =	ssyncset.done $0x0  }
0x216: {  	[sflag:s29] =	ssyncadd.s32 $0xFFFFFF80  }
0x217: {  	_ =	swait.ge [sflag:s29], $0x80  }
0x218: {  	[sflag:s29] =	ssyncset.done $0x0  }
0x219: {  	[sflag:s29] =	ssyncadd.s32 $0xFFFFFF80  }
0x21a: {  	_ =	swait.ge [sflag:s29], $0x80  }
0x21b: {  	[sflag:s29] =	ssyncset.done $0x0  }
0x21c: {  	[sflag:s29] =	ssyncadd.s32 $0xFFFFFF80  }
0x21d: {  	_ =	swait.ge [sflag:s29], $0x80  }
0x21e: {  	[sflag:s29] =	ssyncset.done $0x0  }
0x21f: {  	[sflag:s29] =	ssyncadd.s32 $0xFFFFFF80  }
0x220: {  	_ =	swait.ge [sflag:s29], $0x80  }
0x221: {  	[sflag:s29] =	ssyncset.done $0x0  }
0x222: {  	[sflag:s29] =	ssyncadd.s32 $0xFFFFFF80  }
0x223: {  	_ =	swait.ge [sflag:s29], $0x80  }
0x224: {  	[sflag:s29] =	ssyncset.done $0x0  }
0x225: {  	[sflag:s29] =	ssyncadd.s32 $0xFFFFFF80  }
0x226: {  	_ =	swait.ge [sflag:s29], $0x80  }
0x227: {  	[sflag:s29] =	ssyncset.done $0x0  }
0x228: {  	[sflag:s29] =	ssyncadd.s32 $0xFFFFFF80  }
0x229: {  	_ =	swait.ge [sflag:s29], $0x80  }
0x22a: {  	[sflag:s29] =	ssyncset.done $0x0  }
0x22b: {  	[sflag:s29] =	ssyncadd.s32 $0xFFFFFF80  }
0x22c: {  	_ =	swait.ge [sflag:s29], $0x80  }
0x22d: {  	[sflag:s29] =	ssyncset.done $0x0  }
0x22e: {  	s17 =	simm.s32 $0x9200;
	[sflag:s29] =	ssyncadd.s32 $0xFFFFFF80  }
0x22f: {  	[spmem:s4] =	stream.indirect.scatter.add.f32 [tilespmem:s17], [sflag:$0x3], $0x1, s31, s26, $0xb8;
	[tilespmem:$0xA200] =	vst v63  }
0x230: {  	s18 =	simm.s32 $0x9A00  }
0x231: {  	[spmem:s5] =	stream.indirect.scatter.add.f32 [tilespmem:s18], [sflag:$0x3], $0x1, s31, s26, $0xb8;
	[tilespmem:$0xA200] =	vst v63  }
0x232: {  	s31 =	simm.s32 $0x7A80  }
0x233: {  	[spmem:s4] =	stream.indirect.scatter.add.f32 [tilespmem:s7], [sflag:$0x3], $0x1, s31, s26, $0xb8;
	[tilespmem:$0xA200] =	vst v63  }
0x234: {  	s0 =	simm.s32 $0x9A80  }
0x235: {  	[spmem:s5] =	stream.indirect.scatter.add.f32 [tilespmem:s0], [sflag:$0x3], $0x1, s31, s26, $0xb8;
	[tilespmem:$0xA200] =	vst v63  }
0x236: {  	s17 =	simm.s32 $0x7B00  }
0x237: {  	[spmem:s4] =	stream.indirect.scatter.add.f32 [tilespmem:s9], [sflag:$0x3], $0x1, s17, s26, $0xb8;
	[tilespmem:$0xA200] =	vst v63  }
0x238: {  	s18 =	simm.s32 $0x9B00  }
0x239: {  	[spmem:s5] =	stream.indirect.scatter.add.f32 [tilespmem:s18], [sflag:$0x3], $0x1, s17, s26, $0xb8;
	[tilespmem:$0xA200] =	vst v63  }
0x23a: {  	s31 =	simm.s32 $0x7B80  }
0x23b: {  	[spmem:s4] =	stream.indirect.scatter.add.f32 [tilespmem:s11], [sflag:$0x3], $0x1, s31, s26, $0xb8;
	[tilespmem:$0xA200] =	vst v63  }
0x23c: {  	s0 =	simm.s32 $0x9B80  }
0x23d: {  	[spmem:s5] =	stream.indirect.scatter.add.f32 [tilespmem:s0], [sflag:$0x3], $0x1, s31, s26, $0xb8;
	[tilespmem:$0xA200] =	vst v63  }
0x23e: {  	s9 =	simm.s32 $0x7C00  }
0x23f: {  	[spmem:s4] =	stream.indirect.scatter.add.f32 [tilespmem:s13], [sflag:$0x3], $0x1, s9, s26, $0xb8;
	[tilespmem:$0xA200] =	vst v63  }
0x240: {  	s11 =	simm.s32 $0x9C00  }
0x241: {  	[spmem:s5] =	stream.indirect.scatter.add.f32 [tilespmem:s11], [sflag:$0x3], $0x1, s9, s26, $0xb8;
	[tilespmem:$0xA200] =	vst v63  }
0x242: {  	s13 =	simm.s32 $0x7C80  }
0x243: {  	[spmem:s4] =	stream.indirect.scatter.add.f32 [tilespmem:s15], [sflag:$0x3], $0x1, s13, s26, $0xb8;
	[tilespmem:$0xA200] =	vst v63  }
0x244: {  	s15 =	simm.s32 $0x9C80  }
0x245: {  	[spmem:s5] =	stream.indirect.scatter.add.f32 [tilespmem:s15], [sflag:$0x3], $0x1, s13, s26, $0xb8;
	[tilespmem:$0xA200] =	vst v63  }
0x246: {  	s17 =	simm.s32 $0x7D00  }
0x247: {  	[spmem:s4] =	stream.indirect.scatter.add.f32 [tilespmem:s20], [sflag:$0x3], $0x1, s17, s26, $0xb8;
	[tilespmem:$0xA200] =	vst v63  }
0x248: {  	s18 =	simm.s32 $0x9D00  }
0x249: {  	[spmem:s5] =	stream.indirect.scatter.add.f32 [tilespmem:s18], [sflag:$0x3], $0x1, s17, s26, $0xb8;
	[tilespmem:$0xA200] =	vst v63  }
0x24a: {  	s20 =	simm.s32 $0x7D80  }
0x24b: {  	[spmem:s4] =	stream.indirect.scatter.add.f32 [tilespmem:s24], [sflag:$0x3], $0x1, s20, s26, $0xb8;
	[tilespmem:$0xA200] =	vst v63  }
0x24c: {  	s24 =	simm.s32 $0x9D80  }
0x24d: {  	[spmem:s5] =	stream.indirect.scatter.add.f32 [tilespmem:s24], [sflag:$0x3], $0x1, s20, s26, $0xb8;
	[tilespmem:$0xA200] =	vst v63  }
0x24e: {  	s31 =	simm.s32 $0x7E00  }
0x24f: {  	[spmem:s4] =	stream.indirect.scatter.add.f32 [tilespmem:s28], [sflag:$0x3], $0x1, s31, s26, $0xb8;
	[tilespmem:$0xA200] =	vst v63  }
0x250: {  	_ = 	snop  }
0x251: {  	[spmem:s5] =	stream.indirect.scatter.add.f32 [tilespmem:s30], [sflag:$0x3], $0x1, s31, s26, $0xb8;
	[tilespmem:$0xA200] =	vst v63  }
0x252: {  	s0 =	simm.s32 $0x7E80  }
0x253: {  	[spmem:s4] =	stream.indirect.scatter.add.f32 [tilespmem:s25], [sflag:$0x3], $0x1, s0, s26, $0xb8;
	[tilespmem:$0xA200] =	vst v63  }
0x254: {  	s7 =	simm.s32 $0x9E80  }
0x255: {  	[spmem:s5] =	stream.indirect.scatter.add.f32 [tilespmem:s7], [sflag:$0x3], $0x1, s0, s26, $0xb8;
	[tilespmem:$0xA200] =	vst v63  }
0x256: {  	s9 =	simm.s32 $0x7F00  }
0x257: {  	[spmem:s4] =	stream.indirect.scatter.add.f32 [tilespmem:s8], [sflag:$0x3], $0x1, s9, s26, $0xb8;
	[tilespmem:$0xA200] =	vst v63  }
0x258: {  	s11 =	simm.s32 $0x9F00  }
0x259: {  	[spmem:s5] =	stream.indirect.scatter.add.f32 [tilespmem:s11], [sflag:$0x3], $0x1, s9, s26, $0xb8;
	[tilespmem:$0xA200] =	vst v63  }
0x25a: {  	s13 =	simm.s32 $0x7F80  }
0x25b: {  	[spmem:s4] =	stream.indirect.scatter.add.f32 [tilespmem:s10], [sflag:$0x3], $0x1, s13, s26, $0xb8;
	[tilespmem:$0xA200] =	vst v63  }
0x25c: {  	s15 =	simm.s32 $0x9F80  }
0x25d: {  	[spmem:s5] =	stream.indirect.scatter.add.f32 [tilespmem:s15], [sflag:$0x3], $0x1, s13, s26, $0xb8;
	[tilespmem:$0xA200] =	vst v63  }
0x25e: {  	s17 =	simm.s32 $0x8000  }
0x25f: {  	[spmem:s4] =	stream.indirect.scatter.add.f32 [tilespmem:s12], [sflag:$0x3], $0x1, s17, s26, $0xb8;
	[tilespmem:$0xA200] =	vst v63  }
0x260: {  	s18 =	simm.s32 $0xA000  }
0x261: {  	[spmem:s5] =	stream.indirect.scatter.add.f32 [tilespmem:s18], [sflag:$0x3], $0x1, s17, s26, $0xb8;
	[tilespmem:$0xA200] =	vst v63  }
0x262: {  	s20 =	simm.s32 $0x8080  }
0x263: {  	[spmem:s4] =	stream.indirect.scatter.add.f32 [tilespmem:s14], [sflag:$0x3], $0x1, s20, s26, $0xb8;
	[tilespmem:$0xA200] =	vst v63  }
0x264: {  	s24 =	simm.s32 $0xA080  }
0x265: {  	[spmem:s5] =	stream.indirect.scatter.add.f32 [tilespmem:s24], [sflag:$0x3], $0x1, s20, s26, $0xb8;
	[tilespmem:$0xA200] =	vst v63  }
0x266: {  	s25 =	simm.s32 $0x8100  }
0x267: {  	[spmem:s4] =	stream.indirect.scatter.add.f32 [tilespmem:s16], [sflag:$0x3], $0x1, s25, s26, $0xb8;
	[tilespmem:$0xA200] =	vst v63  }
0x268: {  	s28 =	simm.s32 $0xA100  }
0x269: {  	[spmem:s5] =	stream.indirect.scatter.add.f32 [tilespmem:s28], [sflag:$0x3], $0x1, s25, s26, $0xb8;
	[tilespmem:$0xA200] =	vst v63  }
0x26a: {  	s30 =	simm.s32 $0x8180  }
0x26b: {  	[spmem:s4] =	stream.indirect.scatter.add.f32 [tilespmem:s22], [sflag:$0x3], $0x1, s30, s26, $0xb8;
	[tilespmem:$0xA200] =	vst v63  }
0x26c: {  	s31 =	simm.s32 $0xA180  }
0x26d: {  	[spmem:s5] =	stream.indirect.scatter.add.f32 [tilespmem:s31], [sflag:$0x3], $0x1, s30, s26, $0xb8;
	[tilespmem:$0xA200] =	vst v63  }
0x26e: {  	_ =	swait.ge [sflag:s6], $0x80  }
0x26f: {  	[sflag:s6] =	ssyncset.done $0x0  }
0x270: {  	[sflag:s6] =	ssyncadd.s32 $0xFFFFFF80  }
0x271: {  	_ =	swait.ge [sflag:s6], $0x80  }
0x272: {  	[sflag:s6] =	ssyncset.done $0x0  }
0x273: {  	[sflag:s6] =	ssyncadd.s32 $0xFFFFFF80  }
0x274: {  	_ =	swait.ge [sflag:s6], $0x80  }
0x275: {  	[sflag:s6] =	ssyncset.done $0x0  }
0x276: {  	[sflag:s6] =	ssyncadd.s32 $0xFFFFFF80  }
0x277: {  	_ =	swait.ge [sflag:s6], $0x80  }
0x278: {  	[sflag:s6] =	ssyncset.done $0x0  }
0x279: {  	[sflag:s6] =	ssyncadd.s32 $0xFFFFFF80  }
0x27a: {  	_ =	swait.ge [sflag:s6], $0x80  }
0x27b: {  	[sflag:s6] =	ssyncset.done $0x0  }
0x27c: {  	[sflag:s6] =	ssyncadd.s32 $0xFFFFFF80  }
0x27d: {  	_ =	swait.ge [sflag:s6], $0x80  }
0x27e: {  	[sflag:s6] =	ssyncset.done $0x0  }
0x27f: {  	[sflag:s6] =	ssyncadd.s32 $0xFFFFFF80  }
0x280: {  	_ =	swait.ge [sflag:s6], $0x80  }
0x281: {  	[sflag:s6] =	ssyncset.done $0x0  }
0x282: {  	[sflag:s6] =	ssyncadd.s32 $0xFFFFFF80  }
0x283: {  	_ =	swait.ge [sflag:s6], $0x80  }
0x284: {  	[sflag:s6] =	ssyncset.done $0x0  }
0x285: {  	[sflag:s6] =	ssyncadd.s32 $0xFFFFFF80  }
0x286: {  	_ =	swait.ge [sflag:s6], $0x80  }
0x287: {  	[sflag:s6] =	ssyncset.done $0x0  }
0x288: {  	[sflag:s6] =	ssyncadd.s32 $0xFFFFFF80  }
0x289: {  	_ =	swait.ge [sflag:s6], $0x80  }
0x28a: {  	[sflag:s6] =	ssyncset.done $0x0  }
0x28b: {  	[sflag:s6] =	ssyncadd.s32 $0xFFFFFF80  }
0x28c: {  	_ =	swait.ge [sflag:s6], $0x80  }
0x28d: {  	[sflag:s6] =	ssyncset.done $0x0  }
0x28e: {  	[sflag:s6] =	ssyncadd.s32 $0xFFFFFF80  }
0x28f: {  	_ =	swait.ge [sflag:s6], $0x80  }
0x290: {  	[sflag:s6] =	ssyncset.done $0x0  }
0x291: {  	[sflag:s6] =	ssyncadd.s32 $0xFFFFFF80  }
0x292: {  	_ =	swait.ge [sflag:s6], $0x80  }
0x293: {  	[sflag:s6] =	ssyncset.done $0x0  }
0x294: {  	[sflag:s6] =	ssyncadd.s32 $0xFFFFFF80  }
0x295: {  	_ =	swait.ge [sflag:s6], $0x80  }
0x296: {  	[sflag:s6] =	ssyncset.done $0x0  }
0x297: {  	[sflag:s6] =	ssyncadd.s32 $0xFFFFFF80  }
0x298: {  	_ =	swait.ge [sflag:s6], $0x80  }
0x299: {  	[sflag:s6] =	ssyncset.done $0x0  }
0x29a: {  	[sflag:s6] =	ssyncadd.s32 $0xFFFFFF80  }
0x29b: {  	_ =	swait.ge [sflag:s6], $0x80  }
0x29c: {  	[sflag:s6] =	ssyncset.done $0x0  }
0x29d: {  	[sflag:s6] =	ssyncadd.s32 $0xFFFFFF80  }
0x29e: {  	_ =	swait.ge [sflag:s6], $0x80  }
0x29f: {  	[sflag:s6] =	ssyncset.done $0x0  }
0x2a0: {  	[sflag:s6] =	ssyncadd.s32 $0xFFFFFF80  }
0x2a1: {  	_ =	swait.ge [sflag:s6], $0x80  }
0x2a2: {  	[sflag:s6] =	ssyncset.done $0x0  }
0x2a3: {  	[sflag:s6] =	ssyncadd.s32 $0xFFFFFF80  }
0x2a4: {  	_ =	swait.ge [sflag:s6], $0x80  }
0x2a5: {  	[sflag:s6] =	ssyncset.done $0x0  }
0x2a6: {  	[sflag:s6] =	ssyncadd.s32 $0xFFFFFF80  }
0x2a7: {  	_ =	swait.ge [sflag:s6], $0x80  }
0x2a8: {  	[sflag:s6] =	ssyncset.done $0x0  }
0x2a9: {  	[sflag:s6] =	ssyncadd.s32 $0xFFFFFF80  }
0x2aa: {  	_ =	swait.ge [sflag:s6], $0x80  }
0x2ab: {  	[sflag:s6] =	ssyncset.done $0x0  }
0x2ac: {  	[sflag:s6] =	ssyncadd.s32 $0xFFFFFF80  }
0x2ad: {  	_ =	swait.ge [sflag:s6], $0x80  }
0x2ae: {  	[sflag:s6] =	ssyncset.done $0x0  }
0x2af: {  	[sflag:s6] =	ssyncadd.s32 $0xFFFFFF80  }
0x2b0: {  	_ =	swait.ge [sflag:s6], $0x80  }
0x2b1: {  	[sflag:s6] =	ssyncset.done $0x0  }
0x2b2: {  	[sflag:s6] =	ssyncadd.s32 $0xFFFFFF80  }
0x2b3: {  	_ =	swait.ge [sflag:s6], $0x80  }
0x2b4: {  	[sflag:s6] =	ssyncset.done $0x0  }
0x2b5: {  	[sflag:s6] =	ssyncadd.s32 $0xFFFFFF80  }
0x2b6: {  	_ =	swait.ge [sflag:s6], $0x80  }
0x2b7: {  	[sflag:s6] =	ssyncset.done $0x0  }
0x2b8: {  	[sflag:s6] =	ssyncadd.s32 $0xFFFFFF80  }
0x2b9: {  	_ =	swait.ge [sflag:s6], $0x80  }
0x2ba: {  	[sflag:s6] =	ssyncset.done $0x0  }
0x2bb: {  	[sflag:s6] =	ssyncadd.s32 $0xFFFFFF80  }
0x2bc: {  	_ =	swait.ge [sflag:s6], $0x80  }
0x2bd: {  	[sflag:s6] =	ssyncset.done $0x0  }
0x2be: {  	[sflag:s6] =	ssyncadd.s32 $0xFFFFFF80  }
0x2bf: {  	_ =	swait.ge [sflag:s6], $0x80  }
0x2c0: {  	[sflag:s6] =	ssyncset.done $0x0  }
0x2c1: {  	[sflag:s6] =	ssyncadd.s32 $0xFFFFFF80  }
0x2c2: {  	_ =	swait.ge [sflag:s6], $0x80  }
0x2c3: {  	[sflag:s6] =	ssyncset.done $0x0  }
0x2c4: {  	[sflag:s6] =	ssyncadd.s32 $0xFFFFFF80  }
0x2c5: {  	_ =	swait.ge [sflag:s6], $0x80  }
0x2c6: {  	[sflag:s6] =	ssyncset.done $0x0  }
0x2c7: {  	[sflag:s6] =	ssyncadd.s32 $0xFFFFFF80  }
0x2c8: {  	_ =	swait.ge [sflag:s6], $0x80  }
0x2c9: {  	[sflag:s6] =	ssyncset.done $0x0  }
0x2ca: {  	[sflag:s6] =	ssyncadd.s32 $0xFFFFFF80  }
0x2cb: {  	s17 =	simm.s32 $0x200;
	_ =	swait.ge [sflag:s6], $0x80  }
.LBB2_2:
0x2cc: {  	[sflag:s6] =	ssyncset.done $0x0  }
0x2cd: {  	[sflag:s6] =	ssyncadd.s32 $0xFFFFFF80  }
0x2ce: {  	_ =	swait.ge [sflag:s23], $0x800  }
0x2cf: {  	[sflag:s23] =	ssyncset.done $0x0  }
0x2d0: {  	[sflag:s23] =	ssyncadd.s32 $0xFFFFF800  }
0x2d1: {  	s18 =	smov.u32 s17;
	_ =	swait.ge [sflag:s23], $0x800  }
0x2d2: {  	s0 =	simm.s32 $0x7200;
	s20 =	rddreg [dreg:$0xa];
	[sflag:s23] =	ssyncset.done $0x0  }
0x2d3: {  	s11 =	rddreg [dreg:$0x9];
	[sflag:s23] =	ssyncadd.s32 $0xFFFFF800;
	s20 =	sadd.s32 s18, s20  }
0x2d4: {  	[tilespmem:s0], [sflag:$0x1] =	stream.linear.gather [hbm4b:s20+s19], $0x800, $0x38;
	[tilespmem:$0xA200] =	vst v63  }
0x2d5: {  	s16 =	simm.s32 $0x7A00;
	s11 =	sadd.s32 s18, s11  }
0x2d6: {  	[tilespmem:s16], [sflag:$0x1] =	stream.linear.gather [hbm4b:s11+s19], $0x800, $0x38;
	[tilespmem:$0xA200] =	vst v63  }
0x2d7: {  	s20 =	simm.s32 $0x8200  }
0x2d8: {  	[tilespmem:s20], [sflag:$0x2] =	stream.indirect.gather [spmem:s1], $0x1, s21, s26, $0xb8;
	[tilespmem:$0xA200] =	vst v63  }
0x2d9: {  	s22 =	simm.s32 $0x8A00  }
0x2da: {  	[tilespmem:s22], [sflag:$0x2] =	stream.indirect.gather [spmem:s3], $0x1, s21, s26, $0xb8;
	[tilespmem:$0xA200] =	vst v63  }
0x2db: {  	s2 =	simm.s32 $0x8280;
	s23 =	simm.s32 $0x6280  }
0x2dc: {  	[tilespmem:s2], [sflag:$0x2] =	stream.indirect.gather [spmem:s1], $0x1, s23, s26, $0xb8;
	[tilespmem:$0xA200] =	vst v63  }
0x2dd: {  	s24 =	simm.s32 $0x8A80  }
0x2de: {  	[tilespmem:s24], [sflag:$0x2] =	stream.indirect.gather [spmem:s3], $0x1, s23, s26, $0xb8;
	[tilespmem:$0xA200] =	vst v63  }
0x2df: {  	s25 =	simm.s32 $0x6300;
	s28 =	simm.s32 $0x8300  }
0x2e0: {  	[tilespmem:s28], [sflag:$0x2] =	stream.indirect.gather [spmem:s1], $0x1, s25, s26, $0xb8;
	[tilespmem:$0xA200] =	vst v63  }
0x2e1: {  	s30 =	simm.s32 $0x8B00  }
0x2e2: {  	[tilespmem:s30], [sflag:$0x2] =	stream.indirect.gather [spmem:s3], $0x1, s25, s26, $0xb8;
	[tilespmem:$0xA200] =	vst v63  }
0x2e3: {  	s31 =	simm.s32 $0x6380;
	s7 =	simm.s32 $0x8380  }
0x2e4: {  	[tilespmem:s7], [sflag:$0x2] =	stream.indirect.gather [spmem:s1], $0x1, s31, s26, $0xb8;
	[tilespmem:$0xA200] =	vst v63  }
0x2e5: {  	s8 =	simm.s32 $0x8B80  }
0x2e6: {  	[tilespmem:s8], [sflag:$0x2] =	stream.indirect.gather [spmem:s3], $0x1, s31, s26, $0xb8;
	[tilespmem:$0xA200] =	vst v63  }
0x2e7: {  	s9 =	simm.s32 $0x6400;
	s10 =	simm.s32 $0x8400  }
0x2e8: {  	[tilespmem:s10], [sflag:$0x2] =	stream.indirect.gather [spmem:s1], $0x1, s9, s26, $0xb8;
	[tilespmem:$0xA200] =	vst v63  }
0x2e9: {  	s11 =	simm.s32 $0x8C00  }
0x2ea: {  	[tilespmem:s11], [sflag:$0x2] =	stream.indirect.gather [spmem:s3], $0x1, s9, s26, $0xb8;
	[tilespmem:$0xA200] =	vst v63  }
0x2eb: {  	s12 =	simm.s32 $0x6480;
	s19 =	simm.s32 $0x8480  }
0x2ec: {  	[tilespmem:s19], [sflag:$0x2] =	stream.indirect.gather [spmem:s1], $0x1, s12, s26, $0xb8;
	[tilespmem:$0xA200] =	vst v63  }
0x2ed: {  	s20 =	simm.s32 $0x8C80  }
0x2ee: {  	[tilespmem:s20], [sflag:$0x2] =	stream.indirect.gather [spmem:s3], $0x1, s12, s26, $0xb8;
	[tilespmem:$0xA200] =	vst v63  }
0x2ef: {  	s13 =	simm.s32 $0x6500;
	s21 =	simm.s32 $0x8500  }
0x2f0: {  	[tilespmem:s21], [sflag:$0x2] =	stream.indirect.gather [spmem:s1], $0x1, s13, s26, $0xb8;
	[tilespmem:$0xA200] =	vst v63  }
0x2f1: {  	s31 =	simm.s32 $0x8D00  }
0x2f2: {  	[tilespmem:s31], [sflag:$0x2] =	stream.indirect.gather [spmem:s3], $0x1, s13, s26, $0xb8;
	[tilespmem:$0xA200] =	vst v63  }
0x2f3: {  	s14 =	simm.s32 $0x6580;
	s2 =	simm.s32 $0x8580  }
0x2f4: {  	[tilespmem:s2], [sflag:$0x2] =	stream.indirect.gather [spmem:s1], $0x1, s14, s26, $0xb8;
	[tilespmem:$0xA200] =	vst v63  }
0x2f5: {  	s22 =	simm.s32 $0x8D80  }
0x2f6: {  	[tilespmem:s22], [sflag:$0x2] =	stream.indirect.gather [spmem:s3], $0x1, s14, s26, $0xb8;
	[tilespmem:$0xA200] =	vst v63  }
0x2f7: {  	s15 =	simm.s32 $0x6600;
	s30 =	simm.s32 $0x8600  }
0x2f8: {  	[tilespmem:s30], [sflag:$0x2] =	stream.indirect.gather [spmem:s1], $0x1, s15, s26, $0xb8;
	[tilespmem:$0xA200] =	vst v63  }
0x2f9: {  	s16 =	simm.s32 $0x8E00  }
0x2fa: {  	[tilespmem:s16], [sflag:$0x2] =	stream.indirect.gather [spmem:s3], $0x1, s15, s26, $0xb8;
	[tilespmem:$0xA200] =	vst v63  }
0x2fb: {  	s23 =	simm.s32 $0x6680;
	s7 =	simm.s32 $0x8680  }
0x2fc: {  	[tilespmem:s7], [sflag:$0x2] =	stream.indirect.gather [spmem:s1], $0x1, s23, s26, $0xb8;
	[tilespmem:$0xA200] =	vst v63  }
0x2fd: {  	s9 =	simm.s32 $0x8E80  }
0x2fe: {  	[tilespmem:s9], [sflag:$0x2] =	stream.indirect.gather [spmem:s3], $0x1, s23, s26, $0xb8;
	[tilespmem:$0xA200] =	vst v63  }
0x2ff: {  	s24 =	simm.s32 $0x6700;
	s10 =	simm.s32 $0x8700  }
0x300: {  	[tilespmem:s10], [sflag:$0x2] =	stream.indirect.gather [spmem:s1], $0x1, s24, s26, $0xb8;
	[tilespmem:$0xA200] =	vst v63  }
0x301: {  	s12 =	simm.s32 $0x8F00  }
0x302: {  	[tilespmem:s12], [sflag:$0x2] =	stream.indirect.gather [spmem:s3], $0x1, s24, s26, $0xb8;
	[tilespmem:$0xA200] =	vst v63  }
0x303: {  	s25 =	simm.s32 $0x6780;
	s13 =	simm.s32 $0x8780  }
0x304: {  	[tilespmem:s13], [sflag:$0x2] =	stream.indirect.gather [spmem:s1], $0x1, s25, s26, $0xb8;
	[tilespmem:$0xA200] =	vst v63  }
0x305: {  	s14 =	simm.s32 $0x8F80  }
0x306: {  	[tilespmem:s14], [sflag:$0x2] =	stream.indirect.gather [spmem:s3], $0x1, s25, s26, $0xb8;
	[tilespmem:$0xA200] =	vst v63  }
0x307: {  	s28 =	simm.s32 $0x6800;
	s15 =	simm.s32 $0x8800  }
0x308: {  	[tilespmem:s15], [sflag:$0x2] =	stream.indirect.gather [spmem:s1], $0x1, s28, s26, $0xb8;
	[tilespmem:$0xA200] =	vst v63  }
0x309: {  	s16 =	simm.s32 $0x9000  }
0x30a: {  	[tilespmem:s16], [sflag:$0x2] =	stream.indirect.gather [spmem:s3], $0x1, s28, s26, $0xb8;
	[tilespmem:$0xA200] =	vst v63  }
0x30b: {  	s0 =	simm.s32 $0x6880;
	s24 =	simm.s32 $0x8880  }
0x30c: {  	[tilespmem:s24], [sflag:$0x2] =	stream.indirect.gather [spmem:s1], $0x1, s0, s26, $0xb8;
	[tilespmem:$0xA200] =	vst v63  }
0x30d: {  	s25 =	simm.s32 $0x9080  }
0x30e: {  	[tilespmem:s25], [sflag:$0x2] =	stream.indirect.gather [spmem:s3], $0x1, s0, s26, $0xb8;
	[tilespmem:$0xA200] =	vst v63  }
0x30f: {  	s8 =	simm.s32 $0x6900;
	s28 =	simm.s32 $0x8900  }
0x310: {  	[tilespmem:s28], [sflag:$0x2] =	stream.indirect.gather [spmem:s1], $0x1, s8, s26, $0xb8;
	[tilespmem:$0xA200] =	vst v63  }
0x311: {  	s23 =	simm.s32 $0x9100  }
0x312: {  	[tilespmem:s23], [sflag:$0x2] =	stream.indirect.gather [spmem:s3], $0x1, s8, s26, $0xb8;
	[tilespmem:$0xA200] =	vst v63  }
0x313: {  	s11 =	simm.s32 $0x6980;
	s8 =	simm.s32 $0x8980  }
0x314: {  	[tilespmem:s8], [sflag:$0x2] =	stream.indirect.gather [spmem:s1], $0x1, s11, s26, $0xb8;
	[tilespmem:$0xA200] =	vst v63  }
0x315: {  	s0 =	simm.s32 $0x9180  }
0x316: {  	[tilespmem:s0], [sflag:$0x2] =	stream.indirect.gather [spmem:s3], $0x1, s11, s26, $0xb8;
	[tilespmem:$0xA200] =	vst v63  }
0x317: {  	_ =	swait.ge [sflag:s29], $0x80  }
0x318: {  	[sflag:s29] =	ssyncset.done $0x0  }
0x319: {  	[sflag:s29] =	ssyncadd.s32 $0xFFFFFF80  }
0x31a: {  	_ =	swait.ge [sflag:s29], $0x80  }
0x31b: {  	[sflag:s29] =	ssyncset.done $0x0  }
0x31c: {  	[sflag:s29] =	ssyncadd.s32 $0xFFFFFF80  }
0x31d: {  	_ =	swait.ge [sflag:s29], $0x80  }
0x31e: {  	[sflag:s29] =	ssyncset.done $0x0  }
0x31f: {  	[sflag:s29] =	ssyncadd.s32 $0xFFFFFF80  }
0x320: {  	_ =	swait.ge [sflag:s29], $0x80  }
0x321: {  	[sflag:s29] =	ssyncset.done $0x0  }
0x322: {  	[sflag:s29] =	ssyncadd.s32 $0xFFFFFF80  }
0x323: {  	_ =	swait.ge [sflag:s29], $0x80  }
0x324: {  	[sflag:s29] =	ssyncset.done $0x0  }
0x325: {  	[sflag:s29] =	ssyncadd.s32 $0xFFFFFF80  }
0x326: {  	_ =	swait.ge [sflag:s29], $0x80  }
0x327: {  	[sflag:s29] =	ssyncset.done $0x0  }
0x328: {  	[sflag:s29] =	ssyncadd.s32 $0xFFFFFF80  }
0x329: {  	_ =	swait.ge [sflag:s29], $0x80  }
0x32a: {  	[sflag:s29] =	ssyncset.done $0x0  }
0x32b: {  	[sflag:s29] =	ssyncadd.s32 $0xFFFFFF80  }
0x32c: {  	_ =	swait.ge [sflag:s29], $0x80  }
0x32d: {  	[sflag:s29] =	ssyncset.done $0x0  }
0x32e: {  	[sflag:s29] =	ssyncadd.s32 $0xFFFFFF80  }
0x32f: {  	_ =	swait.ge [sflag:s29], $0x80  }
0x330: {  	[sflag:s29] =	ssyncset.done $0x0  }
0x331: {  	[sflag:s29] =	ssyncadd.s32 $0xFFFFFF80  }
0x332: {  	_ =	swait.ge [sflag:s29], $0x80  }
0x333: {  	[sflag:s29] =	ssyncset.done $0x0  }
0x334: {  	[sflag:s29] =	ssyncadd.s32 $0xFFFFFF80  }
0x335: {  	_ =	swait.ge [sflag:s29], $0x80  }
0x336: {  	[sflag:s29] =	ssyncset.done $0x0  }
0x337: {  	[sflag:s29] =	ssyncadd.s32 $0xFFFFFF80  }
0x338: {  	_ =	swait.ge [sflag:s29], $0x80  }
0x339: {  	[sflag:s29] =	ssyncset.done $0x0  }
0x33a: {  	[sflag:s29] =	ssyncadd.s32 $0xFFFFFF80  }
0x33b: {  	_ =	swait.ge [sflag:s29], $0x80  }
0x33c: {  	[sflag:s29] =	ssyncset.done $0x0  }
0x33d: {  	[sflag:s29] =	ssyncadd.s32 $0xFFFFFF80  }
0x33e: {  	_ =	swait.ge [sflag:s29], $0x80  }
0x33f: {  	[sflag:s29] =	ssyncset.done $0x0  }
0x340: {  	[sflag:s29] =	ssyncadd.s32 $0xFFFFFF80  }
0x341: {  	_ =	swait.ge [sflag:s29], $0x80  }
0x342: {  	[sflag:s29] =	ssyncset.done $0x0  }
0x343: {  	[sflag:s29] =	ssyncadd.s32 $0xFFFFFF80  }
0x344: {  	_ =	swait.ge [sflag:s29], $0x80  }
0x345: {  	[sflag:s29] =	ssyncset.done $0x0  }
0x346: {  	[sflag:s29] =	ssyncadd.s32 $0xFFFFFF80  }
0x347: {  	_ =	swait.ge [sflag:s29], $0x80  }
0x348: {  	[sflag:s29] =	ssyncset.done $0x0  }
0x349: {  	[sflag:s29] =	ssyncadd.s32 $0xFFFFFF80  }
0x34a: {  	_ =	swait.ge [sflag:s29], $0x80  }
0x34b: {  	[sflag:s29] =	ssyncset.done $0x0  }
0x34c: {  	[sflag:s29] =	ssyncadd.s32 $0xFFFFFF80  }
0x34d: {  	_ =	swait.ge [sflag:s29], $0x80  }
0x34e: {  	[sflag:s29] =	ssyncset.done $0x0  }
0x34f: {  	[sflag:s29] =	ssyncadd.s32 $0xFFFFFF80  }
0x350: {  	_ =	swait.ge [sflag:s29], $0x80  }
0x351: {  	[sflag:s29] =	ssyncset.done $0x0  }
0x352: {  	[sflag:s29] =	ssyncadd.s32 $0xFFFFFF80  }
0x353: {  	_ =	swait.ge [sflag:s29], $0x80  }
0x354: {  	[sflag:s29] =	ssyncset.done $0x0  }
0x355: {  	[sflag:s29] =	ssyncadd.s32 $0xFFFFFF80  }
0x356: {  	_ =	swait.ge [sflag:s29], $0x80  }
0x357: {  	[sflag:s29] =	ssyncset.done $0x0  }
0x358: {  	[sflag:s29] =	ssyncadd.s32 $0xFFFFFF80  }
0x359: {  	_ =	swait.ge [sflag:s29], $0x80  }
0x35a: {  	[sflag:s29] =	ssyncset.done $0x0  }
0x35b: {  	[sflag:s29] =	ssyncadd.s32 $0xFFFFFF80  }
0x35c: {  	_ =	swait.ge [sflag:s29], $0x80  }
0x35d: {  	[sflag:s29] =	ssyncset.done $0x0  }
0x35e: {  	[sflag:s29] =	ssyncadd.s32 $0xFFFFFF80  }
0x35f: {  	_ =	swait.ge [sflag:s29], $0x80  }
0x360: {  	[sflag:s29] =	ssyncset.done $0x0  }
0x361: {  	[sflag:s29] =	ssyncadd.s32 $0xFFFFFF80  }
0x362: {  	_ =	swait.ge [sflag:s29], $0x80  }
0x363: {  	[sflag:s29] =	ssyncset.done $0x0  }
0x364: {  	[sflag:s29] =	ssyncadd.s32 $0xFFFFFF80  }
0x365: {  	_ =	swait.ge [sflag:s29], $0x80  }
0x366: {  	[sflag:s29] =	ssyncset.done $0x0  }
0x367: {  	[sflag:s29] =	ssyncadd.s32 $0xFFFFFF80  }
0x368: {  	_ =	swait.ge [sflag:s29], $0x80  }
0x369: {  	[sflag:s29] =	ssyncset.done $0x0  }
0x36a: {  	[sflag:s29] =	ssyncadd.s32 $0xFFFFFF80  }
0x36b: {  	_ =	swait.ge [sflag:s29], $0x80  }
0x36c: {  	[sflag:s29] =	ssyncset.done $0x0  }
0x36d: {  	[sflag:s29] =	ssyncadd.s32 $0xFFFFFF80  }
0x36e: {  	_ =	swait.ge [sflag:s29], $0x80  }
0x36f: {  	[sflag:s29] =	ssyncset.done $0x0  }
0x370: {  	[sflag:s29] =	ssyncadd.s32 $0xFFFFFF80  }
0x371: {  	_ =	swait.ge [sflag:s29], $0x80  }
0x372: {  	[sflag:s29] =	ssyncset.done $0x0  }
0x373: {  	[sflag:s29] =	ssyncadd.s32 $0xFFFFFF80  }
0x374: {  	_ =	swait.ge [sflag:s29], $0x80  }
0x375: {  	[sflag:s29] =	ssyncset.done $0x0  }
0x376: {  	s11 =	simm.s32 $0x6A00;
	s0 =	simm.s32 $0x8200;
	[sflag:s29] =	ssyncadd.s32 $0xFFFFFF80  }
0x377: {  	[spmem:s4] =	stream.indirect.scatter.add.f32 [tilespmem:s0], [sflag:$0x3], $0x1, s11, s26, $0xb8;
	[tilespmem:$0xA200] =	vst v63  }
0x378: {  	s0 =	simm.s32 $0x8A00  }
0x379: {  	[spmem:s5] =	stream.indirect.scatter.add.f32 [tilespmem:s0], [sflag:$0x3], $0x1, s11, s26, $0xb8;
	[tilespmem:$0xA200] =	vst v63  }
0x37a: {  	s11 =	simm.s32 $0x6A80;
	s0 =	simm.s32 $0x8280  }
0x37b: {  	[spmem:s4] =	stream.indirect.scatter.add.f32 [tilespmem:s0], [sflag:$0x3], $0x1, s11, s26, $0xb8;
	[tilespmem:$0xA200] =	vst v63  }
0x37c: {  	s0 =	simm.s32 $0x8A80  }
0x37d: {  	[spmem:s5] =	stream.indirect.scatter.add.f32 [tilespmem:s0], [sflag:$0x3], $0x1, s11, s26, $0xb8;
	[tilespmem:$0xA200] =	vst v63  }
0x37e: {  	s11 =	simm.s32 $0x6B00;
	s0 =	simm.s32 $0x8300  }
0x37f: {  	[spmem:s4] =	stream.indirect.scatter.add.f32 [tilespmem:s0], [sflag:$0x3], $0x1, s11, s26, $0xb8;
	[tilespmem:$0xA200] =	vst v63  }
0x380: {  	s0 =	simm.s32 $0x8B00  }
0x381: {  	[spmem:s5] =	stream.indirect.scatter.add.f32 [tilespmem:s0], [sflag:$0x3], $0x1, s11, s26, $0xb8;
	[tilespmem:$0xA200] =	vst v63  }
0x382: {  	s11 =	simm.s32 $0x6B80;
	s0 =	simm.s32 $0x8380  }
0x383: {  	[spmem:s4] =	stream.indirect.scatter.add.f32 [tilespmem:s0], [sflag:$0x3], $0x1, s11, s26, $0xb8;
	[tilespmem:$0xA200] =	vst v63  }
0x384: {  	s0 =	simm.s32 $0x8B80  }
0x385: {  	[spmem:s5] =	stream.indirect.scatter.add.f32 [tilespmem:s0], [sflag:$0x3], $0x1, s11, s26, $0xb8;
	[tilespmem:$0xA200] =	vst v63  }
0x386: {  	s11 =	simm.s32 $0x6C00;
	s0 =	simm.s32 $0x8400  }
0x387: {  	[spmem:s4] =	stream.indirect.scatter.add.f32 [tilespmem:s0], [sflag:$0x3], $0x1, s11, s26, $0xb8;
	[tilespmem:$0xA200] =	vst v63  }
0x388: {  	s0 =	simm.s32 $0x8C00  }
0x389: {  	[spmem:s5] =	stream.indirect.scatter.add.f32 [tilespmem:s0], [sflag:$0x3], $0x1, s11, s26, $0xb8;
	[tilespmem:$0xA200] =	vst v63  }
0x38a: {  	s0 =	simm.s32 $0x6C80  }
0x38b: {  	[spmem:s4] =	stream.indirect.scatter.add.f32 [tilespmem:s19], [sflag:$0x3], $0x1, s0, s26, $0xb8;
	[tilespmem:$0xA200] =	vst v63  }
0x38c: {  	_ = 	snop  }
0x38d: {  	[spmem:s5] =	stream.indirect.scatter.add.f32 [tilespmem:s20], [sflag:$0x3], $0x1, s0, s26, $0xb8;
	[tilespmem:$0xA200] =	vst v63  }
0x38e: {  	s20 =	simm.s32 $0x6D00  }
0x38f: {  	[spmem:s4] =	stream.indirect.scatter.add.f32 [tilespmem:s21], [sflag:$0x3], $0x1, s20, s26, $0xb8;
	[tilespmem:$0xA200] =	vst v63  }
0x390: {  	_ = 	snop  }
0x391: {  	[spmem:s5] =	stream.indirect.scatter.add.f32 [tilespmem:s31], [sflag:$0x3], $0x1, s20, s26, $0xb8;
	[tilespmem:$0xA200] =	vst v63  }
0x392: {  	s21 =	simm.s32 $0x6D80  }
0x393: {  	[spmem:s4] =	stream.indirect.scatter.add.f32 [tilespmem:s2], [sflag:$0x3], $0x1, s21, s26, $0xb8;
	[tilespmem:$0xA200] =	vst v63  }
0x394: {  	_ = 	snop  }
0x395: {  	[spmem:s5] =	stream.indirect.scatter.add.f32 [tilespmem:s22], [sflag:$0x3], $0x1, s21, s26, $0xb8;
	[tilespmem:$0xA200] =	vst v63  }
0x396: {  	s22 =	simm.s32 $0x6E00  }
0x397: {  	[spmem:s4] =	stream.indirect.scatter.add.f32 [tilespmem:s30], [sflag:$0x3], $0x1, s22, s26, $0xb8;
	[tilespmem:$0xA200] =	vst v63  }
0x398: {  	s31 =	simm.s32 $0x8E00  }
0x399: {  	[spmem:s5] =	stream.indirect.scatter.add.f32 [tilespmem:s31], [sflag:$0x3], $0x1, s22, s26, $0xb8;
	[tilespmem:$0xA200] =	vst v63  }
0x39a: {  	s2 =	simm.s32 $0x6E80  }
0x39b: {  	[spmem:s4] =	stream.indirect.scatter.add.f32 [tilespmem:s7], [sflag:$0x3], $0x1, s2, s26, $0xb8;
	[tilespmem:$0xA200] =	vst v63  }
0x39c: {  	_ = 	snop  }
0x39d: {  	[spmem:s5] =	stream.indirect.scatter.add.f32 [tilespmem:s9], [sflag:$0x3], $0x1, s2, s26, $0xb8;
	[tilespmem:$0xA200] =	vst v63  }
0x39e: {  	s11 =	simm.s32 $0x6F00  }
0x39f: {  	[spmem:s4] =	stream.indirect.scatter.add.f32 [tilespmem:s10], [sflag:$0x3], $0x1, s11, s26, $0xb8;
	[tilespmem:$0xA200] =	vst v63  }
0x3a0: {  	_ = 	snop  }
0x3a1: {  	[spmem:s5] =	stream.indirect.scatter.add.f32 [tilespmem:s12], [sflag:$0x3], $0x1, s11, s26, $0xb8;
	[tilespmem:$0xA200] =	vst v63  }
0x3a2: {  	s12 =	simm.s32 $0x6F80  }
0x3a3: {  	[spmem:s4] =	stream.indirect.scatter.add.f32 [tilespmem:s13], [sflag:$0x3], $0x1, s12, s26, $0xb8;
	[tilespmem:$0xA200] =	vst v63  }
0x3a4: {  	_ = 	snop  }
0x3a5: {  	[spmem:s5] =	stream.indirect.scatter.add.f32 [tilespmem:s14], [sflag:$0x3], $0x1, s12, s26, $0xb8;
	[tilespmem:$0xA200] =	vst v63  }
0x3a6: {  	s14 =	simm.s32 $0x7000  }
0x3a7: {  	[spmem:s4] =	stream.indirect.scatter.add.f32 [tilespmem:s15], [sflag:$0x3], $0x1, s14, s26, $0xb8;
	[tilespmem:$0xA200] =	vst v63  }
0x3a8: {  	_ = 	snop  }
0x3a9: {  	[spmem:s5] =	stream.indirect.scatter.add.f32 [tilespmem:s16], [sflag:$0x3], $0x1, s14, s26, $0xb8;
	[tilespmem:$0xA200] =	vst v63  }
0x3aa: {  	s15 =	simm.s32 $0x7080  }
0x3ab: {  	[spmem:s4] =	stream.indirect.scatter.add.f32 [tilespmem:s24], [sflag:$0x3], $0x1, s15, s26, $0xb8;
	[tilespmem:$0xA200] =	vst v63  }
0x3ac: {  	_ = 	snop  }
0x3ad: {  	[spmem:s5] =	stream.indirect.scatter.add.f32 [tilespmem:s25], [sflag:$0x3], $0x1, s15, s26, $0xb8;
	[tilespmem:$0xA200] =	vst v63  }
0x3ae: {  	s16 =	simm.s32 $0x7100  }
0x3af: {  	[spmem:s4] =	stream.indirect.scatter.add.f32 [tilespmem:s28], [sflag:$0x3], $0x1, s16, s26, $0xb8;
	[tilespmem:$0xA200] =	vst v63  }
0x3b0: {  	_ = 	snop  }
0x3b1: {  	[spmem:s5] =	stream.indirect.scatter.add.f32 [tilespmem:s23], [sflag:$0x3], $0x1, s16, s26, $0xb8;
	[tilespmem:$0xA200] =	vst v63  }
0x3b2: {  	s19 =	simm.s32 $0x7180  }
0x3b3: {  	[spmem:s4] =	stream.indirect.scatter.add.f32 [tilespmem:s8], [sflag:$0x3], $0x1, s19, s26, $0xb8;
	[tilespmem:$0xA200] =	vst v63  }
0x3b4: {  	s20 =	simm.s32 $0x9180;
	s23 =	simm.s32 $0x1  }
0x3b5: {  	[spmem:s5] =	stream.indirect.scatter.add.f32 [tilespmem:s20], [sflag:$0x3], $0x1, s19, s26, $0xb8;
	[tilespmem:$0xA200] =	vst v63  }
0x3b6: {  	_ =	swait.ge [sflag:s23], $0x800  }
0x3b7: {  	[sflag:s23] =	ssyncset.done $0x0  }
0x3b8: {  	[sflag:s23] =	ssyncadd.s32 $0xFFFFF800  }
0x3b9: {  	_ =	swait.ge [sflag:s23], $0x800  }
0x3ba: {  	[sflag:s23] =	ssyncset.done $0x0  }
0x3bb: {  	s21 =	simm.s32 $0x9200;
	s22 =	simm.s32 $0x7200;
	[sflag:s23] =	ssyncadd.s32 $0xFFFFF800  }
0x3bc: {  	[tilespmem:s21], [sflag:$0x2] =	stream.indirect.gather [spmem:s1], $0x1, s22, s26, $0xb8;
	[tilespmem:$0xA200] =	vst v63  }
0x3bd: {  	s24 =	simm.s32 $0x9A00  }
0x3be: {  	[tilespmem:s24], [sflag:$0x2] =	stream.indirect.gather [spmem:s3], $0x1, s22, s26, $0xb8;
	[tilespmem:$0xA200] =	vst v63  }
0x3bf: {  	s7 =	simm.s32 $0x9280;
	s25 =	simm.s32 $0x7280  }
0x3c0: {  	[tilespmem:s7], [sflag:$0x2] =	stream.indirect.gather [spmem:s1], $0x1, s25, s26, $0xb8;
	[tilespmem:$0xA200] =	vst v63  }
0x3c1: {  	s9 =	simm.s32 $0x9A80  }
0x3c2: {  	[tilespmem:s9], [sflag:$0x2] =	stream.indirect.gather [spmem:s3], $0x1, s25, s26, $0xb8;
	[tilespmem:$0xA200] =	vst v63  }
0x3c3: {  	s10 =	simm.s32 $0x9300;
	s28 =	simm.s32 $0x7300  }
0x3c4: {  	[tilespmem:s10], [sflag:$0x2] =	stream.indirect.gather [spmem:s1], $0x1, s28, s26, $0xb8;
	[tilespmem:$0xA200] =	vst v63  }
0x3c5: {  	s12 =	simm.s32 $0x9B00  }
0x3c6: {  	[tilespmem:s12], [sflag:$0x2] =	stream.indirect.gather [spmem:s3], $0x1, s28, s26, $0xb8;
	[tilespmem:$0xA200] =	vst v63  }
0x3c7: {  	s30 =	simm.s32 $0x7380;
	s13 =	simm.s32 $0x9380  }
0x3c8: {  	[tilespmem:s13], [sflag:$0x2] =	stream.indirect.gather [spmem:s1], $0x1, s30, s26, $0xb8;
	[tilespmem:$0xA200] =	vst v63  }
0x3c9: {  	s14 =	simm.s32 $0x9B80  }
0x3ca: {  	[tilespmem:s14], [sflag:$0x2] =	stream.indirect.gather [spmem:s3], $0x1, s30, s26, $0xb8;
	[tilespmem:$0xA200] =	vst v63  }
0x3cb: {  	s31 =	simm.s32 $0x7400;
	s15 =	simm.s32 $0x9400  }
0x3cc: {  	[tilespmem:s15], [sflag:$0x2] =	stream.indirect.gather [spmem:s1], $0x1, s31, s26, $0xb8;
	[tilespmem:$0xA200] =	vst v63  }
0x3cd: {  	s16 =	simm.s32 $0x9C00  }
0x3ce: {  	[tilespmem:s16], [sflag:$0x2] =	stream.indirect.gather [spmem:s3], $0x1, s31, s26, $0xb8;
	[tilespmem:$0xA200] =	vst v63  }
0x3cf: {  	s0 =	simm.s32 $0x7480;
	s22 =	simm.s32 $0x9480  }
0x3d0: {  	[tilespmem:s22], [sflag:$0x2] =	stream.indirect.gather [spmem:s1], $0x1, s0, s26, $0xb8;
	[tilespmem:$0xA200] =	vst v63  }
0x3d1: {  	s24 =	simm.s32 $0x9C80  }
0x3d2: {  	[tilespmem:s24], [sflag:$0x2] =	stream.indirect.gather [spmem:s3], $0x1, s0, s26, $0xb8;
	[tilespmem:$0xA200] =	vst v63  }
0x3d3: {  	s8 =	simm.s32 $0x7500;
	s25 =	simm.s32 $0x9500  }
0x3d4: {  	[tilespmem:s25], [sflag:$0x2] =	stream.indirect.gather [spmem:s1], $0x1, s8, s26, $0xb8;
	[tilespmem:$0xA200] =	vst v63  }
0x3d5: {  	s28 =	simm.s32 $0x9D00  }
0x3d6: {  	[tilespmem:s28], [sflag:$0x2] =	stream.indirect.gather [spmem:s3], $0x1, s8, s26, $0xb8;
	[tilespmem:$0xA200] =	vst v63  }
0x3d7: {  	s11 =	simm.s32 $0x7580;
	s30 =	simm.s32 $0x9580  }
0x3d8: {  	[tilespmem:s30], [sflag:$0x2] =	stream.indirect.gather [spmem:s1], $0x1, s11, s26, $0xb8;
	[tilespmem:$0xA200] =	vst v63  }
0x3d9: {  	s31 =	simm.s32 $0x9D80  }
0x3da: {  	[tilespmem:s31], [sflag:$0x2] =	stream.indirect.gather [spmem:s3], $0x1, s11, s26, $0xb8;
	[tilespmem:$0xA200] =	vst v63  }
0x3db: {  	s19 =	simm.s32 $0x7600;
	s0 =	simm.s32 $0x9600  }
0x3dc: {  	[tilespmem:s0], [sflag:$0x2] =	stream.indirect.gather [spmem:s1], $0x1, s19, s26, $0xb8;
	[tilespmem:$0xA200] =	vst v63  }
0x3dd: {  	s20 =	simm.s32 $0x9E00  }
0x3de: {  	[tilespmem:s20], [sflag:$0x2] =	stream.indirect.gather [spmem:s3], $0x1, s19, s26, $0xb8;
	[tilespmem:$0xA200] =	vst v63  }
0x3df: {  	s21 =	simm.s32 $0x7680;
	s11 =	simm.s32 $0x9680  }
0x3e0: {  	[tilespmem:s11], [sflag:$0x2] =	stream.indirect.gather [spmem:s1], $0x1, s21, s26, $0xb8;
	[tilespmem:$0xA200] =	vst v63  }
0x3e1: {  	s19 =	simm.s32 $0x9E80  }
0x3e2: {  	[tilespmem:s19], [sflag:$0x2] =	stream.indirect.gather [spmem:s3], $0x1, s21, s26, $0xb8;
	[tilespmem:$0xA200] =	vst v63  }
0x3e3: {  	s20 =	simm.s32 $0x7700;
	s21 =	simm.s32 $0x9700  }
0x3e4: {  	[tilespmem:s21], [sflag:$0x2] =	stream.indirect.gather [spmem:s1], $0x1, s20, s26, $0xb8;
	[tilespmem:$0xA200] =	vst v63  }
0x3e5: {  	s11 =	simm.s32 $0x9F00  }
0x3e6: {  	[tilespmem:s11], [sflag:$0x2] =	stream.indirect.gather [spmem:s3], $0x1, s20, s26, $0xb8;
	[tilespmem:$0xA200] =	vst v63  }
0x3e7: {  	s19 =	simm.s32 $0x7780;
	s20 =	simm.s32 $0x9780  }
0x3e8: {  	[tilespmem:s20], [sflag:$0x2] =	stream.indirect.gather [spmem:s1], $0x1, s19, s26, $0xb8;
	[tilespmem:$0xA200] =	vst v63  }
0x3e9: {  	s21 =	simm.s32 $0x9F80  }
0x3ea: {  	[tilespmem:s21], [sflag:$0x2] =	stream.indirect.gather [spmem:s3], $0x1, s19, s26, $0xb8;
	[tilespmem:$0xA200] =	vst v63  }
0x3eb: {  	s11 =	simm.s32 $0x7800;
	s19 =	simm.s32 $0x9800  }
0x3ec: {  	[tilespmem:s19], [sflag:$0x2] =	stream.indirect.gather [spmem:s1], $0x1, s11, s26, $0xb8;
	[tilespmem:$0xA200] =	vst v63  }
0x3ed: {  	s20 =	simm.s32 $0xA000  }
0x3ee: {  	[tilespmem:s20], [sflag:$0x2] =	stream.indirect.gather [spmem:s3], $0x1, s11, s26, $0xb8;
	[tilespmem:$0xA200] =	vst v63  }
0x3ef: {  	s21 =	simm.s32 $0x7880;
	s11 =	simm.s32 $0x9880  }
0x3f0: {  	[tilespmem:s11], [sflag:$0x2] =	stream.indirect.gather [spmem:s1], $0x1, s21, s26, $0xb8;
	[tilespmem:$0xA200] =	vst v63  }
0x3f1: {  	s19 =	simm.s32 $0xA080  }
0x3f2: {  	[tilespmem:s19], [sflag:$0x2] =	stream.indirect.gather [spmem:s3], $0x1, s21, s26, $0xb8;
	[tilespmem:$0xA200] =	vst v63  }
0x3f3: {  	s20 =	simm.s32 $0x7900;
	s21 =	simm.s32 $0x9900  }
0x3f4: {  	[tilespmem:s21], [sflag:$0x2] =	stream.indirect.gather [spmem:s1], $0x1, s20, s26, $0xb8;
	[tilespmem:$0xA200] =	vst v63  }
0x3f5: {  	s11 =	simm.s32 $0xA100  }
0x3f6: {  	[tilespmem:s11], [sflag:$0x2] =	stream.indirect.gather [spmem:s3], $0x1, s20, s26, $0xb8;
	[tilespmem:$0xA200] =	vst v63  }
0x3f7: {  	s19 =	simm.s32 $0x7980;
	s20 =	simm.s32 $0x9980  }
0x3f8: {  	[tilespmem:s20], [sflag:$0x2] =	stream.indirect.gather [spmem:s1], $0x1, s19, s26, $0xb8;
	[tilespmem:$0xA200] =	vst v63  }
0x3f9: {  	s21 =	simm.s32 $0xA180  }
0x3fa: {  	[tilespmem:s21], [sflag:$0x2] =	stream.indirect.gather [spmem:s3], $0x1, s19, s26, $0xb8;
	[tilespmem:$0xA200] =	vst v63  }
0x3fb: {  	_ =	swait.ge [sflag:s6], $0x80  }
0x3fc: {  	[sflag:s6] =	ssyncset.done $0x0  }
0x3fd: {  	[sflag:s6] =	ssyncadd.s32 $0xFFFFFF80  }
0x3fe: {  	_ =	swait.ge [sflag:s6], $0x80  }
0x3ff: {  	[sflag:s6] =	ssyncset.done $0x0  }
0x400: {  	[sflag:s6] =	ssyncadd.s32 $0xFFFFFF80  }
0x401: {  	_ =	swait.ge [sflag:s6], $0x80  }
0x402: {  	[sflag:s6] =	ssyncset.done $0x0  }
0x403: {  	[sflag:s6] =	ssyncadd.s32 $0xFFFFFF80  }
0x404: {  	_ =	swait.ge [sflag:s6], $0x80  }
0x405: {  	[sflag:s6] =	ssyncset.done $0x0  }
0x406: {  	[sflag:s6] =	ssyncadd.s32 $0xFFFFFF80  }
0x407: {  	_ =	swait.ge [sflag:s6], $0x80  }
0x408: {  	[sflag:s6] =	ssyncset.done $0x0  }
0x409: {  	[sflag:s6] =	ssyncadd.s32 $0xFFFFFF80  }
0x40a: {  	_ =	swait.ge [sflag:s6], $0x80  }
0x40b: {  	[sflag:s6] =	ssyncset.done $0x0  }
0x40c: {  	[sflag:s6] =	ssyncadd.s32 $0xFFFFFF80  }
0x40d: {  	_ =	swait.ge [sflag:s6], $0x80  }
0x40e: {  	[sflag:s6] =	ssyncset.done $0x0  }
0x40f: {  	[sflag:s6] =	ssyncadd.s32 $0xFFFFFF80  }
0x410: {  	_ =	swait.ge [sflag:s6], $0x80  }
0x411: {  	[sflag:s6] =	ssyncset.done $0x0  }
0x412: {  	[sflag:s6] =	ssyncadd.s32 $0xFFFFFF80  }
0x413: {  	_ =	swait.ge [sflag:s6], $0x80  }
0x414: {  	[sflag:s6] =	ssyncset.done $0x0  }
0x415: {  	[sflag:s6] =	ssyncadd.s32 $0xFFFFFF80  }
0x416: {  	_ =	swait.ge [sflag:s6], $0x80  }
0x417: {  	[sflag:s6] =	ssyncset.done $0x0  }
0x418: {  	[sflag:s6] =	ssyncadd.s32 $0xFFFFFF80  }
0x419: {  	_ =	swait.ge [sflag:s6], $0x80  }
0x41a: {  	[sflag:s6] =	ssyncset.done $0x0  }
0x41b: {  	[sflag:s6] =	ssyncadd.s32 $0xFFFFFF80  }
0x41c: {  	_ =	swait.ge [sflag:s6], $0x80  }
0x41d: {  	[sflag:s6] =	ssyncset.done $0x0  }
0x41e: {  	[sflag:s6] =	ssyncadd.s32 $0xFFFFFF80  }
0x41f: {  	_ =	swait.ge [sflag:s6], $0x80  }
0x420: {  	[sflag:s6] =	ssyncset.done $0x0  }
0x421: {  	[sflag:s6] =	ssyncadd.s32 $0xFFFFFF80  }
0x422: {  	_ =	swait.ge [sflag:s6], $0x80  }
0x423: {  	[sflag:s6] =	ssyncset.done $0x0  }
0x424: {  	[sflag:s6] =	ssyncadd.s32 $0xFFFFFF80  }
0x425: {  	_ =	swait.ge [sflag:s6], $0x80  }
0x426: {  	[sflag:s6] =	ssyncset.done $0x0  }
0x427: {  	[sflag:s6] =	ssyncadd.s32 $0xFFFFFF80  }
0x428: {  	_ =	swait.ge [sflag:s6], $0x80  }
0x429: {  	[sflag:s6] =	ssyncset.done $0x0  }
0x42a: {  	[sflag:s6] =	ssyncadd.s32 $0xFFFFFF80  }
0x42b: {  	_ =	swait.ge [sflag:s6], $0x80  }
0x42c: {  	[sflag:s6] =	ssyncset.done $0x0  }
0x42d: {  	[sflag:s6] =	ssyncadd.s32 $0xFFFFFF80  }
0x42e: {  	_ =	swait.ge [sflag:s6], $0x80  }
0x42f: {  	[sflag:s6] =	ssyncset.done $0x0  }
0x430: {  	[sflag:s6] =	ssyncadd.s32 $0xFFFFFF80  }
0x431: {  	_ =	swait.ge [sflag:s6], $0x80  }
0x432: {  	[sflag:s6] =	ssyncset.done $0x0  }
0x433: {  	[sflag:s6] =	ssyncadd.s32 $0xFFFFFF80  }
0x434: {  	_ =	swait.ge [sflag:s6], $0x80  }
0x435: {  	[sflag:s6] =	ssyncset.done $0x0  }
0x436: {  	[sflag:s6] =	ssyncadd.s32 $0xFFFFFF80  }
0x437: {  	_ =	swait.ge [sflag:s6], $0x80  }
0x438: {  	[sflag:s6] =	ssyncset.done $0x0  }
0x439: {  	[sflag:s6] =	ssyncadd.s32 $0xFFFFFF80  }
0x43a: {  	_ =	swait.ge [sflag:s6], $0x80  }
0x43b: {  	[sflag:s6] =	ssyncset.done $0x0  }
0x43c: {  	[sflag:s6] =	ssyncadd.s32 $0xFFFFFF80  }
0x43d: {  	_ =	swait.ge [sflag:s6], $0x80  }
0x43e: {  	[sflag:s6] =	ssyncset.done $0x0  }
0x43f: {  	[sflag:s6] =	ssyncadd.s32 $0xFFFFFF80  }
0x440: {  	_ =	swait.ge [sflag:s6], $0x80  }
0x441: {  	[sflag:s6] =	ssyncset.done $0x0  }
0x442: {  	[sflag:s6] =	ssyncadd.s32 $0xFFFFFF80  }
0x443: {  	_ =	swait.ge [sflag:s6], $0x80  }
0x444: {  	[sflag:s6] =	ssyncset.done $0x0  }
0x445: {  	[sflag:s6] =	ssyncadd.s32 $0xFFFFFF80  }
0x446: {  	_ =	swait.ge [sflag:s6], $0x80  }
0x447: {  	[sflag:s6] =	ssyncset.done $0x0  }
0x448: {  	[sflag:s6] =	ssyncadd.s32 $0xFFFFFF80  }
0x449: {  	_ =	swait.ge [sflag:s6], $0x80  }
0x44a: {  	[sflag:s6] =	ssyncset.done $0x0  }
0x44b: {  	[sflag:s6] =	ssyncadd.s32 $0xFFFFFF80  }
0x44c: {  	_ =	swait.ge [sflag:s6], $0x80  }
0x44d: {  	[sflag:s6] =	ssyncset.done $0x0  }
0x44e: {  	[sflag:s6] =	ssyncadd.s32 $0xFFFFFF80  }
0x44f: {  	_ =	swait.ge [sflag:s6], $0x80  }
0x450: {  	[sflag:s6] =	ssyncset.done $0x0  }
0x451: {  	[sflag:s6] =	ssyncadd.s32 $0xFFFFFF80  }
0x452: {  	_ =	swait.ge [sflag:s6], $0x80  }
0x453: {  	[sflag:s6] =	ssyncset.done $0x0  }
0x454: {  	[sflag:s6] =	ssyncadd.s32 $0xFFFFFF80  }
0x455: {  	_ =	swait.ge [sflag:s6], $0x80  }
0x456: {  	[sflag:s6] =	ssyncset.done $0x0  }
0x457: {  	p1 =	seq.s32 s18, $0x6200;
	[sflag:s6] =	ssyncadd.s32 $0xFFFFFF80  }
0x458: {  	s8 =	simm.s32 @!p1 $0x0;
	_ =	swait.ge [sflag:s6], $0x80  }
0x459: {  	s19 =	simm.s32 @!p1 $0x6200;
	s11 =	rddreg [dreg:$0x8];
	[sflag:s6] =	ssyncset.done $0x0  }
0x45a: {  	s20 =	rddreg [dreg:$0x7];
	[sflag:s6] =	ssyncadd.s32 $0xFFFFFF80;
	s11 =	sadd.s32 @!p1 s18, s11  }
0x45b: {  	[tilespmem:s19], [sflag:$0x1] =	stream.linear.gather @!p1 [hbm4b:s11+s8], $0x800, $0x38;
	[tilespmem:$0xA200] =	vst v63  }
0x45c: {  	s21 =	simm.s32 @!p1 $0x6A00;
	s11 =	sadd.s32 @!p1 s18, s20  }
0x45d: {  	[tilespmem:s21], [sflag:$0x1] =	stream.linear.gather @!p1 [hbm4b:s11+s8], $0x800, $0x38;
	[tilespmem:$0xA200] =	vst v63  }
0x45e: {  	_ =	swait.ge [sflag:s29], $0x80  }
0x45f: {  	[sflag:s29] =	ssyncset.done $0x0  }
0x460: {  	[sflag:s29] =	ssyncadd.s32 $0xFFFFFF80  }
0x461: {  	_ =	swait.ge [sflag:s29], $0x80  }
0x462: {  	[sflag:s29] =	ssyncset.done $0x0  }
0x463: {  	[sflag:s29] =	ssyncadd.s32 $0xFFFFFF80  }
0x464: {  	_ =	swait.ge [sflag:s29], $0x80  }
0x465: {  	[sflag:s29] =	ssyncset.done $0x0  }
0x466: {  	[sflag:s29] =	ssyncadd.s32 $0xFFFFFF80  }
0x467: {  	_ =	swait.ge [sflag:s29], $0x80  }
0x468: {  	[sflag:s29] =	ssyncset.done $0x0  }
0x469: {  	[sflag:s29] =	ssyncadd.s32 $0xFFFFFF80  }
0x46a: {  	_ =	swait.ge [sflag:s29], $0x80  }
0x46b: {  	[sflag:s29] =	ssyncset.done $0x0  }
0x46c: {  	[sflag:s29] =	ssyncadd.s32 $0xFFFFFF80  }
0x46d: {  	_ =	swait.ge [sflag:s29], $0x80  }
0x46e: {  	[sflag:s29] =	ssyncset.done $0x0  }
0x46f: {  	[sflag:s29] =	ssyncadd.s32 $0xFFFFFF80  }
0x470: {  	_ =	swait.ge [sflag:s29], $0x80  }
0x471: {  	[sflag:s29] =	ssyncset.done $0x0  }
0x472: {  	[sflag:s29] =	ssyncadd.s32 $0xFFFFFF80  }
0x473: {  	_ =	swait.ge [sflag:s29], $0x80  }
0x474: {  	[sflag:s29] =	ssyncset.done $0x0  }
0x475: {  	[sflag:s29] =	ssyncadd.s32 $0xFFFFFF80  }
0x476: {  	_ =	swait.ge [sflag:s29], $0x80  }
0x477: {  	[sflag:s29] =	ssyncset.done $0x0  }
0x478: {  	[sflag:s29] =	ssyncadd.s32 $0xFFFFFF80  }
0x479: {  	_ =	swait.ge [sflag:s29], $0x80  }
0x47a: {  	[sflag:s29] =	ssyncset.done $0x0  }
0x47b: {  	[sflag:s29] =	ssyncadd.s32 $0xFFFFFF80  }
0x47c: {  	_ =	swait.ge [sflag:s29], $0x80  }
0x47d: {  	[sflag:s29] =	ssyncset.done $0x0  }
0x47e: {  	[sflag:s29] =	ssyncadd.s32 $0xFFFFFF80  }
0x47f: {  	_ =	swait.ge [sflag:s29], $0x80  }
0x480: {  	[sflag:s29] =	ssyncset.done $0x0  }
0x481: {  	[sflag:s29] =	ssyncadd.s32 $0xFFFFFF80  }
0x482: {  	_ =	swait.ge [sflag:s29], $0x80  }
0x483: {  	[sflag:s29] =	ssyncset.done $0x0  }
0x484: {  	[sflag:s29] =	ssyncadd.s32 $0xFFFFFF80  }
0x485: {  	_ =	swait.ge [sflag:s29], $0x80  }
0x486: {  	[sflag:s29] =	ssyncset.done $0x0  }
0x487: {  	[sflag:s29] =	ssyncadd.s32 $0xFFFFFF80  }
0x488: {  	_ =	swait.ge [sflag:s29], $0x80  }
0x489: {  	[sflag:s29] =	ssyncset.done $0x0  }
0x48a: {  	[sflag:s29] =	ssyncadd.s32 $0xFFFFFF80  }
0x48b: {  	_ =	swait.ge [sflag:s29], $0x80  }
0x48c: {  	[sflag:s29] =	ssyncset.done $0x0  }
0x48d: {  	[sflag:s29] =	ssyncadd.s32 $0xFFFFFF80  }
0x48e: {  	_ =	swait.ge [sflag:s29], $0x80  }
0x48f: {  	[sflag:s29] =	ssyncset.done $0x0  }
0x490: {  	[sflag:s29] =	ssyncadd.s32 $0xFFFFFF80  }
0x491: {  	_ =	swait.ge [sflag:s29], $0x80  }
0x492: {  	[sflag:s29] =	ssyncset.done $0x0  }
0x493: {  	[sflag:s29] =	ssyncadd.s32 $0xFFFFFF80  }
0x494: {  	_ =	swait.ge [sflag:s29], $0x80  }
0x495: {  	[sflag:s29] =	ssyncset.done $0x0  }
0x496: {  	[sflag:s29] =	ssyncadd.s32 $0xFFFFFF80  }
0x497: {  	_ =	swait.ge [sflag:s29], $0x80  }
0x498: {  	[sflag:s29] =	ssyncset.done $0x0  }
0x499: {  	[sflag:s29] =	ssyncadd.s32 $0xFFFFFF80  }
0x49a: {  	_ =	swait.ge [sflag:s29], $0x80  }
0x49b: {  	[sflag:s29] =	ssyncset.done $0x0  }
0x49c: {  	[sflag:s29] =	ssyncadd.s32 $0xFFFFFF80  }
0x49d: {  	_ =	swait.ge [sflag:s29], $0x80  }
0x49e: {  	[sflag:s29] =	ssyncset.done $0x0  }
0x49f: {  	[sflag:s29] =	ssyncadd.s32 $0xFFFFFF80  }
0x4a0: {  	_ =	swait.ge [sflag:s29], $0x80  }
0x4a1: {  	[sflag:s29] =	ssyncset.done $0x0  }
0x4a2: {  	[sflag:s29] =	ssyncadd.s32 $0xFFFFFF80  }
0x4a3: {  	_ =	swait.ge [sflag:s29], $0x80  }
0x4a4: {  	[sflag:s29] =	ssyncset.done $0x0  }
0x4a5: {  	[sflag:s29] =	ssyncadd.s32 $0xFFFFFF80  }
0x4a6: {  	_ =	swait.ge [sflag:s29], $0x80  }
0x4a7: {  	[sflag:s29] =	ssyncset.done $0x0  }
0x4a8: {  	[sflag:s29] =	ssyncadd.s32 $0xFFFFFF80  }
0x4a9: {  	_ =	swait.ge [sflag:s29], $0x80  }
0x4aa: {  	[sflag:s29] =	ssyncset.done $0x0  }
0x4ab: {  	[sflag:s29] =	ssyncadd.s32 $0xFFFFFF80  }
0x4ac: {  	_ =	swait.ge [sflag:s29], $0x80  }
0x4ad: {  	[sflag:s29] =	ssyncset.done $0x0  }
0x4ae: {  	[sflag:s29] =	ssyncadd.s32 $0xFFFFFF80  }
0x4af: {  	_ =	swait.ge [sflag:s29], $0x80  }
0x4b0: {  	[sflag:s29] =	ssyncset.done $0x0  }
0x4b1: {  	[sflag:s29] =	ssyncadd.s32 $0xFFFFFF80  }
0x4b2: {  	_ =	swait.ge [sflag:s29], $0x80  }
0x4b3: {  	[sflag:s29] =	ssyncset.done $0x0  }
0x4b4: {  	[sflag:s29] =	ssyncadd.s32 $0xFFFFFF80  }
0x4b5: {  	_ =	swait.ge [sflag:s29], $0x80  }
0x4b6: {  	[sflag:s29] =	ssyncset.done $0x0  }
0x4b7: {  	[sflag:s29] =	ssyncadd.s32 $0xFFFFFF80  }
0x4b8: {  	_ =	swait.ge [sflag:s29], $0x80  }
0x4b9: {  	[sflag:s29] =	ssyncset.done $0x0  }
0x4ba: {  	[sflag:s29] =	ssyncadd.s32 $0xFFFFFF80  }
0x4bb: {  	_ =	swait.ge [sflag:s29], $0x80  }
0x4bc: {  	[sflag:s29] =	ssyncset.done $0x0  }
0x4bd: {  	s18 =	simm.s32 $0x7A00;
	s11 =	simm.s32 $0x9200;
	[sflag:s29] =	ssyncadd.s32 $0xFFFFFF80  }
0x4be: {  	[spmem:s4] =	stream.indirect.scatter.add.f32 [tilespmem:s11], [sflag:$0x3], $0x1, s18, s26, $0xb8;
	[tilespmem:$0xA200] =	vst v63  }
0x4bf: {  	s20 =	simm.s32 $0x9A00  }
0x4c0: {  	[spmem:s5] =	stream.indirect.scatter.add.f32 [tilespmem:s20], [sflag:$0x3], $0x1, s18, s26, $0xb8;
	[tilespmem:$0xA200] =	vst v63  }
0x4c1: {  	s8 =	simm.s32 $0x7A80  }
0x4c2: {  	[spmem:s4] =	stream.indirect.scatter.add.f32 [tilespmem:s7], [sflag:$0x3], $0x1, s8, s26, $0xb8;
	[tilespmem:$0xA200] =	vst v63  }
0x4c3: {  	_ = 	snop  }
0x4c4: {  	[spmem:s5] =	stream.indirect.scatter.add.f32 [tilespmem:s9], [sflag:$0x3], $0x1, s8, s26, $0xb8;
	[tilespmem:$0xA200] =	vst v63  }
0x4c5: {  	s11 =	simm.s32 $0x7B00  }
0x4c6: {  	[spmem:s4] =	stream.indirect.scatter.add.f32 [tilespmem:s10], [sflag:$0x3], $0x1, s11, s26, $0xb8;
	[tilespmem:$0xA200] =	vst v63  }
0x4c7: {  	_ = 	snop  }
0x4c8: {  	[spmem:s5] =	stream.indirect.scatter.add.f32 [tilespmem:s12], [sflag:$0x3], $0x1, s11, s26, $0xb8;
	[tilespmem:$0xA200] =	vst v63  }
0x4c9: {  	s12 =	simm.s32 $0x7B80  }
0x4ca: {  	[spmem:s4] =	stream.indirect.scatter.add.f32 [tilespmem:s13], [sflag:$0x3], $0x1, s12, s26, $0xb8;
	[tilespmem:$0xA200] =	vst v63  }
0x4cb: {  	_ = 	snop  }
0x4cc: {  	[spmem:s5] =	stream.indirect.scatter.add.f32 [tilespmem:s14], [sflag:$0x3], $0x1, s12, s26, $0xb8;
	[tilespmem:$0xA200] =	vst v63  }
0x4cd: {  	s14 =	simm.s32 $0x7C00  }
0x4ce: {  	[spmem:s4] =	stream.indirect.scatter.add.f32 [tilespmem:s15], [sflag:$0x3], $0x1, s14, s26, $0xb8;
	[tilespmem:$0xA200] =	vst v63  }
0x4cf: {  	_ = 	snop  }
0x4d0: {  	[spmem:s5] =	stream.indirect.scatter.add.f32 [tilespmem:s16], [sflag:$0x3], $0x1, s14, s26, $0xb8;
	[tilespmem:$0xA200] =	vst v63  }
0x4d1: {  	s18 =	simm.s32 $0x7C80  }
0x4d2: {  	[spmem:s4] =	stream.indirect.scatter.add.f32 [tilespmem:s22], [sflag:$0x3], $0x1, s18, s26, $0xb8;
	[tilespmem:$0xA200] =	vst v63  }
0x4d3: {  	_ = 	snop  }
0x4d4: {  	[spmem:s5] =	stream.indirect.scatter.add.f32 [tilespmem:s24], [sflag:$0x3], $0x1, s18, s26, $0xb8;
	[tilespmem:$0xA200] =	vst v63  }
0x4d5: {  	s20 =	simm.s32 $0x7D00  }
0x4d6: {  	[spmem:s4] =	stream.indirect.scatter.add.f32 [tilespmem:s25], [sflag:$0x3], $0x1, s20, s26, $0xb8;
	[tilespmem:$0xA200] =	vst v63  }
0x4d7: {  	_ = 	snop  }
0x4d8: {  	[spmem:s5] =	stream.indirect.scatter.add.f32 [tilespmem:s28], [sflag:$0x3], $0x1, s20, s26, $0xb8;
	[tilespmem:$0xA200] =	vst v63  }
0x4d9: {  	s22 =	simm.s32 $0x7D80  }
0x4da: {  	[spmem:s4] =	stream.indirect.scatter.add.f32 [tilespmem:s30], [sflag:$0x3], $0x1, s22, s26, $0xb8;
	[tilespmem:$0xA200] =	vst v63  }
0x4db: {  	_ = 	snop  }
0x4dc: {  	[spmem:s5] =	stream.indirect.scatter.add.f32 [tilespmem:s31], [sflag:$0x3], $0x1, s22, s26, $0xb8;
	[tilespmem:$0xA200] =	vst v63  }
0x4dd: {  	s24 =	simm.s32 $0x7E00  }
0x4de: {  	[spmem:s4] =	stream.indirect.scatter.add.f32 [tilespmem:s0], [sflag:$0x3], $0x1, s24, s26, $0xb8;
	[tilespmem:$0xA200] =	vst v63  }
0x4df: {  	s25 =	simm.s32 $0x9E00  }
0x4e0: {  	[spmem:s5] =	stream.indirect.scatter.add.f32 [tilespmem:s25], [sflag:$0x3], $0x1, s24, s26, $0xb8;
	[tilespmem:$0xA200] =	vst v63  }
0x4e1: {  	s28 =	simm.s32 $0x7E80;
	s30 =	simm.s32 $0x9680  }
0x4e2: {  	[spmem:s4] =	stream.indirect.scatter.add.f32 [tilespmem:s30], [sflag:$0x3], $0x1, s28, s26, $0xb8;
	[tilespmem:$0xA200] =	vst v63  }
0x4e3: {  	s31 =	simm.s32 $0x9E80  }
0x4e4: {  	[spmem:s5] =	stream.indirect.scatter.add.f32 [tilespmem:s31], [sflag:$0x3], $0x1, s28, s26, $0xb8;
	[tilespmem:$0xA200] =	vst v63  }
0x4e5: {  	s7 =	simm.s32 $0x7F00;
	s8 =	simm.s32 $0x9700  }
0x4e6: {  	[spmem:s4] =	stream.indirect.scatter.add.f32 [tilespmem:s8], [sflag:$0x3], $0x1, s7, s26, $0xb8;
	[tilespmem:$0xA200] =	vst v63  }
0x4e7: {  	s9 =	simm.s32 $0x9F00  }
0x4e8: {  	[spmem:s5] =	stream.indirect.scatter.add.f32 [tilespmem:s9], [sflag:$0x3], $0x1, s7, s26, $0xb8;
	[tilespmem:$0xA200] =	vst v63  }
0x4e9: {  	s10 =	simm.s32 $0x7F80;
	s11 =	simm.s32 $0x9780  }
0x4ea: {  	[spmem:s4] =	stream.indirect.scatter.add.f32 [tilespmem:s11], [sflag:$0x3], $0x1, s10, s26, $0xb8;
	[tilespmem:$0xA200] =	vst v63  }
0x4eb: {  	s12 =	simm.s32 $0x9F80  }
0x4ec: {  	[spmem:s5] =	stream.indirect.scatter.add.f32 [tilespmem:s12], [sflag:$0x3], $0x1, s10, s26, $0xb8;
	[tilespmem:$0xA200] =	vst v63  }
0x4ed: {  	s13 =	simm.s32 $0x8000;
	s14 =	simm.s32 $0x9800  }
0x4ee: {  	[spmem:s4] =	stream.indirect.scatter.add.f32 [tilespmem:s14], [sflag:$0x3], $0x1, s13, s26, $0xb8;
	[tilespmem:$0xA200] =	vst v63  }
0x4ef: {  	s15 =	simm.s32 $0xA000  }
0x4f0: {  	[spmem:s5] =	stream.indirect.scatter.add.f32 [tilespmem:s15], [sflag:$0x3], $0x1, s13, s26, $0xb8;
	[tilespmem:$0xA200] =	vst v63  }
0x4f1: {  	s16 =	simm.s32 $0x8080;
	s18 =	simm.s32 $0x9880  }
0x4f2: {  	[spmem:s4] =	stream.indirect.scatter.add.f32 [tilespmem:s18], [sflag:$0x3], $0x1, s16, s26, $0xb8;
	[tilespmem:$0xA200] =	vst v63  }
0x4f3: {  	s20 =	simm.s32 $0xA080  }
0x4f4: {  	[spmem:s5] =	stream.indirect.scatter.add.f32 [tilespmem:s20], [sflag:$0x3], $0x1, s16, s26, $0xb8;
	[tilespmem:$0xA200] =	vst v63  }
0x4f5: {  	s22 =	simm.s32 $0x8100;
	s24 =	simm.s32 $0x9900  }
0x4f6: {  	[spmem:s4] =	stream.indirect.scatter.add.f32 [tilespmem:s24], [sflag:$0x3], $0x1, s22, s26, $0xb8;
	[tilespmem:$0xA200] =	vst v63  }
0x4f7: {  	s25 =	simm.s32 $0xA100  }
0x4f8: {  	[spmem:s5] =	stream.indirect.scatter.add.f32 [tilespmem:s25], [sflag:$0x3], $0x1, s22, s26, $0xb8;
	[tilespmem:$0xA200] =	vst v63  }
0x4f9: {  	s30 =	simm.s32 $0x9980;
	s28 =	simm.s32 $0x8180  }
0x4fa: {  	[spmem:s4] =	stream.indirect.scatter.add.f32 [tilespmem:s30], [sflag:$0x3], $0x1, s28, s26, $0xb8;
	[tilespmem:$0xA200] =	vst v63  }
0x4fb: {  	s31 =	simm.s32 $0xA180  }
0x4fc: {  	[spmem:s5] =	stream.indirect.scatter.add.f32 [tilespmem:s31], [sflag:$0x3], $0x1, s28, s26, $0xb8;
	[tilespmem:$0xA200] =	vst v63  }
0x4fd: {  	_ =	swait.ge [sflag:s6], $0x80  }
0x4fe: {  	[sflag:s6] =	ssyncset.done $0x0  }
0x4ff: {  	[sflag:s6] =	ssyncadd.s32 $0xFFFFFF80  }
0x500: {  	_ =	swait.ge [sflag:s6], $0x80  }
0x501: {  	[sflag:s6] =	ssyncset.done $0x0  }
0x502: {  	[sflag:s6] =	ssyncadd.s32 $0xFFFFFF80  }
0x503: {  	_ =	swait.ge [sflag:s6], $0x80  }
0x504: {  	[sflag:s6] =	ssyncset.done $0x0  }
0x505: {  	[sflag:s6] =	ssyncadd.s32 $0xFFFFFF80  }
0x506: {  	_ =	swait.ge [sflag:s6], $0x80  }
0x507: {  	[sflag:s6] =	ssyncset.done $0x0  }
0x508: {  	[sflag:s6] =	ssyncadd.s32 $0xFFFFFF80  }
0x509: {  	_ =	swait.ge [sflag:s6], $0x80  }
0x50a: {  	[sflag:s6] =	ssyncset.done $0x0  }
0x50b: {  	[sflag:s6] =	ssyncadd.s32 $0xFFFFFF80  }
0x50c: {  	_ =	swait.ge [sflag:s6], $0x80  }
0x50d: {  	[sflag:s6] =	ssyncset.done $0x0  }
0x50e: {  	[sflag:s6] =	ssyncadd.s32 $0xFFFFFF80  }
0x50f: {  	_ =	swait.ge [sflag:s6], $0x80  }
0x510: {  	[sflag:s6] =	ssyncset.done $0x0  }
0x511: {  	[sflag:s6] =	ssyncadd.s32 $0xFFFFFF80  }
0x512: {  	_ =	swait.ge [sflag:s6], $0x80  }
0x513: {  	[sflag:s6] =	ssyncset.done $0x0  }
0x514: {  	[sflag:s6] =	ssyncadd.s32 $0xFFFFFF80  }
0x515: {  	_ =	swait.ge [sflag:s6], $0x80  }
0x516: {  	[sflag:s6] =	ssyncset.done $0x0  }
0x517: {  	[sflag:s6] =	ssyncadd.s32 $0xFFFFFF80  }
0x518: {  	_ =	swait.ge [sflag:s6], $0x80  }
0x519: {  	[sflag:s6] =	ssyncset.done $0x0  }
0x51a: {  	[sflag:s6] =	ssyncadd.s32 $0xFFFFFF80  }
0x51b: {  	_ =	swait.ge [sflag:s6], $0x80  }
0x51c: {  	[sflag:s6] =	ssyncset.done $0x0  }
0x51d: {  	[sflag:s6] =	ssyncadd.s32 $0xFFFFFF80  }
0x51e: {  	_ =	swait.ge [sflag:s6], $0x80  }
0x51f: {  	[sflag:s6] =	ssyncset.done $0x0  }
0x520: {  	[sflag:s6] =	ssyncadd.s32 $0xFFFFFF80  }
0x521: {  	_ =	swait.ge [sflag:s6], $0x80  }
0x522: {  	[sflag:s6] =	ssyncset.done $0x0  }
0x523: {  	[sflag:s6] =	ssyncadd.s32 $0xFFFFFF80  }
0x524: {  	_ =	swait.ge [sflag:s6], $0x80  }
0x525: {  	[sflag:s6] =	ssyncset.done $0x0  }
0x526: {  	[sflag:s6] =	ssyncadd.s32 $0xFFFFFF80  }
0x527: {  	_ =	swait.ge [sflag:s6], $0x80  }
0x528: {  	[sflag:s6] =	ssyncset.done $0x0  }
0x529: {  	[sflag:s6] =	ssyncadd.s32 $0xFFFFFF80  }
0x52a: {  	_ =	swait.ge [sflag:s6], $0x80  }
0x52b: {  	[sflag:s6] =	ssyncset.done $0x0  }
0x52c: {  	[sflag:s6] =	ssyncadd.s32 $0xFFFFFF80  }
0x52d: {  	_ =	swait.ge [sflag:s6], $0x80  }
0x52e: {  	[sflag:s6] =	ssyncset.done $0x0  }
0x52f: {  	[sflag:s6] =	ssyncadd.s32 $0xFFFFFF80  }
0x530: {  	_ =	swait.ge [sflag:s6], $0x80  }
0x531: {  	[sflag:s6] =	ssyncset.done $0x0  }
0x532: {  	[sflag:s6] =	ssyncadd.s32 $0xFFFFFF80  }
0x533: {  	_ =	swait.ge [sflag:s6], $0x80  }
0x534: {  	[sflag:s6] =	ssyncset.done $0x0  }
0x535: {  	[sflag:s6] =	ssyncadd.s32 $0xFFFFFF80  }
0x536: {  	_ =	swait.ge [sflag:s6], $0x80  }
0x537: {  	[sflag:s6] =	ssyncset.done $0x0  }
0x538: {  	[sflag:s6] =	ssyncadd.s32 $0xFFFFFF80  }
0x539: {  	_ =	swait.ge [sflag:s6], $0x80  }
0x53a: {  	[sflag:s6] =	ssyncset.done $0x0  }
0x53b: {  	[sflag:s6] =	ssyncadd.s32 $0xFFFFFF80  }
0x53c: {  	_ =	swait.ge [sflag:s6], $0x80  }
0x53d: {  	[sflag:s6] =	ssyncset.done $0x0  }
0x53e: {  	[sflag:s6] =	ssyncadd.s32 $0xFFFFFF80  }
0x53f: {  	_ =	swait.ge [sflag:s6], $0x80  }
0x540: {  	[sflag:s6] =	ssyncset.done $0x0  }
0x541: {  	[sflag:s6] =	ssyncadd.s32 $0xFFFFFF80  }
0x542: {  	_ =	swait.ge [sflag:s6], $0x80  }
0x543: {  	[sflag:s6] =	ssyncset.done $0x0  }
0x544: {  	[sflag:s6] =	ssyncadd.s32 $0xFFFFFF80  }
0x545: {  	_ =	swait.ge [sflag:s6], $0x80  }
0x546: {  	[sflag:s6] =	ssyncset.done $0x0  }
0x547: {  	[sflag:s6] =	ssyncadd.s32 $0xFFFFFF80  }
0x548: {  	_ =	swait.ge [sflag:s6], $0x80  }
0x549: {  	[sflag:s6] =	ssyncset.done $0x0  }
0x54a: {  	[sflag:s6] =	ssyncadd.s32 $0xFFFFFF80  }
0x54b: {  	_ =	swait.ge [sflag:s6], $0x80  }
0x54c: {  	[sflag:s6] =	ssyncset.done $0x0  }
0x54d: {  	[sflag:s6] =	ssyncadd.s32 $0xFFFFFF80  }
0x54e: {  	_ =	swait.ge [sflag:s6], $0x80  }
0x54f: {  	[sflag:s6] =	ssyncset.done $0x0  }
0x550: {  	[sflag:s6] =	ssyncadd.s32 $0xFFFFFF80  }
0x551: {  	_ =	swait.ge [sflag:s6], $0x80  }
0x552: {  	[sflag:s6] =	ssyncset.done $0x0  }
0x553: {  	[sflag:s6] =	ssyncadd.s32 $0xFFFFFF80  }
0x554: {  	s17 =	sadd.s32 $0x200, s17;
	_ =	swait.ge [sflag:s6], $0x80  }
0x555: {  	p0 =	sne.s32 s17, $0x6400;
	[sflag:s6] =	ssyncset.done $0x0  }
.Ltmp0:
0x556: {  	[sflag:s6] =	ssyncadd.s32 $0xFFFFFF80;
	(pc) =	sbr.rel @p0 .LBB2_2-.Ltmp0, $4  }
0x557: {  	_ =	swait.ge [sflag:s6], $0x80  }
0x558: {  	[sflag:s6] =	ssyncset.done $0x0  }
0x559: {  	[sflag:s6] =	ssyncadd.s32 $0xFFFFFF80  }
0x55a: {  	s19 =	simm.s32 $0x0;
	s21 =	simm.s32 $0x6200;
	_ =	swait.ge [sflag:s6], $0x80  }
0x55b: {  	[sflag:s6] =	ssyncset.done $0x0  }
0x55c: {  	[sflag:s6] =	ssyncadd.s32 $0xFFFFFF80  }
0x55d: {  	[bflag:$0x0] =	sbarrier.arrive $0xFFFF  }
0x55e: {  	s17 =	rddreg [dreg:$0xc]  }
0x55f: {  	s8 =	rddreg [dreg:$0x13]  }
0x560: {  	s18 =	simm.s32 $0x4;
	s0 =	rddreg [dreg:$0x19]  }
0x561: {  	[hbm:s8], [sflag:s17] =	dma.local [spmem:s0], $0x310  }
0x562: {  	_ =	swait.ge [sflag:s18], $0x310  }
0x563: {  	[sflag:s18] =	ssyncset.done $0x0;
	s22 =	rddreg [dreg:$0x14]  }
0x564: {  	s24 =	rddreg [dreg:$0x1a];
	[sflag:s18] =	ssyncadd.s32 $0xFFFFFCF0  }
0x565: {  	[hbm:s22], [sflag:s17] =	dma.local [spmem:s24], $0x310  }
0x566: {  	_ =	swait.ge [sflag:s18], $0x310  }
0x567: {  	s20 =	simm.s32 $0x6A00;
	s28 =	simm.s32 $0x8A00;
	s11 =	rddreg [dreg:$0x18]  }
0x568: {  	s30 =	simm.s32 $0x6280;
	s25 =	rddreg [dreg:$0x15];
	s11 =	sadd.s32 $0x1, s11  }
0x569: {  	s2 =	simm.s32 $0x8280;
	s7 =	simm.s32 $0x6300;
	p0 =	sne.s32 s11, s25  }
.Ltmp1:
0x56a: {  	s9 =	simm.s32 $0x8300;
	s10 =	simm.s32 $0x8B00;
	(pc) =	sbr.rel @p0 .LBB2_1-.Ltmp1, $4  }
0x56b: {  	s12 =	simm.s32 $0x6380;
	s13 =	simm.s32 $0x8380;
	s14 =	simm.s32 $0x8B80  }
0x56c: {  	s15 =	simm.s32 $0x6400;
	s16 =	simm.s32 $0x8400;
	s31 =	simm.s32 $0x7A00  }
0x56d: {  	s0 =	simm.s32 $0x8A80;
	s22 =	simm.s32 $0x8200;
	[sflag:s18] =	ssyncset.done $0x0  }
0x56e: {  	s24 =	simm.s32 $0x8C00;
	[sflag:s18] =	ssyncadd.s32 $0xFFFFFCF0;
	s25 =	simm.s32 $0x7200  }
0x56f: {  	_ =	sfence.sel $0x180000  }
0x570: {  	[bflag:$0x0] =	sbarrier.arrive $0xFFFF  }
0x571: {  	_ =	strace $0x9000004D  }
0x572: {  	s0 =	stileid.u32;
	[bflag:$0x2] =	sbarrier.arrive $0xFFFF  }
0x573: {  	p0 =	sne.s32 s0, $0x0;
	s0 =	rddreg [dreg:$0x6]  }
0x574: {  	s0 =	sadd.s32 @!p0 $0x100000, s0  }
0x575: {  	[sflag:s0] =	ssyncadd.tile.s32 @!p0 $0x1;
	_ =	shalt  }
.Lfunc_end2:
_tile_overlayer_lowered:
.L_overlay_start_2:
0x576: {  	(tag) =	ssettag $0x2  }
0x577: {  	s0 =	rddreg [dreg:$0x0];
	s2 =	stileid.u32  }
0x578: {  	s1 =	rddreg [dreg:$0x1];
	p0 =	sne.s32 s2, $0x0  }
0x579: {  	s3 =	rddreg [dreg:$0x2];
	[bflag:$0x3] =	sbarrier.arrive $0xFFFF;
	s2 =	simm.s32 @!p0 $0x1C04  }
0x57a: {  	[timem:s3], [sflag:s2] =	dma.local @!p0 [hbm:s0], s1  }
0x57b: {  	s0 =	simm.s32 @!p0 $0x4  }
0x57c: {  	_ =	swait.ge @!p0 [sflag:s0], s1  }
0x57d: {  	s1 =	ssub.s32 @!p0 $0x0, s1;
	[sflag:s0] =	ssyncset.done @!p0 $0x0  }
0x57e: {  	[sflag:s0] =	ssyncadd.s32 @!p0 s1  }
0x57f: {  	[bflag:$0x3] =	sbarrier.arrive $0xFFFF  }
0x580: {  	_ =	shalt  }

// kernel: kernel.8.cloned.1.call-start
scs
__scs_entry_jumppad:
0x0: {  	(pc) =	sbr.rel $0x88, $3  }
0x1: {  	(tag) =	ssettag $0x0;
	lr =	simm.s32 $0x1  }
0x2: {  	[smem:$0x3F9B] =	sst lr;
	_ =	strace $0xD0000000  }
0x3: {  	_ = 	snop  }
0x4: {  	_ = 	snop  }
0x5: {  	_ = 	snop  }
0x6: {  	_ = 	snop  }
0x7: {  	_ = 	snop  }
__scs_overlays_trampoline_lowered:
0x8: {  	[smem:$0x3FAA] =	sst s0  }
0x9: {  	[smem:$0x3FAB] =	sst s1  }
0xa: {  	[smem:$0x3FAC] =	sst s2  }
0xb: {  	[smem:$0x3FAD] =	sst s3  }
0xc: {  	[smem:$0x3FAE] =	sst s4  }
0xd: {  	[smem:$0x3FAF] =	sst s5  }
0xe: {  	[smem:$0x3FB0] =	sst s6  }
0xf: {  	[smem:$0x3FB1] =	sst s7  }
0x10: {  	[smem:$0x3FB2] =	sst s8  }
0x11: {  	[smem:$0x3FB3] =	sst s9;
	s0 =	simm.s32 @!p0 $0x0  }
0x12: {  	s1 =	sld [smem:$0x3F99];
	s0 =	simm.s32 @p0 $0x1  }
0x13: {  	[smem:$0x3FB4] =	sst s0;
	s0 =	simm.s32 @!p1 $0x0  }
0x14: {  	s2 =	sld [smem:$0x3F98];
	s0 =	simm.s32 @p1 $0x1  }
0x15: {  	[smem:$0x3FB5] =	sst s0;
	s0 =	simm.s32 @!p2 $0x0  }
0x16: {  	s3 =	sld [smem:$0x3FDB];
	s0 =	simm.s32 @p2 $0x1  }
0x17: {  	s4 =	simm.s32 $0x1BF5;
	[smem:$0x3FB7] =	sst s0  }
0x18: {  	s0 =	sld [smem:$0x3F9A];
	_ =	swait.ge [sflag:s4], $0x0  }
0x19: {  	s7 =	sld [smem:$0x3F9B]  }
0x1a: {  	s8 =	sadd.s32 $0xFFFFE003, lr  }
0x1b: {  	s9 =	sadd.s32 $0xFFFFFEF7, lr;
	s5 =	simm.s32 $0xFFFFFFFF;
	p2 =	slt.u32 s8, $0xFFFFF086  }
0x1c: {  	p1 =	slt.u32 s9, $0xF7A;
	s5 =	simm.s32 @!p2 $0x0  }
0x1d: {  	s5 =	simm.s32 @p1 $0x1;
	p0 =	seq.s32 s7, s2  }
0x1e: {  	s7 =	smul.u32 @!p0 $0xF7A, s2;
	p2 =	seq.s32 @!p0 s5, $0x0  }
0x1f: {  	s9 =	smul.u32 $0xF7A, s1;
	s8 =	simm.s32 @!p0 $0x1BF5;
	p2 =	por !p2, p0  }
0x20: {  	[sflag:s8] =	ssyncset.s32 @!p0 $0xFFFFF086;
	s6 =	sadd.s32 @!p0 s3, s7;
	s7 =	simm.s32 @!p0 $0x108  }
0x21: {  	s3 =	sadd.s32 s3, s9;
	s6 =	sadd.s32 @!p0 $0x88, s6;
	s7 =	simm.s32 @p2 $0x1082  }
0x22: {  	[simem:s7], [sflag:s8] =	dma.local @!p0 [hbm:s6], $0xF7A  }
0x23: {  	s9 =	sor.u32 $0xD0000000, s2;
	s6 =	simm.s32 $0x108;
	_ =	swait.ge @!p0 [sflag:s8], $0x0  }
0x24: {  	s3 =	sadd.s32 $0x88, s3;
	s6 =	simm.s32 @!p1 $0x1082;
	[sflag:s4] =	ssyncset.s32 $0xFFFFF086  }
0x25: {  	[simem:s6], [sflag:s4] =	dma.local [hbm:s3], $0xF7A  }
0x26: {  	[smem:$0x3F9B] =	sst s1;
	(tag) =	ssettag s2;
	_ =	strace s9  }
0x27: {  	s1 =	sld [smem:$0x3FAB]  }
0x28: {  	s2 =	sld [smem:$0x3FAC]  }
0x29: {  	s4 =	sld [smem:$0x3FAE]  }
0x2a: {  	p0 =	seq.s32 s5, $0x0;
	s5 =	sld [smem:$0x3FAF]  }
0x2b: {  	s6 =	sld [smem:$0x3FB0]  }
0x2c: {  	s7 =	sld [smem:$0x3FB1]  }
0x2d: {  	s3 =	simm.s32 $0x108;
	s8 =	sld [smem:$0x3FB2]  }
0x2e: {  	s3 =	simm.s32 @!p0 $0x1082;
	s9 =	sld [smem:$0x3FB3]  }
0x2f: {  	lr =	sadd.s32 s0, s3;
	s0 =	sld [smem:$0x3FAA]  }
0x30: {  	s3 =	sld [smem:$0x3FAD]  }
0x31: {  	[smem:$0x3FB6] =	sst s10  }
0x32: {  	s10 =	sld [smem:$0x3FB4];
	_ =	sdelay $0x3  }
0x33: {  	p0 =	seq.s32 s10, $0x1;
	s10 =	sld [smem:$0x3FB6];
	_ =	sdelay $0x3  }
0x34: {  	[smem:$0x3FB6] =	sst s10  }
0x35: {  	s10 =	sld [smem:$0x3FB5];
	_ =	sdelay $0x3  }
0x36: {  	p1 =	seq.s32 s10, $0x1;
	s10 =	sld [smem:$0x3FB6];
	_ =	sdelay $0x3  }
0x37: {  	[smem:$0x3FB6] =	sst s10  }
0x38: {  	s10 =	sld [smem:$0x3FB7]  }
0x39: {  	_ = 	snop;
	(pc) =	sbr.ind lr, $3  }
0x3a: {  	_ = 	snop  }
0x3b: {  	_ = 	snop  }
0x3c: {  	p2 =	seq.s32 s10, $0x1;
	s10 =	sld [smem:$0x3FB6]  }
0x3d: {  	_ =	shalt  }
0x3e: {  	_ =	shalt  }
0x3f: {  	_ =	shalt  }
0x40: {  	_ =	shalt  }
0x41: {  	_ =	shalt  }
0x42: {  	_ =	shalt  }
0x43: {  	_ =	shalt  }
0x44: {  	_ =	shalt  }
0x45: {  	_ =	shalt  }
0x46: {  	_ =	shalt  }
0x47: {  	_ =	shalt  }
0x48: {  	_ =	shalt  }
0x49: {  	_ =	shalt  }
0x4a: {  	_ =	shalt  }
0x4b: {  	_ =	shalt  }
0x4c: {  	_ =	shalt  }
0x4d: {  	_ =	shalt  }
0x4e: {  	_ =	shalt  }
0x4f: {  	_ =	shalt  }
0x50: {  	_ =	shalt  }
0x51: {  	_ =	shalt  }
0x52: {  	_ =	shalt  }
0x53: {  	_ =	shalt  }
0x54: {  	_ =	shalt  }
0x55: {  	_ =	shalt  }
0x56: {  	_ =	shalt  }
0x57: {  	_ =	shalt  }
0x58: {  	_ =	shalt  }
0x59: {  	_ =	shalt  }
0x5a: {  	_ =	shalt  }
0x5b: {  	_ =	shalt  }
0x5c: {  	_ =	shalt  }
0x5d: {  	_ =	shalt  }
0x5e: {  	_ =	shalt  }
0x5f: {  	_ =	shalt  }
0x60: {  	_ =	shalt  }
0x61: {  	_ =	shalt  }
0x62: {  	_ =	shalt  }
0x63: {  	_ =	shalt  }
0x64: {  	_ =	shalt  }
0x65: {  	_ =	shalt  }
0x66: {  	_ =	shalt  }
0x67: {  	_ =	shalt  }
0x68: {  	_ =	shalt  }
0x69: {  	_ =	shalt  }
0x6a: {  	_ =	shalt  }
0x6b: {  	_ =	shalt  }
0x6c: {  	_ =	shalt  }
0x6d: {  	_ =	shalt  }
0x6e: {  	_ =	shalt  }
0x6f: {  	_ =	shalt  }
0x70: {  	_ =	shalt  }
0x71: {  	_ =	shalt  }
0x72: {  	_ =	shalt  }
0x73: {  	_ =	shalt  }
0x74: {  	_ =	shalt  }
0x75: {  	_ =	shalt  }
0x76: {  	_ =	shalt  }
0x77: {  	_ =	shalt  }
0x78: {  	_ =	shalt  }
0x79: {  	_ =	shalt  }
0x7a: {  	_ =	shalt  }
0x7b: {  	_ =	shalt  }
0x7c: {  	_ =	shalt  }
0x7d: {  	_ =	shalt  }
0x7e: {  	_ =	shalt  }
0x7f: {  	_ =	shalt  }
0x80: {  	_ =	shalt  }
0x81: {  	_ =	shalt  }
0x82: {  	_ =	shalt  }
0x83: {  	_ =	shalt  }
0x84: {  	_ =	shalt  }
0x85: {  	_ =	shalt  }
0x86: {  	_ =	shalt  }
0x87: {  	_ =	shalt  }
.Lfunc_end0:
.L_simem_size_0:
called_computation_lowered:
.L_overlay_start_0:
0x88: {  	s2 =	sld [smem:$0x3FD9]  }
0x89: {  	s3 =	sld [smem:$0x3FFE];
	_ =	sdelay $0x1  }
0x8a: {  	s1 =	srdreg.scid  }
0x8b: {  	s0 =	sand.u32 $0x1, s1  }
0x8c: {  	s16 =	sshll.u32 s0, $0xA;
	s2 =	sadd.s32 s3, s2  }
0x8d: {  	s2 =	sadd.s32 s2, s16  }
0x8e: {  	[smem:$0x3FC2] =	sst s2  }
0x8f: {  	_ = 	snop  }
0x90: {  	(tm) =	ssettm $0x1  }
0x91: {  	s17 =	sld [smem:$0x3FFB];
	_ =	sdelay $0x3  }
0x92: {  	_ =	strace s17  }
0x93: {  	s2 =	sld [smem:$0x3FFC];
	_ =	sdelay $0x3  }
0x94: {  	_ =	strace s2  }
0x95: {  	s2 =	sld [smem:$0x3FFD];
	_ =	sdelay $0x3  }
0x96: {  	_ =	strace s2  }
0x97: {  	_ =	strace $0x8FFFFFFF  }
0x98: {  	s18 =	sld [smem:$0x3FDB];
	_ =	sdelay $0x1  }
0x99: {  	s19 =	simm.s32 $_scs_section_size  }
0x9a: {  	s4 =	simm.s32 $_size__tile_overlayer_lowered;
	s5 =	simm.s32 $_tile_overlayer_lowered  }
0x9b: {  	s22 =	simm.s32 $0x1BFF;
	s21 =	sshll.u32 s5, $0x1;
	s2 =	sadd.s32 s19, s18  }
0x9c: {  	s6 =	simm.s32 $0x0;
	s20 =	sshll.u32 s4, $0x1;
	s4 =	sadd.s32 s21, s2  }
0x9d: {  	[timem:s6], [sflag:s22] =	dma.local [hbm:s4], s20  }
0x9e: {  	_ =	swait.ge [sflag:s22], s20  }
0x9f: {  	s3 =	ssub.s32 $0x0, s20;
	[sflag:s22] =	ssyncset.done $0x0  }
0xa0: {  	[sflag:s22] =	ssyncadd.s32 s3;
	_ =	sdelay $0x1  }
0xa1: {  	s23 =	simm.s32 $0x1B8B  }
0xa2: {  	_ =	swait.ge [sflag:s23], $0x1  }
0xa3: {  	[sflag:s23] =	ssyncset.done $0x0  }
0xa4: {  	s25 =	simm.s32 $0x1B8E;
	s24 =	sld [smem:$0x3FFE];
	[sflag:s23] =	ssyncadd.s32 $0xFFFFFFFF  }
0xa5: {  	s26 =	simm.s32 $execute0_lowered;
	[smem:$0x3FD2] =	sst s25  }
0xa6: {  	s4 =	sshll.u32 s26, $0x1;
	_ =	strace $0x80000046;
	[dreg:$0x1] =	wrdreg $0xFFFFFFFF  }
0xa7: {  	s28 =	simm.s32 $_size_execute0_lowered;
	s2 =	sadd.s32 s2, s4;
	[dreg:$0x0] =	wrdreg $0x0  }
0xa8: {  	s4 =	sshll.u32 s28, $0x1;
	[dreg:$0x2] =	wrdreg s2  }
0xa9: {  	[dreg:$0x3] =	wrdreg s4  }
0xaa: {  	[dreg:$0x4] =	wrdreg $0xC0  }
0xab: {  	_ =	task [dreg:s6], $0x5FFFF  }
0xac: {  	[dreg:$0x1] =	wrdreg $0xFFFFFFFF  }
0xad: {  	[dreg:$0x0] =	wrdreg $0x60  }
0xae: {  	[dreg:$0x2] =	wrdreg s24  }
0xaf: {  	[dreg:$0x3] =	wrdreg $0x0  }
0xb0: {  	[dreg:$0x4] =	wrdreg $0x9  }
0xb1: {  	_ =	task.clear_ibuf [dreg:s6], $0x5FFFF;
	_ =	strace $0x90000046  }
0xb2: {  	s29 =	simm.s32 $0x9;
	_ =	strace $0x80000048  }
0xb3: {  	_ =	swait.ge [sflag:s29], $0x1  }
0xb4: {  	[sflag:s29] =	ssyncadd.s32 $0xFFFFFFFF  }
0xb5: {  	_ =	strace $0x90000048  }
0xb6: {  	_ =	sfence  }
0xb7: {  	s30 =	sld [smem:$0x0];
	_ =	sdelay $0x2  }
0xb8: {  	s31 =	sshll.u32 s1, $0xD;
	s1 =	sshrl.u32 s1, $0x2  }
0xb9: {  	s3 =	sand.u32 $0x4000, s31;
	s1 =	sadd.s32 s1, s30  }
0xba: {  	s0 =	sor.u32 s3, s0;
	s1 =	sshll.u32 s1, $0x11  }
0xbb: {  	s0 =	sor.u32 s1, s0  }
0xbc: {  	s0 =	sadd.s32 $0x8F2B, s0  }
0xbd: {  	[sflag:s0] =	ssyncadd.remote.s32 $0x1  }
0xbe: {  	_ =	sfence.sel $0xFFFF  }
0xbf: {  	[dreg:$0x0] =	wrdreg $0xFFFFFFFF;
	(pc) =	sbr.abs _section_cstart, $3  }
0xc0: {  	[dreg:$0x1] =	wrdreg $0xFFFFFFFF  }
0xc1: {  	_ =	task.clear_ibuf [dreg:s6], $0x2FFFF;
	_ =	strace $0x9FFFFFFF  }
0xc2: {  	(tm) =	ssettm $0x7FFFFFFF  }
0xc3: {  	_ =	shalt  }
tec
execute0_lowered:
.L_overlay_start_1:
0x0: {  	(tag) =	ssettag $0x1  }
0x1: {  	s0 =	srdreg.scid;
	s1 =	rddreg [dreg:$0x0]  }
0x2: {  	s10 =	stileid.u32;
	s2 =	rddreg [dreg:$0x1]  }
0x3: {  	s3 =	simm.s32 $0x0;
	s13 =	simm.s32 $0x3200;
	s14 =	simm.s32 $0x3280  }
0x4: {  	s15 =	simm.s32 $0x3300;
	s16 =	simm.s32 $0x3380;
	[smem:$0x7FF] =	sst s3  }
0x5: {  	s17 =	simm.s32 $0x3400;
	_ =	strace $0x80000047;
	[dreg:$0x5] =	wrdreg s13  }
0x6: {  	s18 =	simm.s32 $0x3480;
	s20 =	simm.s32 $0x3500;
	[dreg:$0x6] =	wrdreg s14  }
0x7: {  	s21 =	simm.s32 $0x3580;
	s22 =	simm.s32 $0x3600;
	[dreg:$0x7] =	wrdreg s15  }
0x8: {  	s23 =	simm.s32 $0x3680;
	s11 =	simm.s32 $0x1;
	[dreg:$0x8] =	wrdreg s16  }
0x9: {  	s24 =	simm.s32 $0x3700;
	s25 =	simm.s32 $0x3780;
	[dreg:$0x9] =	wrdreg s17  }
0xa: {  	s26 =	simm.s32 $0x3800;
	s28 =	simm.s32 $0x3E80;
	[dreg:$0xa] =	wrdreg s18  }
0xb: {  	s29 =	simm.s32 $0x3F00;
	s30 =	simm.s32 $0x3F80;
	[dreg:$0xb] =	wrdreg s20  }
0xc: {  	s31 =	simm.s32 $0x4000;
	s4 =	smul.u32 $0x1880, s10;
	[dreg:$0xc] =	wrdreg s21  }
0xd: {  	s0 =	sand.u32 $0x1, s0;
	s7 =	smul.u32 $0x32000, s10;
	[dreg:$0xd] =	wrdreg s22  }
0xe: {  	s8 =	sadd.s32 $0xC5800, s1;
	s5 =	smul.u32 $0x18800, s0;
	[dreg:$0xe] =	wrdreg s23  }
0xf: {  	s6 =	smul.u32 $0x320000, s0;
	s12 =	ssub.s32 $0x2, s0;
	[dreg:$0xf] =	wrdreg s24  }
0x10: {  	s0 =	sshll.u32 s0, $0x4;
	s13 =	simm.s32 $0x80;
	[dreg:$0x10] =	wrdreg s25  }
0x11: {  	s14 =	simm.s32 $0x3100;
	[dreg:$0x11] =	wrdreg s26;
	s15 =	simm.s32 $0x3880  }
0x12: {  	s16 =	simm.s32 $0x3900;
	s17 =	simm.s32 $0x2;
	s18 =	simm.s32 $0x3A00  }
0x13: {  	s20 =	simm.s32 $0x3B00;
	s21 =	simm.s32 $0x3B80;
	s22 =	simm.s32 $0x3C00  }
0x14: {  	s23 =	simm.s32 $0x3C80;
	s24 =	simm.s32 $0x3D00;
	s25 =	simm.s32 $0x3D80  }
0x15: {  	s26 =	simm.s32 $0x3E00;
	s9 =	sshrl.u32 s12, $0x1;
	s0 =	sor.u32 s10, s0  }
0x16: {  	s10 =	simm.s32 $0x3180;
	s5 =	sadd.s32 s4, s5;
	s6 =	sadd.s32 s7, s6  }
0x17: {  	s0 =	smul.u32 $0x32000, s0;
	s5 =	sshrl.u32 s5, $0x3;
	s7 =	sor.u32 $0x1000, s6  }
0x18: {  	s6 =	sor.u32 $0x800, s6;
	s1 =	sadd.s32 s5, s1;
	s7 =	sshrl.u32 s7, $0x3  }
0x19: {  	s5 =	ssub.s32 s12, s9;
	s6 =	sshrl.u32 s6, $0x3;
	s7 =	sadd.s32 s7, s8  }
0x1a: {  	s0 =	sshrl.u32 s0, $0x3;
	s6 =	sadd.s32 s6, s8;
	[dreg:$0x3] =	wrdreg s7  }
0x1b: {  	s9 =	simm.s32 $0x3;
	s0 =	sadd.s32 s8, s0;
	[dreg:$0x4] =	wrdreg s6  }
0x1c: {  	s12 =	simm.s32 $0x3980;
	s1 =	sadd.s32 $0x2200, s1;
	[dreg:$0x13] =	wrdreg s0  }
0x1d: {  	s19 =	smax.u32 s5, $0x1;
	s8 =	simm.s32 $0x4100;
	[dreg:$0x14] =	wrdreg s1  }
0x1e: {  	s7 =	sadd.s32 s4, s2;
	[dreg:$0x15] =	wrdreg s19;
	s19 =	simm.s32 $0x3A80  }
0x1f: {  	v0 =	vimm.f32 $0.0e+00;
	v1 =	vimm.f32 $1.000000000e+00;
	s1 =	simm.s32 $0x4080;
	s0 =	simm.s32 $0x0;
	[dreg:$0x12] =	wrdreg s7  }
.LBB2_1:
0x20: {  	s5 =	simm.s32 $0x40;
	s6 =	simm.s32 $0x0  }
.LBB2_2:
0x21: {  	p0 =	sne.s32 s5, $0x61C0;
	[tilespmem:s6+$0x1880] =	vst v0;
	s6 =	smov.u32 s5;
	s5 =	sadd.s32 $0x40, s5  }
.Ltmp0:
0x22: {  	(pc) =	sbr.rel @p0 .LBB2_2-.Ltmp0, $2  }
0x23: {  	_ =	sdelay $0x2  }
0x24: {  	s6 =	sshra.s32 s6, $0x2  }
0x25: {  	[tilespmem:s6+$0x1880] =	vst v0  }
0x26: {  	[tilespmem:$0x3100] =	vst v1  }
0x27: {  	[tilespmem:$0x3110] =	vst v1  }
0x28: {  	[tilespmem:$0x3120] =	vst v1  }
0x29: {  	[tilespmem:$0x3130] =	vst v1  }
0x2a: {  	[tilespmem:$0x3140] =	vst v1  }
0x2b: {  	[tilespmem:$0x3150] =	vst v1  }
0x2c: {  	[tilespmem:$0x3160] =	vst v1  }
0x2d: {  	s4 =	simm.s32 $0x1880;
	[tilespmem:$0x3170] =	vst v1  }
0x2e: {  	[spmem:s7] =	stream.linear.scatter [tilespmem:s4], [sflag:$0x3], $0x1880, $0x38;
	[tilespmem:$0x4180] =	vst v63  }
0x2f: {  	_ =	swait.ge [sflag:s9], $0x1880  }
0x30: {  	[sflag:s9] =	ssyncset.done $0x0  }
0x31: {  	[sflag:s9] =	ssyncadd.s32 $0xFFFFE780  }
0x32: {  	[bflag:$0x0] =	sbarrier.arrive $0xFFFF  }
0x33: {  	s5 =	simm.s32 $0x0;
	s7 =	rddreg [dreg:$0x13]  }
0x34: {  	[tilespmem:s10], [sflag:$0x1] =	stream.linear.gather [hbm4b:s7+s5], $0x800, $0x38;
	[tilespmem:$0x4180] =	vst v63  }
0x35: {  	_ =	swait.ge [sflag:s11], $0x800  }
0x36: {  	s6 =	rddreg [dreg:$0x4];
	[sflag:s11] =	ssyncset.done $0x0  }
0x37: {  	[sflag:s11] =	ssyncadd.s32 $0xFFFFF800;
	s5 =	sadd.s32 $0x0, s6  }
0x38: {  	[tilespmem:s12], [sflag:$0x1] =	stream.linear.gather [hbm4b:s5+s3], $0x800, $0x38;
	[tilespmem:$0x4180] =	vst v63  }
0x39: {  	_ = 	snop  }
0x3a: {  	[spmem:s2] =	stream.indirect.scatter.add.f32 [tilespmem:s14], [sflag:$0x2], $0x1, s10, s13, $0xb8;
	[tilespmem:$0x4180] =	vst v63  }
0x3b: {  	s7 =	rddreg [dreg:$0x5]  }
0x3c: {  	[spmem:s2] =	stream.indirect.scatter.add.f32 [tilespmem:s14], [sflag:$0x2], $0x1, s7, s13, $0xb8;
	[tilespmem:$0x4180] =	vst v63  }
0x3d: {  	s4 =	rddreg [dreg:$0x6]  }
0x3e: {  	[spmem:s2] =	stream.indirect.scatter.add.f32 [tilespmem:s14], [sflag:$0x2], $0x1, s4, s13, $0xb8;
	[tilespmem:$0x4180] =	vst v63  }
0x3f: {  	s7 =	rddreg [dreg:$0x7]  }
0x40: {  	[spmem:s2] =	stream.indirect.scatter.add.f32 [tilespmem:s14], [sflag:$0x2], $0x1, s7, s13, $0xb8;
	[tilespmem:$0x4180] =	vst v63  }
0x41: {  	s4 =	rddreg [dreg:$0x8]  }
0x42: {  	[spmem:s2] =	stream.indirect.scatter.add.f32 [tilespmem:s14], [sflag:$0x2], $0x1, s4, s13, $0xb8;
	[tilespmem:$0x4180] =	vst v63  }
0x43: {  	s7 =	rddreg [dreg:$0x9]  }
0x44: {  	[spmem:s2] =	stream.indirect.scatter.add.f32 [tilespmem:s14], [sflag:$0x2], $0x1, s7, s13, $0xb8;
	[tilespmem:$0x4180] =	vst v63  }
0x45: {  	s4 =	rddreg [dreg:$0xa]  }
0x46: {  	[spmem:s2] =	stream.indirect.scatter.add.f32 [tilespmem:s14], [sflag:$0x2], $0x1, s4, s13, $0xb8;
	[tilespmem:$0x4180] =	vst v63  }
0x47: {  	s7 =	rddreg [dreg:$0xb]  }
0x48: {  	[spmem:s2] =	stream.indirect.scatter.add.f32 [tilespmem:s14], [sflag:$0x2], $0x1, s7, s13, $0xb8;
	[tilespmem:$0x4180] =	vst v63  }
0x49: {  	s4 =	rddreg [dreg:$0xc]  }
0x4a: {  	[spmem:s2] =	stream.indirect.scatter.add.f32 [tilespmem:s14], [sflag:$0x2], $0x1, s4, s13, $0xb8;
	[tilespmem:$0x4180] =	vst v63  }
0x4b: {  	s7 =	rddreg [dreg:$0xd]  }
0x4c: {  	[spmem:s2] =	stream.indirect.scatter.add.f32 [tilespmem:s14], [sflag:$0x2], $0x1, s7, s13, $0xb8;
	[tilespmem:$0x4180] =	vst v63  }
0x4d: {  	s4 =	rddreg [dreg:$0xe]  }
0x4e: {  	[spmem:s2] =	stream.indirect.scatter.add.f32 [tilespmem:s14], [sflag:$0x2], $0x1, s4, s13, $0xb8;
	[tilespmem:$0x4180] =	vst v63  }
0x4f: {  	s7 =	rddreg [dreg:$0xf]  }
0x50: {  	[spmem:s2] =	stream.indirect.scatter.add.f32 [tilespmem:s14], [sflag:$0x2], $0x1, s7, s13, $0xb8;
	[tilespmem:$0x4180] =	vst v63  }
0x51: {  	s4 =	rddreg [dreg:$0x10]  }
0x52: {  	[spmem:s2] =	stream.indirect.scatter.add.f32 [tilespmem:s14], [sflag:$0x2], $0x1, s4, s13, $0xb8;
	[tilespmem:$0x4180] =	vst v63  }
0x53: {  	s7 =	rddreg [dreg:$0x11]  }
0x54: {  	[spmem:s2] =	stream.indirect.scatter.add.f32 [tilespmem:s14], [sflag:$0x2], $0x1, s7, s13, $0xb8;
	[tilespmem:$0x4180] =	vst v63  }
0x55: {  	_ = 	snop  }
0x56: {  	[spmem:s2] =	stream.indirect.scatter.add.f32 [tilespmem:s14], [sflag:$0x2], $0x1, s15, s13, $0xb8;
	[tilespmem:$0x4180] =	vst v63  }
0x57: {  	_ = 	snop  }
0x58: {  	[spmem:s2] =	stream.indirect.scatter.add.f32 [tilespmem:s14], [sflag:$0x2], $0x1, s16, s13, $0xb8;
	[tilespmem:$0x4180] =	vst v63  }
0x59: {  	_ =	swait.ge [sflag:s11], $0x800  }
0x5a: {  	[sflag:s11] =	ssyncset.done $0x0  }
0x5b: {  	[sflag:s11] =	ssyncadd.s32 $0xFFFFF800  }
0x5c: {  	_ =	swait.ge [sflag:s17], $0x80  }
0x5d: {  	[sflag:s17] =	ssyncset.done $0x0  }
0x5e: {  	[sflag:s17] =	ssyncadd.s32 $0xFFFFFF80  }
0x5f: {  	_ =	swait.ge [sflag:s17], $0x80  }
0x60: {  	[sflag:s17] =	ssyncset.done $0x0  }
0x61: {  	[sflag:s17] =	ssyncadd.s32 $0xFFFFFF80  }
0x62: {  	_ =	swait.ge [sflag:s17], $0x80  }
0x63: {  	[sflag:s17] =	ssyncset.done $0x0  }
0x64: {  	[sflag:s17] =	ssyncadd.s32 $0xFFFFFF80  }
0x65: {  	_ =	swait.ge [sflag:s17], $0x80  }
0x66: {  	[sflag:s17] =	ssyncset.done $0x0  }
0x67: {  	[sflag:s17] =	ssyncadd.s32 $0xFFFFFF80  }
0x68: {  	_ =	swait.ge [sflag:s17], $0x80  }
0x69: {  	[sflag:s17] =	ssyncset.done $0x0  }
0x6a: {  	[sflag:s17] =	ssyncadd.s32 $0xFFFFFF80  }
0x6b: {  	_ =	swait.ge [sflag:s17], $0x80  }
0x6c: {  	[sflag:s17] =	ssyncset.done $0x0  }
0x6d: {  	[sflag:s17] =	ssyncadd.s32 $0xFFFFFF80  }
0x6e: {  	_ =	swait.ge [sflag:s17], $0x80  }
0x6f: {  	[sflag:s17] =	ssyncset.done $0x0  }
0x70: {  	[sflag:s17] =	ssyncadd.s32 $0xFFFFFF80  }
0x71: {  	_ =	swait.ge [sflag:s17], $0x80  }
0x72: {  	[sflag:s17] =	ssyncset.done $0x0  }
0x73: {  	[sflag:s17] =	ssyncadd.s32 $0xFFFFFF80  }
0x74: {  	_ =	swait.ge [sflag:s17], $0x80  }
0x75: {  	[sflag:s17] =	ssyncset.done $0x0  }
0x76: {  	[sflag:s17] =	ssyncadd.s32 $0xFFFFFF80  }
0x77: {  	_ =	swait.ge [sflag:s17], $0x80  }
0x78: {  	[sflag:s17] =	ssyncset.done $0x0  }
0x79: {  	[sflag:s17] =	ssyncadd.s32 $0xFFFFFF80  }
0x7a: {  	_ =	swait.ge [sflag:s17], $0x80  }
0x7b: {  	[sflag:s17] =	ssyncset.done $0x0  }
0x7c: {  	[sflag:s17] =	ssyncadd.s32 $0xFFFFFF80  }
0x7d: {  	_ =	swait.ge [sflag:s17], $0x80  }
0x7e: {  	[sflag:s17] =	ssyncset.done $0x0  }
0x7f: {  	[sflag:s17] =	ssyncadd.s32 $0xFFFFFF80  }
0x80: {  	_ =	swait.ge [sflag:s17], $0x80  }
0x81: {  	[sflag:s17] =	ssyncset.done $0x0  }
0x82: {  	[sflag:s17] =	ssyncadd.s32 $0xFFFFFF80  }
0x83: {  	_ =	swait.ge [sflag:s17], $0x80  }
0x84: {  	[sflag:s17] =	ssyncset.done $0x0  }
0x85: {  	[sflag:s17] =	ssyncadd.s32 $0xFFFFFF80  }
0x86: {  	_ =	swait.ge [sflag:s17], $0x80  }
0x87: {  	[sflag:s17] =	ssyncset.done $0x0  }
0x88: {  	[sflag:s17] =	ssyncadd.s32 $0xFFFFFF80  }
0x89: {  	p0 =	por $0x0, $0x0;
	_ =	swait.ge [sflag:s17], $0x80  }
0x8a: {  	s6 =	simm.s32 @!p0 $0x0;
	s5 =	rddreg [dreg:$0x3];
	[sflag:s17] =	ssyncset.done $0x0  }
0x8b: {  	s7 =	simm.s32 @!p0 $0x3180;
	[sflag:s17] =	ssyncadd.s32 $0xFFFFFF80;
	s5 =	sadd.s32 @!p0 $0x0, s5  }
0x8c: {  	[tilespmem:s7], [sflag:$0x1] =	stream.linear.gather @!p0 [hbm4b:s5+s6], $0x800, $0x38;
	[tilespmem:$0x4180] =	vst v63  }
0x8d: {  	_ = 	snop  }
0x8e: {  	[spmem:s2] =	stream.indirect.scatter.add.f32 [tilespmem:s14], [sflag:$0x2], $0x1, s12, s13, $0xb8;
	[tilespmem:$0x4180] =	vst v63  }
0x8f: {  	_ = 	snop  }
0x90: {  	[spmem:s2] =	stream.indirect.scatter.add.f32 [tilespmem:s14], [sflag:$0x2], $0x1, s18, s13, $0xb8;
	[tilespmem:$0x4180] =	vst v63  }
0x91: {  	_ = 	snop  }
0x92: {  	[spmem:s2] =	stream.indirect.scatter.add.f32 [tilespmem:s14], [sflag:$0x2], $0x1, s19, s13, $0xb8;
	[tilespmem:$0x4180] =	vst v63  }
0x93: {  	_ = 	snop  }
0x94: {  	[spmem:s2] =	stream.indirect.scatter.add.f32 [tilespmem:s14], [sflag:$0x2], $0x1, s20, s13, $0xb8;
	[tilespmem:$0x4180] =	vst v63  }
0x95: {  	_ = 	snop  }
0x96: {  	[spmem:s2] =	stream.indirect.scatter.add.f32 [tilespmem:s14], [sflag:$0x2], $0x1, s21, s13, $0xb8;
	[tilespmem:$0x4180] =	vst v63  }
0x97: {  	_ = 	snop  }
0x98: {  	[spmem:s2] =	stream.indirect.scatter.add.f32 [tilespmem:s14], [sflag:$0x2], $0x1, s22, s13, $0xb8;
	[tilespmem:$0x4180] =	vst v63  }
0x99: {  	_ = 	snop  }
0x9a: {  	[spmem:s2] =	stream.indirect.scatter.add.f32 [tilespmem:s14], [sflag:$0x2], $0x1, s23, s13, $0xb8;
	[tilespmem:$0x4180] =	vst v63  }
0x9b: {  	_ = 	snop  }
0x9c: {  	[spmem:s2] =	stream.indirect.scatter.add.f32 [tilespmem:s14], [sflag:$0x2], $0x1, s24, s13, $0xb8;
	[tilespmem:$0x4180] =	vst v63  }
0x9d: {  	_ = 	snop  }
0x9e: {  	[spmem:s2] =	stream.indirect.scatter.add.f32 [tilespmem:s14], [sflag:$0x2], $0x1, s25, s13, $0xb8;
	[tilespmem:$0x4180] =	vst v63  }
0x9f: {  	_ = 	snop  }
0xa0: {  	[spmem:s2] =	stream.indirect.scatter.add.f32 [tilespmem:s14], [sflag:$0x2], $0x1, s26, s13, $0xb8;
	[tilespmem:$0x4180] =	vst v63  }
0xa1: {  	_ = 	snop  }
0xa2: {  	[spmem:s2] =	stream.indirect.scatter.add.f32 [tilespmem:s14], [sflag:$0x2], $0x1, s28, s13, $0xb8;
	[tilespmem:$0x4180] =	vst v63  }
0xa3: {  	_ = 	snop  }
0xa4: {  	[spmem:s2] =	stream.indirect.scatter.add.f32 [tilespmem:s14], [sflag:$0x2], $0x1, s29, s13, $0xb8;
	[tilespmem:$0x4180] =	vst v63  }
0xa5: {  	_ = 	snop  }
0xa6: {  	[spmem:s2] =	stream.indirect.scatter.add.f32 [tilespmem:s14], [sflag:$0x2], $0x1, s30, s13, $0xb8;
	[tilespmem:$0x4180] =	vst v63  }
0xa7: {  	_ = 	snop  }
0xa8: {  	[spmem:s2] =	stream.indirect.scatter.add.f32 [tilespmem:s14], [sflag:$0x2], $0x1, s31, s13, $0xb8;
	[tilespmem:$0x4180] =	vst v63  }
0xa9: {  	_ = 	snop  }
0xaa: {  	[spmem:s2] =	stream.indirect.scatter.add.f32 [tilespmem:s14], [sflag:$0x2], $0x1, s1, s13, $0xb8;
	[tilespmem:$0x4180] =	vst v63  }
0xab: {  	_ = 	snop  }
0xac: {  	[spmem:s2] =	stream.indirect.scatter.add.f32 [tilespmem:s14], [sflag:$0x2], $0x1, s8, s13, $0xb8;
	[tilespmem:$0x4180] =	vst v63  }
0xad: {  	_ =	swait.ge [sflag:s17], $0x80  }
0xae: {  	[sflag:s17] =	ssyncset.done $0x0  }
0xaf: {  	[sflag:s17] =	ssyncadd.s32 $0xFFFFFF80  }
0xb0: {  	_ =	swait.ge [sflag:s17], $0x80  }
0xb1: {  	[sflag:s17] =	ssyncset.done $0x0  }
0xb2: {  	[sflag:s17] =	ssyncadd.s32 $0xFFFFFF80  }
0xb3: {  	_ =	swait.ge [sflag:s17], $0x80  }
0xb4: {  	[sflag:s17] =	ssyncset.done $0x0  }
0xb5: {  	[sflag:s17] =	ssyncadd.s32 $0xFFFFFF80  }
0xb6: {  	_ =	swait.ge [sflag:s17], $0x80  }
0xb7: {  	[sflag:s17] =	ssyncset.done $0x0  }
0xb8: {  	[sflag:s17] =	ssyncadd.s32 $0xFFFFFF80  }
0xb9: {  	_ =	swait.ge [sflag:s17], $0x80  }
0xba: {  	[sflag:s17] =	ssyncset.done $0x0  }
0xbb: {  	[sflag:s17] =	ssyncadd.s32 $0xFFFFFF80  }
0xbc: {  	_ =	swait.ge [sflag:s17], $0x80  }
0xbd: {  	[sflag:s17] =	ssyncset.done $0x0  }
0xbe: {  	[sflag:s17] =	ssyncadd.s32 $0xFFFFFF80  }
0xbf: {  	_ =	swait.ge [sflag:s17], $0x80  }
0xc0: {  	[sflag:s17] =	ssyncset.done $0x0  }
0xc1: {  	[sflag:s17] =	ssyncadd.s32 $0xFFFFFF80  }
0xc2: {  	_ =	swait.ge [sflag:s17], $0x80  }
0xc3: {  	[sflag:s17] =	ssyncset.done $0x0  }
0xc4: {  	[sflag:s17] =	ssyncadd.s32 $0xFFFFFF80  }
0xc5: {  	_ =	swait.ge [sflag:s17], $0x80  }
0xc6: {  	[sflag:s17] =	ssyncset.done $0x0  }
0xc7: {  	[sflag:s17] =	ssyncadd.s32 $0xFFFFFF80  }
0xc8: {  	_ =	swait.ge [sflag:s17], $0x80  }
0xc9: {  	[sflag:s17] =	ssyncset.done $0x0  }
0xca: {  	[sflag:s17] =	ssyncadd.s32 $0xFFFFFF80  }
0xcb: {  	_ =	swait.ge [sflag:s17], $0x80  }
0xcc: {  	[sflag:s17] =	ssyncset.done $0x0  }
0xcd: {  	[sflag:s17] =	ssyncadd.s32 $0xFFFFFF80  }
0xce: {  	_ =	swait.ge [sflag:s17], $0x80  }
0xcf: {  	[sflag:s17] =	ssyncset.done $0x0  }
0xd0: {  	[sflag:s17] =	ssyncadd.s32 $0xFFFFFF80  }
0xd1: {  	_ =	swait.ge [sflag:s17], $0x80  }
0xd2: {  	[sflag:s17] =	ssyncset.done $0x0  }
0xd3: {  	[sflag:s17] =	ssyncadd.s32 $0xFFFFFF80  }
0xd4: {  	_ =	swait.ge [sflag:s17], $0x80  }
0xd5: {  	[sflag:s17] =	ssyncset.done $0x0  }
0xd6: {  	[sflag:s17] =	ssyncadd.s32 $0xFFFFFF80  }
0xd7: {  	_ =	swait.ge [sflag:s17], $0x80  }
0xd8: {  	[sflag:s17] =	ssyncset.done $0x0  }
0xd9: {  	[sflag:s17] =	ssyncadd.s32 $0xFFFFFF80  }
0xda: {  	s5 =	simm.s32 $0x200;
	_ =	swait.ge [sflag:s17], $0x80  }
.LBB2_4:
0xdb: {  	[sflag:s17] =	ssyncset.done $0x0  }
0xdc: {  	[sflag:s17] =	ssyncadd.s32 $0xFFFFFF80  }
0xdd: {  	_ =	swait.ge [sflag:s11], $0x800  }
0xde: {  	s6 =	smov.u32 s5;
	s7 =	rddreg [dreg:$0x4];
	[sflag:s11] =	ssyncset.done $0x0  }
0xdf: {  	[sflag:s11] =	ssyncadd.s32 $0xFFFFF800;
	s7 =	sadd.s32 s6, s7  }
0xe0: {  	[tilespmem:s12], [sflag:$0x1] =	stream.linear.gather [hbm4b:s7+s3], $0x800, $0x38;
	[tilespmem:$0x4180] =	vst v63  }
0xe1: {  	_ = 	snop  }
0xe2: {  	[spmem:s2] =	stream.indirect.scatter.add.f32 [tilespmem:s14], [sflag:$0x2], $0x1, s10, s13, $0xb8;
	[tilespmem:$0x4180] =	vst v63  }
0xe3: {  	s7 =	rddreg [dreg:$0x5]  }
0xe4: {  	[spmem:s2] =	stream.indirect.scatter.add.f32 [tilespmem:s14], [sflag:$0x2], $0x1, s7, s13, $0xb8;
	[tilespmem:$0x4180] =	vst v63  }
0xe5: {  	s4 =	rddreg [dreg:$0x6]  }
0xe6: {  	[spmem:s2] =	stream.indirect.scatter.add.f32 [tilespmem:s14], [sflag:$0x2], $0x1, s4, s13, $0xb8;
	[tilespmem:$0x4180] =	vst v63  }
0xe7: {  	s7 =	rddreg [dreg:$0x7]  }
0xe8: {  	[spmem:s2] =	stream.indirect.scatter.add.f32 [tilespmem:s14], [sflag:$0x2], $0x1, s7, s13, $0xb8;
	[tilespmem:$0x4180] =	vst v63  }
0xe9: {  	s4 =	rddreg [dreg:$0x8]  }
0xea: {  	[spmem:s2] =	stream.indirect.scatter.add.f32 [tilespmem:s14], [sflag:$0x2], $0x1, s4, s13, $0xb8;
	[tilespmem:$0x4180] =	vst v63  }
0xeb: {  	s7 =	rddreg [dreg:$0x9]  }
0xec: {  	[spmem:s2] =	stream.indirect.scatter.add.f32 [tilespmem:s14], [sflag:$0x2], $0x1, s7, s13, $0xb8;
	[tilespmem:$0x4180] =	vst v63  }
0xed: {  	s4 =	rddreg [dreg:$0xa]  }
0xee: {  	[spmem:s2] =	stream.indirect.scatter.add.f32 [tilespmem:s14], [sflag:$0x2], $0x1, s4, s13, $0xb8;
	[tilespmem:$0x4180] =	vst v63  }
0xef: {  	s7 =	rddreg [dreg:$0xb]  }
0xf0: {  	[spmem:s2] =	stream.indirect.scatter.add.f32 [tilespmem:s14], [sflag:$0x2], $0x1, s7, s13, $0xb8;
	[tilespmem:$0x4180] =	vst v63  }
0xf1: {  	s4 =	rddreg [dreg:$0xc]  }
0xf2: {  	[spmem:s2] =	stream.indirect.scatter.add.f32 [tilespmem:s14], [sflag:$0x2], $0x1, s4, s13, $0xb8;
	[tilespmem:$0x4180] =	vst v63  }
0xf3: {  	s7 =	rddreg [dreg:$0xd]  }
0xf4: {  	[spmem:s2] =	stream.indirect.scatter.add.f32 [tilespmem:s14], [sflag:$0x2], $0x1, s7, s13, $0xb8;
	[tilespmem:$0x4180] =	vst v63  }
0xf5: {  	s4 =	rddreg [dreg:$0xe]  }
0xf6: {  	[spmem:s2] =	stream.indirect.scatter.add.f32 [tilespmem:s14], [sflag:$0x2], $0x1, s4, s13, $0xb8;
	[tilespmem:$0x4180] =	vst v63  }
0xf7: {  	s7 =	rddreg [dreg:$0xf]  }
0xf8: {  	[spmem:s2] =	stream.indirect.scatter.add.f32 [tilespmem:s14], [sflag:$0x2], $0x1, s7, s13, $0xb8;
	[tilespmem:$0x4180] =	vst v63  }
0xf9: {  	s4 =	rddreg [dreg:$0x10]  }
0xfa: {  	[spmem:s2] =	stream.indirect.scatter.add.f32 [tilespmem:s14], [sflag:$0x2], $0x1, s4, s13, $0xb8;
	[tilespmem:$0x4180] =	vst v63  }
0xfb: {  	s7 =	rddreg [dreg:$0x11]  }
0xfc: {  	[spmem:s2] =	stream.indirect.scatter.add.f32 [tilespmem:s14], [sflag:$0x2], $0x1, s7, s13, $0xb8;
	[tilespmem:$0x4180] =	vst v63  }
0xfd: {  	_ = 	snop  }
0xfe: {  	[spmem:s2] =	stream.indirect.scatter.add.f32 [tilespmem:s14], [sflag:$0x2], $0x1, s15, s13, $0xb8;
	[tilespmem:$0x4180] =	vst v63  }
0xff: {  	_ = 	snop  }
0x100: {  	[spmem:s2] =	stream.indirect.scatter.add.f32 [tilespmem:s14], [sflag:$0x2], $0x1, s16, s13, $0xb8;
	[tilespmem:$0x4180] =	vst v63  }
0x101: {  	_ =	swait.ge [sflag:s11], $0x800  }
0x102: {  	[sflag:s11] =	ssyncset.done $0x0  }
0x103: {  	[sflag:s11] =	ssyncadd.s32 $0xFFFFF800  }
0x104: {  	_ =	swait.ge [sflag:s17], $0x80  }
0x105: {  	[sflag:s17] =	ssyncset.done $0x0  }
0x106: {  	[sflag:s17] =	ssyncadd.s32 $0xFFFFFF80  }
0x107: {  	_ =	swait.ge [sflag:s17], $0x80  }
0x108: {  	[sflag:s17] =	ssyncset.done $0x0  }
0x109: {  	[sflag:s17] =	ssyncadd.s32 $0xFFFFFF80  }
0x10a: {  	_ =	swait.ge [sflag:s17], $0x80  }
0x10b: {  	[sflag:s17] =	ssyncset.done $0x0  }
0x10c: {  	[sflag:s17] =	ssyncadd.s32 $0xFFFFFF80  }
0x10d: {  	_ =	swait.ge [sflag:s17], $0x80  }
0x10e: {  	[sflag:s17] =	ssyncset.done $0x0  }
0x10f: {  	[sflag:s17] =	ssyncadd.s32 $0xFFFFFF80  }
0x110: {  	_ =	swait.ge [sflag:s17], $0x80  }
0x111: {  	[sflag:s17] =	ssyncset.done $0x0  }
0x112: {  	[sflag:s17] =	ssyncadd.s32 $0xFFFFFF80  }
0x113: {  	_ =	swait.ge [sflag:s17], $0x80  }
0x114: {  	[sflag:s17] =	ssyncset.done $0x0  }
0x115: {  	[sflag:s17] =	ssyncadd.s32 $0xFFFFFF80  }
0x116: {  	_ =	swait.ge [sflag:s17], $0x80  }
0x117: {  	[sflag:s17] =	ssyncset.done $0x0  }
0x118: {  	[sflag:s17] =	ssyncadd.s32 $0xFFFFFF80  }
0x119: {  	_ =	swait.ge [sflag:s17], $0x80  }
0x11a: {  	[sflag:s17] =	ssyncset.done $0x0  }
0x11b: {  	[sflag:s17] =	ssyncadd.s32 $0xFFFFFF80  }
0x11c: {  	_ =	swait.ge [sflag:s17], $0x80  }
0x11d: {  	[sflag:s17] =	ssyncset.done $0x0  }
0x11e: {  	[sflag:s17] =	ssyncadd.s32 $0xFFFFFF80  }
0x11f: {  	_ =	swait.ge [sflag:s17], $0x80  }
0x120: {  	[sflag:s17] =	ssyncset.done $0x0  }
0x121: {  	[sflag:s17] =	ssyncadd.s32 $0xFFFFFF80  }
0x122: {  	_ =	swait.ge [sflag:s17], $0x80  }
0x123: {  	[sflag:s17] =	ssyncset.done $0x0  }
0x124: {  	[sflag:s17] =	ssyncadd.s32 $0xFFFFFF80  }
0x125: {  	_ =	swait.ge [sflag:s17], $0x80  }
0x126: {  	[sflag:s17] =	ssyncset.done $0x0  }
0x127: {  	[sflag:s17] =	ssyncadd.s32 $0xFFFFFF80  }
0x128: {  	_ =	swait.ge [sflag:s17], $0x80  }
0x129: {  	[sflag:s17] =	ssyncset.done $0x0  }
0x12a: {  	[sflag:s17] =	ssyncadd.s32 $0xFFFFFF80  }
0x12b: {  	_ =	swait.ge [sflag:s17], $0x80  }
0x12c: {  	[sflag:s17] =	ssyncset.done $0x0  }
0x12d: {  	[sflag:s17] =	ssyncadd.s32 $0xFFFFFF80  }
0x12e: {  	_ =	swait.ge [sflag:s17], $0x80  }
0x12f: {  	[sflag:s17] =	ssyncset.done $0x0  }
0x130: {  	[sflag:s17] =	ssyncadd.s32 $0xFFFFFF80  }
0x131: {  	p1 =	seq.s32 s6, $0x6200;
	_ =	swait.ge [sflag:s17], $0x80  }
0x132: {  	s7 =	simm.s32 @!p1 $0x0;
	s4 =	rddreg [dreg:$0x3];
	[sflag:s17] =	ssyncset.done $0x0  }
0x133: {  	[sflag:s17] =	ssyncadd.s32 $0xFFFFFF80;
	s4 =	sadd.s32 @!p1 s6, s4;
	s6 =	simm.s32 @!p1 $0x3180  }
0x134: {  	[tilespmem:s6], [sflag:$0x1] =	stream.linear.gather @!p1 [hbm4b:s4+s7], $0x800, $0x38;
	[tilespmem:$0x4180] =	vst v63  }
0x135: {  	_ = 	snop  }
0x136: {  	[spmem:s2] =	stream.indirect.scatter.add.f32 [tilespmem:s14], [sflag:$0x2], $0x1, s12, s13, $0xb8;
	[tilespmem:$0x4180] =	vst v63  }
0x137: {  	_ = 	snop  }
0x138: {  	[spmem:s2] =	stream.indirect.scatter.add.f32 [tilespmem:s14], [sflag:$0x2], $0x1, s18, s13, $0xb8;
	[tilespmem:$0x4180] =	vst v63  }
0x139: {  	_ = 	snop  }
0x13a: {  	[spmem:s2] =	stream.indirect.scatter.add.f32 [tilespmem:s14], [sflag:$0x2], $0x1, s19, s13, $0xb8;
	[tilespmem:$0x4180] =	vst v63  }
0x13b: {  	_ = 	snop  }
0x13c: {  	[spmem:s2] =	stream.indirect.scatter.add.f32 [tilespmem:s14], [sflag:$0x2], $0x1, s20, s13, $0xb8;
	[tilespmem:$0x4180] =	vst v63  }
0x13d: {  	_ = 	snop  }
0x13e: {  	[spmem:s2] =	stream.indirect.scatter.add.f32 [tilespmem:s14], [sflag:$0x2], $0x1, s21, s13, $0xb8;
	[tilespmem:$0x4180] =	vst v63  }
0x13f: {  	_ = 	snop  }
0x140: {  	[spmem:s2] =	stream.indirect.scatter.add.f32 [tilespmem:s14], [sflag:$0x2], $0x1, s22, s13, $0xb8;
	[tilespmem:$0x4180] =	vst v63  }
0x141: {  	_ = 	snop  }
0x142: {  	[spmem:s2] =	stream.indirect.scatter.add.f32 [tilespmem:s14], [sflag:$0x2], $0x1, s23, s13, $0xb8;
	[tilespmem:$0x4180] =	vst v63  }
0x143: {  	_ = 	snop  }
0x144: {  	[spmem:s2] =	stream.indirect.scatter.add.f32 [tilespmem:s14], [sflag:$0x2], $0x1, s24, s13, $0xb8;
	[tilespmem:$0x4180] =	vst v63  }
0x145: {  	_ = 	snop  }
0x146: {  	[spmem:s2] =	stream.indirect.scatter.add.f32 [tilespmem:s14], [sflag:$0x2], $0x1, s25, s13, $0xb8;
	[tilespmem:$0x4180] =	vst v63  }
0x147: {  	_ = 	snop  }
0x148: {  	[spmem:s2] =	stream.indirect.scatter.add.f32 [tilespmem:s14], [sflag:$0x2], $0x1, s26, s13, $0xb8;
	[tilespmem:$0x4180] =	vst v63  }
0x149: {  	_ = 	snop  }
0x14a: {  	[spmem:s2] =	stream.indirect.scatter.add.f32 [tilespmem:s14], [sflag:$0x2], $0x1, s28, s13, $0xb8;
	[tilespmem:$0x4180] =	vst v63  }
0x14b: {  	_ = 	snop  }
0x14c: {  	[spmem:s2] =	stream.indirect.scatter.add.f32 [tilespmem:s14], [sflag:$0x2], $0x1, s29, s13, $0xb8;
	[tilespmem:$0x4180] =	vst v63  }
0x14d: {  	_ = 	snop  }
0x14e: {  	[spmem:s2] =	stream.indirect.scatter.add.f32 [tilespmem:s14], [sflag:$0x2], $0x1, s30, s13, $0xb8;
	[tilespmem:$0x4180] =	vst v63  }
0x14f: {  	_ = 	snop  }
0x150: {  	[spmem:s2] =	stream.indirect.scatter.add.f32 [tilespmem:s14], [sflag:$0x2], $0x1, s31, s13, $0xb8;
	[tilespmem:$0x4180] =	vst v63  }
0x151: {  	_ = 	snop  }
0x152: {  	[spmem:s2] =	stream.indirect.scatter.add.f32 [tilespmem:s14], [sflag:$0x2], $0x1, s1, s13, $0xb8;
	[tilespmem:$0x4180] =	vst v63  }
0x153: {  	_ = 	snop  }
0x154: {  	[spmem:s2] =	stream.indirect.scatter.add.f32 [tilespmem:s14], [sflag:$0x2], $0x1, s8, s13, $0xb8;
	[tilespmem:$0x4180] =	vst v63  }
0x155: {  	_ =	swait.ge [sflag:s17], $0x80  }
0x156: {  	[sflag:s17] =	ssyncset.done $0x0  }
0x157: {  	[sflag:s17] =	ssyncadd.s32 $0xFFFFFF80  }
0x158: {  	_ =	swait.ge [sflag:s17], $0x80  }
0x159: {  	[sflag:s17] =	ssyncset.done $0x0  }
0x15a: {  	[sflag:s17] =	ssyncadd.s32 $0xFFFFFF80  }
0x15b: {  	_ =	swait.ge [sflag:s17], $0x80  }
0x15c: {  	[sflag:s17] =	ssyncset.done $0x0  }
0x15d: {  	[sflag:s17] =	ssyncadd.s32 $0xFFFFFF80  }
0x15e: {  	_ =	swait.ge [sflag:s17], $0x80  }
0x15f: {  	[sflag:s17] =	ssyncset.done $0x0  }
0x160: {  	[sflag:s17] =	ssyncadd.s32 $0xFFFFFF80  }
0x161: {  	_ =	swait.ge [sflag:s17], $0x80  }
0x162: {  	[sflag:s17] =	ssyncset.done $0x0  }
0x163: {  	[sflag:s17] =	ssyncadd.s32 $0xFFFFFF80  }
0x164: {  	_ =	swait.ge [sflag:s17], $0x80  }
0x165: {  	[sflag:s17] =	ssyncset.done $0x0  }
0x166: {  	[sflag:s17] =	ssyncadd.s32 $0xFFFFFF80  }
0x167: {  	_ =	swait.ge [sflag:s17], $0x80  }
0x168: {  	[sflag:s17] =	ssyncset.done $0x0  }
0x169: {  	[sflag:s17] =	ssyncadd.s32 $0xFFFFFF80  }
0x16a: {  	_ =	swait.ge [sflag:s17], $0x80  }
0x16b: {  	[sflag:s17] =	ssyncset.done $0x0  }
0x16c: {  	[sflag:s17] =	ssyncadd.s32 $0xFFFFFF80  }
0x16d: {  	_ =	swait.ge [sflag:s17], $0x80  }
0x16e: {  	[sflag:s17] =	ssyncset.done $0x0  }
0x16f: {  	[sflag:s17] =	ssyncadd.s32 $0xFFFFFF80  }
0x170: {  	_ =	swait.ge [sflag:s17], $0x80  }
0x171: {  	[sflag:s17] =	ssyncset.done $0x0  }
0x172: {  	[sflag:s17] =	ssyncadd.s32 $0xFFFFFF80  }
0x173: {  	_ =	swait.ge [sflag:s17], $0x80  }
0x174: {  	[sflag:s17] =	ssyncset.done $0x0  }
0x175: {  	[sflag:s17] =	ssyncadd.s32 $0xFFFFFF80  }
0x176: {  	_ =	swait.ge [sflag:s17], $0x80  }
0x177: {  	[sflag:s17] =	ssyncset.done $0x0  }
0x178: {  	[sflag:s17] =	ssyncadd.s32 $0xFFFFFF80  }
0x179: {  	_ =	swait.ge [sflag:s17], $0x80  }
0x17a: {  	[sflag:s17] =	ssyncset.done $0x0  }
0x17b: {  	[sflag:s17] =	ssyncadd.s32 $0xFFFFFF80  }
0x17c: {  	s5 =	sadd.s32 $0x200, s5;
	_ =	swait.ge [sflag:s17], $0x80  }
0x17d: {  	p0 =	sne.s32 s5, $0x6400;
	[sflag:s17] =	ssyncset.done $0x0  }
.Ltmp1:
0x17e: {  	[sflag:s17] =	ssyncadd.s32 $0xFFFFFF80;
	(pc) =	sbr.rel @p0 .LBB2_4-.Ltmp1, $4  }
0x17f: {  	_ =	swait.ge [sflag:s17], $0x80  }
0x180: {  	[sflag:s17] =	ssyncset.done $0x0  }
0x181: {  	[sflag:s17] =	ssyncadd.s32 $0xFFFFFF80  }
0x182: {  	_ =	swait.ge [sflag:s17], $0x80  }
0x183: {  	[sflag:s17] =	ssyncset.done $0x0  }
0x184: {  	[sflag:s17] =	ssyncadd.s32 $0xFFFFFF80  }
0x185: {  	s4 =	stileid.u32;
	[bflag:$0x0] =	sbarrier.arrive $0xFFFF  }
0x186: {  	s4 =	sshll.u32 s4, $0x6;
	s7 =	rddreg [dreg:$0x12]  }
0x187: {  	s4 =	sor.u32 $0x1C03, s4;
	s6 =	rddreg [dreg:$0x14];
	s5 =	sshrl.u32 s7, $0x3  }
0x188: {  	[hbm:s6], [sflag:s4] =	dma.local [spmem:s5], $0x310  }
0x189: {  	_ =	swait.ge [sflag:s9], $0x310  }
0x18a: {  	s0 =	sadd.s32 $0x1, s0;
	s6 =	rddreg [dreg:$0x15]  }
0x18b: {  	p0 =	sne.s32 s0, s6  }
.Ltmp2:
0x18c: {  	_ = 	snop;
	(pc) =	sbr.rel @p0 .LBB2_1-.Ltmp2, $3  }
0x18d: {  	_ =	sdelay $0x1  }
0x18e: {  	[sflag:s9] =	ssyncset.done $0x0  }
0x18f: {  	[sflag:s9] =	ssyncadd.s32 $0xFFFFFCF0  }
0x190: {  	_ =	sfence.sel $0x180000  }
0x191: {  	[bflag:$0x0] =	sbarrier.arrive $0xFFFF  }
0x192: {  	_ =	strace $0x90000047  }
0x193: {  	s0 =	stileid.u32;
	[bflag:$0x2] =	sbarrier.arrive $0xFFFF  }
0x194: {  	p0 =	sne.s32 s0, $0x0;
	s0 =	rddreg [dreg:$0x2]  }
0x195: {  	s0 =	sadd.s32 @!p0 $0x100000, s0  }
0x196: {  	[sflag:s0] =	ssyncadd.tile.s32 @!p0 $0x1;
	_ =	shalt  }
.Lfunc_end2:
_tile_overlayer_lowered:
.L_overlay_start_2:
0x197: {  	(tag) =	ssettag $0x2  }
0x198: {  	s0 =	rddreg [dreg:$0x0];
	s2 =	stileid.u32  }
0x199: {  	s1 =	rddreg [dreg:$0x1];
	p0 =	sne.s32 s2, $0x0  }
0x19a: {  	s3 =	rddreg [dreg:$0x2];
	[bflag:$0x3] =	sbarrier.arrive $0xFFFF;
	s2 =	simm.s32 @!p0 $0x1C03  }
0x19b: {  	[timem:s3], [sflag:s2] =	dma.local @!p0 [hbm:s0], s1  }
0x19c: {  	s0 =	simm.s32 @!p0 $0x3  }
0x19d: {  	_ =	swait.ge @!p0 [sflag:s0], s1  }
0x19e: {  	s1 =	ssub.s32 @!p0 $0x0, s1;
	[sflag:s0] =	ssyncset.done @!p0 $0x0  }
0x19f: {  	[sflag:s0] =	ssyncadd.s32 @!p0 s1  }
0x1a0: {  	[bflag:$0x3] =	sbarrier.arrive $0xFFFF  }
0x1a1: {  	_ =	shalt  }

</sc_bundles>
